<compile_context>
chip_gen: v7x
topology: tpu7x:2x2x1
jax: 0.10.2.dev20260603
libtpu: 0.0.44.dev20260713+nightly
codegen_flags: <defaults>
</compile_context>

<pallas_src>
import functools

import jax
import jax.numpy as jnp
from jax import lax
from jax.experimental import pallas as pl
from jax.experimental.pallas import tpu as pltpu
from jax.experimental.pallas import tpu_sc as plsc

_B, _N, _S, _K, _C = 4, 8192, 1024, 32, 32
_NR = 8
_NL = _N // _NR
_SR, _SL = 8, 128

_NW = 32
_RPW = (_B * _S) // _NW
_NCH = 32
_CHW = _N // _NCH
_CHV = _CHW // 16



def _fps_kernel(x_ref, y_ref, z_ref, idx_ref, cx_ref, cy_ref, cz_ref):
    x = x_ref[...]
    y = y_ref[...]
    z = z_ref[...]
    n_iota = (lax.broadcasted_iota(jnp.int32, (_NR, _NL), 0) * _NL
              + lax.broadcasted_iota(jnp.int32, (_NR, _NL), 1))
    s_iota = (lax.broadcasted_iota(jnp.int32, (_SR, _SL), 0) * _SL
              + lax.broadcasted_iota(jnp.int32, (_SR, _SL), 1))

    def body(i, carry):
        dist, far, acci, accx, accy, accz = carry
        ndist, nfar, nai, nax, nay, naz = [], [], [], [], [], []
        for b in range(_B):
            xb = x[8 * b:8 * b + 8]
            yb = y[8 * b:8 * b + 8]
            zb = z[8 * b:8 * b + 8]
            fb = far[b]
            m = n_iota == fb
            cx = jnp.sum(jnp.where(m, xb, 0.0))
            cy = jnp.sum(jnp.where(m, yb, 0.0))
            cz = jnp.sum(jnp.where(m, zb, 0.0))
            sm = s_iota == i
            nai.append(jnp.where(sm, fb, acci[b]))
            nax.append(jnp.where(sm, cx, accx[b]))
            nay.append(jnp.where(sm, cy, accy[b]))
            naz.append(jnp.where(sm, cz, accz[b]))
            dx = xb - cx
            dy = yb - cy
            dz = zb - cz
            d = dx * dx + dy * dy + dz * dz
            db = jnp.minimum(dist[b], d)
            ndist.append(db)
            mx = jnp.max(db)
            nf = jnp.min(jnp.where(db == mx, n_iota, _N)).astype(jnp.int32)
            nfar.append(nf)
        return (tuple(ndist), tuple(nfar), tuple(nai), tuple(nax),
                tuple(nay), tuple(naz))

    dist0 = tuple(jnp.full((_NR, _NL), 1e10, jnp.float32) for _ in range(_B))
    far0 = tuple(jnp.int32(0) for _ in range(_B))
    zf = tuple(jnp.zeros((_SR, _SL), jnp.float32) for _ in range(_B))
    zi = tuple(jnp.zeros((_SR, _SL), jnp.int32) for _ in range(_B))
    carry = lax.fori_loop(
        0, _S, body,
        (dist0, far0, zi, zf,
         tuple(jnp.zeros((_SR, _SL), jnp.float32) for _ in range(_B)),
         tuple(jnp.zeros((_SR, _SL), jnp.float32) for _ in range(_B))))
    _, _, acci, accx, accy, accz = carry
    for b in range(_B):
        idx_ref[b] = acci[b]
        cx_ref[b] = accx[b]
        cy_ref[b] = accy[b]
        cz_ref[b] = accz[b]


def _run_fps(xyz):
    x = xyz[:, :, 0].reshape(_B * _NR, _NL)
    y = xyz[:, :, 1].reshape(_B * _NR, _NL)
    z = xyz[:, :, 2].reshape(_B * _NR, _NL)
    idx, cx, cy, cz = pl.pallas_call(
        _fps_kernel,
        out_shape=[
            jax.ShapeDtypeStruct((_B, _SR, _SL), jnp.int32),
            jax.ShapeDtypeStruct((_B, _SR, _SL), jnp.float32),
            jax.ShapeDtypeStruct((_B, _SR, _SL), jnp.float32),
            jax.ShapeDtypeStruct((_B, _SR, _SL), jnp.float32),
        ],
    )(x, y, z)
    return (idx.reshape(_B, _S), cx.reshape(_B, _S), cy.reshape(_B, _S),
            cz.reshape(_B, _S))



def _sc_topk_body(x_hbm, y_hbm, z_hbm, cx_hbm, cy_hbm, cz_hbm, fi_hbm,
                  feat_hbm, grp_hbm, fpf_hbm, gidx_hbm,
                  x_v, y_v, z_v, b2_v, cx_v, cy_v, cz_v, fi_v, d_v, cv_v,
                  ci_v, gi_v, fgi_v, grp_v, fpf_v, sem):
    wid = lax.axis_index("s") * 2 + lax.axis_index("c")
    b = wid // 8
    base = wid * _RPW
    pltpu.sync_copy(x_hbm.at[b], x_v)
    pltpu.sync_copy(y_hbm.at[b], y_v)
    pltpu.sync_copy(z_hbm.at[b], z_v)
    pltpu.sync_copy(cx_hbm.at[pl.ds(base, _RPW)], cx_v)
    pltpu.sync_copy(cy_hbm.at[pl.ds(base, _RPW)], cy_v)
    pltpu.sync_copy(cz_hbm.at[pl.ds(base, _RPW)], cz_v)
    pltpu.sync_copy(fi_hbm.at[pl.ds(base, _RPW)], fi_v)

    lane = lax.broadcasted_iota(jnp.int32, (16,), 0)
    inf = jnp.full((16,), jnp.inf, jnp.float32)
    gbase = b * _N

    def _bf(v):
        u = plsc.bitcast(v, jnp.uint32)
        u = u + jnp.uint32(0x7FFF) + ((u >> 16) & jnp.uint32(1))
        return plsc.bitcast(u & jnp.uint32(0xFFFF0000), jnp.float32)

    def prep(c, _):
        for u in range(_CHV):
            off = c * _CHW + u * 16
            xv = x_v[pl.ds(off, 16)]
            yv = y_v[pl.ds(off, 16)]
            zv = z_v[pl.ds(off, 16)]
            b2_v[pl.ds(off, 16)] = (xv * xv + yv * yv) + zv * zv
            x_v[pl.ds(off, 16)] = _bf(xv)
            y_v[pl.ds(off, 16)] = _bf(yv)
            z_v[pl.ds(off, 16)] = _bf(zv)
        return 0

    lax.fori_loop(0, _NCH, prep, 0, unroll=False)

    _gdn = lax.GatherDimensionNumbers(
        offset_dims=(), collapsed_slice_dims=(0,), start_index_map=(0,))

    def _splat(vec, sub):
        return lax.gather(vec, sub[:, None], dimension_numbers=_gdn,
                          slice_sizes=(1,),
                          mode=lax.GatherScatterMode.PROMISE_IN_BOUNDS)

    def row_body(r, _):
        vbase = (r >> 4) << 4
        sub = jnp.zeros((16,), jnp.int32) + (r & 15)
        cxs = _splat(cx_v[pl.ds(vbase, 16)], sub)
        cys = _splat(cy_v[pl.ds(vbase, 16)], sub)
        czs = _splat(cz_v[pl.ds(vbase, 16)], sub)
        a2s = (cxs * cxs + cys * cys) + czs * czs
        cxb = _bf(cxs)
        cyb = _bf(cys)
        czb = _bf(czs)

        def ch1(c, th):
            cm = inf
            for u in range(_CHV):
                off = c * _CHW + u * 16
                xv = x_v[pl.ds(off, 16)]
                yv = y_v[pl.ds(off, 16)]
                zv = z_v[pl.ds(off, 16)]
                ab = xv * cxb + yv * cyb + zv * czb
                d = jnp.maximum((a2s + b2_v[pl.ds(off, 16)]) - 2.0 * ab, 0.0)
                d_v[pl.ds(off, 16)] = d
                cm = jnp.minimum(cm, d)
            return jnp.maximum(th, jnp.min(cm))

        th = lax.fori_loop(0, _NCH, ch1, -jnp.inf, unroll=False)

        def ch2(c, ptr):
            for u in range(_CHV):
                off = c * _CHW + u * 16
                d = d_v[pl.ds(off, 16)]
                m = d <= th
                mi = m.astype(jnp.int32)
                pos = ptr + plsc.cumsum(mi) - mi
                plsc.store_scatter(ci_v, [pos], off + lane, mask=m)
                plsc.store_scatter(cv_v, [pos], d, mask=m)
                ptr = ptr + plsc.all_reduce_population_count(m)
            return ptr

        ptr = lax.fori_loop(0, _NCH, ch2, jnp.zeros((16,), jnp.int32),
                            unroll=False)
        ncand = jnp.max(ptr)
        plsc.store_scatter(cv_v, [ncand + lane], inf)

        def ins(j, T):
            k0, i0, k1, i1 = T
            vk = cv_v[pl.ds(j * 16, 16)]
            vi = ci_v[pl.ds(j * 16, 16)]
            vk, vi = plsc.sort_key_val(vk, vi)
            rk = lax.rev(vk, (0,))
            ri = lax.rev(vi, (0,))
            m = k1 <= rk
            lk = jnp.where(m, k1, rk)
            li = jnp.where(m, i1, ri)
            lk, li = plsc.sort_key_val(lk, li)
            rk2 = lax.rev(lk, (0,))
            ri2 = lax.rev(li, (0,))
            m2 = k0 <= rk2
            ak = jnp.where(m2, k0, rk2)
            ai = jnp.where(m2, i0, ri2)
            bk = jnp.where(m2, rk2, k0)
            bi = jnp.where(m2, ri2, i0)
            ak, ai = plsc.sort_key_val(ak, ai)
            bk, bi = plsc.sort_key_val(bk, bi)
            return (ak, ai, bk, bi)

        nv = (ncand + 15) >> 4
        zero = jnp.zeros((16,), jnp.int32)
        _, i0, _, i1 = lax.fori_loop(0, nv, ins, (inf, zero, inf, zero),
                                     unroll=False)

        f0 = r * _K + lane
        plsc.store_scatter(gi_v, [f0 >> 7, f0 & 127], i0 + gbase)
        f1 = f0 + 16
        plsc.store_scatter(gi_v, [f1 >> 7, f1 & 127], i1 + gbase)
        return 0

    lax.fori_loop(0, _RPW, row_body, 0, unroll=False)

    for u in range(_RPW // 16):
        fgi_v[pl.ds(u * 16, 16)] = fi_v[pl.ds(u * 16, 16)] + gbase

    cp = pltpu.async_copy(feat_hbm.at[fgi_v], fpf_v, sem)
    cp.wait()
    pltpu.sync_copy(fpf_v, fpf_hbm.at[pl.ds(base, _RPW)])

    def gch(g, _):
        cp = pltpu.async_copy(feat_hbm.at[gi_v.at[g]], grp_v, sem)
        cp.wait()
        pltpu.sync_copy(
            grp_v, grp_hbm.at[pl.ds(wid * (_RPW * _K) + g * 128, 128)])
        return 0

    lax.fori_loop(0, (_RPW * _K) // 128, gch, 0, unroll=False)
    pltpu.sync_copy(gi_v, gidx_hbm.at[pl.ds(wid * 32, 32)])


def _run_sc_topk(x, y, z, cx, cy, cz, fi, feat_flat):
    mesh = plsc.VectorSubcoreMesh(core_axis_name="c", subcore_axis_name="s",
                                  num_cores=2, num_subcores=16)
    f = pl.kernel(
        _sc_topk_body,
        out_type=[
            jax.ShapeDtypeStruct((_B * _S * _K, _C), jnp.float32),
            jax.ShapeDtypeStruct((_B * _S, _C), jnp.float32),
            jax.ShapeDtypeStruct((_B * _S * _K // 128, 128), jnp.int32),
        ],
        mesh=mesh,
        scratch_types=[
            pltpu.VMEM((_N,), jnp.float32),
            pltpu.VMEM((_N,), jnp.float32),
            pltpu.VMEM((_N,), jnp.float32),
            pltpu.VMEM((_N,), jnp.float32),
            pltpu.VMEM((_RPW,), jnp.float32),
            pltpu.VMEM((_RPW,), jnp.float32),
            pltpu.VMEM((_RPW,), jnp.float32),
            pltpu.VMEM((_RPW,), jnp.int32),
            pltpu.VMEM((_N,), jnp.float32),
            pltpu.VMEM((_N + 16,), jnp.float32),
            pltpu.VMEM((_N + 16,), jnp.int32),
            pltpu.VMEM(((_RPW * _K) // 128, 128), jnp.int32),
            pltpu.VMEM((_RPW,), jnp.int32),
            pltpu.VMEM((128, _C), jnp.float32),
            pltpu.VMEM((_RPW, _C), jnp.float32),
            pltpu.SemaphoreType.DMA,
        ],
        compiler_params=pltpu.CompilerParams(needs_layout_passes=False,
                                             use_tc_tiling_on_sc=False),
    )
    return f(x, y, z, cx, cy, cz, fi, feat_flat)



def _norm_kernel(g_ref, ff_ref, at_ref, bt_ref, out_ref):
    g = g_ref[0]
    ff = ff_ref[0]
    kc_i = lax.broadcasted_iota(jnp.int32, (_K * _C, _C), 0)
    kc_j = lax.broadcasted_iota(jnp.int32, (_K * _C, _C), 1)
    m1 = jnp.where(kc_i % _C == kc_j, 1.0 / _K, 0.0)
    mean = jnp.dot(g, m1, preferred_element_type=jnp.float32)
    p_i = lax.broadcasted_iota(jnp.int32, (_C, _K * _C), 0)
    p_j = lax.broadcasted_iota(jnp.int32, (_C, _K * _C), 1)
    p = jnp.where(p_j % _C == p_i, 1.0, 0.0)
    diff = g - jnp.dot(mean, p, preferred_element_type=jnp.float32)
    ss = jnp.sum(diff * diff)
    std = jnp.sqrt(ss / (_S * _K * _C - 1))
    norm = diff * (1.0 / (std + 1e-05)) * at_ref[...] + bt_ref[...]
    q_i = lax.broadcasted_iota(jnp.int32, (_K * _C, 2 * _K * _C), 0)
    q_j = lax.broadcasted_iota(jnp.int32, (_K * _C, 2 * _K * _C), 1)
    q1 = jnp.where(q_j == (q_i // _C) * (2 * _C) + q_i % _C, 1.0, 0.0)
    r_i = lax.broadcasted_iota(jnp.int32, (_C, 2 * _K * _C), 0)
    r_j = lax.broadcasted_iota(jnp.int32, (_C, 2 * _K * _C), 1)
    q2 = jnp.where((r_j % (2 * _C) >= _C) & (r_j % (2 * _C) - _C == r_i),
                   1.0, 0.0)
    out_ref[0] = (jnp.dot(norm, q1, preferred_element_type=jnp.float32)
                  + jnp.dot(ff, q2, preferred_element_type=jnp.float32))


def _run_norm(g, ff, at, bt):
    return pl.pallas_call(
        _norm_kernel,
        grid=(_B,),
        in_specs=[
            pl.BlockSpec((1, _S, _K * _C), lambda b: (b, 0, 0)),
            pl.BlockSpec((1, _S, _C), lambda b: (b, 0, 0)),
            pl.BlockSpec((1, _K * _C), lambda b: (0, 0)),
            pl.BlockSpec((1, _K * _C), lambda b: (0, 0)),
        ],
        out_specs=pl.BlockSpec((1, _S, 2 * _K * _C), lambda b: (b, 0, 0)),
        out_shape=jax.ShapeDtypeStruct((_B, _S, 2 * _K * _C), jnp.float32),
    )(g, ff, at, bt)


def kernel(xyz, feat, affine_alpha, affine_beta):
    fps_idx, cx, cy, cz = _run_fps(xyz)
    fps_xyz = jnp.stack([cx, cy, cz], axis=-1)

    grp, fpf, _ = _run_sc_topk(
        xyz[:, :, 0], xyz[:, :, 1], xyz[:, :, 2],
        cx.reshape(-1), cy.reshape(-1), cz.reshape(-1),
        fps_idx.reshape(-1), feat.reshape(_B * _N, _C))

    at = jnp.tile(affine_alpha.reshape(1, _C), (1, _K))
    bt = jnp.tile(affine_beta.reshape(1, _C), (1, _K))
    out = _run_norm(grp.reshape(_B, _S, _K * _C),
                    fpf.reshape(_B, _S, _C), at, bt)
    return (fps_xyz, out.reshape(_B, _S, _K, 2 * _C))

# --- scband reference (transcript-rebuilt; emitter-appended) ---
"""Pipeline reference for scband-local-grouper-84404697301378 (READ-ONLY COPY).

The authoritative reference and input builder live on the scoring server;
editing this copy changes nothing except your own understanding.
"""

import jax, jax.numpy as jnp
import numpy as np

NUM_SAMPLES = 1024
K_NEIGHBORS = 32


def gather_points(points, idx):
    B = points.shape[0]
    batch = jnp.arange(B).reshape((B,) + (1,) * (idx.ndim - 1))
    return points[batch, idx]


def furthest_point_sample(xyz, n_samples):
    B, N, _ = xyz.shape
    distance0 = jnp.full((B, N), 1e10, dtype=xyz.dtype)
    farthest0 = jnp.zeros((B,), dtype=jnp.int32)
    batch_idx = jnp.arange(B)

    def body(carry, _):
        distance, farthest = carry
        centroid = xyz[batch_idx, farthest]
        d = jnp.sum((xyz - centroid[:, None, :]) ** 2, axis=-1)
        distance = jnp.minimum(distance, d)
        nxt = jnp.argmax(distance, axis=-1).astype(jnp.int32)
        return (distance, nxt), farthest

    _, idxs = jax.lax.scan(body, (distance0, farthest0), None, length=n_samples)
    return jnp.transpose(idxs)


def setup_inputs(seed: int = 0):
    key = jax.random.key(seed)
    k1, k2 = jax.random.split(key)
    xyz = jax.random.normal(k1, (4, 8192, 3), dtype=jnp.float32)
    feat = jax.random.normal(k2, (4, 8192, 32), dtype=jnp.float32)
    affine_alpha = jnp.ones((1, 1, 1, 32), dtype=jnp.float32)
    affine_beta = jnp.zeros((1, 1, 1, 32), dtype=jnp.float32)
    return {"xyz": xyz, "feat": feat, "affine_alpha": affine_alpha, "affine_beta": affine_beta}


def reference(xyz, feat, affine_alpha, affine_beta):
    B, N, _ = xyz.shape
    fps_idx = furthest_point_sample(xyz, NUM_SAMPLES)
    fps_xyz = gather_points(xyz, fps_idx)
    fps_feat = gather_points(feat, fps_idx)
    a2 = jnp.sum(fps_xyz ** 2, axis=-1, keepdims=True)
    b2 = jnp.sum(xyz ** 2, axis=-1)[:, None, :]
    ab = jnp.einsum('bsd,bnd->bsn', fps_xyz, xyz)
    dist = jnp.sqrt(jnp.maximum(a2 + b2 - 2.0 * ab, 0.0))
    _, group_idx = jax.lax.top_k(-dist, K_NEIGHBORS)
    grouped_xyz = gather_points(xyz, group_idx)
    grouped_feat = gather_points(feat, group_idx)
    mean = jnp.mean(grouped_feat, axis=2, keepdims=True)
    diff = grouped_feat - mean
    std = jnp.std(diff.reshape(B, -1), axis=-1, ddof=1).reshape(B, 1, 1, 1)
    grouped_feat = diff / (std + 1e-05)
    grouped_feat = affine_alpha * grouped_feat + affine_beta
    fps_feat_out = jnp.concatenate([grouped_feat, jnp.repeat(fps_feat[:, :, None, :], K_NEIGHBORS, axis=2)], axis=-1)
    return (fps_xyz, fps_feat_out)

if __name__ == "__main__":
    import jax
    _d = setup_inputs()
    print(jax.jit(kernel)(*tuple(_d.values())))

</pallas_src>

<mosaic_0001>
#map = affine_map<(d0, d1) -> (0, 0)>
#map1 = affine_map<(d0, d1) -> (0)>
module attributes {stable_mosaic.version = 14 : i64} {
  func.func @_sc_topk_body(%arg0: i32, %arg1: i32, %arg2: memref<4x8192xf32, #tpu.memory_space<hbm>>, %arg3: memref<4x8192xf32, #tpu.memory_space<hbm>>, %arg4: memref<4x8192xf32, #tpu.memory_space<hbm>>, %arg5: memref<4096xf32, #tpu.memory_space<hbm>>, %arg6: memref<4096xf32, #tpu.memory_space<hbm>>, %arg7: memref<4096xf32, #tpu.memory_space<hbm>>, %arg8: memref<4096xi32, #tpu.memory_space<hbm>>, %arg9: memref<32768x32xf32, #tpu.memory_space<hbm>>, %arg10: memref<131072x32xf32, #tpu.memory_space<hbm>>, %arg11: memref<4096x32xf32, #tpu.memory_space<hbm>>, %arg12: memref<1024x128xi32, #tpu.memory_space<hbm>>, %arg13: memref<8192xf32, #tpu.memory_space<vmem>>, %arg14: memref<8192xf32, #tpu.memory_space<vmem>>, %arg15: memref<8192xf32, #tpu.memory_space<vmem>>, %arg16: memref<8192xf32, #tpu.memory_space<vmem>>, %arg17: memref<128xf32, #tpu.memory_space<vmem>>, %arg18: memref<128xf32, #tpu.memory_space<vmem>>, %arg19: memref<128xf32, #tpu.memory_space<vmem>>, %arg20: memref<128xi32, #tpu.memory_space<vmem>>, %arg21: memref<8192xf32, #tpu.memory_space<vmem>>, %arg22: memref<8208xf32, #tpu.memory_space<vmem>>, %arg23: memref<8208xi32, #tpu.memory_space<vmem>>, %arg24: memref<32x128xi32, #tpu.memory_space<vmem>>, %arg25: memref<128xi32, #tpu.memory_space<vmem>>, %arg26: memref<128x32xf32, #tpu.memory_space<vmem>>, %arg27: memref<128x32xf32, #tpu.memory_space<vmem>>, %arg28: memref<!tpu.dma_semaphore, #tpu.memory_space<semaphore_mem>>) attributes {dimension_semantics = [#tpu.dimension_semantics<core_parallel>, #tpu.dimension_semantics<subcore_parallel>], iteration_bounds = array<i64: 2, 16>, scalar_prefetch = 0 : i64, scratch_operands = 16 : i64, tpu.core_type = #tpu.core_type<sc_vector_subcore>, window_params = [{transform_indices = #map}, {transform_indices = #map}, {transform_indices = #map}, {transform_indices = #map1}, {transform_indices = #map1}, {transform_indices = #map1}, {transform_indices = #map1}, {transform_indices = #map}, {transform_indices = #map}, {transform_indices = #map}, {transform_indices = #map}]} {
    %mul3A = arith.constant 2 : i32
    %mul3A_0 = arith.muli %arg1, %mul3A : i32
    %add3A = arith.addi %mul3A_0, %arg0 : i32
    %jit3A = arith.constant 8 : i32
    %div3A = arith.divsi %add3A, %jit3A : i32
    %sign3A = arith.constant 0 : i32
    %sign3A_1 = arith.cmpi sgt, %add3A, %sign3A : i32
    %sign3A_2 = arith.extui %sign3A_1 : i1 to i32
    %sign3A_3 = arith.constant 0 : i32
    %sign3A_4 = arith.cmpi slt, %add3A, %sign3A_3 : i32
    %sign3A_5 = arith.extui %sign3A_4 : i1 to i32
    %sign3A_6 = arith.subi %sign3A_2, %sign3A_5 : i32
    %sign3A_7 = arith.constant 0 : i32
    %sign3A_8 = arith.cmpi sgt, %jit3A, %sign3A_7 : i32
    %sign3A_9 = arith.extui %sign3A_8 : i1 to i32
    %sign3A_10 = arith.constant 0 : i32
    %sign3A_11 = arith.cmpi slt, %jit3A, %sign3A_10 : i32
    %sign3A_12 = arith.extui %sign3A_11 : i1 to i32
    %sign3A_13 = arith.subi %sign3A_9, %sign3A_12 : i32
    %ne3A = arith.cmpi ne, %sign3A_6, %sign3A_13 : i32
    %rem3A = arith.remsi %add3A, %jit3A : i32
    %ne3A_14 = arith.constant 0 : i32
    %ne3A_15 = arith.cmpi ne, %rem3A, %ne3A_14 : i32
    %and3A = arith.andi %ne3A, %ne3A_15 : i1
    %sub3A = arith.constant 1 : i32
    %sub3A_16 = arith.subi %div3A, %sub3A : i32
    %select_n3A = arith.select %and3A, %sub3A_16, %div3A : i32
    %mul3A_17 = arith.constant 128 : i32
    %mul3A_18 = arith.muli %add3A, %mul3A_17 : i32
    "tpu.region"() ({
      %run_scoped3A = tpu.sem_alloc : memref<!tpu.dma_semaphore, #tpu.memory_space<semaphore_mem>>
      %dma_start3A_94 = arith.constant 0 : i32
      %dma_start3A_95 = tpu.memref_slice %arg2[%select_n3A, %dma_start3A_94] : memref<4x8192xf32, #tpu.memory_space<hbm>> -> memref<1x8192xf32, #tpu.memory_space<hbm>>
      %dma_start3A_96 = tpu.memref_squeeze %dma_start3A_95 : memref<1x8192xf32, #tpu.memory_space<hbm>> -> memref<8192xf32, #tpu.memory_space<hbm>>
      %dma_start3A_97 = arith.constant 0 : i32
      %dma_start3A_98 = tpu.memref_slice %arg2[%select_n3A, %dma_start3A_97] : memref<4x8192xf32, #tpu.memory_space<hbm>> -> memref<1x8192xf32, #tpu.memory_space<hbm>>
      %dma_start3A_99 = tpu.memref_squeeze %dma_start3A_98 : memref<1x8192xf32, #tpu.memory_space<hbm>> -> memref<8192xf32, #tpu.memory_space<hbm>>
      tpu.enqueue_dma source(%dma_start3A_99 : memref<8192xf32, #tpu.memory_space<hbm>>) target(%arg13 : memref<8192xf32, #tpu.memory_space<vmem>>) target_semaphore(%run_scoped3A : memref<!tpu.dma_semaphore, #tpu.memory_space<semaphore_mem>>)
      %dma_wait3A_100 = arith.constant 0 : i32
      %dma_wait3A_101 = tpu.memref_slice %arg2[%select_n3A, %dma_wait3A_100] : memref<4x8192xf32, #tpu.memory_space<hbm>> -> memref<1x8192xf32, #tpu.memory_space<hbm>>
      %dma_wait3A_102 = tpu.memref_squeeze %dma_wait3A_101 : memref<1x8192xf32, #tpu.memory_space<hbm>> -> memref<8192xf32, #tpu.memory_space<hbm>>
      %dma_wait3A_103 = arith.constant 0 : i32
      %dma_wait3A_104 = tpu.memref_slice %arg2[%select_n3A, %dma_wait3A_103] : memref<4x8192xf32, #tpu.memory_space<hbm>> -> memref<1x8192xf32, #tpu.memory_space<hbm>>
      %dma_wait3A_105 = tpu.memref_squeeze %dma_wait3A_104 : memref<1x8192xf32, #tpu.memory_space<hbm>> -> memref<8192xf32, #tpu.memory_space<hbm>>
      tpu.wait_dma2 semaphore(%run_scoped3A : memref<!tpu.dma_semaphore, #tpu.memory_space<semaphore_mem>>) src(%dma_wait3A_105 : memref<8192xf32, #tpu.memory_space<hbm>>) dst(%arg13 : memref<8192xf32, #tpu.memory_space<vmem>>)
      tpu.yield
    }) : () -> ()
    "tpu.region"() ({
      %run_scoped3A = tpu.sem_alloc : memref<!tpu.dma_semaphore, #tpu.memory_space<semaphore_mem>>
      %dma_start3A_94 = arith.constant 0 : i32
      %dma_start3A_95 = tpu.memref_slice %arg3[%select_n3A, %dma_start3A_94] : memref<4x8192xf32, #tpu.memory_space<hbm>> -> memref<1x8192xf32, #tpu.memory_space<hbm>>
      %dma_start3A_96 = tpu.memref_squeeze %dma_start3A_95 : memref<1x8192xf32, #tpu.memory_space<hbm>> -> memref<8192xf32, #tpu.memory_space<hbm>>
      %dma_start3A_97 = arith.constant 0 : i32
      %dma_start3A_98 = tpu.memref_slice %arg3[%select_n3A, %dma_start3A_97] : memref<4x8192xf32, #tpu.memory_space<hbm>> -> memref<1x8192xf32, #tpu.memory_space<hbm>>
      %dma_start3A_99 = tpu.memref_squeeze %dma_start3A_98 : memref<1x8192xf32, #tpu.memory_space<hbm>> -> memref<8192xf32, #tpu.memory_space<hbm>>
      tpu.enqueue_dma source(%dma_start3A_99 : memref<8192xf32, #tpu.memory_space<hbm>>) target(%arg14 : memref<8192xf32, #tpu.memory_space<vmem>>) target_semaphore(%run_scoped3A : memref<!tpu.dma_semaphore, #tpu.memory_space<semaphore_mem>>)
      %dma_wait3A_100 = arith.constant 0 : i32
      %dma_wait3A_101 = tpu.memref_slice %arg3[%select_n3A, %dma_wait3A_100] : memref<4x8192xf32, #tpu.memory_space<hbm>> -> memref<1x8192xf32, #tpu.memory_space<hbm>>
      %dma_wait3A_102 = tpu.memref_squeeze %dma_wait3A_101 : memref<1x8192xf32, #tpu.memory_space<hbm>> -> memref<8192xf32, #tpu.memory_space<hbm>>
      %dma_wait3A_103 = arith.constant 0 : i32
      %dma_wait3A_104 = tpu.memref_slice %arg3[%select_n3A, %dma_wait3A_103] : memref<4x8192xf32, #tpu.memory_space<hbm>> -> memref<1x8192xf32, #tpu.memory_space<hbm>>
      %dma_wait3A_105 = tpu.memref_squeeze %dma_wait3A_104 : memref<1x8192xf32, #tpu.memory_space<hbm>> -> memref<8192xf32, #tpu.memory_space<hbm>>
      tpu.wait_dma2 semaphore(%run_scoped3A : memref<!tpu.dma_semaphore, #tpu.memory_space<semaphore_mem>>) src(%dma_wait3A_105 : memref<8192xf32, #tpu.memory_space<hbm>>) dst(%arg14 : memref<8192xf32, #tpu.memory_space<vmem>>)
      tpu.yield
    }) : () -> ()
    "tpu.region"() ({
      %run_scoped3A = tpu.sem_alloc : memref<!tpu.dma_semaphore, #tpu.memory_space<semaphore_mem>>
      %dma_start3A_94 = arith.constant 0 : i32
      %dma_start3A_95 = tpu.memref_slice %arg4[%select_n3A, %dma_start3A_94] : memref<4x8192xf32, #tpu.memory_space<hbm>> -> memref<1x8192xf32, #tpu.memory_space<hbm>>
      %dma_start3A_96 = tpu.memref_squeeze %dma_start3A_95 : memref<1x8192xf32, #tpu.memory_space<hbm>> -> memref<8192xf32, #tpu.memory_space<hbm>>
      %dma_start3A_97 = arith.constant 0 : i32
      %dma_start3A_98 = tpu.memref_slice %arg4[%select_n3A, %dma_start3A_97] : memref<4x8192xf32, #tpu.memory_space<hbm>> -> memref<1x8192xf32, #tpu.memory_space<hbm>>
      %dma_start3A_99 = tpu.memref_squeeze %dma_start3A_98 : memref<1x8192xf32, #tpu.memory_space<hbm>> -> memref<8192xf32, #tpu.memory_space<hbm>>
      tpu.enqueue_dma source(%dma_start3A_99 : memref<8192xf32, #tpu.memory_space<hbm>>) target(%arg15 : memref<8192xf32, #tpu.memory_space<vmem>>) target_semaphore(%run_scoped3A : memref<!tpu.dma_semaphore, #tpu.memory_space<semaphore_mem>>)
      %dma_wait3A_100 = arith.constant 0 : i32
      %dma_wait3A_101 = tpu.memref_slice %arg4[%select_n3A, %dma_wait3A_100] : memref<4x8192xf32, #tpu.memory_space<hbm>> -> memref<1x8192xf32, #tpu.memory_space<hbm>>
      %dma_wait3A_102 = tpu.memref_squeeze %dma_wait3A_101 : memref<1x8192xf32, #tpu.memory_space<hbm>> -> memref<8192xf32, #tpu.memory_space<hbm>>
      %dma_wait3A_103 = arith.constant 0 : i32
      %dma_wait3A_104 = tpu.memref_slice %arg4[%select_n3A, %dma_wait3A_103] : memref<4x8192xf32, #tpu.memory_space<hbm>> -> memref<1x8192xf32, #tpu.memory_space<hbm>>
      %dma_wait3A_105 = tpu.memref_squeeze %dma_wait3A_104 : memref<1x8192xf32, #tpu.memory_space<hbm>> -> memref<8192xf32, #tpu.memory_space<hbm>>
      tpu.wait_dma2 semaphore(%run_scoped3A : memref<!tpu.dma_semaphore, #tpu.memory_space<semaphore_mem>>) src(%dma_wait3A_105 : memref<8192xf32, #tpu.memory_space<hbm>>) dst(%arg15 : memref<8192xf32, #tpu.memory_space<vmem>>)
      tpu.yield
    }) : () -> ()
    "tpu.region"() ({
      %run_scoped3A = tpu.sem_alloc : memref<!tpu.dma_semaphore, #tpu.memory_space<semaphore_mem>>
      %dma_start3A_94 = tpu.memref_slice %arg5[%mul3A_18] : memref<4096xf32, #tpu.memory_space<hbm>> -> memref<128xf32, #tpu.memory_space<hbm>>
      %dma_start3A_95 = tpu.memref_slice %arg5[%mul3A_18] : memref<4096xf32, #tpu.memory_space<hbm>> -> memref<128xf32, #tpu.memory_space<hbm>>
      tpu.enqueue_dma source(%dma_start3A_95 : memref<128xf32, #tpu.memory_space<hbm>>) target(%arg17 : memref<128xf32, #tpu.memory_space<vmem>>) target_semaphore(%run_scoped3A : memref<!tpu.dma_semaphore, #tpu.memory_space<semaphore_mem>>)
      %dma_wait3A_96 = tpu.memref_slice %arg5[%mul3A_18] : memref<4096xf32, #tpu.memory_space<hbm>> -> memref<128xf32, #tpu.memory_space<hbm>>
      %dma_wait3A_97 = tpu.memref_slice %arg5[%mul3A_18] : memref<4096xf32, #tpu.memory_space<hbm>> -> memref<128xf32, #tpu.memory_space<hbm>>
      tpu.wait_dma2 semaphore(%run_scoped3A : memref<!tpu.dma_semaphore, #tpu.memory_space<semaphore_mem>>) src(%dma_wait3A_97 : memref<128xf32, #tpu.memory_space<hbm>>) dst(%arg17 : memref<128xf32, #tpu.memory_space<vmem>>)
      tpu.yield
    }) : () -> ()
    "tpu.region"() ({
      %run_scoped3A = tpu.sem_alloc : memref<!tpu.dma_semaphore, #tpu.memory_space<semaphore_mem>>
      %dma_start3A_94 = tpu.memref_slice %arg6[%mul3A_18] : memref<4096xf32, #tpu.memory_space<hbm>> -> memref<128xf32, #tpu.memory_space<hbm>>
      %dma_start3A_95 = tpu.memref_slice %arg6[%mul3A_18] : memref<4096xf32, #tpu.memory_space<hbm>> -> memref<128xf32, #tpu.memory_space<hbm>>
      tpu.enqueue_dma source(%dma_start3A_95 : memref<128xf32, #tpu.memory_space<hbm>>) target(%arg18 : memref<128xf32, #tpu.memory_space<vmem>>) target_semaphore(%run_scoped3A : memref<!tpu.dma_semaphore, #tpu.memory_space<semaphore_mem>>)
      %dma_wait3A_96 = tpu.memref_slice %arg6[%mul3A_18] : memref<4096xf32, #tpu.memory_space<hbm>> -> memref<128xf32, #tpu.memory_space<hbm>>
      %dma_wait3A_97 = tpu.memref_slice %arg6[%mul3A_18] : memref<4096xf32, #tpu.memory_space<hbm>> -> memref<128xf32, #tpu.memory_space<hbm>>
      tpu.wait_dma2 semaphore(%run_scoped3A : memref<!tpu.dma_semaphore, #tpu.memory_space<semaphore_mem>>) src(%dma_wait3A_97 : memref<128xf32, #tpu.memory_space<hbm>>) dst(%arg18 : memref<128xf32, #tpu.memory_space<vmem>>)
      tpu.yield
    }) : () -> ()
    "tpu.region"() ({
      %run_scoped3A = tpu.sem_alloc : memref<!tpu.dma_semaphore, #tpu.memory_space<semaphore_mem>>
      %dma_start3A_94 = tpu.memref_slice %arg7[%mul3A_18] : memref<4096xf32, #tpu.memory_space<hbm>> -> memref<128xf32, #tpu.memory_space<hbm>>
      %dma_start3A_95 = tpu.memref_slice %arg7[%mul3A_18] : memref<4096xf32, #tpu.memory_space<hbm>> -> memref<128xf32, #tpu.memory_space<hbm>>
      tpu.enqueue_dma source(%dma_start3A_95 : memref<128xf32, #tpu.memory_space<hbm>>) target(%arg19 : memref<128xf32, #tpu.memory_space<vmem>>) target_semaphore(%run_scoped3A : memref<!tpu.dma_semaphore, #tpu.memory_space<semaphore_mem>>)
      %dma_wait3A_96 = tpu.memref_slice %arg7[%mul3A_18] : memref<4096xf32, #tpu.memory_space<hbm>> -> memref<128xf32, #tpu.memory_space<hbm>>
      %dma_wait3A_97 = tpu.memref_slice %arg7[%mul3A_18] : memref<4096xf32, #tpu.memory_space<hbm>> -> memref<128xf32, #tpu.memory_space<hbm>>
      tpu.wait_dma2 semaphore(%run_scoped3A : memref<!tpu.dma_semaphore, #tpu.memory_space<semaphore_mem>>) src(%dma_wait3A_97 : memref<128xf32, #tpu.memory_space<hbm>>) dst(%arg19 : memref<128xf32, #tpu.memory_space<vmem>>)
      tpu.yield
    }) : () -> ()
    "tpu.region"() ({
      %run_scoped3A = tpu.sem_alloc : memref<!tpu.dma_semaphore, #tpu.memory_space<semaphore_mem>>
      %dma_start3A_94 = tpu.memref_slice %arg8[%mul3A_18] : memref<4096xi32, #tpu.memory_space<hbm>> -> memref<128xi32, #tpu.memory_space<hbm>>
      %dma_start3A_95 = tpu.memref_slice %arg8[%mul3A_18] : memref<4096xi32, #tpu.memory_space<hbm>> -> memref<128xi32, #tpu.memory_space<hbm>>
      tpu.enqueue_dma source(%dma_start3A_95 : memref<128xi32, #tpu.memory_space<hbm>>) target(%arg20 : memref<128xi32, #tpu.memory_space<vmem>>) target_semaphore(%run_scoped3A : memref<!tpu.dma_semaphore, #tpu.memory_space<semaphore_mem>>)
      %dma_wait3A_96 = tpu.memref_slice %arg8[%mul3A_18] : memref<4096xi32, #tpu.memory_space<hbm>> -> memref<128xi32, #tpu.memory_space<hbm>>
      %dma_wait3A_97 = tpu.memref_slice %arg8[%mul3A_18] : memref<4096xi32, #tpu.memory_space<hbm>> -> memref<128xi32, #tpu.memory_space<hbm>>
      tpu.wait_dma2 semaphore(%run_scoped3A : memref<!tpu.dma_semaphore, #tpu.memory_space<semaphore_mem>>) src(%dma_wait3A_97 : memref<128xi32, #tpu.memory_space<hbm>>) dst(%arg20 : memref<128xi32, #tpu.memory_space<vmem>>)
      tpu.yield
    }) : () -> ()
    %iota3A = tpu.iota {dimensions = array<i32: 0>} : vector<16xi32>
    %broadcast_in_dim3A = arith.constant 0x7F800000 : f32
    %broadcast_in_dim3A_19 = vector.broadcast %broadcast_in_dim3A : f32 to vector<16xf32>
    %mul3A_20 = arith.constant 8192 : i32
    %mul3A_21 = arith.muli %select_n3A, %mul3A_20 : i32
    %scan3A = arith.constant 0 : i32
    %scan3A_22 = arith.constant 0 : i32
    %scan3A_23 = arith.constant 32 : i32
    %scan3A_24 = arith.addi %scan3A_22, %scan3A_23 : i32
    %scan3A_25 = arith.constant 1 : i32
    %scan3A_26 = scf.for %scan3A_94 = %scan3A_22 to %scan3A_24 step %scan3A_25 iter_args(%scan3A_95 = %scan3A) -> (i32)  : i32 {
      %mul3A_96 = arith.constant 256 : i32
      %mul3A_97 = arith.muli %scan3A_94, %mul3A_96 : i32
      %add3A_98 = arith.constant 0 : i32
      %add3A_99 = arith.addi %mul3A_97, %add3A_98 : i32
      %get3A_100 = arith.index_cast %add3A_99 : i32 to index
      %get3A_101 = tpu.vector_load %arg13[%get3A_100] {strides = array<i32>} : memref<8192xf32, #tpu.memory_space<vmem>>, vector<16xf32>,
      %get3A_102 = arith.index_cast %add3A_99 : i32 to index
      %get3A_103 = tpu.vector_load %arg14[%get3A_102] {strides = array<i32>} : memref<8192xf32, #tpu.memory_space<vmem>>, vector<16xf32>,
      %get3A_104 = arith.index_cast %add3A_99 : i32 to index
      %get3A_105 = tpu.vector_load %arg15[%get3A_104] {strides = array<i32>} : memref<8192xf32, #tpu.memory_space<vmem>>, vector<16xf32>,
      %mul3A_106 = arith.mulf %get3A_101, %get3A_101 : vector<16xf32>
      %mul3A_107 = arith.mulf %get3A_103, %get3A_103 : vector<16xf32>
      %add3A_108 = arith.addf %mul3A_106, %mul3A_107 : vector<16xf32>
      %mul3A_109 = arith.mulf %get3A_105, %get3A_105 : vector<16xf32>
      %add3A_110 = arith.addf %add3A_108, %mul3A_109 : vector<16xf32>
      %swap3A_111 = arith.index_cast %add3A_99 : i32 to index
      %swap3A_112 = tpu.vector_load %arg16[%swap3A_111] {strides = array<i32>} : memref<8192xf32, #tpu.memory_space<vmem>>, vector<16xf32>,
      tpu.vector_store %arg16[%swap3A_111], %add3A_110 {strides = array<i32>} : memref<8192xf32, #tpu.memory_space<vmem>>, vector<16xf32>,
      %bitcast3A = vector.bitcast %get3A_101 : vector<16xf32> to vector<16xi32>
      %add3A_113 = arith.constant 32767 : i32
      %add3A_114 = vector.broadcast %add3A_113 : i32 to vector<16xi32>
      %add3A_115 = arith.addi %bitcast3A, %add3A_114 : vector<16xi32>
      %shift_right_logical3A = arith.constant 16 : i32
      %shift_right_logical3A_116 = vector.broadcast %shift_right_logical3A : i32 to vector<16xi32>
      %shift_right_logical3A_117 = arith.shrui %bitcast3A, %shift_right_logical3A_116 : vector<16xi32>
      %and3A_118 = arith.constant 1 : i32
      %and3A_119 = vector.broadcast %and3A_118 : i32 to vector<16xi32>
      %and3A_120 = arith.andi %shift_right_logical3A_117, %and3A_119 : vector<16xi32>
      %add3A_121 = arith.addi %add3A_115, %and3A_120 : vector<16xi32>
      %and3A_122 = arith.constant -65536 : i32
      %and3A_123 = vector.broadcast %and3A_122 : i32 to vector<16xi32>
      %and3A_124 = arith.andi %add3A_121, %and3A_123 : vector<16xi32>
      %bitcast3A_125 = vector.bitcast %and3A_124 : vector<16xi32> to vector<16xf32>
      %swap3A_126 = arith.index_cast %add3A_99 : i32 to index
      %swap3A_127 = tpu.vector_load %arg13[%swap3A_126] {strides = array<i32>} : memref<8192xf32, #tpu.memory_space<vmem>>, vector<16xf32>,
      tpu.vector_store %arg13[%swap3A_126], %bitcast3A_125 {strides = array<i32>} : memref<8192xf32, #tpu.memory_space<vmem>>, vector<16xf32>,
      %bitcast3A_128 = vector.bitcast %get3A_103 : vector<16xf32> to vector<16xi32>
      %add3A_129 = arith.constant 32767 : i32
      %add3A_130 = vector.broadcast %add3A_129 : i32 to vector<16xi32>
      %add3A_131 = arith.addi %bitcast3A_128, %add3A_130 : vector<16xi32>
      %shift_right_logical3A_132 = arith.constant 16 : i32
      %shift_right_logical3A_133 = vector.broadcast %shift_right_logical3A_132 : i32 to vector<16xi32>
      %shift_right_logical3A_134 = arith.shrui %bitcast3A_128, %shift_right_logical3A_133 : vector<16xi32>
      %and3A_135 = arith.constant 1 : i32
      %and3A_136 = vector.broadcast %and3A_135 : i32 to vector<16xi32>
      %and3A_137 = arith.andi %shift_right_logical3A_134, %and3A_136 : vector<16xi32>
      %add3A_138 = arith.addi %add3A_131, %and3A_137 : vector<16xi32>
      %and3A_139 = arith.constant -65536 : i32
      %and3A_140 = vector.broadcast %and3A_139 : i32 to vector<16xi32>
      %and3A_141 = arith.andi %add3A_138, %and3A_140 : vector<16xi32>
      %bitcast3A_142 = vector.bitcast %and3A_141 : vector<16xi32> to vector<16xf32>
      %swap3A_143 = arith.index_cast %add3A_99 : i32 to index
      %swap3A_144 = tpu.vector_load %arg14[%swap3A_143] {strides = array<i32>} : memref<8192xf32, #tpu.memory_space<vmem>>, vector<16xf32>,
      tpu.vector_store %arg14[%swap3A_143], %bitcast3A_142 {strides = array<i32>} : memref<8192xf32, #tpu.memory_space<vmem>>, vector<16xf32>,
      %bitcast3A_145 = vector.bitcast %get3A_105 : vector<16xf32> to vector<16xi32>
      %add3A_146 = arith.constant 32767 : i32
      %add3A_147 = vector.broadcast %add3A_146 : i32 to vector<16xi32>
      %add3A_148 = arith.addi %bitcast3A_145, %add3A_147 : vector<16xi32>
      %shift_right_logical3A_149 = arith.constant 16 : i32
      %shift_right_logical3A_150 = vector.broadcast %shift_right_logical3A_149 : i32 to vector<16xi32>
      %shift_right_logical3A_151 = arith.shrui %bitcast3A_145, %shift_right_logical3A_150 : vector<16xi32>
      %and3A_152 = arith.constant 1 : i32
      %and3A_153 = vector.broadcast %and3A_152 : i32 to vector<16xi32>
      %and3A_154 = arith.andi %shift_right_logical3A_151, %and3A_153 : vector<16xi32>
      %add3A_155 = arith.addi %add3A_148, %and3A_154 : vector<16xi32>
      %and3A_156 = arith.constant -65536 : i32
      %and3A_157 = vector.broadcast %and3A_156 : i32 to vector<16xi32>
      %and3A_158 = arith.andi %add3A_155, %and3A_157 : vector<16xi32>
      %bitcast3A_159 = vector.bitcast %and3A_158 : vector<16xi32> to vector<16xf32>
      %swap3A_160 = arith.index_cast %add3A_99 : i32 to index
      %swap3A_161 = tpu.vector_load %arg15[%swap3A_160] {strides = array<i32>} : memref<8192xf32, #tpu.memory_space<vmem>>, vector<16xf32>,
      tpu.vector_store %arg15[%swap3A_160], %bitcast3A_159 {strides = array<i32>} : memref<8192xf32, #tpu.memory_space<vmem>>, vector<16xf32>,
      %mul3A_162 = arith.constant 256 : i32
      %mul3A_163 = arith.muli %scan3A_94, %mul3A_162 : i32
      %add3A_164 = arith.constant 16 : i32
      %add3A_165 = arith.addi %mul3A_163, %add3A_164 : i32
      %get3A_166 = arith.index_cast %add3A_165 : i32 to index
      %get3A_167 = tpu.vector_load %arg13[%get3A_166] {strides = array<i32>} : memref<8192xf32, #tpu.memory_space<vmem>>, vector<16xf32>,
      %get3A_168 = arith.index_cast %add3A_165 : i32 to index
      %get3A_169 = tpu.vector_load %arg14[%get3A_168] {strides = array<i32>} : memref<8192xf32, #tpu.memory_space<vmem>>, vector<16xf32>,
      %get3A_170 = arith.index_cast %add3A_165 : i32 to index
      %get3A_171 = tpu.vector_load %arg15[%get3A_170] {strides = array<i32>} : memref<8192xf32, #tpu.memory_space<vmem>>, vector<16xf32>,
      %mul3A_172 = arith.mulf %get3A_167, %get3A_167 : vector<16xf32>
      %mul3A_173 = arith.mulf %get3A_169, %get3A_169 : vector<16xf32>
      %add3A_174 = arith.addf %mul3A_172, %mul3A_173 : vector<16xf32>
      %mul3A_175 = arith.mulf %get3A_171, %get3A_171 : vector<16xf32>
      %add3A_176 = arith.addf %add3A_174, %mul3A_175 : vector<16xf32>
      %swap3A_177 = arith.index_cast %add3A_165 : i32 to index
      %swap3A_178 = tpu.vector_load %arg16[%swap3A_177] {strides = array<i32>} : memref<8192xf32, #tpu.memory_space<vmem>>, vector<16xf32>,
      tpu.vector_store %arg16[%swap3A_177], %add3A_176 {strides = array<i32>} : memref<8192xf32, #tpu.memory_space<vmem>>, vector<16xf32>,
      %bitcast3A_179 = vector.bitcast %get3A_167 : vector<16xf32> to vector<16xi32>
      %add3A_180 = arith.constant 32767 : i32
      %add3A_181 = vector.broadcast %add3A_180 : i32 to vector<16xi32>
      %add3A_182 = arith.addi %bitcast3A_179, %add3A_181 : vector<16xi32>
      %shift_right_logical3A_183 = arith.constant 16 : i32
      %shift_right_logical3A_184 = vector.broadcast %shift_right_logical3A_183 : i32 to vector<16xi32>
      %shift_right_logical3A_185 = arith.shrui %bitcast3A_179, %shift_right_logical3A_184 : vector<16xi32>
      %and3A_186 = arith.constant 1 : i32
      %and3A_187 = vector.broadcast %and3A_186 : i32 to vector<16xi32>
      %and3A_188 = arith.andi %shift_right_logical3A_185, %and3A_187 : vector<16xi32>
      %add3A_189 = arith.addi %add3A_182, %and3A_188 : vector<16xi32>
      %and3A_190 = arith.constant -65536 : i32
      %and3A_191 = vector.broadcast %and3A_190 : i32 to vector<16xi32>
      %and3A_192 = arith.andi %add3A_189, %and3A_191 : vector<16xi32>
      %bitcast3A_193 = vector.bitcast %and3A_192 : vector<16xi32> to vector<16xf32>
      %swap3A_194 = arith.index_cast %add3A_165 : i32 to index
      %swap3A_195 = tpu.vector_load %arg13[%swap3A_194] {strides = array<i32>} : memref<8192xf32, #tpu.memory_space<vmem>>, vector<16xf32>,
      tpu.vector_store %arg13[%swap3A_194], %bitcast3A_193 {strides = array<i32>} : memref<8192xf32, #tpu.memory_space<vmem>>, vector<16xf32>,
      %bitcast3A_196 = vector.bitcast %get3A_169 : vector<16xf32> to vector<16xi32>
      %add3A_197 = arith.constant 32767 : i32
      %add3A_198 = vector.broadcast %add3A_197 : i32 to vector<16xi32>
      %add3A_199 = arith.addi %bitcast3A_196, %add3A_198 : vector<16xi32>
      %shift_right_logical3A_200 = arith.constant 16 : i32
      %shift_right_logical3A_201 = vector.broadcast %shift_right_logical3A_200 : i32 to vector<16xi32>
      %shift_right_logical3A_202 = arith.shrui %bitcast3A_196, %shift_right_logical3A_201 : vector<16xi32>
      %and3A_203 = arith.constant 1 : i32
      %and3A_204 = vector.broadcast %and3A_203 : i32 to vector<16xi32>
      %and3A_205 = arith.andi %shift_right_logical3A_202, %and3A_204 : vector<16xi32>
      %add3A_206 = arith.addi %add3A_199, %and3A_205 : vector<16xi32>
      %and3A_207 = arith.constant -65536 : i32
      %and3A_208 = vector.broadcast %and3A_207 : i32 to vector<16xi32>
      %and3A_209 = arith.andi %add3A_206, %and3A_208 : vector<16xi32>
      %bitcast3A_210 = vector.bitcast %and3A_209 : vector<16xi32> to vector<16xf32>
      %swap3A_211 = arith.index_cast %add3A_165 : i32 to index
      %swap3A_212 = tpu.vector_load %arg14[%swap3A_211] {strides = array<i32>} : memref<8192xf32, #tpu.memory_space<vmem>>, vector<16xf32>,
      tpu.vector_store %arg14[%swap3A_211], %bitcast3A_210 {strides = array<i32>} : memref<8192xf32, #tpu.memory_space<vmem>>, vector<16xf32>,
      %bitcast3A_213 = vector.bitcast %get3A_171 : vector<16xf32> to vector<16xi32>
      %add3A_214 = arith.constant 32767 : i32
      %add3A_215 = vector.broadcast %add3A_214 : i32 to vector<16xi32>
      %add3A_216 = arith.addi %bitcast3A_213, %add3A_215 : vector<16xi32>
      %shift_right_logical3A_217 = arith.constant 16 : i32
      %shift_right_logical3A_218 = vector.broadcast %shift_right_logical3A_217 : i32 to vector<16xi32>
      %shift_right_logical3A_219 = arith.shrui %bitcast3A_213, %shift_right_logical3A_218 : vector<16xi32>
      %and3A_220 = arith.constant 1 : i32
      %and3A_221 = vector.broadcast %and3A_220 : i32 to vector<16xi32>
      %and3A_222 = arith.andi %shift_right_logical3A_219, %and3A_221 : vector<16xi32>
      %add3A_223 = arith.addi %add3A_216, %and3A_222 : vector<16xi32>
      %and3A_224 = arith.constant -65536 : i32
      %and3A_225 = vector.broadcast %and3A_224 : i32 to vector<16xi32>
      %and3A_226 = arith.andi %add3A_223, %and3A_225 : vector<16xi32>
      %bitcast3A_227 = vector.bitcast %and3A_226 : vector<16xi32> to vector<16xf32>
      %swap3A_228 = arith.index_cast %add3A_165 : i32 to index
      %swap3A_229 = tpu.vector_load %arg15[%swap3A_228] {strides = array<i32>} : memref<8192xf32, #tpu.memory_space<vmem>>, vector<16xf32>,
      tpu.vector_store %arg15[%swap3A_228], %bitcast3A_227 {strides = array<i32>} : memref<8192xf32, #tpu.memory_space<vmem>>, vector<16xf32>,
      %mul3A_230 = arith.constant 256 : i32
      %mul3A_231 = arith.muli %scan3A_94, %mul3A_230 : i32
      %add3A_232 = arith.constant 32 : i32
      %add3A_233 = arith.addi %mul3A_231, %add3A_232 : i32
      %get3A_234 = arith.index_cast %add3A_233 : i32 to index
      %get3A_235 = tpu.vector_load %arg13[%get3A_234] {strides = array<i32>} : memref<8192xf32, #tpu.memory_space<vmem>>, vector<16xf32>,
      %get3A_236 = arith.index_cast %add3A_233 : i32 to index
      %get3A_237 = tpu.vector_load %arg14[%get3A_236] {strides = array<i32>} : memref<8192xf32, #tpu.memory_space<vmem>>, vector<16xf32>,
      %get3A_238 = arith.index_cast %add3A_233 : i32 to index
      %get3A_239 = tpu.vector_load %arg15[%get3A_238] {strides = array<i32>} : memref<8192xf32, #tpu.memory_space<vmem>>, vector<16xf32>,
      %mul3A_240 = arith.mulf %get3A_235, %get3A_235 : vector<16xf32>
      %mul3A_241 = arith.mulf %get3A_237, %get3A_237 : vector<16xf32>
      %add3A_242 = arith.addf %mul3A_240, %mul3A_241 : vector<16xf32>
      %mul3A_243 = arith.mulf %get3A_239, %get3A_239 : vector<16xf32>
      %add3A_244 = arith.addf %add3A_242, %mul3A_243 : vector<16xf32>
      %swap3A_245 = arith.index_cast %add3A_233 : i32 to index
      %swap3A_246 = tpu.vector_load %arg16[%swap3A_245] {strides = array<i32>} : memref<8192xf32, #tpu.memory_space<vmem>>, vector<16xf32>,
      tpu.vector_store %arg16[%swap3A_245], %add3A_244 {strides = array<i32>} : memref<8192xf32, #tpu.memory_space<vmem>>, vector<16xf32>,
      %bitcast3A_247 = vector.bitcast %get3A_235 : vector<16xf32> to vector<16xi32>
      %add3A_248 = arith.constant 32767 : i32
      %add3A_249 = vector.broadcast %add3A_248 : i32 to vector<16xi32>
      %add3A_250 = arith.addi %bitcast3A_247, %add3A_249 : vector<16xi32>
      %shift_right_logical3A_251 = arith.constant 16 : i32
      %shift_right_logical3A_252 = vector.broadcast %shift_right_logical3A_251 : i32 to vector<16xi32>
      %shift_right_logical3A_253 = arith.shrui %bitcast3A_247, %shift_right_logical3A_252 : vector<16xi32>
      %and3A_254 = arith.constant 1 : i32
      %and3A_255 = vector.broadcast %and3A_254 : i32 to vector<16xi32>
      %and3A_256 = arith.andi %shift_right_logical3A_253, %and3A_255 : vector<16xi32>
      %add3A_257 = arith.addi %add3A_250, %and3A_256 : vector<16xi32>
      %and3A_258 = arith.constant -65536 : i32
      %and3A_259 = vector.broadcast %and3A_258 : i32 to vector<16xi32>
      %and3A_260 = arith.andi %add3A_257, %and3A_259 : vector<16xi32>
      %bitcast3A_261 = vector.bitcast %and3A_260 : vector<16xi32> to vector<16xf32>
      %swap3A_262 = arith.index_cast %add3A_233 : i32 to index
      %swap3A_263 = tpu.vector_load %arg13[%swap3A_262] {strides = array<i32>} : memref<8192xf32, #tpu.memory_space<vmem>>, vector<16xf32>,
      tpu.vector_store %arg13[%swap3A_262], %bitcast3A_261 {strides = array<i32>} : memref<8192xf32, #tpu.memory_space<vmem>>, vector<16xf32>,
      %bitcast3A_264 = vector.bitcast %get3A_237 : vector<16xf32> to vector<16xi32>
      %add3A_265 = arith.constant 32767 : i32
      %add3A_266 = vector.broadcast %add3A_265 : i32 to vector<16xi32>
      %add3A_267 = arith.addi %bitcast3A_264, %add3A_266 : vector<16xi32>
      %shift_right_logical3A_268 = arith.constant 16 : i32
      %shift_right_logical3A_269 = vector.broadcast %shift_right_logical3A_268 : i32 to vector<16xi32>
      %shift_right_logical3A_270 = arith.shrui %bitcast3A_264, %shift_right_logical3A_269 : vector<16xi32>
      %and3A_271 = arith.constant 1 : i32
      %and3A_272 = vector.broadcast %and3A_271 : i32 to vector<16xi32>
      %and3A_273 = arith.andi %shift_right_logical3A_270, %and3A_272 : vector<16xi32>
      %add3A_274 = arith.addi %add3A_267, %and3A_273 : vector<16xi32>
      %and3A_275 = arith.constant -65536 : i32
      %and3A_276 = vector.broadcast %and3A_275 : i32 to vector<16xi32>
      %and3A_277 = arith.andi %add3A_274, %and3A_276 : vector<16xi32>
      %bitcast3A_278 = vector.bitcast %and3A_277 : vector<16xi32> to vector<16xf32>
      %swap3A_279 = arith.index_cast %add3A_233 : i32 to index
      %swap3A_280 = tpu.vector_load %arg14[%swap3A_279] {strides = array<i32>} : memref<8192xf32, #tpu.memory_space<vmem>>, vector<16xf32>,
      tpu.vector_store %arg14[%swap3A_279], %bitcast3A_278 {strides = array<i32>} : memref<8192xf32, #tpu.memory_space<vmem>>, vector<16xf32>,
      %bitcast3A_281 = vector.bitcast %get3A_239 : vector<16xf32> to vector<16xi32>
      %add3A_282 = arith.constant 32767 : i32
      %add3A_283 = vector.broadcast %add3A_282 : i32 to vector<16xi32>
      %add3A_284 = arith.addi %bitcast3A_281, %add3A_283 : vector<16xi32>
      %shift_right_logical3A_285 = arith.constant 16 : i32
      %shift_right_logical3A_286 = vector.broadcast %shift_right_logical3A_285 : i32 to vector<16xi32>
      %shift_right_logical3A_287 = arith.shrui %bitcast3A_281, %shift_right_logical3A_286 : vector<16xi32>
      %and3A_288 = arith.constant 1 : i32
      %and3A_289 = vector.broadcast %and3A_288 : i32 to vector<16xi32>
      %and3A_290 = arith.andi %shift_right_logical3A_287, %and3A_289 : vector<16xi32>
      %add3A_291 = arith.addi %add3A_284, %and3A_290 : vector<16xi32>
      %and3A_292 = arith.constant -65536 : i32
      %and3A_293 = vector.broadcast %and3A_292 : i32 to vector<16xi32>
      %and3A_294 = arith.andi %add3A_291, %and3A_293 : vector<16xi32>
      %bitcast3A_295 = vector.bitcast %and3A_294 : vector<16xi32> to vector<16xf32>
      %swap3A_296 = arith.index_cast %add3A_233 : i32 to index
      %swap3A_297 = tpu.vector_load %arg15[%swap3A_296] {strides = array<i32>} : memref<8192xf32, #tpu.memory_space<vmem>>, vector<16xf32>,
      tpu.vector_store %arg15[%swap3A_296], %bitcast3A_295 {strides = array<i32>} : memref<8192xf32, #tpu.memory_space<vmem>>, vector<16xf32>,
      %mul3A_298 = arith.constant 256 : i32
      %mul3A_299 = arith.muli %scan3A_94, %mul3A_298 : i32
      %add3A_300 = arith.constant 48 : i32
      %add3A_301 = arith.addi %mul3A_299, %add3A_300 : i32
      %get3A_302 = arith.index_cast %add3A_301 : i32 to index
      %get3A_303 = tpu.vector_load %arg13[%get3A_302] {strides = array<i32>} : memref<8192xf32, #tpu.memory_space<vmem>>, vector<16xf32>,
      %get3A_304 = arith.index_cast %add3A_301 : i32 to index
      %get3A_305 = tpu.vector_load %arg14[%get3A_304] {strides = array<i32>} : memref<8192xf32, #tpu.memory_space<vmem>>, vector<16xf32>,
      %get3A_306 = arith.index_cast %add3A_301 : i32 to index
      %get3A_307 = tpu.vector_load %arg15[%get3A_306] {strides = array<i32>} : memref<8192xf32, #tpu.memory_space<vmem>>, vector<16xf32>,
      %mul3A_308 = arith.mulf %get3A_303, %get3A_303 : vector<16xf32>
      %mul3A_309 = arith.mulf %get3A_305, %get3A_305 : vector<16xf32>
      %add3A_310 = arith.addf %mul3A_308, %mul3A_309 : vector<16xf32>
      %mul3A_311 = arith.mulf %get3A_307, %get3A_307 : vector<16xf32>
      %add3A_312 = arith.addf %add3A_310, %mul3A_311 : vector<16xf32>
      %swap3A_313 = arith.index_cast %add3A_301 : i32 to index
      %swap3A_314 = tpu.vector_load %arg16[%swap3A_313] {strides = array<i32>} : memref<8192xf32, #tpu.memory_space<vmem>>, vector<16xf32>,
      tpu.vector_store %arg16[%swap3A_313], %add3A_312 {strides = array<i32>} : memref<8192xf32, #tpu.memory_space<vmem>>, vector<16xf32>,
      %bitcast3A_315 = vector.bitcast %get3A_303 : vector<16xf32> to vector<16xi32>
      %add3A_316 = arith.constant 32767 : i32
      %add3A_317 = vector.broadcast %add3A_316 : i32 to vector<16xi32>
      %add3A_318 = arith.addi %bitcast3A_315, %add3A_317 : vector<16xi32>
      %shift_right_logical3A_319 = arith.constant 16 : i32
      %shift_right_logical3A_320 = vector.broadcast %shift_right_logical3A_319 : i32 to vector<16xi32>
      %shift_right_logical3A_321 = arith.shrui %bitcast3A_315, %shift_right_logical3A_320 : vector<16xi32>
      %and3A_322 = arith.constant 1 : i32
      %and3A_323 = vector.broadcast %and3A_322 : i32 to vector<16xi32>
      %and3A_324 = arith.andi %shift_right_logical3A_321, %and3A_323 : vector<16xi32>
      %add3A_325 = arith.addi %add3A_318, %and3A_324 : vector<16xi32>
      %and3A_326 = arith.constant -65536 : i32
      %and3A_327 = vector.broadcast %and3A_326 : i32 to vector<16xi32>
      %and3A_328 = arith.andi %add3A_325, %and3A_327 : vector<16xi32>
      %bitcast3A_329 = vector.bitcast %and3A_328 : vector<16xi32> to vector<16xf32>
      %swap3A_330 = arith.index_cast %add3A_301 : i32 to index
      %swap3A_331 = tpu.vector_load %arg13[%swap3A_330] {strides = array<i32>} : memref<8192xf32, #tpu.memory_space<vmem>>, vector<16xf32>,
      tpu.vector_store %arg13[%swap3A_330], %bitcast3A_329 {strides = array<i32>} : memref<8192xf32, #tpu.memory_space<vmem>>, vector<16xf32>,
      %bitcast3A_332 = vector.bitcast %get3A_305 : vector<16xf32> to vector<16xi32>
      %add3A_333 = arith.constant 32767 : i32
      %add3A_334 = vector.broadcast %add3A_333 : i32 to vector<16xi32>
      %add3A_335 = arith.addi %bitcast3A_332, %add3A_334 : vector<16xi32>
      %shift_right_logical3A_336 = arith.constant 16 : i32
      %shift_right_logical3A_337 = vector.broadcast %shift_right_logical3A_336 : i32 to vector<16xi32>
      %shift_right_logical3A_338 = arith.shrui %bitcast3A_332, %shift_right_logical3A_337 : vector<16xi32>
      %and3A_339 = arith.constant 1 : i32
      %and3A_340 = vector.broadcast %and3A_339 : i32 to vector<16xi32>
      %and3A_341 = arith.andi %shift_right_logical3A_338, %and3A_340 : vector<16xi32>
      %add3A_342 = arith.addi %add3A_335, %and3A_341 : vector<16xi32>
      %and3A_343 = arith.constant -65536 : i32
      %and3A_344 = vector.broadcast %and3A_343 : i32 to vector<16xi32>
      %and3A_345 = arith.andi %add3A_342, %and3A_344 : vector<16xi32>
      %bitcast3A_346 = vector.bitcast %and3A_345 : vector<16xi32> to vector<16xf32>
      %swap3A_347 = arith.index_cast %add3A_301 : i32 to index
      %swap3A_348 = tpu.vector_load %arg14[%swap3A_347] {strides = array<i32>} : memref<8192xf32, #tpu.memory_space<vmem>>, vector<16xf32>,
      tpu.vector_store %arg14[%swap3A_347], %bitcast3A_346 {strides = array<i32>} : memref<8192xf32, #tpu.memory_space<vmem>>, vector<16xf32>,
      %bitcast3A_349 = vector.bitcast %get3A_307 : vector<16xf32> to vector<16xi32>
      %add3A_350 = arith.constant 32767 : i32
      %add3A_351 = vector.broadcast %add3A_350 : i32 to vector<16xi32>
      %add3A_352 = arith.addi %bitcast3A_349, %add3A_351 : vector<16xi32>
      %shift_right_logical3A_353 = arith.constant 16 : i32
      %shift_right_logical3A_354 = vector.broadcast %shift_right_logical3A_353 : i32 to vector<16xi32>
      %shift_right_logical3A_355 = arith.shrui %bitcast3A_349, %shift_right_logical3A_354 : vector<16xi32>
      %and3A_356 = arith.constant 1 : i32
      %and3A_357 = vector.broadcast %and3A_356 : i32 to vector<16xi32>
      %and3A_358 = arith.andi %shift_right_logical3A_355, %and3A_357 : vector<16xi32>
      %add3A_359 = arith.addi %add3A_352, %and3A_358 : vector<16xi32>
      %and3A_360 = arith.constant -65536 : i32
      %and3A_361 = vector.broadcast %and3A_360 : i32 to vector<16xi32>
      %and3A_362 = arith.andi %add3A_359, %and3A_361 : vector<16xi32>
      %bitcast3A_363 = vector.bitcast %and3A_362 : vector<16xi32> to vector<16xf32>
      %swap3A_364 = arith.index_cast %add3A_301 : i32 to index
      %swap3A_365 = tpu.vector_load %arg15[%swap3A_364] {strides = array<i32>} : memref<8192xf32, #tpu.memory_space<vmem>>, vector<16xf32>,
      tpu.vector_store %arg15[%swap3A_364], %bitcast3A_363 {strides = array<i32>} : memref<8192xf32, #tpu.memory_space<vmem>>, vector<16xf32>,
      %mul3A_366 = arith.constant 256 : i32
      %mul3A_367 = arith.muli %scan3A_94, %mul3A_366 : i32
      %add3A_368 = arith.constant 64 : i32
      %add3A_369 = arith.addi %mul3A_367, %add3A_368 : i32
      %get3A_370 = arith.index_cast %add3A_369 : i32 to index
      %get3A_371 = tpu.vector_load %arg13[%get3A_370] {strides = array<i32>} : memref<8192xf32, #tpu.memory_space<vmem>>, vector<16xf32>,
      %get3A_372 = arith.index_cast %add3A_369 : i32 to index
      %get3A_373 = tpu.vector_load %arg14[%get3A_372] {strides = array<i32>} : memref<8192xf32, #tpu.memory_space<vmem>>, vector<16xf32>,
      %get3A_374 = arith.index_cast %add3A_369 : i32 to index
      %get3A_375 = tpu.vector_load %arg15[%get3A_374] {strides = array<i32>} : memref<8192xf32, #tpu.memory_space<vmem>>, vector<16xf32>,
      %mul3A_376 = arith.mulf %get3A_371, %get3A_371 : vector<16xf32>
      %mul3A_377 = arith.mulf %get3A_373, %get3A_373 : vector<16xf32>
      %add3A_378 = arith.addf %mul3A_376, %mul3A_377 : vector<16xf32>
      %mul3A_379 = arith.mulf %get3A_375, %get3A_375 : vector<16xf32>
      %add3A_380 = arith.addf %add3A_378, %mul3A_379 : vector<16xf32>
      %swap3A_381 = arith.index_cast %add3A_369 : i32 to index
      %swap3A_382 = tpu.vector_load %arg16[%swap3A_381] {strides = array<i32>} : memref<8192xf32, #tpu.memory_space<vmem>>, vector<16xf32>,
      tpu.vector_store %arg16[%swap3A_381], %add3A_380 {strides = array<i32>} : memref<8192xf32, #tpu.memory_space<vmem>>, vector<16xf32>,
      %bitcast3A_383 = vector.bitcast %get3A_371 : vector<16xf32> to vector<16xi32>
      %add3A_384 = arith.constant 32767 : i32
      %add3A_385 = vector.broadcast %add3A_384 : i32 to vector<16xi32>
      %add3A_386 = arith.addi %bitcast3A_383, %add3A_385 : vector<16xi32>
      %shift_right_logical3A_387 = arith.constant 16 : i32
      %shift_right_logical3A_388 = vector.broadcast %shift_right_logical3A_387 : i32 to vector<16xi32>
      %shift_right_logical3A_389 = arith.shrui %bitcast3A_383, %shift_right_logical3A_388 : vector<16xi32>
      %and3A_390 = arith.constant 1 : i32
      %and3A_391 = vector.broadcast %and3A_390 : i32 to vector<16xi32>
      %and3A_392 = arith.andi %shift_right_logical3A_389, %and3A_391 : vector<16xi32>
      %add3A_393 = arith.addi %add3A_386, %and3A_392 : vector<16xi32>
      %and3A_394 = arith.constant -65536 : i32
      %and3A_395 = vector.broadcast %and3A_394 : i32 to vector<16xi32>
      %and3A_396 = arith.andi %add3A_393, %and3A_395 : vector<16xi32>
      %bitcast3A_397 = vector.bitcast %and3A_396 : vector<16xi32> to vector<16xf32>
      %swap3A_398 = arith.index_cast %add3A_369 : i32 to index
      %swap3A_399 = tpu.vector_load %arg13[%swap3A_398] {strides = array<i32>} : memref<8192xf32, #tpu.memory_space<vmem>>, vector<16xf32>,
      tpu.vector_store %arg13[%swap3A_398], %bitcast3A_397 {strides = array<i32>} : memref<8192xf32, #tpu.memory_space<vmem>>, vector<16xf32>,
      %bitcast3A_400 = vector.bitcast %get3A_373 : vector<16xf32> to vector<16xi32>
      %add3A_401 = arith.constant 32767 : i32
      %add3A_402 = vector.broadcast %add3A_401 : i32 to vector<16xi32>
      %add3A_403 = arith.addi %bitcast3A_400, %add3A_402 : vector<16xi32>
      %shift_right_logical3A_404 = arith.constant 16 : i32
      %shift_right_logical3A_405 = vector.broadcast %shift_right_logical3A_404 : i32 to vector<16xi32>
      %shift_right_logical3A_406 = arith.shrui %bitcast3A_400, %shift_right_logical3A_405 : vector<16xi32>
      %and3A_407 = arith.constant 1 : i32
      %and3A_408 = vector.broadcast %and3A_407 : i32 to vector<16xi32>
      %and3A_409 = arith.andi %shift_right_logical3A_406, %and3A_408 : vector<16xi32>
      %add3A_410 = arith.addi %add3A_403, %and3A_409 : vector<16xi32>
      %and3A_411 = arith.constant -65536 : i32
      %and3A_412 = vector.broadcast %and3A_411 : i32 to vector<16xi32>
      %and3A_413 = arith.andi %add3A_410, %and3A_412 : vector<16xi32>
      %bitcast3A_414 = vector.bitcast %and3A_413 : vector<16xi32> to vector<16xf32>
      %swap3A_415 = arith.index_cast %add3A_369 : i32 to index
      %swap3A_416 = tpu.vector_load %arg14[%swap3A_415] {strides = array<i32>} : memref<8192xf32, #tpu.memory_space<vmem>>, vector<16xf32>,
      tpu.vector_store %arg14[%swap3A_415], %bitcast3A_414 {strides = array<i32>} : memref<8192xf32, #tpu.memory_space<vmem>>, vector<16xf32>,
      %bitcast3A_417 = vector.bitcast %get3A_375 : vector<16xf32> to vector<16xi32>
      %add3A_418 = arith.constant 32767 : i32
      %add3A_419 = vector.broadcast %add3A_418 : i32 to vector<16xi32>
      %add3A_420 = arith.addi %bitcast3A_417, %add3A_419 : vector<16xi32>
      %shift_right_logical3A_421 = arith.constant 16 : i32
      %shift_right_logical3A_422 = vector.broadcast %shift_right_logical3A_421 : i32 to vector<16xi32>
      %shift_right_logical3A_423 = arith.shrui %bitcast3A_417, %shift_right_logical3A_422 : vector<16xi32>
      %and3A_424 = arith.constant 1 : i32
      %and3A_425 = vector.broadcast %and3A_424 : i32 to vector<16xi32>
      %and3A_426 = arith.andi %shift_right_logical3A_423, %and3A_425 : vector<16xi32>
      %add3A_427 = arith.addi %add3A_420, %and3A_426 : vector<16xi32>
      %and3A_428 = arith.constant -65536 : i32
      %and3A_429 = vector.broadcast %and3A_428 : i32 to vector<16xi32>
      %and3A_430 = arith.andi %add3A_427, %and3A_429 : vector<16xi32>
      %bitcast3A_431 = vector.bitcast %and3A_430 : vector<16xi32> to vector<16xf32>
      %swap3A_432 = arith.index_cast %add3A_369 : i32 to index
      %swap3A_433 = tpu.vector_load %arg15[%swap3A_432] {strides = array<i32>} : memref<8192xf32, #tpu.memory_space<vmem>>, vector<16xf32>,
      tpu.vector_store %arg15[%swap3A_432], %bitcast3A_431 {strides = array<i32>} : memref<8192xf32, #tpu.memory_space<vmem>>, vector<16xf32>,
      %mul3A_434 = arith.constant 256 : i32
      %mul3A_435 = arith.muli %scan3A_94, %mul3A_434 : i32
      %add3A_436 = arith.constant 80 : i32
      %add3A_437 = arith.addi %mul3A_435, %add3A_436 : i32
      %get3A_438 = arith.index_cast %add3A_437 : i32 to index
      %get3A_439 = tpu.vector_load %arg13[%get3A_438] {strides = array<i32>} : memref<8192xf32, #tpu.memory_space<vmem>>, vector<16xf32>,
      %get3A_440 = arith.index_cast %add3A_437 : i32 to index
      %get3A_441 = tpu.vector_load %arg14[%get3A_440] {strides = array<i32>} : memref<8192xf32, #tpu.memory_space<vmem>>, vector<16xf32>,
      %get3A_442 = arith.index_cast %add3A_437 : i32 to index
      %get3A_443 = tpu.vector_load %arg15[%get3A_442] {strides = array<i32>} : memref<8192xf32, #tpu.memory_space<vmem>>, vector<16xf32>,
      %mul3A_444 = arith.mulf %get3A_439, %get3A_439 : vector<16xf32>
      %mul3A_445 = arith.mulf %get3A_441, %get3A_441 : vector<16xf32>
      %add3A_446 = arith.addf %mul3A_444, %mul3A_445 : vector<16xf32>
      %mul3A_447 = arith.mulf %get3A_443, %get3A_443 : vector<16xf32>
      %add3A_448 = arith.addf %add3A_446, %mul3A_447 : vector<16xf32>
      %swap3A_449 = arith.index_cast %add3A_437 : i32 to index
      %swap3A_450 = tpu.vector_load %arg16[%swap3A_449] {strides = array<i32>} : memref<8192xf32, #tpu.memory_space<vmem>>, vector<16xf32>,
      tpu.vector_store %arg16[%swap3A_449], %add3A_448 {strides = array<i32>} : memref<8192xf32, #tpu.memory_space<vmem>>, vector<16xf32>,
      %bitcast3A_451 = vector.bitcast %get3A_439 : vector<16xf32> to vector<16xi32>
      %add3A_452 = arith.constant 32767 : i32
      %add3A_453 = vector.broadcast %add3A_452 : i32 to vector<16xi32>
      %add3A_454 = arith.addi %bitcast3A_451, %add3A_453 : vector<16xi32>
      %shift_right_logical3A_455 = arith.constant 16 : i32
      %shift_right_logical3A_456 = vector.broadcast %shift_right_logical3A_455 : i32 to vector<16xi32>
      %shift_right_logical3A_457 = arith.shrui %bitcast3A_451, %shift_right_logical3A_456 : vector<16xi32>
      %and3A_458 = arith.constant 1 : i32
      %and3A_459 = vector.broadcast %and3A_458 : i32 to vector<16xi32>
      %and3A_460 = arith.andi %shift_right_logical3A_457, %and3A_459 : vector<16xi32>
      %add3A_461 = arith.addi %add3A_454, %and3A_460 : vector<16xi32>
      %and3A_462 = arith.constant -65536 : i32
      %and3A_463 = vector.broadcast %and3A_462 : i32 to vector<16xi32>
      %and3A_464 = arith.andi %add3A_461, %and3A_463 : vector<16xi32>
      %bitcast3A_465 = vector.bitcast %and3A_464 : vector<16xi32> to vector<16xf32>
      %swap3A_466 = arith.index_cast %add3A_437 : i32 to index
      %swap3A_467 = tpu.vector_load %arg13[%swap3A_466] {strides = array<i32>} : memref<8192xf32, #tpu.memory_space<vmem>>, vector<16xf32>,
      tpu.vector_store %arg13[%swap3A_466], %bitcast3A_465 {strides = array<i32>} : memref<8192xf32, #tpu.memory_space<vmem>>, vector<16xf32>,
      %bitcast3A_468 = vector.bitcast %get3A_441 : vector<16xf32> to vector<16xi32>
      %add3A_469 = arith.constant 32767 : i32
      %add3A_470 = vector.broadcast %add3A_469 : i32 to vector<16xi32>
      %add3A_471 = arith.addi %bitcast3A_468, %add3A_470 : vector<16xi32>
      %shift_right_logical3A_472 = arith.constant 16 : i32
      %shift_right_logical3A_473 = vector.broadcast %shift_right_logical3A_472 : i32 to vector<16xi32>
      %shift_right_logical3A_474 = arith.shrui %bitcast3A_468, %shift_right_logical3A_473 : vector<16xi32>
      %and3A_475 = arith.constant 1 : i32
      %and3A_476 = vector.broadcast %and3A_475 : i32 to vector<16xi32>
      %and3A_477 = arith.andi %shift_right_logical3A_474, %and3A_476 : vector<16xi32>
      %add3A_478 = arith.addi %add3A_471, %and3A_477 : vector<16xi32>
      %and3A_479 = arith.constant -65536 : i32
      %and3A_480 = vector.broadcast %and3A_479 : i32 to vector<16xi32>
      %and3A_481 = arith.andi %add3A_478, %and3A_480 : vector<16xi32>
      %bitcast3A_482 = vector.bitcast %and3A_481 : vector<16xi32> to vector<16xf32>
      %swap3A_483 = arith.index_cast %add3A_437 : i32 to index
      %swap3A_484 = tpu.vector_load %arg14[%swap3A_483] {strides = array<i32>} : memref<8192xf32, #tpu.memory_space<vmem>>, vector<16xf32>,
      tpu.vector_store %arg14[%swap3A_483], %bitcast3A_482 {strides = array<i32>} : memref<8192xf32, #tpu.memory_space<vmem>>, vector<16xf32>,
      %bitcast3A_485 = vector.bitcast %get3A_443 : vector<16xf32> to vector<16xi32>
      %add3A_486 = arith.constant 32767 : i32
      %add3A_487 = vector.broadcast %add3A_486 : i32 to vector<16xi32>
      %add3A_488 = arith.addi %bitcast3A_485, %add3A_487 : vector<16xi32>
      %shift_right_logical3A_489 = arith.constant 16 : i32
      %shift_right_logical3A_490 = vector.broadcast %shift_right_logical3A_489 : i32 to vector<16xi32>
      %shift_right_logical3A_491 = arith.shrui %bitcast3A_485, %shift_right_logical3A_490 : vector<16xi32>
      %and3A_492 = arith.constant 1 : i32
      %and3A_493 = vector.broadcast %and3A_492 : i32 to vector<16xi32>
      %and3A_494 = arith.andi %shift_right_logical3A_491, %and3A_493 : vector<16xi32>
      %add3A_495 = arith.addi %add3A_488, %and3A_494 : vector<16xi32>
      %and3A_496 = arith.constant -65536 : i32
      %and3A_497 = vector.broadcast %and3A_496 : i32 to vector<16xi32>
      %and3A_498 = arith.andi %add3A_495, %and3A_497 : vector<16xi32>
      %bitcast3A_499 = vector.bitcast %and3A_498 : vector<16xi32> to vector<16xf32>
      %swap3A_500 = arith.index_cast %add3A_437 : i32 to index
      %swap3A_501 = tpu.vector_load %arg15[%swap3A_500] {strides = array<i32>} : memref<8192xf32, #tpu.memory_space<vmem>>, vector<16xf32>,
      tpu.vector_store %arg15[%swap3A_500], %bitcast3A_499 {strides = array<i32>} : memref<8192xf32, #tpu.memory_space<vmem>>, vector<16xf32>,
      %mul3A_502 = arith.constant 256 : i32
      %mul3A_503 = arith.muli %scan3A_94, %mul3A_502 : i32
      %add3A_504 = arith.constant 96 : i32
      %add3A_505 = arith.addi %mul3A_503, %add3A_504 : i32
      %get3A_506 = arith.index_cast %add3A_505 : i32 to index
      %get3A_507 = tpu.vector_load %arg13[%get3A_506] {strides = array<i32>} : memref<8192xf32, #tpu.memory_space<vmem>>, vector<16xf32>,
      %get3A_508 = arith.index_cast %add3A_505 : i32 to index
      %get3A_509 = tpu.vector_load %arg14[%get3A_508] {strides = array<i32>} : memref<8192xf32, #tpu.memory_space<vmem>>, vector<16xf32>,
      %get3A_510 = arith.index_cast %add3A_505 : i32 to index
      %get3A_511 = tpu.vector_load %arg15[%get3A_510] {strides = array<i32>} : memref<8192xf32, #tpu.memory_space<vmem>>, vector<16xf32>,
      %mul3A_512 = arith.mulf %get3A_507, %get3A_507 : vector<16xf32>
      %mul3A_513 = arith.mulf %get3A_509, %get3A_509 : vector<16xf32>
      %add3A_514 = arith.addf %mul3A_512, %mul3A_513 : vector<16xf32>
      %mul3A_515 = arith.mulf %get3A_511, %get3A_511 : vector<16xf32>
      %add3A_516 = arith.addf %add3A_514, %mul3A_515 : vector<16xf32>
      %swap3A_517 = arith.index_cast %add3A_505 : i32 to index
      %swap3A_518 = tpu.vector_load %arg16[%swap3A_517] {strides = array<i32>} : memref<8192xf32, #tpu.memory_space<vmem>>, vector<16xf32>,
      tpu.vector_store %arg16[%swap3A_517], %add3A_516 {strides = array<i32>} : memref<8192xf32, #tpu.memory_space<vmem>>, vector<16xf32>,
      %bitcast3A_519 = vector.bitcast %get3A_507 : vector<16xf32> to vector<16xi32>
      %add3A_520 = arith.constant 32767 : i32
      %add3A_521 = vector.broadcast %add3A_520 : i32 to vector<16xi32>
      %add3A_522 = arith.addi %bitcast3A_519, %add3A_521 : vector<16xi32>
      %shift_right_logical3A_523 = arith.constant 16 : i32
      %shift_right_logical3A_524 = vector.broadcast %shift_right_logical3A_523 : i32 to vector<16xi32>
      %shift_right_logical3A_525 = arith.shrui %bitcast3A_519, %shift_right_logical3A_524 : vector<16xi32>
      %and3A_526 = arith.constant 1 : i32
      %and3A_527 = vector.broadcast %and3A_526 : i32 to vector<16xi32>
      %and3A_528 = arith.andi %shift_right_logical3A_525, %and3A_527 : vector<16xi32>
      %add3A_529 = arith.addi %add3A_522, %and3A_528 : vector<16xi32>
      %and3A_530 = arith.constant -65536 : i32
      %and3A_531 = vector.broadcast %and3A_530 : i32 to vector<16xi32>
      %and3A_532 = arith.andi %add3A_529, %and3A_531 : vector<16xi32>
      %bitcast3A_533 = vector.bitcast %and3A_532 : vector<16xi32> to vector<16xf32>
      %swap3A_534 = arith.index_cast %add3A_505 : i32 to index
      %swap3A_535 = tpu.vector_load %arg13[%swap3A_534] {strides = array<i32>} : memref<8192xf32, #tpu.memory_space<vmem>>, vector<16xf32>,
      tpu.vector_store %arg13[%swap3A_534], %bitcast3A_533 {strides = array<i32>} : memref<8192xf32, #tpu.memory_space<vmem>>, vector<16xf32>,
      %bitcast3A_536 = vector.bitcast %get3A_509 : vector<16xf32> to vector<16xi32>
      %add3A_537 = arith.constant 32767 : i32
      %add3A_538 = vector.broadcast %add3A_537 : i32 to vector<16xi32>
      %add3A_539 = arith.addi %bitcast3A_536, %add3A_538 : vector<16xi32>
      %shift_right_logical3A_540 = arith.constant 16 : i32
      %shift_right_logical3A_541 = vector.broadcast %shift_right_logical3A_540 : i32 to vector<16xi32>
      %shift_right_logical3A_542 = arith.shrui %bitcast3A_536, %shift_right_logical3A_541 : vector<16xi32>
      %and3A_543 = arith.constant 1 : i32
      %and3A_544 = vector.broadcast %and3A_543 : i32 to vector<16xi32>
      %and3A_545 = arith.andi %shift_right_logical3A_542, %and3A_544 : vector<16xi32>
      %add3A_546 = arith.addi %add3A_539, %and3A_545 : vector<16xi32>
      %and3A_547 = arith.constant -65536 : i32
      %and3A_548 = vector.broadcast %and3A_547 : i32 to vector<16xi32>
      %and3A_549 = arith.andi %add3A_546, %and3A_548 : vector<16xi32>
      %bitcast3A_550 = vector.bitcast %and3A_549 : vector<16xi32> to vector<16xf32>
      %swap3A_551 = arith.index_cast %add3A_505 : i32 to index
      %swap3A_552 = tpu.vector_load %arg14[%swap3A_551] {strides = array<i32>} : memref<8192xf32, #tpu.memory_space<vmem>>, vector<16xf32>,
      tpu.vector_store %arg14[%swap3A_551], %bitcast3A_550 {strides = array<i32>} : memref<8192xf32, #tpu.memory_space<vmem>>, vector<16xf32>,
      %bitcast3A_553 = vector.bitcast %get3A_511 : vector<16xf32> to vector<16xi32>
      %add3A_554 = arith.constant 32767 : i32
      %add3A_555 = vector.broadcast %add3A_554 : i32 to vector<16xi32>
      %add3A_556 = arith.addi %bitcast3A_553, %add3A_555 : vector<16xi32>
      %shift_right_logical3A_557 = arith.constant 16 : i32
      %shift_right_logical3A_558 = vector.broadcast %shift_right_logical3A_557 : i32 to vector<16xi32>
      %shift_right_logical3A_559 = arith.shrui %bitcast3A_553, %shift_right_logical3A_558 : vector<16xi32>
      %and3A_560 = arith.constant 1 : i32
      %and3A_561 = vector.broadcast %and3A_560 : i32 to vector<16xi32>
      %and3A_562 = arith.andi %shift_right_logical3A_559, %and3A_561 : vector<16xi32>
      %add3A_563 = arith.addi %add3A_556, %and3A_562 : vector<16xi32>
      %and3A_564 = arith.constant -65536 : i32
      %and3A_565 = vector.broadcast %and3A_564 : i32 to vector<16xi32>
      %and3A_566 = arith.andi %add3A_563, %and3A_565 : vector<16xi32>
      %bitcast3A_567 = vector.bitcast %and3A_566 : vector<16xi32> to vector<16xf32>
      %swap3A_568 = arith.index_cast %add3A_505 : i32 to index
      %swap3A_569 = tpu.vector_load %arg15[%swap3A_568] {strides = array<i32>} : memref<8192xf32, #tpu.memory_space<vmem>>, vector<16xf32>,
      tpu.vector_store %arg15[%swap3A_568], %bitcast3A_567 {strides = array<i32>} : memref<8192xf32, #tpu.memory_space<vmem>>, vector<16xf32>,
      %mul3A_570 = arith.constant 256 : i32
      %mul3A_571 = arith.muli %scan3A_94, %mul3A_570 : i32
      %add3A_572 = arith.constant 112 : i32
      %add3A_573 = arith.addi %mul3A_571, %add3A_572 : i32
      %get3A_574 = arith.index_cast %add3A_573 : i32 to index
      %get3A_575 = tpu.vector_load %arg13[%get3A_574] {strides = array<i32>} : memref<8192xf32, #tpu.memory_space<vmem>>, vector<16xf32>,
      %get3A_576 = arith.index_cast %add3A_573 : i32 to index
      %get3A_577 = tpu.vector_load %arg14[%get3A_576] {strides = array<i32>} : memref<8192xf32, #tpu.memory_space<vmem>>, vector<16xf32>,
      %get3A_578 = arith.index_cast %add3A_573 : i32 to index
      %get3A_579 = tpu.vector_load %arg15[%get3A_578] {strides = array<i32>} : memref<8192xf32, #tpu.memory_space<vmem>>, vector<16xf32>,
      %mul3A_580 = arith.mulf %get3A_575, %get3A_575 : vector<16xf32>
      %mul3A_581 = arith.mulf %get3A_577, %get3A_577 : vector<16xf32>
      %add3A_582 = arith.addf %mul3A_580, %mul3A_581 : vector<16xf32>
      %mul3A_583 = arith.mulf %get3A_579, %get3A_579 : vector<16xf32>
      %add3A_584 = arith.addf %add3A_582, %mul3A_583 : vector<16xf32>
      %swap3A_585 = arith.index_cast %add3A_573 : i32 to index
      %swap3A_586 = tpu.vector_load %arg16[%swap3A_585] {strides = array<i32>} : memref<8192xf32, #tpu.memory_space<vmem>>, vector<16xf32>,
      tpu.vector_store %arg16[%swap3A_585], %add3A_584 {strides = array<i32>} : memref<8192xf32, #tpu.memory_space<vmem>>, vector<16xf32>,
      %bitcast3A_587 = vector.bitcast %get3A_575 : vector<16xf32> to vector<16xi32>
      %add3A_588 = arith.constant 32767 : i32
      %add3A_589 = vector.broadcast %add3A_588 : i32 to vector<16xi32>
      %add3A_590 = arith.addi %bitcast3A_587, %add3A_589 : vector<16xi32>
      %shift_right_logical3A_591 = arith.constant 16 : i32
      %shift_right_logical3A_592 = vector.broadcast %shift_right_logical3A_591 : i32 to vector<16xi32>
      %shift_right_logical3A_593 = arith.shrui %bitcast3A_587, %shift_right_logical3A_592 : vector<16xi32>
      %and3A_594 = arith.constant 1 : i32
      %and3A_595 = vector.broadcast %and3A_594 : i32 to vector<16xi32>
      %and3A_596 = arith.andi %shift_right_logical3A_593, %and3A_595 : vector<16xi32>
      %add3A_597 = arith.addi %add3A_590, %and3A_596 : vector<16xi32>
      %and3A_598 = arith.constant -65536 : i32
      %and3A_599 = vector.broadcast %and3A_598 : i32 to vector<16xi32>
      %and3A_600 = arith.andi %add3A_597, %and3A_599 : vector<16xi32>
      %bitcast3A_601 = vector.bitcast %and3A_600 : vector<16xi32> to vector<16xf32>
      %swap3A_602 = arith.index_cast %add3A_573 : i32 to index
      %swap3A_603 = tpu.vector_load %arg13[%swap3A_602] {strides = array<i32>} : memref<8192xf32, #tpu.memory_space<vmem>>, vector<16xf32>,
      tpu.vector_store %arg13[%swap3A_602], %bitcast3A_601 {strides = array<i32>} : memref<8192xf32, #tpu.memory_space<vmem>>, vector<16xf32>,
      %bitcast3A_604 = vector.bitcast %get3A_577 : vector<16xf32> to vector<16xi32>
      %add3A_605 = arith.constant 32767 : i32
      %add3A_606 = vector.broadcast %add3A_605 : i32 to vector<16xi32>
      %add3A_607 = arith.addi %bitcast3A_604, %add3A_606 : vector<16xi32>
      %shift_right_logical3A_608 = arith.constant 16 : i32
      %shift_right_logical3A_609 = vector.broadcast %shift_right_logical3A_608 : i32 to vector<16xi32>
      %shift_right_logical3A_610 = arith.shrui %bitcast3A_604, %shift_right_logical3A_609 : vector<16xi32>
      %and3A_611 = arith.constant 1 : i32
      %and3A_612 = vector.broadcast %and3A_611 : i32 to vector<16xi32>
      %and3A_613 = arith.andi %shift_right_logical3A_610, %and3A_612 : vector<16xi32>
      %add3A_614 = arith.addi %add3A_607, %and3A_613 : vector<16xi32>
      %and3A_615 = arith.constant -65536 : i32
      %and3A_616 = vector.broadcast %and3A_615 : i32 to vector<16xi32>
      %and3A_617 = arith.andi %add3A_614, %and3A_616 : vector<16xi32>
      %bitcast3A_618 = vector.bitcast %and3A_617 : vector<16xi32> to vector<16xf32>
      %swap3A_619 = arith.index_cast %add3A_573 : i32 to index
      %swap3A_620 = tpu.vector_load %arg14[%swap3A_619] {strides = array<i32>} : memref<8192xf32, #tpu.memory_space<vmem>>, vector<16xf32>,
      tpu.vector_store %arg14[%swap3A_619], %bitcast3A_618 {strides = array<i32>} : memref<8192xf32, #tpu.memory_space<vmem>>, vector<16xf32>,
      %bitcast3A_621 = vector.bitcast %get3A_579 : vector<16xf32> to vector<16xi32>
      %add3A_622 = arith.constant 32767 : i32
      %add3A_623 = vector.broadcast %add3A_622 : i32 to vector<16xi32>
      %add3A_624 = arith.addi %bitcast3A_621, %add3A_623 : vector<16xi32>
      %shift_right_logical3A_625 = arith.constant 16 : i32
      %shift_right_logical3A_626 = vector.broadcast %shift_right_logical3A_625 : i32 to vector<16xi32>
      %shift_right_logical3A_627 = arith.shrui %bitcast3A_621, %shift_right_logical3A_626 : vector<16xi32>
      %and3A_628 = arith.constant 1 : i32
      %and3A_629 = vector.broadcast %and3A_628 : i32 to vector<16xi32>
      %and3A_630 = arith.andi %shift_right_logical3A_627, %and3A_629 : vector<16xi32>
      %add3A_631 = arith.addi %add3A_624, %and3A_630 : vector<16xi32>
      %and3A_632 = arith.constant -65536 : i32
      %and3A_633 = vector.broadcast %and3A_632 : i32 to vector<16xi32>
      %and3A_634 = arith.andi %add3A_631, %and3A_633 : vector<16xi32>
      %bitcast3A_635 = vector.bitcast %and3A_634 : vector<16xi32> to vector<16xf32>
      %swap3A_636 = arith.index_cast %add3A_573 : i32 to index
      %swap3A_637 = tpu.vector_load %arg15[%swap3A_636] {strides = array<i32>} : memref<8192xf32, #tpu.memory_space<vmem>>, vector<16xf32>,
      tpu.vector_store %arg15[%swap3A_636], %bitcast3A_635 {strides = array<i32>} : memref<8192xf32, #tpu.memory_space<vmem>>, vector<16xf32>,
      %mul3A_638 = arith.constant 256 : i32
      %mul3A_639 = arith.muli %scan3A_94, %mul3A_638 : i32
      %add3A_640 = arith.constant 128 : i32
      %add3A_641 = arith.addi %mul3A_639, %add3A_640 : i32
      %get3A_642 = arith.index_cast %add3A_641 : i32 to index
      %get3A_643 = tpu.vector_load %arg13[%get3A_642] {strides = array<i32>} : memref<8192xf32, #tpu.memory_space<vmem>>, vector<16xf32>,
      %get3A_644 = arith.index_cast %add3A_641 : i32 to index
      %get3A_645 = tpu.vector_load %arg14[%get3A_644] {strides = array<i32>} : memref<8192xf32, #tpu.memory_space<vmem>>, vector<16xf32>,
      %get3A_646 = arith.index_cast %add3A_641 : i32 to index
      %get3A_647 = tpu.vector_load %arg15[%get3A_646] {strides = array<i32>} : memref<8192xf32, #tpu.memory_space<vmem>>, vector<16xf32>,
      %mul3A_648 = arith.mulf %get3A_643, %get3A_643 : vector<16xf32>
      %mul3A_649 = arith.mulf %get3A_645, %get3A_645 : vector<16xf32>
      %add3A_650 = arith.addf %mul3A_648, %mul3A_649 : vector<16xf32>
      %mul3A_651 = arith.mulf %get3A_647, %get3A_647 : vector<16xf32>
      %add3A_652 = arith.addf %add3A_650, %mul3A_651 : vector<16xf32>
      %swap3A_653 = arith.index_cast %add3A_641 : i32 to index
      %swap3A_654 = tpu.vector_load %arg16[%swap3A_653] {strides = array<i32>} : memref<8192xf32, #tpu.memory_space<vmem>>, vector<16xf32>,
      tpu.vector_store %arg16[%swap3A_653], %add3A_652 {strides = array<i32>} : memref<8192xf32, #tpu.memory_space<vmem>>, vector<16xf32>,
      %bitcast3A_655 = vector.bitcast %get3A_643 : vector<16xf32> to vector<16xi32>
      %add3A_656 = arith.constant 32767 : i32
      %add3A_657 = vector.broadcast %add3A_656 : i32 to vector<16xi32>
      %add3A_658 = arith.addi %bitcast3A_655, %add3A_657 : vector<16xi32>
      %shift_right_logical3A_659 = arith.constant 16 : i32
      %shift_right_logical3A_660 = vector.broadcast %shift_right_logical3A_659 : i32 to vector<16xi32>
      %shift_right_logical3A_661 = arith.shrui %bitcast3A_655, %shift_right_logical3A_660 : vector<16xi32>
      %and3A_662 = arith.constant 1 : i32
      %and3A_663 = vector.broadcast %and3A_662 : i32 to vector<16xi32>
      %and3A_664 = arith.andi %shift_right_logical3A_661, %and3A_663 : vector<16xi32>
      %add3A_665 = arith.addi %add3A_658, %and3A_664 : vector<16xi32>
      %and3A_666 = arith.constant -65536 : i32
      %and3A_667 = vector.broadcast %and3A_666 : i32 to vector<16xi32>
      %and3A_668 = arith.andi %add3A_665, %and3A_667 : vector<16xi32>
      %bitcast3A_669 = vector.bitcast %and3A_668 : vector<16xi32> to vector<16xf32>
      %swap3A_670 = arith.index_cast %add3A_641 : i32 to index
      %swap3A_671 = tpu.vector_load %arg13[%swap3A_670] {strides = array<i32>} : memref<8192xf32, #tpu.memory_space<vmem>>, vector<16xf32>,
      tpu.vector_store %arg13[%swap3A_670], %bitcast3A_669 {strides = array<i32>} : memref<8192xf32, #tpu.memory_space<vmem>>, vector<16xf32>,
      %bitcast3A_672 = vector.bitcast %get3A_645 : vector<16xf32> to vector<16xi32>
      %add3A_673 = arith.constant 32767 : i32
      %add3A_674 = vector.broadcast %add3A_673 : i32 to vector<16xi32>
      %add3A_675 = arith.addi %bitcast3A_672, %add3A_674 : vector<16xi32>
      %shift_right_logical3A_676 = arith.constant 16 : i32
      %shift_right_logical3A_677 = vector.broadcast %shift_right_logical3A_676 : i32 to vector<16xi32>
      %shift_right_logical3A_678 = arith.shrui %bitcast3A_672, %shift_right_logical3A_677 : vector<16xi32>
      %and3A_679 = arith.constant 1 : i32
      %and3A_680 = vector.broadcast %and3A_679 : i32 to vector<16xi32>
      %and3A_681 = arith.andi %shift_right_logical3A_678, %and3A_680 : vector<16xi32>
      %add3A_682 = arith.addi %add3A_675, %and3A_681 : vector<16xi32>
      %and3A_683 = arith.constant -65536 : i32
      %and3A_684 = vector.broadcast %and3A_683 : i32 to vector<16xi32>
      %and3A_685 = arith.andi %add3A_682, %and3A_684 : vector<16xi32>
      %bitcast3A_686 = vector.bitcast %and3A_685 : vector<16xi32> to vector<16xf32>
      %swap3A_687 = arith.index_cast %add3A_641 : i32 to index
      %swap3A_688 = tpu.vector_load %arg14[%swap3A_687] {strides = array<i32>} : memref<8192xf32, #tpu.memory_space<vmem>>, vector<16xf32>,
      tpu.vector_store %arg14[%swap3A_687], %bitcast3A_686 {strides = array<i32>} : memref<8192xf32, #tpu.memory_space<vmem>>, vector<16xf32>,
      %bitcast3A_689 = vector.bitcast %get3A_647 : vector<16xf32> to vector<16xi32>
      %add3A_690 = arith.constant 32767 : i32
      %add3A_691 = vector.broadcast %add3A_690 : i32 to vector<16xi32>
      %add3A_692 = arith.addi %bitcast3A_689, %add3A_691 : vector<16xi32>
      %shift_right_logical3A_693 = arith.constant 16 : i32
      %shift_right_logical3A_694 = vector.broadcast %shift_right_logical3A_693 : i32 to vector<16xi32>
      %shift_right_logical3A_695 = arith.shrui %bitcast3A_689, %shift_right_logical3A_694 : vector<16xi32>
      %and3A_696 = arith.constant 1 : i32
      %and3A_697 = vector.broadcast %and3A_696 : i32 to vector<16xi32>
      %and3A_698 = arith.andi %shift_right_logical3A_695, %and3A_697 : vector<16xi32>
      %add3A_699 = arith.addi %add3A_692, %and3A_698 : vector<16xi32>
      %and3A_700 = arith.constant -65536 : i32
      %and3A_701 = vector.broadcast %and3A_700 : i32 to vector<16xi32>
      %and3A_702 = arith.andi %add3A_699, %and3A_701 : vector<16xi32>
      %bitcast3A_703 = vector.bitcast %and3A_702 : vector<16xi32> to vector<16xf32>
      %swap3A_704 = arith.index_cast %add3A_641 : i32 to index
      %swap3A_705 = tpu.vector_load %arg15[%swap3A_704] {strides = array<i32>} : memref<8192xf32, #tpu.memory_space<vmem>>, vector<16xf32>,
      tpu.vector_store %arg15[%swap3A_704], %bitcast3A_703 {strides = array<i32>} : memref<8192xf32, #tpu.memory_space<vmem>>, vector<16xf32>,
      %mul3A_706 = arith.constant 256 : i32
      %mul3A_707 = arith.muli %scan3A_94, %mul3A_706 : i32
      %add3A_708 = arith.constant 144 : i32
      %add3A_709 = arith.addi %mul3A_707, %add3A_708 : i32
      %get3A_710 = arith.index_cast %add3A_709 : i32 to index
      %get3A_711 = tpu.vector_load %arg13[%get3A_710] {strides = array<i32>} : memref<8192xf32, #tpu.memory_space<vmem>>, vector<16xf32>,
      %get3A_712 = arith.index_cast %add3A_709 : i32 to index
      %get3A_713 = tpu.vector_load %arg14[%get3A_712] {strides = array<i32>} : memref<8192xf32, #tpu.memory_space<vmem>>, vector<16xf32>,
      %get3A_714 = arith.index_cast %add3A_709 : i32 to index
      %get3A_715 = tpu.vector_load %arg15[%get3A_714] {strides = array<i32>} : memref<8192xf32, #tpu.memory_space<vmem>>, vector<16xf32>,
      %mul3A_716 = arith.mulf %get3A_711, %get3A_711 : vector<16xf32>
      %mul3A_717 = arith.mulf %get3A_713, %get3A_713 : vector<16xf32>
      %add3A_718 = arith.addf %mul3A_716, %mul3A_717 : vector<16xf32>
      %mul3A_719 = arith.mulf %get3A_715, %get3A_715 : vector<16xf32>
      %add3A_720 = arith.addf %add3A_718, %mul3A_719 : vector<16xf32>
      %swap3A_721 = arith.index_cast %add3A_709 : i32 to index
      %swap3A_722 = tpu.vector_load %arg16[%swap3A_721] {strides = array<i32>} : memref<8192xf32, #tpu.memory_space<vmem>>, vector<16xf32>,
      tpu.vector_store %arg16[%swap3A_721], %add3A_720 {strides = array<i32>} : memref<8192xf32, #tpu.memory_space<vmem>>, vector<16xf32>,
      %bitcast3A_723 = vector.bitcast %get3A_711 : vector<16xf32> to vector<16xi32>
      %add3A_724 = arith.constant 32767 : i32
      %add3A_725 = vector.broadcast %add3A_724 : i32 to vector<16xi32>
      %add3A_726 = arith.addi %bitcast3A_723, %add3A_725 : vector<16xi32>
      %shift_right_logical3A_727 = arith.constant 16 : i32
      %shift_right_logical3A_728 = vector.broadcast %shift_right_logical3A_727 : i32 to vector<16xi32>
      %shift_right_logical3A_729 = arith.shrui %bitcast3A_723, %shift_right_logical3A_728 : vector<16xi32>
      %and3A_730 = arith.constant 1 : i32
      %and3A_731 = vector.broadcast %and3A_730 : i32 to vector<16xi32>
      %and3A_732 = arith.andi %shift_right_logical3A_729, %and3A_731 : vector<16xi32>
      %add3A_733 = arith.addi %add3A_726, %and3A_732 : vector<16xi32>
      %and3A_734 = arith.constant -65536 : i32
      %and3A_735 = vector.broadcast %and3A_734 : i32 to vector<16xi32>
      %and3A_736 = arith.andi %add3A_733, %and3A_735 : vector<16xi32>
      %bitcast3A_737 = vector.bitcast %and3A_736 : vector<16xi32> to vector<16xf32>
      %swap3A_738 = arith.index_cast %add3A_709 : i32 to index
      %swap3A_739 = tpu.vector_load %arg13[%swap3A_738] {strides = array<i32>} : memref<8192xf32, #tpu.memory_space<vmem>>, vector<16xf32>,
      tpu.vector_store %arg13[%swap3A_738], %bitcast3A_737 {strides = array<i32>} : memref<8192xf32, #tpu.memory_space<vmem>>, vector<16xf32>,
      %bitcast3A_740 = vector.bitcast %get3A_713 : vector<16xf32> to vector<16xi32>
      %add3A_741 = arith.constant 32767 : i32
      %add3A_742 = vector.broadcast %add3A_741 : i32 to vector<16xi32>
      %add3A_743 = arith.addi %bitcast3A_740, %add3A_742 : vector<16xi32>
      %shift_right_logical3A_744 = arith.constant 16 : i32
      %shift_right_logical3A_745 = vector.broadcast %shift_right_logical3A_744 : i32 to vector<16xi32>
      %shift_right_logical3A_746 = arith.shrui %bitcast3A_740, %shift_right_logical3A_745 : vector<16xi32>
      %and3A_747 = arith.constant 1 : i32
      %and3A_748 = vector.broadcast %and3A_747 : i32 to vector<16xi32>
      %and3A_749 = arith.andi %shift_right_logical3A_746, %and3A_748 : vector<16xi32>
      %add3A_750 = arith.addi %add3A_743, %and3A_749 : vector<16xi32>
      %and3A_751 = arith.constant -65536 : i32
      %and3A_752 = vector.broadcast %and3A_751 : i32 to vector<16xi32>
      %and3A_753 = arith.andi %add3A_750, %and3A_752 : vector<16xi32>
      %bitcast3A_754 = vector.bitcast %and3A_753 : vector<16xi32> to vector<16xf32>
      %swap3A_755 = arith.index_cast %add3A_709 : i32 to index
      %swap3A_756 = tpu.vector_load %arg14[%swap3A_755] {strides = array<i32>} : memref<8192xf32, #tpu.memory_space<vmem>>, vector<16xf32>,
      tpu.vector_store %arg14[%swap3A_755], %bitcast3A_754 {strides = array<i32>} : memref<8192xf32, #tpu.memory_space<vmem>>, vector<16xf32>,
      %bitcast3A_757 = vector.bitcast %get3A_715 : vector<16xf32> to vector<16xi32>
      %add3A_758 = arith.constant 32767 : i32
      %add3A_759 = vector.broadcast %add3A_758 : i32 to vector<16xi32>
      %add3A_760 = arith.addi %bitcast3A_757, %add3A_759 : vector<16xi32>
      %shift_right_logical3A_761 = arith.constant 16 : i32
      %shift_right_logical3A_762 = vector.broadcast %shift_right_logical3A_761 : i32 to vector<16xi32>
      %shift_right_logical3A_763 = arith.shrui %bitcast3A_757, %shift_right_logical3A_762 : vector<16xi32>
      %and3A_764 = arith.constant 1 : i32
      %and3A_765 = vector.broadcast %and3A_764 : i32 to vector<16xi32>
      %and3A_766 = arith.andi %shift_right_logical3A_763, %and3A_765 : vector<16xi32>
      %add3A_767 = arith.addi %add3A_760, %and3A_766 : vector<16xi32>
      %and3A_768 = arith.constant -65536 : i32
      %and3A_769 = vector.broadcast %and3A_768 : i32 to vector<16xi32>
      %and3A_770 = arith.andi %add3A_767, %and3A_769 : vector<16xi32>
      %bitcast3A_771 = vector.bitcast %and3A_770 : vector<16xi32> to vector<16xf32>
      %swap3A_772 = arith.index_cast %add3A_709 : i32 to index
      %swap3A_773 = tpu.vector_load %arg15[%swap3A_772] {strides = array<i32>} : memref<8192xf32, #tpu.memory_space<vmem>>, vector<16xf32>,
      tpu.vector_store %arg15[%swap3A_772], %bitcast3A_771 {strides = array<i32>} : memref<8192xf32, #tpu.memory_space<vmem>>, vector<16xf32>,
      %mul3A_774 = arith.constant 256 : i32
      %mul3A_775 = arith.muli %scan3A_94, %mul3A_774 : i32
      %add3A_776 = arith.constant 160 : i32
      %add3A_777 = arith.addi %mul3A_775, %add3A_776 : i32
      %get3A_778 = arith.index_cast %add3A_777 : i32 to index
      %get3A_779 = tpu.vector_load %arg13[%get3A_778] {strides = array<i32>} : memref<8192xf32, #tpu.memory_space<vmem>>, vector<16xf32>,
      %get3A_780 = arith.index_cast %add3A_777 : i32 to index
      %get3A_781 = tpu.vector_load %arg14[%get3A_780] {strides = array<i32>} : memref<8192xf32, #tpu.memory_space<vmem>>, vector<16xf32>,
      %get3A_782 = arith.index_cast %add3A_777 : i32 to index
      %get3A_783 = tpu.vector_load %arg15[%get3A_782] {strides = array<i32>} : memref<8192xf32, #tpu.memory_space<vmem>>, vector<16xf32>,
      %mul3A_784 = arith.mulf %get3A_779, %get3A_779 : vector<16xf32>
      %mul3A_785 = arith.mulf %get3A_781, %get3A_781 : vector<16xf32>
      %add3A_786 = arith.addf %mul3A_784, %mul3A_785 : vector<16xf32>
      %mul3A_787 = arith.mulf %get3A_783, %get3A_783 : vector<16xf32>
      %add3A_788 = arith.addf %add3A_786, %mul3A_787 : vector<16xf32>
      %swap3A_789 = arith.index_cast %add3A_777 : i32 to index
      %swap3A_790 = tpu.vector_load %arg16[%swap3A_789] {strides = array<i32>} : memref<8192xf32, #tpu.memory_space<vmem>>, vector<16xf32>,
      tpu.vector_store %arg16[%swap3A_789], %add3A_788 {strides = array<i32>} : memref<8192xf32, #tpu.memory_space<vmem>>, vector<16xf32>,
      %bitcast3A_791 = vector.bitcast %get3A_779 : vector<16xf32> to vector<16xi32>
      %add3A_792 = arith.constant 32767 : i32
      %add3A_793 = vector.broadcast %add3A_792 : i32 to vector<16xi32>
      %add3A_794 = arith.addi %bitcast3A_791, %add3A_793 : vector<16xi32>
      %shift_right_logical3A_795 = arith.constant 16 : i32
      %shift_right_logical3A_796 = vector.broadcast %shift_right_logical3A_795 : i32 to vector<16xi32>
      %shift_right_logical3A_797 = arith.shrui %bitcast3A_791, %shift_right_logical3A_796 : vector<16xi32>
      %and3A_798 = arith.constant 1 : i32
      %and3A_799 = vector.broadcast %and3A_798 : i32 to vector<16xi32>
      %and3A_800 = arith.andi %shift_right_logical3A_797, %and3A_799 : vector<16xi32>
      %add3A_801 = arith.addi %add3A_794, %and3A_800 : vector<16xi32>
      %and3A_802 = arith.constant -65536 : i32
      %and3A_803 = vector.broadcast %and3A_802 : i32 to vector<16xi32>
      %and3A_804 = arith.andi %add3A_801, %and3A_803 : vector<16xi32>
      %bitcast3A_805 = vector.bitcast %and3A_804 : vector<16xi32> to vector<16xf32>
      %swap3A_806 = arith.index_cast %add3A_777 : i32 to index
      %swap3A_807 = tpu.vector_load %arg13[%swap3A_806] {strides = array<i32>} : memref<8192xf32, #tpu.memory_space<vmem>>, vector<16xf32>,
      tpu.vector_store %arg13[%swap3A_806], %bitcast3A_805 {strides = array<i32>} : memref<8192xf32, #tpu.memory_space<vmem>>, vector<16xf32>,
      %bitcast3A_808 = vector.bitcast %get3A_781 : vector<16xf32> to vector<16xi32>
      %add3A_809 = arith.constant 32767 : i32
      %add3A_810 = vector.broadcast %add3A_809 : i32 to vector<16xi32>
      %add3A_811 = arith.addi %bitcast3A_808, %add3A_810 : vector<16xi32>
      %shift_right_logical3A_812 = arith.constant 16 : i32
      %shift_right_logical3A_813 = vector.broadcast %shift_right_logical3A_812 : i32 to vector<16xi32>
      %shift_right_logical3A_814 = arith.shrui %bitcast3A_808, %shift_right_logical3A_813 : vector<16xi32>
      %and3A_815 = arith.constant 1 : i32
      %and3A_816 = vector.broadcast %and3A_815 : i32 to vector<16xi32>
      %and3A_817 = arith.andi %shift_right_logical3A_814, %and3A_816 : vector<16xi32>
      %add3A_818 = arith.addi %add3A_811, %and3A_817 : vector<16xi32>
      %and3A_819 = arith.constant -65536 : i32
      %and3A_820 = vector.broadcast %and3A_819 : i32 to vector<16xi32>
      %and3A_821 = arith.andi %add3A_818, %and3A_820 : vector<16xi32>
      %bitcast3A_822 = vector.bitcast %and3A_821 : vector<16xi32> to vector<16xf32>
      %swap3A_823 = arith.index_cast %add3A_777 : i32 to index
      %swap3A_824 = tpu.vector_load %arg14[%swap3A_823] {strides = array<i32>} : memref<8192xf32, #tpu.memory_space<vmem>>, vector<16xf32>,
      tpu.vector_store %arg14[%swap3A_823], %bitcast3A_822 {strides = array<i32>} : memref<8192xf32, #tpu.memory_space<vmem>>, vector<16xf32>,
      %bitcast3A_825 = vector.bitcast %get3A_783 : vector<16xf32> to vector<16xi32>
      %add3A_826 = arith.constant 32767 : i32
      %add3A_827 = vector.broadcast %add3A_826 : i32 to vector<16xi32>
      %add3A_828 = arith.addi %bitcast3A_825, %add3A_827 : vector<16xi32>
      %shift_right_logical3A_829 = arith.constant 16 : i32
      %shift_right_logical3A_830 = vector.broadcast %shift_right_logical3A_829 : i32 to vector<16xi32>
      %shift_right_logical3A_831 = arith.shrui %bitcast3A_825, %shift_right_logical3A_830 : vector<16xi32>
      %and3A_832 = arith.constant 1 : i32
      %and3A_833 = vector.broadcast %and3A_832 : i32 to vector<16xi32>
      %and3A_834 = arith.andi %shift_right_logical3A_831, %and3A_833 : vector<16xi32>
      %add3A_835 = arith.addi %add3A_828, %and3A_834 : vector<16xi32>
      %and3A_836 = arith.constant -65536 : i32
      %and3A_837 = vector.broadcast %and3A_836 : i32 to vector<16xi32>
      %and3A_838 = arith.andi %add3A_835, %and3A_837 : vector<16xi32>
      %bitcast3A_839 = vector.bitcast %and3A_838 : vector<16xi32> to vector<16xf32>
      %swap3A_840 = arith.index_cast %add3A_777 : i32 to index
      %swap3A_841 = tpu.vector_load %arg15[%swap3A_840] {strides = array<i32>} : memref<8192xf32, #tpu.memory_space<vmem>>, vector<16xf32>,
      tpu.vector_store %arg15[%swap3A_840], %bitcast3A_839 {strides = array<i32>} : memref<8192xf32, #tpu.memory_space<vmem>>, vector<16xf32>,
      %mul3A_842 = arith.constant 256 : i32
      %mul3A_843 = arith.muli %scan3A_94, %mul3A_842 : i32
      %add3A_844 = arith.constant 176 : i32
      %add3A_845 = arith.addi %mul3A_843, %add3A_844 : i32
      %get3A_846 = arith.index_cast %add3A_845 : i32 to index
      %get3A_847 = tpu.vector_load %arg13[%get3A_846] {strides = array<i32>} : memref<8192xf32, #tpu.memory_space<vmem>>, vector<16xf32>,
      %get3A_848 = arith.index_cast %add3A_845 : i32 to index
      %get3A_849 = tpu.vector_load %arg14[%get3A_848] {strides = array<i32>} : memref<8192xf32, #tpu.memory_space<vmem>>, vector<16xf32>,
      %get3A_850 = arith.index_cast %add3A_845 : i32 to index
      %get3A_851 = tpu.vector_load %arg15[%get3A_850] {strides = array<i32>} : memref<8192xf32, #tpu.memory_space<vmem>>, vector<16xf32>,
      %mul3A_852 = arith.mulf %get3A_847, %get3A_847 : vector<16xf32>
      %mul3A_853 = arith.mulf %get3A_849, %get3A_849 : vector<16xf32>
      %add3A_854 = arith.addf %mul3A_852, %mul3A_853 : vector<16xf32>
      %mul3A_855 = arith.mulf %get3A_851, %get3A_851 : vector<16xf32>
      %add3A_856 = arith.addf %add3A_854, %mul3A_855 : vector<16xf32>
      %swap3A_857 = arith.index_cast %add3A_845 : i32 to index
      %swap3A_858 = tpu.vector_load %arg16[%swap3A_857] {strides = array<i32>} : memref<8192xf32, #tpu.memory_space<vmem>>, vector<16xf32>,
      tpu.vector_store %arg16[%swap3A_857], %add3A_856 {strides = array<i32>} : memref<8192xf32, #tpu.memory_space<vmem>>, vector<16xf32>,
      %bitcast3A_859 = vector.bitcast %get3A_847 : vector<16xf32> to vector<16xi32>
      %add3A_860 = arith.constant 32767 : i32
      %add3A_861 = vector.broadcast %add3A_860 : i32 to vector<16xi32>
      %add3A_862 = arith.addi %bitcast3A_859, %add3A_861 : vector<16xi32>
      %shift_right_logical3A_863 = arith.constant 16 : i32
      %shift_right_logical3A_864 = vector.broadcast %shift_right_logical3A_863 : i32 to vector<16xi32>
      %shift_right_logical3A_865 = arith.shrui %bitcast3A_859, %shift_right_logical3A_864 : vector<16xi32>
      %and3A_866 = arith.constant 1 : i32
      %and3A_867 = vector.broadcast %and3A_866 : i32 to vector<16xi32>
      %and3A_868 = arith.andi %shift_right_logical3A_865, %and3A_867 : vector<16xi32>
      %add3A_869 = arith.addi %add3A_862, %and3A_868 : vector<16xi32>
      %and3A_870 = arith.constant -65536 : i32
      %and3A_871 = vector.broadcast %and3A_870 : i32 to vector<16xi32>
      %and3A_872 = arith.andi %add3A_869, %and3A_871 : vector<16xi32>
      %bitcast3A_873 = vector.bitcast %and3A_872 : vector<16xi32> to vector<16xf32>
      %swap3A_874 = arith.index_cast %add3A_845 : i32 to index
      %swap3A_875 = tpu.vector_load %arg13[%swap3A_874] {strides = array<i32>} : memref<8192xf32, #tpu.memory_space<vmem>>, vector<16xf32>,
      tpu.vector_store %arg13[%swap3A_874], %bitcast3A_873 {strides = array<i32>} : memref<8192xf32, #tpu.memory_space<vmem>>, vector<16xf32>,
      %bitcast3A_876 = vector.bitcast %get3A_849 : vector<16xf32> to vector<16xi32>
      %add3A_877 = arith.constant 32767 : i32
      %add3A_878 = vector.broadcast %add3A_877 : i32 to vector<16xi32>
      %add3A_879 = arith.addi %bitcast3A_876, %add3A_878 : vector<16xi32>
      %shift_right_logical3A_880 = arith.constant 16 : i32
      %shift_right_logical3A_881 = vector.broadcast %shift_right_logical3A_880 : i32 to vector<16xi32>
      %shift_right_logical3A_882 = arith.shrui %bitcast3A_876, %shift_right_logical3A_881 : vector<16xi32>
      %and3A_883 = arith.constant 1 : i32
      %and3A_884 = vector.broadcast %and3A_883 : i32 to vector<16xi32>
      %and3A_885 = arith.andi %shift_right_logical3A_882, %and3A_884 : vector<16xi32>
      %add3A_886 = arith.addi %add3A_879, %and3A_885 : vector<16xi32>
      %and3A_887 = arith.constant -65536 : i32
      %and3A_888 = vector.broadcast %and3A_887 : i32 to vector<16xi32>
      %and3A_889 = arith.andi %add3A_886, %and3A_888 : vector<16xi32>
      %bitcast3A_890 = vector.bitcast %and3A_889 : vector<16xi32> to vector<16xf32>
      %swap3A_891 = arith.index_cast %add3A_845 : i32 to index
      %swap3A_892 = tpu.vector_load %arg14[%swap3A_891] {strides = array<i32>} : memref<8192xf32, #tpu.memory_space<vmem>>, vector<16xf32>,
      tpu.vector_store %arg14[%swap3A_891], %bitcast3A_890 {strides = array<i32>} : memref<8192xf32, #tpu.memory_space<vmem>>, vector<16xf32>,
      %bitcast3A_893 = vector.bitcast %get3A_851 : vector<16xf32> to vector<16xi32>
      %add3A_894 = arith.constant 32767 : i32
      %add3A_895 = vector.broadcast %add3A_894 : i32 to vector<16xi32>
      %add3A_896 = arith.addi %bitcast3A_893, %add3A_895 : vector<16xi32>
      %shift_right_logical3A_897 = arith.constant 16 : i32
      %shift_right_logical3A_898 = vector.broadcast %shift_right_logical3A_897 : i32 to vector<16xi32>
      %shift_right_logical3A_899 = arith.shrui %bitcast3A_893, %shift_right_logical3A_898 : vector<16xi32>
      %and3A_900 = arith.constant 1 : i32
      %and3A_901 = vector.broadcast %and3A_900 : i32 to vector<16xi32>
      %and3A_902 = arith.andi %shift_right_logical3A_899, %and3A_901 : vector<16xi32>
      %add3A_903 = arith.addi %add3A_896, %and3A_902 : vector<16xi32>
      %and3A_904 = arith.constant -65536 : i32
      %and3A_905 = vector.broadcast %and3A_904 : i32 to vector<16xi32>
      %and3A_906 = arith.andi %add3A_903, %and3A_905 : vector<16xi32>
      %bitcast3A_907 = vector.bitcast %and3A_906 : vector<16xi32> to vector<16xf32>
      %swap3A_908 = arith.index_cast %add3A_845 : i32 to index
      %swap3A_909 = tpu.vector_load %arg15[%swap3A_908] {strides = array<i32>} : memref<8192xf32, #tpu.memory_space<vmem>>, vector<16xf32>,
      tpu.vector_store %arg15[%swap3A_908], %bitcast3A_907 {strides = array<i32>} : memref<8192xf32, #tpu.memory_space<vmem>>, vector<16xf32>,
      %mul3A_910 = arith.constant 256 : i32
      %mul3A_911 = arith.muli %scan3A_94, %mul3A_910 : i32
      %add3A_912 = arith.constant 192 : i32
      %add3A_913 = arith.addi %mul3A_911, %add3A_912 : i32
      %get3A_914 = arith.index_cast %add3A_913 : i32 to index
      %get3A_915 = tpu.vector_load %arg13[%get3A_914] {strides = array<i32>} : memref<8192xf32, #tpu.memory_space<vmem>>, vector<16xf32>,
      %get3A_916 = arith.index_cast %add3A_913 : i32 to index
      %get3A_917 = tpu.vector_load %arg14[%get3A_916] {strides = array<i32>} : memref<8192xf32, #tpu.memory_space<vmem>>, vector<16xf32>,
      %get3A_918 = arith.index_cast %add3A_913 : i32 to index
      %get3A_919 = tpu.vector_load %arg15[%get3A_918] {strides = array<i32>} : memref<8192xf32, #tpu.memory_space<vmem>>, vector<16xf32>,
      %mul3A_920 = arith.mulf %get3A_915, %get3A_915 : vector<16xf32>
      %mul3A_921 = arith.mulf %get3A_917, %get3A_917 : vector<16xf32>
      %add3A_922 = arith.addf %mul3A_920, %mul3A_921 : vector<16xf32>
      %mul3A_923 = arith.mulf %get3A_919, %get3A_919 : vector<16xf32>
      %add3A_924 = arith.addf %add3A_922, %mul3A_923 : vector<16xf32>
      %swap3A_925 = arith.index_cast %add3A_913 : i32 to index
      %swap3A_926 = tpu.vector_load %arg16[%swap3A_925] {strides = array<i32>} : memref<8192xf32, #tpu.memory_space<vmem>>, vector<16xf32>,
      tpu.vector_store %arg16[%swap3A_925], %add3A_924 {strides = array<i32>} : memref<8192xf32, #tpu.memory_space<vmem>>, vector<16xf32>,
      %bitcast3A_927 = vector.bitcast %get3A_915 : vector<16xf32> to vector<16xi32>
      %add3A_928 = arith.constant 32767 : i32
      %add3A_929 = vector.broadcast %add3A_928 : i32 to vector<16xi32>
      %add3A_930 = arith.addi %bitcast3A_927, %add3A_929 : vector<16xi32>
      %shift_right_logical3A_931 = arith.constant 16 : i32
      %shift_right_logical3A_932 = vector.broadcast %shift_right_logical3A_931 : i32 to vector<16xi32>
      %shift_right_logical3A_933 = arith.shrui %bitcast3A_927, %shift_right_logical3A_932 : vector<16xi32>
      %and3A_934 = arith.constant 1 : i32
      %and3A_935 = vector.broadcast %and3A_934 : i32 to vector<16xi32>
      %and3A_936 = arith.andi %shift_right_logical3A_933, %and3A_935 : vector<16xi32>
      %add3A_937 = arith.addi %add3A_930, %and3A_936 : vector<16xi32>
      %and3A_938 = arith.constant -65536 : i32
      %and3A_939 = vector.broadcast %and3A_938 : i32 to vector<16xi32>
      %and3A_940 = arith.andi %add3A_937, %and3A_939 : vector<16xi32>
      %bitcast3A_941 = vector.bitcast %and3A_940 : vector<16xi32> to vector<16xf32>
      %swap3A_942 = arith.index_cast %add3A_913 : i32 to index
      %swap3A_943 = tpu.vector_load %arg13[%swap3A_942] {strides = array<i32>} : memref<8192xf32, #tpu.memory_space<vmem>>, vector<16xf32>,
      tpu.vector_store %arg13[%swap3A_942], %bitcast3A_941 {strides = array<i32>} : memref<8192xf32, #tpu.memory_space<vmem>>, vector<16xf32>,
      %bitcast3A_944 = vector.bitcast %get3A_917 : vector<16xf32> to vector<16xi32>
      %add3A_945 = arith.constant 32767 : i32
      %add3A_946 = vector.broadcast %add3A_945 : i32 to vector<16xi32>
      %add3A_947 = arith.addi %bitcast3A_944, %add3A_946 : vector<16xi32>
      %shift_right_logical3A_948 = arith.constant 16 : i32
      %shift_right_logical3A_949 = vector.broadcast %shift_right_logical3A_948 : i32 to vector<16xi32>
      %shift_right_logical3A_950 = arith.shrui %bitcast3A_944, %shift_right_logical3A_949 : vector<16xi32>
      %and3A_951 = arith.constant 1 : i32
      %and3A_952 = vector.broadcast %and3A_951 : i32 to vector<16xi32>
      %and3A_953 = arith.andi %shift_right_logical3A_950, %and3A_952 : vector<16xi32>
      %add3A_954 = arith.addi %add3A_947, %and3A_953 : vector<16xi32>
      %and3A_955 = arith.constant -65536 : i32
      %and3A_956 = vector.broadcast %and3A_955 : i32 to vector<16xi32>
      %and3A_957 = arith.andi %add3A_954, %and3A_956 : vector<16xi32>
      %bitcast3A_958 = vector.bitcast %and3A_957 : vector<16xi32> to vector<16xf32>
      %swap3A_959 = arith.index_cast %add3A_913 : i32 to index
      %swap3A_960 = tpu.vector_load %arg14[%swap3A_959] {strides = array<i32>} : memref<8192xf32, #tpu.memory_space<vmem>>, vector<16xf32>,
      tpu.vector_store %arg14[%swap3A_959], %bitcast3A_958 {strides = array<i32>} : memref<8192xf32, #tpu.memory_space<vmem>>, vector<16xf32>,
      %bitcast3A_961 = vector.bitcast %get3A_919 : vector<16xf32> to vector<16xi32>
      %add3A_962 = arith.constant 32767 : i32
      %add3A_963 = vector.broadcast %add3A_962 : i32 to vector<16xi32>
      %add3A_964 = arith.addi %bitcast3A_961, %add3A_963 : vector<16xi32>
      %shift_right_logical3A_965 = arith.constant 16 : i32
      %shift_right_logical3A_966 = vector.broadcast %shift_right_logical3A_965 : i32 to vector<16xi32>
      %shift_right_logical3A_967 = arith.shrui %bitcast3A_961, %shift_right_logical3A_966 : vector<16xi32>
      %and3A_968 = arith.constant 1 : i32
      %and3A_969 = vector.broadcast %and3A_968 : i32 to vector<16xi32>
      %and3A_970 = arith.andi %shift_right_logical3A_967, %and3A_969 : vector<16xi32>
      %add3A_971 = arith.addi %add3A_964, %and3A_970 : vector<16xi32>
      %and3A_972 = arith.constant -65536 : i32
      %and3A_973 = vector.broadcast %and3A_972 : i32 to vector<16xi32>
      %and3A_974 = arith.andi %add3A_971, %and3A_973 : vector<16xi32>
      %bitcast3A_975 = vector.bitcast %and3A_974 : vector<16xi32> to vector<16xf32>
      %swap3A_976 = arith.index_cast %add3A_913 : i32 to index
      %swap3A_977 = tpu.vector_load %arg15[%swap3A_976] {strides = array<i32>} : memref<8192xf32, #tpu.memory_space<vmem>>, vector<16xf32>,
      tpu.vector_store %arg15[%swap3A_976], %bitcast3A_975 {strides = array<i32>} : memref<8192xf32, #tpu.memory_space<vmem>>, vector<16xf32>,
      %mul3A_978 = arith.constant 256 : i32
      %mul3A_979 = arith.muli %scan3A_94, %mul3A_978 : i32
      %add3A_980 = arith.constant 208 : i32
      %add3A_981 = arith.addi %mul3A_979, %add3A_980 : i32
      %get3A_982 = arith.index_cast %add3A_981 : i32 to index
      %get3A_983 = tpu.vector_load %arg13[%get3A_982] {strides = array<i32>} : memref<8192xf32, #tpu.memory_space<vmem>>, vector<16xf32>,
      %get3A_984 = arith.index_cast %add3A_981 : i32 to index
      %get3A_985 = tpu.vector_load %arg14[%get3A_984] {strides = array<i32>} : memref<8192xf32, #tpu.memory_space<vmem>>, vector<16xf32>,
      %get3A_986 = arith.index_cast %add3A_981 : i32 to index
      %get3A_987 = tpu.vector_load %arg15[%get3A_986] {strides = array<i32>} : memref<8192xf32, #tpu.memory_space<vmem>>, vector<16xf32>,
      %mul3A_988 = arith.mulf %get3A_983, %get3A_983 : vector<16xf32>
      %mul3A_989 = arith.mulf %get3A_985, %get3A_985 : vector<16xf32>
      %add3A_990 = arith.addf %mul3A_988, %mul3A_989 : vector<16xf32>
      %mul3A_991 = arith.mulf %get3A_987, %get3A_987 : vector<16xf32>
      %add3A_992 = arith.addf %add3A_990, %mul3A_991 : vector<16xf32>
      %swap3A_993 = arith.index_cast %add3A_981 : i32 to index
      %swap3A_994 = tpu.vector_load %arg16[%swap3A_993] {strides = array<i32>} : memref<8192xf32, #tpu.memory_space<vmem>>, vector<16xf32>,
      tpu.vector_store %arg16[%swap3A_993], %add3A_992 {strides = array<i32>} : memref<8192xf32, #tpu.memory_space<vmem>>, vector<16xf32>,
      %bitcast3A_995 = vector.bitcast %get3A_983 : vector<16xf32> to vector<16xi32>
      %add3A_996 = arith.constant 32767 : i32
      %add3A_997 = vector.broadcast %add3A_996 : i32 to vector<16xi32>
      %add3A_998 = arith.addi %bitcast3A_995, %add3A_997 : vector<16xi32>
      %shift_right_logical3A_999 = arith.constant 16 : i32
      %shift_right_logical3A_1000 = vector.broadcast %shift_right_logical3A_999 : i32 to vector<16xi32>
      %shift_right_logical3A_1001 = arith.shrui %bitcast3A_995, %shift_right_logical3A_1000 : vector<16xi32>
      %and3A_1002 = arith.constant 1 : i32
      %and3A_1003 = vector.broadcast %and3A_1002 : i32 to vector<16xi32>
      %and3A_1004 = arith.andi %shift_right_logical3A_1001, %and3A_1003 : vector<16xi32>
      %add3A_1005 = arith.addi %add3A_998, %and3A_1004 : vector<16xi32>
      %and3A_1006 = arith.constant -65536 : i32
      %and3A_1007 = vector.broadcast %and3A_1006 : i32 to vector<16xi32>
      %and3A_1008 = arith.andi %add3A_1005, %and3A_1007 : vector<16xi32>
      %bitcast3A_1009 = vector.bitcast %and3A_1008 : vector<16xi32> to vector<16xf32>
      %swap3A_1010 = arith.index_cast %add3A_981 : i32 to index
      %swap3A_1011 = tpu.vector_load %arg13[%swap3A_1010] {strides = array<i32>} : memref<8192xf32, #tpu.memory_space<vmem>>, vector<16xf32>,
      tpu.vector_store %arg13[%swap3A_1010], %bitcast3A_1009 {strides = array<i32>} : memref<8192xf32, #tpu.memory_space<vmem>>, vector<16xf32>,
      %bitcast3A_1012 = vector.bitcast %get3A_985 : vector<16xf32> to vector<16xi32>
      %add3A_1013 = arith.constant 32767 : i32
      %add3A_1014 = vector.broadcast %add3A_1013 : i32 to vector<16xi32>
      %add3A_1015 = arith.addi %bitcast3A_1012, %add3A_1014 : vector<16xi32>
      %shift_right_logical3A_1016 = arith.constant 16 : i32
      %shift_right_logical3A_1017 = vector.broadcast %shift_right_logical3A_1016 : i32 to vector<16xi32>
      %shift_right_logical3A_1018 = arith.shrui %bitcast3A_1012, %shift_right_logical3A_1017 : vector<16xi32>
      %and3A_1019 = arith.constant 1 : i32
      %and3A_1020 = vector.broadcast %and3A_1019 : i32 to vector<16xi32>
      %and3A_1021 = arith.andi %shift_right_logical3A_1018, %and3A_1020 : vector<16xi32>
      %add3A_1022 = arith.addi %add3A_1015, %and3A_1021 : vector<16xi32>
      %and3A_1023 = arith.constant -65536 : i32
      %and3A_1024 = vector.broadcast %and3A_1023 : i32 to vector<16xi32>
      %and3A_1025 = arith.andi %add3A_1022, %and3A_1024 : vector<16xi32>
      %bitcast3A_1026 = vector.bitcast %and3A_1025 : vector<16xi32> to vector<16xf32>
      %swap3A_1027 = arith.index_cast %add3A_981 : i32 to index
      %swap3A_1028 = tpu.vector_load %arg14[%swap3A_1027] {strides = array<i32>} : memref<8192xf32, #tpu.memory_space<vmem>>, vector<16xf32>,
      tpu.vector_store %arg14[%swap3A_1027], %bitcast3A_1026 {strides = array<i32>} : memref<8192xf32, #tpu.memory_space<vmem>>, vector<16xf32>,
      %bitcast3A_1029 = vector.bitcast %get3A_987 : vector<16xf32> to vector<16xi32>
      %add3A_1030 = arith.constant 32767 : i32
      %add3A_1031 = vector.broadcast %add3A_1030 : i32 to vector<16xi32>
      %add3A_1032 = arith.addi %bitcast3A_1029, %add3A_1031 : vector<16xi32>
      %shift_right_logical3A_1033 = arith.constant 16 : i32
      %shift_right_logical3A_1034 = vector.broadcast %shift_right_logical3A_1033 : i32 to vector<16xi32>
      %shift_right_logical3A_1035 = arith.shrui %bitcast3A_1029, %shift_right_logical3A_1034 : vector<16xi32>
      %and3A_1036 = arith.constant 1 : i32
      %and3A_1037 = vector.broadcast %and3A_1036 : i32 to vector<16xi32>
      %and3A_1038 = arith.andi %shift_right_logical3A_1035, %and3A_1037 : vector<16xi32>
      %add3A_1039 = arith.addi %add3A_1032, %and3A_1038 : vector<16xi32>
      %and3A_1040 = arith.constant -65536 : i32
      %and3A_1041 = vector.broadcast %and3A_1040 : i32 to vector<16xi32>
      %and3A_1042 = arith.andi %add3A_1039, %and3A_1041 : vector<16xi32>
      %bitcast3A_1043 = vector.bitcast %and3A_1042 : vector<16xi32> to vector<16xf32>
      %swap3A_1044 = arith.index_cast %add3A_981 : i32 to index
      %swap3A_1045 = tpu.vector_load %arg15[%swap3A_1044] {strides = array<i32>} : memref<8192xf32, #tpu.memory_space<vmem>>, vector<16xf32>,
      tpu.vector_store %arg15[%swap3A_1044], %bitcast3A_1043 {strides = array<i32>} : memref<8192xf32, #tpu.memory_space<vmem>>, vector<16xf32>,
      %mul3A_1046 = arith.constant 256 : i32
      %mul3A_1047 = arith.muli %scan3A_94, %mul3A_1046 : i32
      %add3A_1048 = arith.constant 224 : i32
      %add3A_1049 = arith.addi %mul3A_1047, %add3A_1048 : i32
      %get3A_1050 = arith.index_cast %add3A_1049 : i32 to index
      %get3A_1051 = tpu.vector_load %arg13[%get3A_1050] {strides = array<i32>} : memref<8192xf32, #tpu.memory_space<vmem>>, vector<16xf32>,
      %get3A_1052 = arith.index_cast %add3A_1049 : i32 to index
      %get3A_1053 = tpu.vector_load %arg14[%get3A_1052] {strides = array<i32>} : memref<8192xf32, #tpu.memory_space<vmem>>, vector<16xf32>,
      %get3A_1054 = arith.index_cast %add3A_1049 : i32 to index
      %get3A_1055 = tpu.vector_load %arg15[%get3A_1054] {strides = array<i32>} : memref<8192xf32, #tpu.memory_space<vmem>>, vector<16xf32>,
      %mul3A_1056 = arith.mulf %get3A_1051, %get3A_1051 : vector<16xf32>
      %mul3A_1057 = arith.mulf %get3A_1053, %get3A_1053 : vector<16xf32>
      %add3A_1058 = arith.addf %mul3A_1056, %mul3A_1057 : vector<16xf32>
      %mul3A_1059 = arith.mulf %get3A_1055, %get3A_1055 : vector<16xf32>
      %add3A_1060 = arith.addf %add3A_1058, %mul3A_1059 : vector<16xf32>
      %swap3A_1061 = arith.index_cast %add3A_1049 : i32 to index
      %swap3A_1062 = tpu.vector_load %arg16[%swap3A_1061] {strides = array<i32>} : memref<8192xf32, #tpu.memory_space<vmem>>, vector<16xf32>,
      tpu.vector_store %arg16[%swap3A_1061], %add3A_1060 {strides = array<i32>} : memref<8192xf32, #tpu.memory_space<vmem>>, vector<16xf32>,
      %bitcast3A_1063 = vector.bitcast %get3A_1051 : vector<16xf32> to vector<16xi32>
      %add3A_1064 = arith.constant 32767 : i32
      %add3A_1065 = vector.broadcast %add3A_1064 : i32 to vector<16xi32>
      %add3A_1066 = arith.addi %bitcast3A_1063, %add3A_1065 : vector<16xi32>
      %shift_right_logical3A_1067 = arith.constant 16 : i32
      %shift_right_logical3A_1068 = vector.broadcast %shift_right_logical3A_1067 : i32 to vector<16xi32>
      %shift_right_logical3A_1069 = arith.shrui %bitcast3A_1063, %shift_right_logical3A_1068 : vector<16xi32>
      %and3A_1070 = arith.constant 1 : i32
      %and3A_1071 = vector.broadcast %and3A_1070 : i32 to vector<16xi32>
      %and3A_1072 = arith.andi %shift_right_logical3A_1069, %and3A_1071 : vector<16xi32>
      %add3A_1073 = arith.addi %add3A_1066, %and3A_1072 : vector<16xi32>
      %and3A_1074 = arith.constant -65536 : i32
      %and3A_1075 = vector.broadcast %and3A_1074 : i32 to vector<16xi32>
      %and3A_1076 = arith.andi %add3A_1073, %and3A_1075 : vector<16xi32>
      %bitcast3A_1077 = vector.bitcast %and3A_1076 : vector<16xi32> to vector<16xf32>
      %swap3A_1078 = arith.index_cast %add3A_1049 : i32 to index
      %swap3A_1079 = tpu.vector_load %arg13[%swap3A_1078] {strides = array<i32>} : memref<8192xf32, #tpu.memory_space<vmem>>, vector<16xf32>,
      tpu.vector_store %arg13[%swap3A_1078], %bitcast3A_1077 {strides = array<i32>} : memref<8192xf32, #tpu.memory_space<vmem>>, vector<16xf32>,
      %bitcast3A_1080 = vector.bitcast %get3A_1053 : vector<16xf32> to vector<16xi32>
      %add3A_1081 = arith.constant 32767 : i32
      %add3A_1082 = vector.broadcast %add3A_1081 : i32 to vector<16xi32>
      %add3A_1083 = arith.addi %bitcast3A_1080, %add3A_1082 : vector<16xi32>
      %shift_right_logical3A_1084 = arith.constant 16 : i32
      %shift_right_logical3A_1085 = vector.broadcast %shift_right_logical3A_1084 : i32 to vector<16xi32>
      %shift_right_logical3A_1086 = arith.shrui %bitcast3A_1080, %shift_right_logical3A_1085 : vector<16xi32>
      %and3A_1087 = arith.constant 1 : i32
      %and3A_1088 = vector.broadcast %and3A_1087 : i32 to vector<16xi32>
      %and3A_1089 = arith.andi %shift_right_logical3A_1086, %and3A_1088 : vector<16xi32>
      %add3A_1090 = arith.addi %add3A_1083, %and3A_1089 : vector<16xi32>
      %and3A_1091 = arith.constant -65536 : i32
      %and3A_1092 = vector.broadcast %and3A_1091 : i32 to vector<16xi32>
      %and3A_1093 = arith.andi %add3A_1090, %and3A_1092 : vector<16xi32>
      %bitcast3A_1094 = vector.bitcast %and3A_1093 : vector<16xi32> to vector<16xf32>
      %swap3A_1095 = arith.index_cast %add3A_1049 : i32 to index
      %swap3A_1096 = tpu.vector_load %arg14[%swap3A_1095] {strides = array<i32>} : memref<8192xf32, #tpu.memory_space<vmem>>, vector<16xf32>,
      tpu.vector_store %arg14[%swap3A_1095], %bitcast3A_1094 {strides = array<i32>} : memref<8192xf32, #tpu.memory_space<vmem>>, vector<16xf32>,
      %bitcast3A_1097 = vector.bitcast %get3A_1055 : vector<16xf32> to vector<16xi32>
      %add3A_1098 = arith.constant 32767 : i32
      %add3A_1099 = vector.broadcast %add3A_1098 : i32 to vector<16xi32>
      %add3A_1100 = arith.addi %bitcast3A_1097, %add3A_1099 : vector<16xi32>
      %shift_right_logical3A_1101 = arith.constant 16 : i32
      %shift_right_logical3A_1102 = vector.broadcast %shift_right_logical3A_1101 : i32 to vector<16xi32>
      %shift_right_logical3A_1103 = arith.shrui %bitcast3A_1097, %shift_right_logical3A_1102 : vector<16xi32>
      %and3A_1104 = arith.constant 1 : i32
      %and3A_1105 = vector.broadcast %and3A_1104 : i32 to vector<16xi32>
      %and3A_1106 = arith.andi %shift_right_logical3A_1103, %and3A_1105 : vector<16xi32>
      %add3A_1107 = arith.addi %add3A_1100, %and3A_1106 : vector<16xi32>
      %and3A_1108 = arith.constant -65536 : i32
      %and3A_1109 = vector.broadcast %and3A_1108 : i32 to vector<16xi32>
      %and3A_1110 = arith.andi %add3A_1107, %and3A_1109 : vector<16xi32>
      %bitcast3A_1111 = vector.bitcast %and3A_1110 : vector<16xi32> to vector<16xf32>
      %swap3A_1112 = arith.index_cast %add3A_1049 : i32 to index
      %swap3A_1113 = tpu.vector_load %arg15[%swap3A_1112] {strides = array<i32>} : memref<8192xf32, #tpu.memory_space<vmem>>, vector<16xf32>,
      tpu.vector_store %arg15[%swap3A_1112], %bitcast3A_1111 {strides = array<i32>} : memref<8192xf32, #tpu.memory_space<vmem>>, vector<16xf32>,
      %mul3A_1114 = arith.constant 256 : i32
      %mul3A_1115 = arith.muli %scan3A_94, %mul3A_1114 : i32
      %add3A_1116 = arith.constant 240 : i32
      %add3A_1117 = arith.addi %mul3A_1115, %add3A_1116 : i32
      %get3A_1118 = arith.index_cast %add3A_1117 : i32 to index
      %get3A_1119 = tpu.vector_load %arg13[%get3A_1118] {strides = array<i32>} : memref<8192xf32, #tpu.memory_space<vmem>>, vector<16xf32>,
      %get3A_1120 = arith.index_cast %add3A_1117 : i32 to index
      %get3A_1121 = tpu.vector_load %arg14[%get3A_1120] {strides = array<i32>} : memref<8192xf32, #tpu.memory_space<vmem>>, vector<16xf32>,
      %get3A_1122 = arith.index_cast %add3A_1117 : i32 to index
      %get3A_1123 = tpu.vector_load %arg15[%get3A_1122] {strides = array<i32>} : memref<8192xf32, #tpu.memory_space<vmem>>, vector<16xf32>,
      %mul3A_1124 = arith.mulf %get3A_1119, %get3A_1119 : vector<16xf32>
      %mul3A_1125 = arith.mulf %get3A_1121, %get3A_1121 : vector<16xf32>
      %add3A_1126 = arith.addf %mul3A_1124, %mul3A_1125 : vector<16xf32>
      %mul3A_1127 = arith.mulf %get3A_1123, %get3A_1123 : vector<16xf32>
      %add3A_1128 = arith.addf %add3A_1126, %mul3A_1127 : vector<16xf32>
      %swap3A_1129 = arith.index_cast %add3A_1117 : i32 to index
      %swap3A_1130 = tpu.vector_load %arg16[%swap3A_1129] {strides = array<i32>} : memref<8192xf32, #tpu.memory_space<vmem>>, vector<16xf32>,
      tpu.vector_store %arg16[%swap3A_1129], %add3A_1128 {strides = array<i32>} : memref<8192xf32, #tpu.memory_space<vmem>>, vector<16xf32>,
      %bitcast3A_1131 = vector.bitcast %get3A_1119 : vector<16xf32> to vector<16xi32>
      %add3A_1132 = arith.constant 32767 : i32
      %add3A_1133 = vector.broadcast %add3A_1132 : i32 to vector<16xi32>
      %add3A_1134 = arith.addi %bitcast3A_1131, %add3A_1133 : vector<16xi32>
      %shift_right_logical3A_1135 = arith.constant 16 : i32
      %shift_right_logical3A_1136 = vector.broadcast %shift_right_logical3A_1135 : i32 to vector<16xi32>
      %shift_right_logical3A_1137 = arith.shrui %bitcast3A_1131, %shift_right_logical3A_1136 : vector<16xi32>
      %and3A_1138 = arith.constant 1 : i32
      %and3A_1139 = vector.broadcast %and3A_1138 : i32 to vector<16xi32>
      %and3A_1140 = arith.andi %shift_right_logical3A_1137, %and3A_1139 : vector<16xi32>
      %add3A_1141 = arith.addi %add3A_1134, %and3A_1140 : vector<16xi32>
      %and3A_1142 = arith.constant -65536 : i32
      %and3A_1143 = vector.broadcast %and3A_1142 : i32 to vector<16xi32>
      %and3A_1144 = arith.andi %add3A_1141, %and3A_1143 : vector<16xi32>
      %bitcast3A_1145 = vector.bitcast %and3A_1144 : vector<16xi32> to vector<16xf32>
      %swap3A_1146 = arith.index_cast %add3A_1117 : i32 to index
      %swap3A_1147 = tpu.vector_load %arg13[%swap3A_1146] {strides = array<i32>} : memref<8192xf32, #tpu.memory_space<vmem>>, vector<16xf32>,
      tpu.vector_store %arg13[%swap3A_1146], %bitcast3A_1145 {strides = array<i32>} : memref<8192xf32, #tpu.memory_space<vmem>>, vector<16xf32>,
      %bitcast3A_1148 = vector.bitcast %get3A_1121 : vector<16xf32> to vector<16xi32>
      %add3A_1149 = arith.constant 32767 : i32
      %add3A_1150 = vector.broadcast %add3A_1149 : i32 to vector<16xi32>
      %add3A_1151 = arith.addi %bitcast3A_1148, %add3A_1150 : vector<16xi32>
      %shift_right_logical3A_1152 = arith.constant 16 : i32
      %shift_right_logical3A_1153 = vector.broadcast %shift_right_logical3A_1152 : i32 to vector<16xi32>
      %shift_right_logical3A_1154 = arith.shrui %bitcast3A_1148, %shift_right_logical3A_1153 : vector<16xi32>
      %and3A_1155 = arith.constant 1 : i32
      %and3A_1156 = vector.broadcast %and3A_1155 : i32 to vector<16xi32>
      %and3A_1157 = arith.andi %shift_right_logical3A_1154, %and3A_1156 : vector<16xi32>
      %add3A_1158 = arith.addi %add3A_1151, %and3A_1157 : vector<16xi32>
      %and3A_1159 = arith.constant -65536 : i32
      %and3A_1160 = vector.broadcast %and3A_1159 : i32 to vector<16xi32>
      %and3A_1161 = arith.andi %add3A_1158, %and3A_1160 : vector<16xi32>
      %bitcast3A_1162 = vector.bitcast %and3A_1161 : vector<16xi32> to vector<16xf32>
      %swap3A_1163 = arith.index_cast %add3A_1117 : i32 to index
      %swap3A_1164 = tpu.vector_load %arg14[%swap3A_1163] {strides = array<i32>} : memref<8192xf32, #tpu.memory_space<vmem>>, vector<16xf32>,
      tpu.vector_store %arg14[%swap3A_1163], %bitcast3A_1162 {strides = array<i32>} : memref<8192xf32, #tpu.memory_space<vmem>>, vector<16xf32>,
      %bitcast3A_1165 = vector.bitcast %get3A_1123 : vector<16xf32> to vector<16xi32>
      %add3A_1166 = arith.constant 32767 : i32
      %add3A_1167 = vector.broadcast %add3A_1166 : i32 to vector<16xi32>
      %add3A_1168 = arith.addi %bitcast3A_1165, %add3A_1167 : vector<16xi32>
      %shift_right_logical3A_1169 = arith.constant 16 : i32
      %shift_right_logical3A_1170 = vector.broadcast %shift_right_logical3A_1169 : i32 to vector<16xi32>
      %shift_right_logical3A_1171 = arith.shrui %bitcast3A_1165, %shift_right_logical3A_1170 : vector<16xi32>
      %and3A_1172 = arith.constant 1 : i32
      %and3A_1173 = vector.broadcast %and3A_1172 : i32 to vector<16xi32>
      %and3A_1174 = arith.andi %shift_right_logical3A_1171, %and3A_1173 : vector<16xi32>
      %add3A_1175 = arith.addi %add3A_1168, %and3A_1174 : vector<16xi32>
      %and3A_1176 = arith.constant -65536 : i32
      %and3A_1177 = vector.broadcast %and3A_1176 : i32 to vector<16xi32>
      %and3A_1178 = arith.andi %add3A_1175, %and3A_1177 : vector<16xi32>
      %bitcast3A_1179 = vector.bitcast %and3A_1178 : vector<16xi32> to vector<16xf32>
      %swap3A_1180 = arith.index_cast %add3A_1117 : i32 to index
      %swap3A_1181 = tpu.vector_load %arg15[%swap3A_1180] {strides = array<i32>} : memref<8192xf32, #tpu.memory_space<vmem>>, vector<16xf32>,
      tpu.vector_store %arg15[%swap3A_1180], %bitcast3A_1179 {strides = array<i32>} : memref<8192xf32, #tpu.memory_space<vmem>>, vector<16xf32>,
      %scan3A_1182 = arith.constant 0 : i32
      scf.yield %scan3A_1182 : i32
    }
    %scan3A_27 = arith.constant 32 : i32
    %scan3A_28 = arith.constant 0 : i32
    %scan3A_29 = arith.constant 0 : i32
    %scan3A_30 = arith.constant 128 : i32
    %scan3A_31 = arith.addi %scan3A_29, %scan3A_30 : i32
    %scan3A_32 = arith.constant 1 : i32
    %scan3A_33 = scf.for %scan3A_94 = %scan3A_29 to %scan3A_31 step %scan3A_32 iter_args(%scan3A_95 = %scan3A_28) -> (i32)  : i32 {
      %shift_right_arithmetic3A = arith.constant 4 : i32
      %shift_right_arithmetic3A_96 = arith.shrsi %scan3A_94, %shift_right_arithmetic3A : i32
      %shift_left3A = arith.constant 4 : i32
      %shift_left3A_97 = arith.shli %shift_right_arithmetic3A_96, %shift_left3A : i32
      %broadcast_in_dim3A_98 = arith.constant 0 : i32
      %broadcast_in_dim3A_99 = vector.broadcast %broadcast_in_dim3A_98 : i32 to vector<16xi32>
      %and3A_100 = arith.constant 15 : i32
      %and3A_101 = arith.andi %scan3A_94, %and3A_100 : i32
      %add3A_102 = vector.broadcast %and3A_101 : i32 to vector<16xi32>
      %add3A_103 = arith.addi %broadcast_in_dim3A_99, %add3A_102 : vector<16xi32>
      %get3A_104 = arith.index_cast %shift_left3A_97 : i32 to index
      %get3A_105 = tpu.vector_load %arg17[%get3A_104] {strides = array<i32>} : memref<128xf32, #tpu.memory_space<vmem>>, vector<16xf32>,
      %broadcast_in_dim3A_106 = vector.shape_cast %add3A_103 : vector<16xi32> to vector<16x1xi32>
      %gather3A = vector.shape_cast %broadcast_in_dim3A_106 : vector<16x1xi32> to vector<16xi32>
      %gather3A_107 = tpu.dynamic_gather %get3A_105[%gather3A] in [0] : vector<16xf32>, vector<16xi32> -> vector<16xf32>
      %get3A_108 = arith.index_cast %shift_left3A_97 : i32 to index
      %get3A_109 = tpu.vector_load %arg18[%get3A_108] {strides = array<i32>} : memref<128xf32, #tpu.memory_space<vmem>>, vector<16xf32>,
      %broadcast_in_dim3A_110 = vector.shape_cast %add3A_103 : vector<16xi32> to vector<16x1xi32>
      %gather3A_111 = vector.shape_cast %broadcast_in_dim3A_110 : vector<16x1xi32> to vector<16xi32>
      %gather3A_112 = tpu.dynamic_gather %get3A_109[%gather3A_111] in [0] : vector<16xf32>, vector<16xi32> -> vector<16xf32>
      %get3A_113 = arith.index_cast %shift_left3A_97 : i32 to index
      %get3A_114 = tpu.vector_load %arg19[%get3A_113] {strides = array<i32>} : memref<128xf32, #tpu.memory_space<vmem>>, vector<16xf32>,
      %broadcast_in_dim3A_115 = vector.shape_cast %add3A_103 : vector<16xi32> to vector<16x1xi32>
      %gather3A_116 = vector.shape_cast %broadcast_in_dim3A_115 : vector<16x1xi32> to vector<16xi32>
      %gather3A_117 = tpu.dynamic_gather %get3A_114[%gather3A_116] in [0] : vector<16xf32>, vector<16xi32> -> vector<16xf32>
      %mul3A_118 = arith.mulf %gather3A_107, %gather3A_107 : vector<16xf32>
      %mul3A_119 = arith.mulf %gather3A_112, %gather3A_112 : vector<16xf32>
      %add3A_120 = arith.addf %mul3A_118, %mul3A_119 : vector<16xf32>
      %mul3A_121 = arith.mulf %gather3A_117, %gather3A_117 : vector<16xf32>
      %add3A_122 = arith.addf %add3A_120, %mul3A_121 : vector<16xf32>
      %bitcast3A = vector.bitcast %gather3A_107 : vector<16xf32> to vector<16xi32>
      %add3A_123 = arith.constant 32767 : i32
      %add3A_124 = vector.broadcast %add3A_123 : i32 to vector<16xi32>
      %add3A_125 = arith.addi %bitcast3A, %add3A_124 : vector<16xi32>
      %shift_right_logical3A = arith.constant 16 : i32
      %shift_right_logical3A_126 = vector.broadcast %shift_right_logical3A : i32 to vector<16xi32>
      %shift_right_logical3A_127 = arith.shrui %bitcast3A, %shift_right_logical3A_126 : vector<16xi32>
      %and3A_128 = arith.constant 1 : i32
      %and3A_129 = vector.broadcast %and3A_128 : i32 to vector<16xi32>
      %and3A_130 = arith.andi %shift_right_logical3A_127, %and3A_129 : vector<16xi32>
      %add3A_131 = arith.addi %add3A_125, %and3A_130 : vector<16xi32>
      %and3A_132 = arith.constant -65536 : i32
      %and3A_133 = vector.broadcast %and3A_132 : i32 to vector<16xi32>
      %and3A_134 = arith.andi %add3A_131, %and3A_133 : vector<16xi32>
      %bitcast3A_135 = vector.bitcast %and3A_134 : vector<16xi32> to vector<16xf32>
      %bitcast3A_136 = vector.bitcast %gather3A_112 : vector<16xf32> to vector<16xi32>
      %add3A_137 = arith.constant 32767 : i32
      %add3A_138 = vector.broadcast %add3A_137 : i32 to vector<16xi32>
      %add3A_139 = arith.addi %bitcast3A_136, %add3A_138 : vector<16xi32>
      %shift_right_logical3A_140 = arith.constant 16 : i32
      %shift_right_logical3A_141 = vector.broadcast %shift_right_logical3A_140 : i32 to vector<16xi32>
      %shift_right_logical3A_142 = arith.shrui %bitcast3A_136, %shift_right_logical3A_141 : vector<16xi32>
      %and3A_143 = arith.constant 1 : i32
      %and3A_144 = vector.broadcast %and3A_143 : i32 to vector<16xi32>
      %and3A_145 = arith.andi %shift_right_logical3A_142, %and3A_144 : vector<16xi32>
      %add3A_146 = arith.addi %add3A_139, %and3A_145 : vector<16xi32>
      %and3A_147 = arith.constant -65536 : i32
      %and3A_148 = vector.broadcast %and3A_147 : i32 to vector<16xi32>
      %and3A_149 = arith.andi %add3A_146, %and3A_148 : vector<16xi32>
      %bitcast3A_150 = vector.bitcast %and3A_149 : vector<16xi32> to vector<16xf32>
      %bitcast3A_151 = vector.bitcast %gather3A_117 : vector<16xf32> to vector<16xi32>
      %add3A_152 = arith.constant 32767 : i32
      %add3A_153 = vector.broadcast %add3A_152 : i32 to vector<16xi32>
      %add3A_154 = arith.addi %bitcast3A_151, %add3A_153 : vector<16xi32>
      %shift_right_logical3A_155 = arith.constant 16 : i32
      %shift_right_logical3A_156 = vector.broadcast %shift_right_logical3A_155 : i32 to vector<16xi32>
      %shift_right_logical3A_157 = arith.shrui %bitcast3A_151, %shift_right_logical3A_156 : vector<16xi32>
      %and3A_158 = arith.constant 1 : i32
      %and3A_159 = vector.broadcast %and3A_158 : i32 to vector<16xi32>
      %and3A_160 = arith.andi %shift_right_logical3A_157, %and3A_159 : vector<16xi32>
      %add3A_161 = arith.addi %add3A_154, %and3A_160 : vector<16xi32>
      %and3A_162 = arith.constant -65536 : i32
      %and3A_163 = vector.broadcast %and3A_162 : i32 to vector<16xi32>
      %and3A_164 = arith.andi %add3A_161, %and3A_163 : vector<16xi32>
      %bitcast3A_165 = vector.bitcast %and3A_164 : vector<16xi32> to vector<16xf32>
      %scan3A_166 = arith.constant 0xFF800000 : f32
      %scan3A_167 = arith.constant 0 : i32
      %scan3A_168 = arith.constant 32 : i32
      %scan3A_169 = arith.addi %scan3A_167, %scan3A_168 : i32
      %scan3A_170 = arith.constant 1 : i32
      %scan3A_171 = scf.for %scan3A_230 = %scan3A_167 to %scan3A_169 step %scan3A_170 iter_args(%scan3A_231 = %scan3A_166) -> (f32)  : i32 {
        %mul3A_232 = arith.constant 256 : i32
        %mul3A_233 = arith.muli %scan3A_230, %mul3A_232 : i32
        %add3A_234 = arith.constant 0 : i32
        %add3A_235 = arith.addi %mul3A_233, %add3A_234 : i32
        %get3A_236 = arith.index_cast %add3A_235 : i32 to index
        %get3A_237 = tpu.vector_load %arg13[%get3A_236] {strides = array<i32>} : memref<8192xf32, #tpu.memory_space<vmem>>, vector<16xf32>,
        %get3A_238 = arith.index_cast %add3A_235 : i32 to index
        %get3A_239 = tpu.vector_load %arg14[%get3A_238] {strides = array<i32>} : memref<8192xf32, #tpu.memory_space<vmem>>, vector<16xf32>,
        %get3A_240 = arith.index_cast %add3A_235 : i32 to index
        %get3A_241 = tpu.vector_load %arg15[%get3A_240] {strides = array<i32>} : memref<8192xf32, #tpu.memory_space<vmem>>, vector<16xf32>,
        %mul3A_242 = arith.mulf %get3A_237, %bitcast3A_135 : vector<16xf32>
        %mul3A_243 = arith.mulf %get3A_239, %bitcast3A_150 : vector<16xf32>
        %add3A_244 = arith.addf %mul3A_242, %mul3A_243 : vector<16xf32>
        %mul3A_245 = arith.mulf %get3A_241, %bitcast3A_165 : vector<16xf32>
        %add3A_246 = arith.addf %add3A_244, %mul3A_245 : vector<16xf32>
        %get3A_247 = arith.index_cast %add3A_235 : i32 to index
        %get3A_248 = tpu.vector_load %arg16[%get3A_247] {strides = array<i32>} : memref<8192xf32, #tpu.memory_space<vmem>>, vector<16xf32>,
        %add3A_249 = arith.addf %add3A_122, %get3A_248 : vector<16xf32>
        %mul3A_250 = arith.constant 2.000000e+00 : f32
        %mul3A_251 = vector.broadcast %mul3A_250 : f32 to vector<16xf32>
        %mul3A_252 = arith.mulf %mul3A_251, %add3A_246 : vector<16xf32>
        %sub3A_253 = arith.subf %add3A_249, %mul3A_252 : vector<16xf32>
        %max3A = arith.constant 0.000000e+00 : f32
        %max3A_254 = vector.broadcast %max3A : f32 to vector<16xf32>
        %max3A_255 = arith.maximumf %sub3A_253, %max3A_254 : vector<16xf32>
        %swap3A_256 = arith.index_cast %add3A_235 : i32 to index
        %swap3A_257 = tpu.vector_load %arg21[%swap3A_256] {strides = array<i32>} : memref<8192xf32, #tpu.memory_space<vmem>>, vector<16xf32>,
        tpu.vector_store %arg21[%swap3A_256], %max3A_255 {strides = array<i32>} : memref<8192xf32, #tpu.memory_space<vmem>>, vector<16xf32>,
        %min3A = arith.minimumf %broadcast_in_dim3A_19, %max3A_255 : vector<16xf32>
        %mul3A_258 = arith.constant 256 : i32
        %mul3A_259 = arith.muli %scan3A_230, %mul3A_258 : i32
        %add3A_260 = arith.constant 16 : i32
        %add3A_261 = arith.addi %mul3A_259, %add3A_260 : i32
        %get3A_262 = arith.index_cast %add3A_261 : i32 to index
        %get3A_263 = tpu.vector_load %arg13[%get3A_262] {strides = array<i32>} : memref<8192xf32, #tpu.memory_space<vmem>>, vector<16xf32>,
        %get3A_264 = arith.index_cast %add3A_261 : i32 to index
        %get3A_265 = tpu.vector_load %arg14[%get3A_264] {strides = array<i32>} : memref<8192xf32, #tpu.memory_space<vmem>>, vector<16xf32>,
        %get3A_266 = arith.index_cast %add3A_261 : i32 to index
        %get3A_267 = tpu.vector_load %arg15[%get3A_266] {strides = array<i32>} : memref<8192xf32, #tpu.memory_space<vmem>>, vector<16xf32>,
        %mul3A_268 = arith.mulf %get3A_263, %bitcast3A_135 : vector<16xf32>
        %mul3A_269 = arith.mulf %get3A_265, %bitcast3A_150 : vector<16xf32>
        %add3A_270 = arith.addf %mul3A_268, %mul3A_269 : vector<16xf32>
        %mul3A_271 = arith.mulf %get3A_267, %bitcast3A_165 : vector<16xf32>
        %add3A_272 = arith.addf %add3A_270, %mul3A_271 : vector<16xf32>
        %get3A_273 = arith.index_cast %add3A_261 : i32 to index
        %get3A_274 = tpu.vector_load %arg16[%get3A_273] {strides = array<i32>} : memref<8192xf32, #tpu.memory_space<vmem>>, vector<16xf32>,
        %add3A_275 = arith.addf %add3A_122, %get3A_274 : vector<16xf32>
        %mul3A_276 = arith.constant 2.000000e+00 : f32
        %mul3A_277 = vector.broadcast %mul3A_276 : f32 to vector<16xf32>
        %mul3A_278 = arith.mulf %mul3A_277, %add3A_272 : vector<16xf32>
        %sub3A_279 = arith.subf %add3A_275, %mul3A_278 : vector<16xf32>
        %max3A_280 = arith.constant 0.000000e+00 : f32
        %max3A_281 = vector.broadcast %max3A_280 : f32 to vector<16xf32>
        %max3A_282 = arith.maximumf %sub3A_279, %max3A_281 : vector<16xf32>
        %swap3A_283 = arith.index_cast %add3A_261 : i32 to index
        %swap3A_284 = tpu.vector_load %arg21[%swap3A_283] {strides = array<i32>} : memref<8192xf32, #tpu.memory_space<vmem>>, vector<16xf32>,
        tpu.vector_store %arg21[%swap3A_283], %max3A_282 {strides = array<i32>} : memref<8192xf32, #tpu.memory_space<vmem>>, vector<16xf32>,
        %min3A_285 = arith.minimumf %min3A, %max3A_282 : vector<16xf32>
        %mul3A_286 = arith.constant 256 : i32
        %mul3A_287 = arith.muli %scan3A_230, %mul3A_286 : i32
        %add3A_288 = arith.constant 32 : i32
        %add3A_289 = arith.addi %mul3A_287, %add3A_288 : i32
        %get3A_290 = arith.index_cast %add3A_289 : i32 to index
        %get3A_291 = tpu.vector_load %arg13[%get3A_290] {strides = array<i32>} : memref<8192xf32, #tpu.memory_space<vmem>>, vector<16xf32>,
        %get3A_292 = arith.index_cast %add3A_289 : i32 to index
        %get3A_293 = tpu.vector_load %arg14[%get3A_292] {strides = array<i32>} : memref<8192xf32, #tpu.memory_space<vmem>>, vector<16xf32>,
        %get3A_294 = arith.index_cast %add3A_289 : i32 to index
        %get3A_295 = tpu.vector_load %arg15[%get3A_294] {strides = array<i32>} : memref<8192xf32, #tpu.memory_space<vmem>>, vector<16xf32>,
        %mul3A_296 = arith.mulf %get3A_291, %bitcast3A_135 : vector<16xf32>
        %mul3A_297 = arith.mulf %get3A_293, %bitcast3A_150 : vector<16xf32>
        %add3A_298 = arith.addf %mul3A_296, %mul3A_297 : vector<16xf32>
        %mul3A_299 = arith.mulf %get3A_295, %bitcast3A_165 : vector<16xf32>
        %add3A_300 = arith.addf %add3A_298, %mul3A_299 : vector<16xf32>
        %get3A_301 = arith.index_cast %add3A_289 : i32 to index
        %get3A_302 = tpu.vector_load %arg16[%get3A_301] {strides = array<i32>} : memref<8192xf32, #tpu.memory_space<vmem>>, vector<16xf32>,
        %add3A_303 = arith.addf %add3A_122, %get3A_302 : vector<16xf32>
        %mul3A_304 = arith.constant 2.000000e+00 : f32
        %mul3A_305 = vector.broadcast %mul3A_304 : f32 to vector<16xf32>
        %mul3A_306 = arith.mulf %mul3A_305, %add3A_300 : vector<16xf32>
        %sub3A_307 = arith.subf %add3A_303, %mul3A_306 : vector<16xf32>
        %max3A_308 = arith.constant 0.000000e+00 : f32
        %max3A_309 = vector.broadcast %max3A_308 : f32 to vector<16xf32>
        %max3A_310 = arith.maximumf %sub3A_307, %max3A_309 : vector<16xf32>
        %swap3A_311 = arith.index_cast %add3A_289 : i32 to index
        %swap3A_312 = tpu.vector_load %arg21[%swap3A_311] {strides = array<i32>} : memref<8192xf32, #tpu.memory_space<vmem>>, vector<16xf32>,
        tpu.vector_store %arg21[%swap3A_311], %max3A_310 {strides = array<i32>} : memref<8192xf32, #tpu.memory_space<vmem>>, vector<16xf32>,
        %min3A_313 = arith.minimumf %min3A_285, %max3A_310 : vector<16xf32>
        %mul3A_314 = arith.constant 256 : i32
        %mul3A_315 = arith.muli %scan3A_230, %mul3A_314 : i32
        %add3A_316 = arith.constant 48 : i32
        %add3A_317 = arith.addi %mul3A_315, %add3A_316 : i32
        %get3A_318 = arith.index_cast %add3A_317 : i32 to index
        %get3A_319 = tpu.vector_load %arg13[%get3A_318] {strides = array<i32>} : memref<8192xf32, #tpu.memory_space<vmem>>, vector<16xf32>,
        %get3A_320 = arith.index_cast %add3A_317 : i32 to index
        %get3A_321 = tpu.vector_load %arg14[%get3A_320] {strides = array<i32>} : memref<8192xf32, #tpu.memory_space<vmem>>, vector<16xf32>,
        %get3A_322 = arith.index_cast %add3A_317 : i32 to index
        %get3A_323 = tpu.vector_load %arg15[%get3A_322] {strides = array<i32>} : memref<8192xf32, #tpu.memory_space<vmem>>, vector<16xf32>,
        %mul3A_324 = arith.mulf %get3A_319, %bitcast3A_135 : vector<16xf32>
        %mul3A_325 = arith.mulf %get3A_321, %bitcast3A_150 : vector<16xf32>
        %add3A_326 = arith.addf %mul3A_324, %mul3A_325 : vector<16xf32>
        %mul3A_327 = arith.mulf %get3A_323, %bitcast3A_165 : vector<16xf32>
        %add3A_328 = arith.addf %add3A_326, %mul3A_327 : vector<16xf32>
        %get3A_329 = arith.index_cast %add3A_317 : i32 to index
        %get3A_330 = tpu.vector_load %arg16[%get3A_329] {strides = array<i32>} : memref<8192xf32, #tpu.memory_space<vmem>>, vector<16xf32>,
        %add3A_331 = arith.addf %add3A_122, %get3A_330 : vector<16xf32>
        %mul3A_332 = arith.constant 2.000000e+00 : f32
        %mul3A_333 = vector.broadcast %mul3A_332 : f32 to vector<16xf32>
        %mul3A_334 = arith.mulf %mul3A_333, %add3A_328 : vector<16xf32>
        %sub3A_335 = arith.subf %add3A_331, %mul3A_334 : vector<16xf32>
        %max3A_336 = arith.constant 0.000000e+00 : f32
        %max3A_337 = vector.broadcast %max3A_336 : f32 to vector<16xf32>
        %max3A_338 = arith.maximumf %sub3A_335, %max3A_337 : vector<16xf32>
        %swap3A_339 = arith.index_cast %add3A_317 : i32 to index
        %swap3A_340 = tpu.vector_load %arg21[%swap3A_339] {strides = array<i32>} : memref<8192xf32, #tpu.memory_space<vmem>>, vector<16xf32>,
        tpu.vector_store %arg21[%swap3A_339], %max3A_338 {strides = array<i32>} : memref<8192xf32, #tpu.memory_space<vmem>>, vector<16xf32>,
        %min3A_341 = arith.minimumf %min3A_313, %max3A_338 : vector<16xf32>
        %mul3A_342 = arith.constant 256 : i32
        %mul3A_343 = arith.muli %scan3A_230, %mul3A_342 : i32
        %add3A_344 = arith.constant 64 : i32
        %add3A_345 = arith.addi %mul3A_343, %add3A_344 : i32
        %get3A_346 = arith.index_cast %add3A_345 : i32 to index
        %get3A_347 = tpu.vector_load %arg13[%get3A_346] {strides = array<i32>} : memref<8192xf32, #tpu.memory_space<vmem>>, vector<16xf32>,
        %get3A_348 = arith.index_cast %add3A_345 : i32 to index
        %get3A_349 = tpu.vector_load %arg14[%get3A_348] {strides = array<i32>} : memref<8192xf32, #tpu.memory_space<vmem>>, vector<16xf32>,
        %get3A_350 = arith.index_cast %add3A_345 : i32 to index
        %get3A_351 = tpu.vector_load %arg15[%get3A_350] {strides = array<i32>} : memref<8192xf32, #tpu.memory_space<vmem>>, vector<16xf32>,
        %mul3A_352 = arith.mulf %get3A_347, %bitcast3A_135 : vector<16xf32>
        %mul3A_353 = arith.mulf %get3A_349, %bitcast3A_150 : vector<16xf32>
        %add3A_354 = arith.addf %mul3A_352, %mul3A_353 : vector<16xf32>
        %mul3A_355 = arith.mulf %get3A_351, %bitcast3A_165 : vector<16xf32>
        %add3A_356 = arith.addf %add3A_354, %mul3A_355 : vector<16xf32>
        %get3A_357 = arith.index_cast %add3A_345 : i32 to index
        %get3A_358 = tpu.vector_load %arg16[%get3A_357] {strides = array<i32>} : memref<8192xf32, #tpu.memory_space<vmem>>, vector<16xf32>,
        %add3A_359 = arith.addf %add3A_122, %get3A_358 : vector<16xf32>
        %mul3A_360 = arith.constant 2.000000e+00 : f32
        %mul3A_361 = vector.broadcast %mul3A_360 : f32 to vector<16xf32>
        %mul3A_362 = arith.mulf %mul3A_361, %add3A_356 : vector<16xf32>
        %sub3A_363 = arith.subf %add3A_359, %mul3A_362 : vector<16xf32>
        %max3A_364 = arith.constant 0.000000e+00 : f32
        %max3A_365 = vector.broadcast %max3A_364 : f32 to vector<16xf32>
        %max3A_366 = arith.maximumf %sub3A_363, %max3A_365 : vector<16xf32>
        %swap3A_367 = arith.index_cast %add3A_345 : i32 to index
        %swap3A_368 = tpu.vector_load %arg21[%swap3A_367] {strides = array<i32>} : memref<8192xf32, #tpu.memory_space<vmem>>, vector<16xf32>,
        tpu.vector_store %arg21[%swap3A_367], %max3A_366 {strides = array<i32>} : memref<8192xf32, #tpu.memory_space<vmem>>, vector<16xf32>,
        %min3A_369 = arith.minimumf %min3A_341, %max3A_366 : vector<16xf32>
        %mul3A_370 = arith.constant 256 : i32
        %mul3A_371 = arith.muli %scan3A_230, %mul3A_370 : i32
        %add3A_372 = arith.constant 80 : i32
        %add3A_373 = arith.addi %mul3A_371, %add3A_372 : i32
        %get3A_374 = arith.index_cast %add3A_373 : i32 to index
        %get3A_375 = tpu.vector_load %arg13[%get3A_374] {strides = array<i32>} : memref<8192xf32, #tpu.memory_space<vmem>>, vector<16xf32>,
        %get3A_376 = arith.index_cast %add3A_373 : i32 to index
        %get3A_377 = tpu.vector_load %arg14[%get3A_376] {strides = array<i32>} : memref<8192xf32, #tpu.memory_space<vmem>>, vector<16xf32>,
        %get3A_378 = arith.index_cast %add3A_373 : i32 to index
        %get3A_379 = tpu.vector_load %arg15[%get3A_378] {strides = array<i32>} : memref<8192xf32, #tpu.memory_space<vmem>>, vector<16xf32>,
        %mul3A_380 = arith.mulf %get3A_375, %bitcast3A_135 : vector<16xf32>
        %mul3A_381 = arith.mulf %get3A_377, %bitcast3A_150 : vector<16xf32>
        %add3A_382 = arith.addf %mul3A_380, %mul3A_381 : vector<16xf32>
        %mul3A_383 = arith.mulf %get3A_379, %bitcast3A_165 : vector<16xf32>
        %add3A_384 = arith.addf %add3A_382, %mul3A_383 : vector<16xf32>
        %get3A_385 = arith.index_cast %add3A_373 : i32 to index
        %get3A_386 = tpu.vector_load %arg16[%get3A_385] {strides = array<i32>} : memref<8192xf32, #tpu.memory_space<vmem>>, vector<16xf32>,
        %add3A_387 = arith.addf %add3A_122, %get3A_386 : vector<16xf32>
        %mul3A_388 = arith.constant 2.000000e+00 : f32
        %mul3A_389 = vector.broadcast %mul3A_388 : f32 to vector<16xf32>
        %mul3A_390 = arith.mulf %mul3A_389, %add3A_384 : vector<16xf32>
        %sub3A_391 = arith.subf %add3A_387, %mul3A_390 : vector<16xf32>
        %max3A_392 = arith.constant 0.000000e+00 : f32
        %max3A_393 = vector.broadcast %max3A_392 : f32 to vector<16xf32>
        %max3A_394 = arith.maximumf %sub3A_391, %max3A_393 : vector<16xf32>
        %swap3A_395 = arith.index_cast %add3A_373 : i32 to index
        %swap3A_396 = tpu.vector_load %arg21[%swap3A_395] {strides = array<i32>} : memref<8192xf32, #tpu.memory_space<vmem>>, vector<16xf32>,
        tpu.vector_store %arg21[%swap3A_395], %max3A_394 {strides = array<i32>} : memref<8192xf32, #tpu.memory_space<vmem>>, vector<16xf32>,
        %min3A_397 = arith.minimumf %min3A_369, %max3A_394 : vector<16xf32>
        %mul3A_398 = arith.constant 256 : i32
        %mul3A_399 = arith.muli %scan3A_230, %mul3A_398 : i32
        %add3A_400 = arith.constant 96 : i32
        %add3A_401 = arith.addi %mul3A_399, %add3A_400 : i32
        %get3A_402 = arith.index_cast %add3A_401 : i32 to index
        %get3A_403 = tpu.vector_load %arg13[%get3A_402] {strides = array<i32>} : memref<8192xf32, #tpu.memory_space<vmem>>, vector<16xf32>,
        %get3A_404 = arith.index_cast %add3A_401 : i32 to index
        %get3A_405 = tpu.vector_load %arg14[%get3A_404] {strides = array<i32>} : memref<8192xf32, #tpu.memory_space<vmem>>, vector<16xf32>,
        %get3A_406 = arith.index_cast %add3A_401 : i32 to index
        %get3A_407 = tpu.vector_load %arg15[%get3A_406] {strides = array<i32>} : memref<8192xf32, #tpu.memory_space<vmem>>, vector<16xf32>,
        %mul3A_408 = arith.mulf %get3A_403, %bitcast3A_135 : vector<16xf32>
        %mul3A_409 = arith.mulf %get3A_405, %bitcast3A_150 : vector<16xf32>
        %add3A_410 = arith.addf %mul3A_408, %mul3A_409 : vector<16xf32>
        %mul3A_411 = arith.mulf %get3A_407, %bitcast3A_165 : vector<16xf32>
        %add3A_412 = arith.addf %add3A_410, %mul3A_411 : vector<16xf32>
        %get3A_413 = arith.index_cast %add3A_401 : i32 to index
        %get3A_414 = tpu.vector_load %arg16[%get3A_413] {strides = array<i32>} : memref<8192xf32, #tpu.memory_space<vmem>>, vector<16xf32>,
        %add3A_415 = arith.addf %add3A_122, %get3A_414 : vector<16xf32>
        %mul3A_416 = arith.constant 2.000000e+00 : f32
        %mul3A_417 = vector.broadcast %mul3A_416 : f32 to vector<16xf32>
        %mul3A_418 = arith.mulf %mul3A_417, %add3A_412 : vector<16xf32>
        %sub3A_419 = arith.subf %add3A_415, %mul3A_418 : vector<16xf32>
        %max3A_420 = arith.constant 0.000000e+00 : f32
        %max3A_421 = vector.broadcast %max3A_420 : f32 to vector<16xf32>
        %max3A_422 = arith.maximumf %sub3A_419, %max3A_421 : vector<16xf32>
        %swap3A_423 = arith.index_cast %add3A_401 : i32 to index
        %swap3A_424 = tpu.vector_load %arg21[%swap3A_423] {strides = array<i32>} : memref<8192xf32, #tpu.memory_space<vmem>>, vector<16xf32>,
        tpu.vector_store %arg21[%swap3A_423], %max3A_422 {strides = array<i32>} : memref<8192xf32, #tpu.memory_space<vmem>>, vector<16xf32>,
        %min3A_425 = arith.minimumf %min3A_397, %max3A_422 : vector<16xf32>
        %mul3A_426 = arith.constant 256 : i32
        %mul3A_427 = arith.muli %scan3A_230, %mul3A_426 : i32
        %add3A_428 = arith.constant 112 : i32
        %add3A_429 = arith.addi %mul3A_427, %add3A_428 : i32
        %get3A_430 = arith.index_cast %add3A_429 : i32 to index
        %get3A_431 = tpu.vector_load %arg13[%get3A_430] {strides = array<i32>} : memref<8192xf32, #tpu.memory_space<vmem>>, vector<16xf32>,
        %get3A_432 = arith.index_cast %add3A_429 : i32 to index
        %get3A_433 = tpu.vector_load %arg14[%get3A_432] {strides = array<i32>} : memref<8192xf32, #tpu.memory_space<vmem>>, vector<16xf32>,
        %get3A_434 = arith.index_cast %add3A_429 : i32 to index
        %get3A_435 = tpu.vector_load %arg15[%get3A_434] {strides = array<i32>} : memref<8192xf32, #tpu.memory_space<vmem>>, vector<16xf32>,
        %mul3A_436 = arith.mulf %get3A_431, %bitcast3A_135 : vector<16xf32>
        %mul3A_437 = arith.mulf %get3A_433, %bitcast3A_150 : vector<16xf32>
        %add3A_438 = arith.addf %mul3A_436, %mul3A_437 : vector<16xf32>
        %mul3A_439 = arith.mulf %get3A_435, %bitcast3A_165 : vector<16xf32>
        %add3A_440 = arith.addf %add3A_438, %mul3A_439 : vector<16xf32>
        %get3A_441 = arith.index_cast %add3A_429 : i32 to index
        %get3A_442 = tpu.vector_load %arg16[%get3A_441] {strides = array<i32>} : memref<8192xf32, #tpu.memory_space<vmem>>, vector<16xf32>,
        %add3A_443 = arith.addf %add3A_122, %get3A_442 : vector<16xf32>
        %mul3A_444 = arith.constant 2.000000e+00 : f32
        %mul3A_445 = vector.broadcast %mul3A_444 : f32 to vector<16xf32>
        %mul3A_446 = arith.mulf %mul3A_445, %add3A_440 : vector<16xf32>
        %sub3A_447 = arith.subf %add3A_443, %mul3A_446 : vector<16xf32>
        %max3A_448 = arith.constant 0.000000e+00 : f32
        %max3A_449 = vector.broadcast %max3A_448 : f32 to vector<16xf32>
        %max3A_450 = arith.maximumf %sub3A_447, %max3A_449 : vector<16xf32>
        %swap3A_451 = arith.index_cast %add3A_429 : i32 to index
        %swap3A_452 = tpu.vector_load %arg21[%swap3A_451] {strides = array<i32>} : memref<8192xf32, #tpu.memory_space<vmem>>, vector<16xf32>,
        tpu.vector_store %arg21[%swap3A_451], %max3A_450 {strides = array<i32>} : memref<8192xf32, #tpu.memory_space<vmem>>, vector<16xf32>,
        %min3A_453 = arith.minimumf %min3A_425, %max3A_450 : vector<16xf32>
        %mul3A_454 = arith.constant 256 : i32
        %mul3A_455 = arith.muli %scan3A_230, %mul3A_454 : i32
        %add3A_456 = arith.constant 128 : i32
        %add3A_457 = arith.addi %mul3A_455, %add3A_456 : i32
        %get3A_458 = arith.index_cast %add3A_457 : i32 to index
        %get3A_459 = tpu.vector_load %arg13[%get3A_458] {strides = array<i32>} : memref<8192xf32, #tpu.memory_space<vmem>>, vector<16xf32>,
        %get3A_460 = arith.index_cast %add3A_457 : i32 to index
        %get3A_461 = tpu.vector_load %arg14[%get3A_460] {strides = array<i32>} : memref<8192xf32, #tpu.memory_space<vmem>>, vector<16xf32>,
        %get3A_462 = arith.index_cast %add3A_457 : i32 to index
        %get3A_463 = tpu.vector_load %arg15[%get3A_462] {strides = array<i32>} : memref<8192xf32, #tpu.memory_space<vmem>>, vector<16xf32>,
        %mul3A_464 = arith.mulf %get3A_459, %bitcast3A_135 : vector<16xf32>
        %mul3A_465 = arith.mulf %get3A_461, %bitcast3A_150 : vector<16xf32>
        %add3A_466 = arith.addf %mul3A_464, %mul3A_465 : vector<16xf32>
        %mul3A_467 = arith.mulf %get3A_463, %bitcast3A_165 : vector<16xf32>
        %add3A_468 = arith.addf %add3A_466, %mul3A_467 : vector<16xf32>
        %get3A_469 = arith.index_cast %add3A_457 : i32 to index
        %get3A_470 = tpu.vector_load %arg16[%get3A_469] {strides = array<i32>} : memref<8192xf32, #tpu.memory_space<vmem>>, vector<16xf32>,
        %add3A_471 = arith.addf %add3A_122, %get3A_470 : vector<16xf32>
        %mul3A_472 = arith.constant 2.000000e+00 : f32
        %mul3A_473 = vector.broadcast %mul3A_472 : f32 to vector<16xf32>
        %mul3A_474 = arith.mulf %mul3A_473, %add3A_468 : vector<16xf32>
        %sub3A_475 = arith.subf %add3A_471, %mul3A_474 : vector<16xf32>
        %max3A_476 = arith.constant 0.000000e+00 : f32
        %max3A_477 = vector.broadcast %max3A_476 : f32 to vector<16xf32>
        %max3A_478 = arith.maximumf %sub3A_475, %max3A_477 : vector<16xf32>
        %swap3A_479 = arith.index_cast %add3A_457 : i32 to index
        %swap3A_480 = tpu.vector_load %arg21[%swap3A_479] {strides = array<i32>} : memref<8192xf32, #tpu.memory_space<vmem>>, vector<16xf32>,
        tpu.vector_store %arg21[%swap3A_479], %max3A_478 {strides = array<i32>} : memref<8192xf32, #tpu.memory_space<vmem>>, vector<16xf32>,
        %min3A_481 = arith.minimumf %min3A_453, %max3A_478 : vector<16xf32>
        %mul3A_482 = arith.constant 256 : i32
        %mul3A_483 = arith.muli %scan3A_230, %mul3A_482 : i32
        %add3A_484 = arith.constant 144 : i32
        %add3A_485 = arith.addi %mul3A_483, %add3A_484 : i32
        %get3A_486 = arith.index_cast %add3A_485 : i32 to index
        %get3A_487 = tpu.vector_load %arg13[%get3A_486] {strides = array<i32>} : memref<8192xf32, #tpu.memory_space<vmem>>, vector<16xf32>,
        %get3A_488 = arith.index_cast %add3A_485 : i32 to index
        %get3A_489 = tpu.vector_load %arg14[%get3A_488] {strides = array<i32>} : memref<8192xf32, #tpu.memory_space<vmem>>, vector<16xf32>,
        %get3A_490 = arith.index_cast %add3A_485 : i32 to index
        %get3A_491 = tpu.vector_load %arg15[%get3A_490] {strides = array<i32>} : memref<8192xf32, #tpu.memory_space<vmem>>, vector<16xf32>,
        %mul3A_492 = arith.mulf %get3A_487, %bitcast3A_135 : vector<16xf32>
        %mul3A_493 = arith.mulf %get3A_489, %bitcast3A_150 : vector<16xf32>
        %add3A_494 = arith.addf %mul3A_492, %mul3A_493 : vector<16xf32>
        %mul3A_495 = arith.mulf %get3A_491, %bitcast3A_165 : vector<16xf32>
        %add3A_496 = arith.addf %add3A_494, %mul3A_495 : vector<16xf32>
        %get3A_497 = arith.index_cast %add3A_485 : i32 to index
        %get3A_498 = tpu.vector_load %arg16[%get3A_497] {strides = array<i32>} : memref<8192xf32, #tpu.memory_space<vmem>>, vector<16xf32>,
        %add3A_499 = arith.addf %add3A_122, %get3A_498 : vector<16xf32>
        %mul3A_500 = arith.constant 2.000000e+00 : f32
        %mul3A_501 = vector.broadcast %mul3A_500 : f32 to vector<16xf32>
        %mul3A_502 = arith.mulf %mul3A_501, %add3A_496 : vector<16xf32>
        %sub3A_503 = arith.subf %add3A_499, %mul3A_502 : vector<16xf32>
        %max3A_504 = arith.constant 0.000000e+00 : f32
        %max3A_505 = vector.broadcast %max3A_504 : f32 to vector<16xf32>
        %max3A_506 = arith.maximumf %sub3A_503, %max3A_505 : vector<16xf32>
        %swap3A_507 = arith.index_cast %add3A_485 : i32 to index
        %swap3A_508 = tpu.vector_load %arg21[%swap3A_507] {strides = array<i32>} : memref<8192xf32, #tpu.memory_space<vmem>>, vector<16xf32>,
        tpu.vector_store %arg21[%swap3A_507], %max3A_506 {strides = array<i32>} : memref<8192xf32, #tpu.memory_space<vmem>>, vector<16xf32>,
        %min3A_509 = arith.minimumf %min3A_481, %max3A_506 : vector<16xf32>
        %mul3A_510 = arith.constant 256 : i32
        %mul3A_511 = arith.muli %scan3A_230, %mul3A_510 : i32
        %add3A_512 = arith.constant 160 : i32
        %add3A_513 = arith.addi %mul3A_511, %add3A_512 : i32
        %get3A_514 = arith.index_cast %add3A_513 : i32 to index
        %get3A_515 = tpu.vector_load %arg13[%get3A_514] {strides = array<i32>} : memref<8192xf32, #tpu.memory_space<vmem>>, vector<16xf32>,
        %get3A_516 = arith.index_cast %add3A_513 : i32 to index
        %get3A_517 = tpu.vector_load %arg14[%get3A_516] {strides = array<i32>} : memref<8192xf32, #tpu.memory_space<vmem>>, vector<16xf32>,
        %get3A_518 = arith.index_cast %add3A_513 : i32 to index
        %get3A_519 = tpu.vector_load %arg15[%get3A_518] {strides = array<i32>} : memref<8192xf32, #tpu.memory_space<vmem>>, vector<16xf32>,
        %mul3A_520 = arith.mulf %get3A_515, %bitcast3A_135 : vector<16xf32>
        %mul3A_521 = arith.mulf %get3A_517, %bitcast3A_150 : vector<16xf32>
        %add3A_522 = arith.addf %mul3A_520, %mul3A_521 : vector<16xf32>
        %mul3A_523 = arith.mulf %get3A_519, %bitcast3A_165 : vector<16xf32>
        %add3A_524 = arith.addf %add3A_522, %mul3A_523 : vector<16xf32>
        %get3A_525 = arith.index_cast %add3A_513 : i32 to index
        %get3A_526 = tpu.vector_load %arg16[%get3A_525] {strides = array<i32>} : memref<8192xf32, #tpu.memory_space<vmem>>, vector<16xf32>,
        %add3A_527 = arith.addf %add3A_122, %get3A_526 : vector<16xf32>
        %mul3A_528 = arith.constant 2.000000e+00 : f32
        %mul3A_529 = vector.broadcast %mul3A_528 : f32 to vector<16xf32>
        %mul3A_530 = arith.mulf %mul3A_529, %add3A_524 : vector<16xf32>
        %sub3A_531 = arith.subf %add3A_527, %mul3A_530 : vector<16xf32>
        %max3A_532 = arith.constant 0.000000e+00 : f32
        %max3A_533 = vector.broadcast %max3A_532 : f32 to vector<16xf32>
        %max3A_534 = arith.maximumf %sub3A_531, %max3A_533 : vector<16xf32>
        %swap3A_535 = arith.index_cast %add3A_513 : i32 to index
        %swap3A_536 = tpu.vector_load %arg21[%swap3A_535] {strides = array<i32>} : memref<8192xf32, #tpu.memory_space<vmem>>, vector<16xf32>,
        tpu.vector_store %arg21[%swap3A_535], %max3A_534 {strides = array<i32>} : memref<8192xf32, #tpu.memory_space<vmem>>, vector<16xf32>,
        %min3A_537 = arith.minimumf %min3A_509, %max3A_534 : vector<16xf32>
        %mul3A_538 = arith.constant 256 : i32
        %mul3A_539 = arith.muli %scan3A_230, %mul3A_538 : i32
        %add3A_540 = arith.constant 176 : i32
        %add3A_541 = arith.addi %mul3A_539, %add3A_540 : i32
        %get3A_542 = arith.index_cast %add3A_541 : i32 to index
        %get3A_543 = tpu.vector_load %arg13[%get3A_542] {strides = array<i32>} : memref<8192xf32, #tpu.memory_space<vmem>>, vector<16xf32>,
        %get3A_544 = arith.index_cast %add3A_541 : i32 to index
        %get3A_545 = tpu.vector_load %arg14[%get3A_544] {strides = array<i32>} : memref<8192xf32, #tpu.memory_space<vmem>>, vector<16xf32>,
        %get3A_546 = arith.index_cast %add3A_541 : i32 to index
        %get3A_547 = tpu.vector_load %arg15[%get3A_546] {strides = array<i32>} : memref<8192xf32, #tpu.memory_space<vmem>>, vector<16xf32>,
        %mul3A_548 = arith.mulf %get3A_543, %bitcast3A_135 : vector<16xf32>
        %mul3A_549 = arith.mulf %get3A_545, %bitcast3A_150 : vector<16xf32>
        %add3A_550 = arith.addf %mul3A_548, %mul3A_549 : vector<16xf32>
        %mul3A_551 = arith.mulf %get3A_547, %bitcast3A_165 : vector<16xf32>
        %add3A_552 = arith.addf %add3A_550, %mul3A_551 : vector<16xf32>
        %get3A_553 = arith.index_cast %add3A_541 : i32 to index
        %get3A_554 = tpu.vector_load %arg16[%get3A_553] {strides = array<i32>} : memref<8192xf32, #tpu.memory_space<vmem>>, vector<16xf32>,
        %add3A_555 = arith.addf %add3A_122, %get3A_554 : vector<16xf32>
        %mul3A_556 = arith.constant 2.000000e+00 : f32
        %mul3A_557 = vector.broadcast %mul3A_556 : f32 to vector<16xf32>
        %mul3A_558 = arith.mulf %mul3A_557, %add3A_552 : vector<16xf32>
        %sub3A_559 = arith.subf %add3A_555, %mul3A_558 : vector<16xf32>
        %max3A_560 = arith.constant 0.000000e+00 : f32
        %max3A_561 = vector.broadcast %max3A_560 : f32 to vector<16xf32>
        %max3A_562 = arith.maximumf %sub3A_559, %max3A_561 : vector<16xf32>
        %swap3A_563 = arith.index_cast %add3A_541 : i32 to index
        %swap3A_564 = tpu.vector_load %arg21[%swap3A_563] {strides = array<i32>} : memref<8192xf32, #tpu.memory_space<vmem>>, vector<16xf32>,
        tpu.vector_store %arg21[%swap3A_563], %max3A_562 {strides = array<i32>} : memref<8192xf32, #tpu.memory_space<vmem>>, vector<16xf32>,
        %min3A_565 = arith.minimumf %min3A_537, %max3A_562 : vector<16xf32>
        %mul3A_566 = arith.constant 256 : i32
        %mul3A_567 = arith.muli %scan3A_230, %mul3A_566 : i32
        %add3A_568 = arith.constant 192 : i32
        %add3A_569 = arith.addi %mul3A_567, %add3A_568 : i32
        %get3A_570 = arith.index_cast %add3A_569 : i32 to index
        %get3A_571 = tpu.vector_load %arg13[%get3A_570] {strides = array<i32>} : memref<8192xf32, #tpu.memory_space<vmem>>, vector<16xf32>,
        %get3A_572 = arith.index_cast %add3A_569 : i32 to index
        %get3A_573 = tpu.vector_load %arg14[%get3A_572] {strides = array<i32>} : memref<8192xf32, #tpu.memory_space<vmem>>, vector<16xf32>,
        %get3A_574 = arith.index_cast %add3A_569 : i32 to index
        %get3A_575 = tpu.vector_load %arg15[%get3A_574] {strides = array<i32>} : memref<8192xf32, #tpu.memory_space<vmem>>, vector<16xf32>,
        %mul3A_576 = arith.mulf %get3A_571, %bitcast3A_135 : vector<16xf32>
        %mul3A_577 = arith.mulf %get3A_573, %bitcast3A_150 : vector<16xf32>
        %add3A_578 = arith.addf %mul3A_576, %mul3A_577 : vector<16xf32>
        %mul3A_579 = arith.mulf %get3A_575, %bitcast3A_165 : vector<16xf32>
        %add3A_580 = arith.addf %add3A_578, %mul3A_579 : vector<16xf32>
        %get3A_581 = arith.index_cast %add3A_569 : i32 to index
        %get3A_582 = tpu.vector_load %arg16[%get3A_581] {strides = array<i32>} : memref<8192xf32, #tpu.memory_space<vmem>>, vector<16xf32>,
        %add3A_583 = arith.addf %add3A_122, %get3A_582 : vector<16xf32>
        %mul3A_584 = arith.constant 2.000000e+00 : f32
        %mul3A_585 = vector.broadcast %mul3A_584 : f32 to vector<16xf32>
        %mul3A_586 = arith.mulf %mul3A_585, %add3A_580 : vector<16xf32>
        %sub3A_587 = arith.subf %add3A_583, %mul3A_586 : vector<16xf32>
        %max3A_588 = arith.constant 0.000000e+00 : f32
        %max3A_589 = vector.broadcast %max3A_588 : f32 to vector<16xf32>
        %max3A_590 = arith.maximumf %sub3A_587, %max3A_589 : vector<16xf32>
        %swap3A_591 = arith.index_cast %add3A_569 : i32 to index
        %swap3A_592 = tpu.vector_load %arg21[%swap3A_591] {strides = array<i32>} : memref<8192xf32, #tpu.memory_space<vmem>>, vector<16xf32>,
        tpu.vector_store %arg21[%swap3A_591], %max3A_590 {strides = array<i32>} : memref<8192xf32, #tpu.memory_space<vmem>>, vector<16xf32>,
        %min3A_593 = arith.minimumf %min3A_565, %max3A_590 : vector<16xf32>
        %mul3A_594 = arith.constant 256 : i32
        %mul3A_595 = arith.muli %scan3A_230, %mul3A_594 : i32
        %add3A_596 = arith.constant 208 : i32
        %add3A_597 = arith.addi %mul3A_595, %add3A_596 : i32
        %get3A_598 = arith.index_cast %add3A_597 : i32 to index
        %get3A_599 = tpu.vector_load %arg13[%get3A_598] {strides = array<i32>} : memref<8192xf32, #tpu.memory_space<vmem>>, vector<16xf32>,
        %get3A_600 = arith.index_cast %add3A_597 : i32 to index
        %get3A_601 = tpu.vector_load %arg14[%get3A_600] {strides = array<i32>} : memref<8192xf32, #tpu.memory_space<vmem>>, vector<16xf32>,
        %get3A_602 = arith.index_cast %add3A_597 : i32 to index
        %get3A_603 = tpu.vector_load %arg15[%get3A_602] {strides = array<i32>} : memref<8192xf32, #tpu.memory_space<vmem>>, vector<16xf32>,
        %mul3A_604 = arith.mulf %get3A_599, %bitcast3A_135 : vector<16xf32>
        %mul3A_605 = arith.mulf %get3A_601, %bitcast3A_150 : vector<16xf32>
        %add3A_606 = arith.addf %mul3A_604, %mul3A_605 : vector<16xf32>
        %mul3A_607 = arith.mulf %get3A_603, %bitcast3A_165 : vector<16xf32>
        %add3A_608 = arith.addf %add3A_606, %mul3A_607 : vector<16xf32>
        %get3A_609 = arith.index_cast %add3A_597 : i32 to index
        %get3A_610 = tpu.vector_load %arg16[%get3A_609] {strides = array<i32>} : memref<8192xf32, #tpu.memory_space<vmem>>, vector<16xf32>,
        %add3A_611 = arith.addf %add3A_122, %get3A_610 : vector<16xf32>
        %mul3A_612 = arith.constant 2.000000e+00 : f32
        %mul3A_613 = vector.broadcast %mul3A_612 : f32 to vector<16xf32>
        %mul3A_614 = arith.mulf %mul3A_613, %add3A_608 : vector<16xf32>
        %sub3A_615 = arith.subf %add3A_611, %mul3A_614 : vector<16xf32>
        %max3A_616 = arith.constant 0.000000e+00 : f32
        %max3A_617 = vector.broadcast %max3A_616 : f32 to vector<16xf32>
        %max3A_618 = arith.maximumf %sub3A_615, %max3A_617 : vector<16xf32>
        %swap3A_619 = arith.index_cast %add3A_597 : i32 to index
        %swap3A_620 = tpu.vector_load %arg21[%swap3A_619] {strides = array<i32>} : memref<8192xf32, #tpu.memory_space<vmem>>, vector<16xf32>,
        tpu.vector_store %arg21[%swap3A_619], %max3A_618 {strides = array<i32>} : memref<8192xf32, #tpu.memory_space<vmem>>, vector<16xf32>,
        %min3A_621 = arith.minimumf %min3A_593, %max3A_618 : vector<16xf32>
        %mul3A_622 = arith.constant 256 : i32
        %mul3A_623 = arith.muli %scan3A_230, %mul3A_622 : i32
        %add3A_624 = arith.constant 224 : i32
        %add3A_625 = arith.addi %mul3A_623, %add3A_624 : i32
        %get3A_626 = arith.index_cast %add3A_625 : i32 to index
        %get3A_627 = tpu.vector_load %arg13[%get3A_626] {strides = array<i32>} : memref<8192xf32, #tpu.memory_space<vmem>>, vector<16xf32>,
        %get3A_628 = arith.index_cast %add3A_625 : i32 to index
        %get3A_629 = tpu.vector_load %arg14[%get3A_628] {strides = array<i32>} : memref<8192xf32, #tpu.memory_space<vmem>>, vector<16xf32>,
        %get3A_630 = arith.index_cast %add3A_625 : i32 to index
        %get3A_631 = tpu.vector_load %arg15[%get3A_630] {strides = array<i32>} : memref<8192xf32, #tpu.memory_space<vmem>>, vector<16xf32>,
        %mul3A_632 = arith.mulf %get3A_627, %bitcast3A_135 : vector<16xf32>
        %mul3A_633 = arith.mulf %get3A_629, %bitcast3A_150 : vector<16xf32>
        %add3A_634 = arith.addf %mul3A_632, %mul3A_633 : vector<16xf32>
        %mul3A_635 = arith.mulf %get3A_631, %bitcast3A_165 : vector<16xf32>
        %add3A_636 = arith.addf %add3A_634, %mul3A_635 : vector<16xf32>
        %get3A_637 = arith.index_cast %add3A_625 : i32 to index
        %get3A_638 = tpu.vector_load %arg16[%get3A_637] {strides = array<i32>} : memref<8192xf32, #tpu.memory_space<vmem>>, vector<16xf32>,
        %add3A_639 = arith.addf %add3A_122, %get3A_638 : vector<16xf32>
        %mul3A_640 = arith.constant 2.000000e+00 : f32
        %mul3A_641 = vector.broadcast %mul3A_640 : f32 to vector<16xf32>
        %mul3A_642 = arith.mulf %mul3A_641, %add3A_636 : vector<16xf32>
        %sub3A_643 = arith.subf %add3A_639, %mul3A_642 : vector<16xf32>
        %max3A_644 = arith.constant 0.000000e+00 : f32
        %max3A_645 = vector.broadcast %max3A_644 : f32 to vector<16xf32>
        %max3A_646 = arith.maximumf %sub3A_643, %max3A_645 : vector<16xf32>
        %swap3A_647 = arith.index_cast %add3A_625 : i32 to index
        %swap3A_648 = tpu.vector_load %arg21[%swap3A_647] {strides = array<i32>} : memref<8192xf32, #tpu.memory_space<vmem>>, vector<16xf32>,
        tpu.vector_store %arg21[%swap3A_647], %max3A_646 {strides = array<i32>} : memref<8192xf32, #tpu.memory_space<vmem>>, vector<16xf32>,
        %min3A_649 = arith.minimumf %min3A_621, %max3A_646 : vector<16xf32>
        %mul3A_650 = arith.constant 256 : i32
        %mul3A_651 = arith.muli %scan3A_230, %mul3A_650 : i32
        %add3A_652 = arith.constant 240 : i32
        %add3A_653 = arith.addi %mul3A_651, %add3A_652 : i32
        %get3A_654 = arith.index_cast %add3A_653 : i32 to index
        %get3A_655 = tpu.vector_load %arg13[%get3A_654] {strides = array<i32>} : memref<8192xf32, #tpu.memory_space<vmem>>, vector<16xf32>,
        %get3A_656 = arith.index_cast %add3A_653 : i32 to index
        %get3A_657 = tpu.vector_load %arg14[%get3A_656] {strides = array<i32>} : memref<8192xf32, #tpu.memory_space<vmem>>, vector<16xf32>,
        %get3A_658 = arith.index_cast %add3A_653 : i32 to index
        %get3A_659 = tpu.vector_load %arg15[%get3A_658] {strides = array<i32>} : memref<8192xf32, #tpu.memory_space<vmem>>, vector<16xf32>,
        %mul3A_660 = arith.mulf %get3A_655, %bitcast3A_135 : vector<16xf32>
        %mul3A_661 = arith.mulf %get3A_657, %bitcast3A_150 : vector<16xf32>
        %add3A_662 = arith.addf %mul3A_660, %mul3A_661 : vector<16xf32>
        %mul3A_663 = arith.mulf %get3A_659, %bitcast3A_165 : vector<16xf32>
        %add3A_664 = arith.addf %add3A_662, %mul3A_663 : vector<16xf32>
        %get3A_665 = arith.index_cast %add3A_653 : i32 to index
        %get3A_666 = tpu.vector_load %arg16[%get3A_665] {strides = array<i32>} : memref<8192xf32, #tpu.memory_space<vmem>>, vector<16xf32>,
        %add3A_667 = arith.addf %add3A_122, %get3A_666 : vector<16xf32>
        %mul3A_668 = arith.constant 2.000000e+00 : f32
        %mul3A_669 = vector.broadcast %mul3A_668 : f32 to vector<16xf32>
        %mul3A_670 = arith.mulf %mul3A_669, %add3A_664 : vector<16xf32>
        %sub3A_671 = arith.subf %add3A_667, %mul3A_670 : vector<16xf32>
        %max3A_672 = arith.constant 0.000000e+00 : f32
        %max3A_673 = vector.broadcast %max3A_672 : f32 to vector<16xf32>
        %max3A_674 = arith.maximumf %sub3A_671, %max3A_673 : vector<16xf32>
        %swap3A_675 = arith.index_cast %add3A_653 : i32 to index
        %swap3A_676 = tpu.vector_load %arg21[%swap3A_675] {strides = array<i32>} : memref<8192xf32, #tpu.memory_space<vmem>>, vector<16xf32>,
        tpu.vector_store %arg21[%swap3A_675], %max3A_674 {strides = array<i32>} : memref<8192xf32, #tpu.memory_space<vmem>>, vector<16xf32>,
        %min3A_677 = arith.minimumf %min3A_649, %max3A_674 : vector<16xf32>
        %reduce_min3A = arith.constant true
        %reduce_min3A_678 = vector.broadcast %reduce_min3A : i1 to vector<16xi1>
        %reduce_min3A_679 = tpu.scan <min>, %min3A_677 masked %reduce_min3A_678 : vector<16xf32>, vector<16xi1> -> vector<16xf32>
        %reduce_min3A_680 = vector.extract %reduce_min3A_679[15] : f32 from vector<16xf32>
        %max3A_681 = arith.maximumf %scan3A_231, %reduce_min3A_680 : f32
        scf.yield %max3A_681 : f32
      }
      %scan3A_172 = arith.constant 32 : i32
      %broadcast_in_dim3A_173 = arith.constant 0 : i32
      %broadcast_in_dim3A_174 = vector.broadcast %broadcast_in_dim3A_173 : i32 to vector<16xi32>
      %scan3A_175 = arith.constant 0 : i32
      %scan3A_176 = arith.constant 32 : i32
      %scan3A_177 = arith.addi %scan3A_175, %scan3A_176 : i32
      %scan3A_178 = arith.constant 1 : i32
      %scan3A_179 = scf.for %scan3A_230 = %scan3A_175 to %scan3A_177 step %scan3A_178 iter_args(%scan3A_231 = %broadcast_in_dim3A_174) -> (vector<16xi32>)  : i32 {
        %mul3A_232 = arith.constant 256 : i32
        %mul3A_233 = arith.muli %scan3A_230, %mul3A_232 : i32
        %add3A_234 = arith.constant 0 : i32
        %add3A_235 = arith.addi %mul3A_233, %add3A_234 : i32
        %get3A_236 = arith.index_cast %add3A_235 : i32 to index
        %get3A_237 = tpu.vector_load %arg21[%get3A_236] {strides = array<i32>} : memref<8192xf32, #tpu.memory_space<vmem>>, vector<16xf32>,
        %le3A = vector.broadcast %scan3A_171 : f32 to vector<16xf32>
        %le3A_238 = arith.cmpf ole, %get3A_237, %le3A : vector<16xf32>
        %convert_element_type3A = arith.extui %le3A_238 : vector<16xi1> to vector<16xi32>
        %broadcast_in_dim3A_239 = arith.constant true
        %broadcast_in_dim3A_240 = vector.broadcast %broadcast_in_dim3A_239 : i1 to vector<16xi1>
        %masked_cumsum3A = tpu.scan <sum>, %convert_element_type3A masked %broadcast_in_dim3A_240 : vector<16xi32>, vector<16xi1> -> vector<16xi32>
        %add3A_241 = arith.addi %scan3A_231, %masked_cumsum3A : vector<16xi32>
        %sub3A_242 = arith.subi %add3A_241, %convert_element_type3A : vector<16xi32>
        %add3A_243 = vector.broadcast %add3A_235 : i32 to vector<16xi32>
        %add3A_244 = arith.addi %add3A_243, %iota3A : vector<16xi32>
        tpu.vector_store_idx %arg23[%sub3A_242], %add3A_244 masked %le3A_238 : memref<8208xi32, #tpu.memory_space<vmem>>[vector<16xi32>], vector<16xi32>, vector<16xi1>
        tpu.vector_store_idx %arg22[%sub3A_242], %get3A_237 masked %le3A_238 : memref<8208xf32, #tpu.memory_space<vmem>>[vector<16xi32>], vector<16xf32>, vector<16xi1>
        %all_reduce_population_count3A = tpu.all_reduce %le3A_238 {dim = 0 : i64, kind = #tpu.reduction_kind<sum>} : vector<16xi1> -> vector<16xi32>
        %add3A_245 = arith.addi %scan3A_231, %all_reduce_population_count3A : vector<16xi32>
        %mul3A_246 = arith.constant 256 : i32
        %mul3A_247 = arith.muli %scan3A_230, %mul3A_246 : i32
        %add3A_248 = arith.constant 16 : i32
        %add3A_249 = arith.addi %mul3A_247, %add3A_248 : i32
        %get3A_250 = arith.index_cast %add3A_249 : i32 to index
        %get3A_251 = tpu.vector_load %arg21[%get3A_250] {strides = array<i32>} : memref<8192xf32, #tpu.memory_space<vmem>>, vector<16xf32>,
        %le3A_252 = vector.broadcast %scan3A_171 : f32 to vector<16xf32>
        %le3A_253 = arith.cmpf ole, %get3A_251, %le3A_252 : vector<16xf32>
        %convert_element_type3A_254 = arith.extui %le3A_253 : vector<16xi1> to vector<16xi32>
        %broadcast_in_dim3A_255 = arith.constant true
        %broadcast_in_dim3A_256 = vector.broadcast %broadcast_in_dim3A_255 : i1 to vector<16xi1>
        %masked_cumsum3A_257 = tpu.scan <sum>, %convert_element_type3A_254 masked %broadcast_in_dim3A_256 : vector<16xi32>, vector<16xi1> -> vector<16xi32>
        %add3A_258 = arith.addi %add3A_245, %masked_cumsum3A_257 : vector<16xi32>
        %sub3A_259 = arith.subi %add3A_258, %convert_element_type3A_254 : vector<16xi32>
        %add3A_260 = vector.broadcast %add3A_249 : i32 to vector<16xi32>
        %add3A_261 = arith.addi %add3A_260, %iota3A : vector<16xi32>
        tpu.vector_store_idx %arg23[%sub3A_259], %add3A_261 masked %le3A_253 : memref<8208xi32, #tpu.memory_space<vmem>>[vector<16xi32>], vector<16xi32>, vector<16xi1>
        tpu.vector_store_idx %arg22[%sub3A_259], %get3A_251 masked %le3A_253 : memref<8208xf32, #tpu.memory_space<vmem>>[vector<16xi32>], vector<16xf32>, vector<16xi1>
        %all_reduce_population_count3A_262 = tpu.all_reduce %le3A_253 {dim = 0 : i64, kind = #tpu.reduction_kind<sum>} : vector<16xi1> -> vector<16xi32>
        %add3A_263 = arith.addi %add3A_245, %all_reduce_population_count3A_262 : vector<16xi32>
        %mul3A_264 = arith.constant 256 : i32
        %mul3A_265 = arith.muli %scan3A_230, %mul3A_264 : i32
        %add3A_266 = arith.constant 32 : i32
        %add3A_267 = arith.addi %mul3A_265, %add3A_266 : i32
        %get3A_268 = arith.index_cast %add3A_267 : i32 to index
        %get3A_269 = tpu.vector_load %arg21[%get3A_268] {strides = array<i32>} : memref<8192xf32, #tpu.memory_space<vmem>>, vector<16xf32>,
        %le3A_270 = vector.broadcast %scan3A_171 : f32 to vector<16xf32>
        %le3A_271 = arith.cmpf ole, %get3A_269, %le3A_270 : vector<16xf32>
        %convert_element_type3A_272 = arith.extui %le3A_271 : vector<16xi1> to vector<16xi32>
        %broadcast_in_dim3A_273 = arith.constant true
        %broadcast_in_dim3A_274 = vector.broadcast %broadcast_in_dim3A_273 : i1 to vector<16xi1>
        %masked_cumsum3A_275 = tpu.scan <sum>, %convert_element_type3A_272 masked %broadcast_in_dim3A_274 : vector<16xi32>, vector<16xi1> -> vector<16xi32>
        %add3A_276 = arith.addi %add3A_263, %masked_cumsum3A_275 : vector<16xi32>
        %sub3A_277 = arith.subi %add3A_276, %convert_element_type3A_272 : vector<16xi32>
        %add3A_278 = vector.broadcast %add3A_267 : i32 to vector<16xi32>
        %add3A_279 = arith.addi %add3A_278, %iota3A : vector<16xi32>
        tpu.vector_store_idx %arg23[%sub3A_277], %add3A_279 masked %le3A_271 : memref<8208xi32, #tpu.memory_space<vmem>>[vector<16xi32>], vector<16xi32>, vector<16xi1>
        tpu.vector_store_idx %arg22[%sub3A_277], %get3A_269 masked %le3A_271 : memref<8208xf32, #tpu.memory_space<vmem>>[vector<16xi32>], vector<16xf32>, vector<16xi1>
        %all_reduce_population_count3A_280 = tpu.all_reduce %le3A_271 {dim = 0 : i64, kind = #tpu.reduction_kind<sum>} : vector<16xi1> -> vector<16xi32>
        %add3A_281 = arith.addi %add3A_263, %all_reduce_population_count3A_280 : vector<16xi32>
        %mul3A_282 = arith.constant 256 : i32
        %mul3A_283 = arith.muli %scan3A_230, %mul3A_282 : i32
        %add3A_284 = arith.constant 48 : i32
        %add3A_285 = arith.addi %mul3A_283, %add3A_284 : i32
        %get3A_286 = arith.index_cast %add3A_285 : i32 to index
        %get3A_287 = tpu.vector_load %arg21[%get3A_286] {strides = array<i32>} : memref<8192xf32, #tpu.memory_space<vmem>>, vector<16xf32>,
        %le3A_288 = vector.broadcast %scan3A_171 : f32 to vector<16xf32>
        %le3A_289 = arith.cmpf ole, %get3A_287, %le3A_288 : vector<16xf32>
        %convert_element_type3A_290 = arith.extui %le3A_289 : vector<16xi1> to vector<16xi32>
        %broadcast_in_dim3A_291 = arith.constant true
        %broadcast_in_dim3A_292 = vector.broadcast %broadcast_in_dim3A_291 : i1 to vector<16xi1>
        %masked_cumsum3A_293 = tpu.scan <sum>, %convert_element_type3A_290 masked %broadcast_in_dim3A_292 : vector<16xi32>, vector<16xi1> -> vector<16xi32>
        %add3A_294 = arith.addi %add3A_281, %masked_cumsum3A_293 : vector<16xi32>
        %sub3A_295 = arith.subi %add3A_294, %convert_element_type3A_290 : vector<16xi32>
        %add3A_296 = vector.broadcast %add3A_285 : i32 to vector<16xi32>
        %add3A_297 = arith.addi %add3A_296, %iota3A : vector<16xi32>
        tpu.vector_store_idx %arg23[%sub3A_295], %add3A_297 masked %le3A_289 : memref<8208xi32, #tpu.memory_space<vmem>>[vector<16xi32>], vector<16xi32>, vector<16xi1>
        tpu.vector_store_idx %arg22[%sub3A_295], %get3A_287 masked %le3A_289 : memref<8208xf32, #tpu.memory_space<vmem>>[vector<16xi32>], vector<16xf32>, vector<16xi1>
        %all_reduce_population_count3A_298 = tpu.all_reduce %le3A_289 {dim = 0 : i64, kind = #tpu.reduction_kind<sum>} : vector<16xi1> -> vector<16xi32>
        %add3A_299 = arith.addi %add3A_281, %all_reduce_population_count3A_298 : vector<16xi32>
        %mul3A_300 = arith.constant 256 : i32
        %mul3A_301 = arith.muli %scan3A_230, %mul3A_300 : i32
        %add3A_302 = arith.constant 64 : i32
        %add3A_303 = arith.addi %mul3A_301, %add3A_302 : i32
        %get3A_304 = arith.index_cast %add3A_303 : i32 to index
        %get3A_305 = tpu.vector_load %arg21[%get3A_304] {strides = array<i32>} : memref<8192xf32, #tpu.memory_space<vmem>>, vector<16xf32>,
        %le3A_306 = vector.broadcast %scan3A_171 : f32 to vector<16xf32>
        %le3A_307 = arith.cmpf ole, %get3A_305, %le3A_306 : vector<16xf32>
        %convert_element_type3A_308 = arith.extui %le3A_307 : vector<16xi1> to vector<16xi32>
        %broadcast_in_dim3A_309 = arith.constant true
        %broadcast_in_dim3A_310 = vector.broadcast %broadcast_in_dim3A_309 : i1 to vector<16xi1>
        %masked_cumsum3A_311 = tpu.scan <sum>, %convert_element_type3A_308 masked %broadcast_in_dim3A_310 : vector<16xi32>, vector<16xi1> -> vector<16xi32>
        %add3A_312 = arith.addi %add3A_299, %masked_cumsum3A_311 : vector<16xi32>
        %sub3A_313 = arith.subi %add3A_312, %convert_element_type3A_308 : vector<16xi32>
        %add3A_314 = vector.broadcast %add3A_303 : i32 to vector<16xi32>
        %add3A_315 = arith.addi %add3A_314, %iota3A : vector<16xi32>
        tpu.vector_store_idx %arg23[%sub3A_313], %add3A_315 masked %le3A_307 : memref<8208xi32, #tpu.memory_space<vmem>>[vector<16xi32>], vector<16xi32>, vector<16xi1>
        tpu.vector_store_idx %arg22[%sub3A_313], %get3A_305 masked %le3A_307 : memref<8208xf32, #tpu.memory_space<vmem>>[vector<16xi32>], vector<16xf32>, vector<16xi1>
        %all_reduce_population_count3A_316 = tpu.all_reduce %le3A_307 {dim = 0 : i64, kind = #tpu.reduction_kind<sum>} : vector<16xi1> -> vector<16xi32>
        %add3A_317 = arith.addi %add3A_299, %all_reduce_population_count3A_316 : vector<16xi32>
        %mul3A_318 = arith.constant 256 : i32
        %mul3A_319 = arith.muli %scan3A_230, %mul3A_318 : i32
        %add3A_320 = arith.constant 80 : i32
        %add3A_321 = arith.addi %mul3A_319, %add3A_320 : i32
        %get3A_322 = arith.index_cast %add3A_321 : i32 to index
        %get3A_323 = tpu.vector_load %arg21[%get3A_322] {strides = array<i32>} : memref<8192xf32, #tpu.memory_space<vmem>>, vector<16xf32>,
        %le3A_324 = vector.broadcast %scan3A_171 : f32 to vector<16xf32>
        %le3A_325 = arith.cmpf ole, %get3A_323, %le3A_324 : vector<16xf32>
        %convert_element_type3A_326 = arith.extui %le3A_325 : vector<16xi1> to vector<16xi32>
        %broadcast_in_dim3A_327 = arith.constant true
        %broadcast_in_dim3A_328 = vector.broadcast %broadcast_in_dim3A_327 : i1 to vector<16xi1>
        %masked_cumsum3A_329 = tpu.scan <sum>, %convert_element_type3A_326 masked %broadcast_in_dim3A_328 : vector<16xi32>, vector<16xi1> -> vector<16xi32>
        %add3A_330 = arith.addi %add3A_317, %masked_cumsum3A_329 : vector<16xi32>
        %sub3A_331 = arith.subi %add3A_330, %convert_element_type3A_326 : vector<16xi32>
        %add3A_332 = vector.broadcast %add3A_321 : i32 to vector<16xi32>
        %add3A_333 = arith.addi %add3A_332, %iota3A : vector<16xi32>
        tpu.vector_store_idx %arg23[%sub3A_331], %add3A_333 masked %le3A_325 : memref<8208xi32, #tpu.memory_space<vmem>>[vector<16xi32>], vector<16xi32>, vector<16xi1>
        tpu.vector_store_idx %arg22[%sub3A_331], %get3A_323 masked %le3A_325 : memref<8208xf32, #tpu.memory_space<vmem>>[vector<16xi32>], vector<16xf32>, vector<16xi1>
        %all_reduce_population_count3A_334 = tpu.all_reduce %le3A_325 {dim = 0 : i64, kind = #tpu.reduction_kind<sum>} : vector<16xi1> -> vector<16xi32>
        %add3A_335 = arith.addi %add3A_317, %all_reduce_population_count3A_334 : vector<16xi32>
        %mul3A_336 = arith.constant 256 : i32
        %mul3A_337 = arith.muli %scan3A_230, %mul3A_336 : i32
        %add3A_338 = arith.constant 96 : i32
        %add3A_339 = arith.addi %mul3A_337, %add3A_338 : i32
        %get3A_340 = arith.index_cast %add3A_339 : i32 to index
        %get3A_341 = tpu.vector_load %arg21[%get3A_340] {strides = array<i32>} : memref<8192xf32, #tpu.memory_space<vmem>>, vector<16xf32>,
        %le3A_342 = vector.broadcast %scan3A_171 : f32 to vector<16xf32>
        %le3A_343 = arith.cmpf ole, %get3A_341, %le3A_342 : vector<16xf32>
        %convert_element_type3A_344 = arith.extui %le3A_343 : vector<16xi1> to vector<16xi32>
        %broadcast_in_dim3A_345 = arith.constant true
        %broadcast_in_dim3A_346 = vector.broadcast %broadcast_in_dim3A_345 : i1 to vector<16xi1>
        %masked_cumsum3A_347 = tpu.scan <sum>, %convert_element_type3A_344 masked %broadcast_in_dim3A_346 : vector<16xi32>, vector<16xi1> -> vector<16xi32>
        %add3A_348 = arith.addi %add3A_335, %masked_cumsum3A_347 : vector<16xi32>
        %sub3A_349 = arith.subi %add3A_348, %convert_element_type3A_344 : vector<16xi32>
        %add3A_350 = vector.broadcast %add3A_339 : i32 to vector<16xi32>
        %add3A_351 = arith.addi %add3A_350, %iota3A : vector<16xi32>
        tpu.vector_store_idx %arg23[%sub3A_349], %add3A_351 masked %le3A_343 : memref<8208xi32, #tpu.memory_space<vmem>>[vector<16xi32>], vector<16xi32>, vector<16xi1>
        tpu.vector_store_idx %arg22[%sub3A_349], %get3A_341 masked %le3A_343 : memref<8208xf32, #tpu.memory_space<vmem>>[vector<16xi32>], vector<16xf32>, vector<16xi1>
        %all_reduce_population_count3A_352 = tpu.all_reduce %le3A_343 {dim = 0 : i64, kind = #tpu.reduction_kind<sum>} : vector<16xi1> -> vector<16xi32>
        %add3A_353 = arith.addi %add3A_335, %all_reduce_population_count3A_352 : vector<16xi32>
        %mul3A_354 = arith.constant 256 : i32
        %mul3A_355 = arith.muli %scan3A_230, %mul3A_354 : i32
        %add3A_356 = arith.constant 112 : i32
        %add3A_357 = arith.addi %mul3A_355, %add3A_356 : i32
        %get3A_358 = arith.index_cast %add3A_357 : i32 to index
        %get3A_359 = tpu.vector_load %arg21[%get3A_358] {strides = array<i32>} : memref<8192xf32, #tpu.memory_space<vmem>>, vector<16xf32>,
        %le3A_360 = vector.broadcast %scan3A_171 : f32 to vector<16xf32>
        %le3A_361 = arith.cmpf ole, %get3A_359, %le3A_360 : vector<16xf32>
        %convert_element_type3A_362 = arith.extui %le3A_361 : vector<16xi1> to vector<16xi32>
        %broadcast_in_dim3A_363 = arith.constant true
        %broadcast_in_dim3A_364 = vector.broadcast %broadcast_in_dim3A_363 : i1 to vector<16xi1>
        %masked_cumsum3A_365 = tpu.scan <sum>, %convert_element_type3A_362 masked %broadcast_in_dim3A_364 : vector<16xi32>, vector<16xi1> -> vector<16xi32>
        %add3A_366 = arith.addi %add3A_353, %masked_cumsum3A_365 : vector<16xi32>
        %sub3A_367 = arith.subi %add3A_366, %convert_element_type3A_362 : vector<16xi32>
        %add3A_368 = vector.broadcast %add3A_357 : i32 to vector<16xi32>
        %add3A_369 = arith.addi %add3A_368, %iota3A : vector<16xi32>
        tpu.vector_store_idx %arg23[%sub3A_367], %add3A_369 masked %le3A_361 : memref<8208xi32, #tpu.memory_space<vmem>>[vector<16xi32>], vector<16xi32>, vector<16xi1>
        tpu.vector_store_idx %arg22[%sub3A_367], %get3A_359 masked %le3A_361 : memref<8208xf32, #tpu.memory_space<vmem>>[vector<16xi32>], vector<16xf32>, vector<16xi1>
        %all_reduce_population_count3A_370 = tpu.all_reduce %le3A_361 {dim = 0 : i64, kind = #tpu.reduction_kind<sum>} : vector<16xi1> -> vector<16xi32>
        %add3A_371 = arith.addi %add3A_353, %all_reduce_population_count3A_370 : vector<16xi32>
        %mul3A_372 = arith.constant 256 : i32
        %mul3A_373 = arith.muli %scan3A_230, %mul3A_372 : i32
        %add3A_374 = arith.constant 128 : i32
        %add3A_375 = arith.addi %mul3A_373, %add3A_374 : i32
        %get3A_376 = arith.index_cast %add3A_375 : i32 to index
        %get3A_377 = tpu.vector_load %arg21[%get3A_376] {strides = array<i32>} : memref<8192xf32, #tpu.memory_space<vmem>>, vector<16xf32>,
        %le3A_378 = vector.broadcast %scan3A_171 : f32 to vector<16xf32>
        %le3A_379 = arith.cmpf ole, %get3A_377, %le3A_378 : vector<16xf32>
        %convert_element_type3A_380 = arith.extui %le3A_379 : vector<16xi1> to vector<16xi32>
        %broadcast_in_dim3A_381 = arith.constant true
        %broadcast_in_dim3A_382 = vector.broadcast %broadcast_in_dim3A_381 : i1 to vector<16xi1>
        %masked_cumsum3A_383 = tpu.scan <sum>, %convert_element_type3A_380 masked %broadcast_in_dim3A_382 : vector<16xi32>, vector<16xi1> -> vector<16xi32>
        %add3A_384 = arith.addi %add3A_371, %masked_cumsum3A_383 : vector<16xi32>
        %sub3A_385 = arith.subi %add3A_384, %convert_element_type3A_380 : vector<16xi32>
        %add3A_386 = vector.broadcast %add3A_375 : i32 to vector<16xi32>
        %add3A_387 = arith.addi %add3A_386, %iota3A : vector<16xi32>
        tpu.vector_store_idx %arg23[%sub3A_385], %add3A_387 masked %le3A_379 : memref<8208xi32, #tpu.memory_space<vmem>>[vector<16xi32>], vector<16xi32>, vector<16xi1>
        tpu.vector_store_idx %arg22[%sub3A_385], %get3A_377 masked %le3A_379 : memref<8208xf32, #tpu.memory_space<vmem>>[vector<16xi32>], vector<16xf32>, vector<16xi1>
        %all_reduce_population_count3A_388 = tpu.all_reduce %le3A_379 {dim = 0 : i64, kind = #tpu.reduction_kind<sum>} : vector<16xi1> -> vector<16xi32>
        %add3A_389 = arith.addi %add3A_371, %all_reduce_population_count3A_388 : vector<16xi32>
        %mul3A_390 = arith.constant 256 : i32
        %mul3A_391 = arith.muli %scan3A_230, %mul3A_390 : i32
        %add3A_392 = arith.constant 144 : i32
        %add3A_393 = arith.addi %mul3A_391, %add3A_392 : i32
        %get3A_394 = arith.index_cast %add3A_393 : i32 to index
        %get3A_395 = tpu.vector_load %arg21[%get3A_394] {strides = array<i32>} : memref<8192xf32, #tpu.memory_space<vmem>>, vector<16xf32>,
        %le3A_396 = vector.broadcast %scan3A_171 : f32 to vector<16xf32>
        %le3A_397 = arith.cmpf ole, %get3A_395, %le3A_396 : vector<16xf32>
        %convert_element_type3A_398 = arith.extui %le3A_397 : vector<16xi1> to vector<16xi32>
        %broadcast_in_dim3A_399 = arith.constant true
        %broadcast_in_dim3A_400 = vector.broadcast %broadcast_in_dim3A_399 : i1 to vector<16xi1>
        %masked_cumsum3A_401 = tpu.scan <sum>, %convert_element_type3A_398 masked %broadcast_in_dim3A_400 : vector<16xi32>, vector<16xi1> -> vector<16xi32>
        %add3A_402 = arith.addi %add3A_389, %masked_cumsum3A_401 : vector<16xi32>
        %sub3A_403 = arith.subi %add3A_402, %convert_element_type3A_398 : vector<16xi32>
        %add3A_404 = vector.broadcast %add3A_393 : i32 to vector<16xi32>
        %add3A_405 = arith.addi %add3A_404, %iota3A : vector<16xi32>
        tpu.vector_store_idx %arg23[%sub3A_403], %add3A_405 masked %le3A_397 : memref<8208xi32, #tpu.memory_space<vmem>>[vector<16xi32>], vector<16xi32>, vector<16xi1>
        tpu.vector_store_idx %arg22[%sub3A_403], %get3A_395 masked %le3A_397 : memref<8208xf32, #tpu.memory_space<vmem>>[vector<16xi32>], vector<16xf32>, vector<16xi1>
        %all_reduce_population_count3A_406 = tpu.all_reduce %le3A_397 {dim = 0 : i64, kind = #tpu.reduction_kind<sum>} : vector<16xi1> -> vector<16xi32>
        %add3A_407 = arith.addi %add3A_389, %all_reduce_population_count3A_406 : vector<16xi32>
        %mul3A_408 = arith.constant 256 : i32
        %mul3A_409 = arith.muli %scan3A_230, %mul3A_408 : i32
        %add3A_410 = arith.constant 160 : i32
        %add3A_411 = arith.addi %mul3A_409, %add3A_410 : i32
        %get3A_412 = arith.index_cast %add3A_411 : i32 to index
        %get3A_413 = tpu.vector_load %arg21[%get3A_412] {strides = array<i32>} : memref<8192xf32, #tpu.memory_space<vmem>>, vector<16xf32>,
        %le3A_414 = vector.broadcast %scan3A_171 : f32 to vector<16xf32>
        %le3A_415 = arith.cmpf ole, %get3A_413, %le3A_414 : vector<16xf32>
        %convert_element_type3A_416 = arith.extui %le3A_415 : vector<16xi1> to vector<16xi32>
        %broadcast_in_dim3A_417 = arith.constant true
        %broadcast_in_dim3A_418 = vector.broadcast %broadcast_in_dim3A_417 : i1 to vector<16xi1>
        %masked_cumsum3A_419 = tpu.scan <sum>, %convert_element_type3A_416 masked %broadcast_in_dim3A_418 : vector<16xi32>, vector<16xi1> -> vector<16xi32>
        %add3A_420 = arith.addi %add3A_407, %masked_cumsum3A_419 : vector<16xi32>
        %sub3A_421 = arith.subi %add3A_420, %convert_element_type3A_416 : vector<16xi32>
        %add3A_422 = vector.broadcast %add3A_411 : i32 to vector<16xi32>
        %add3A_423 = arith.addi %add3A_422, %iota3A : vector<16xi32>
        tpu.vector_store_idx %arg23[%sub3A_421], %add3A_423 masked %le3A_415 : memref<8208xi32, #tpu.memory_space<vmem>>[vector<16xi32>], vector<16xi32>, vector<16xi1>
        tpu.vector_store_idx %arg22[%sub3A_421], %get3A_413 masked %le3A_415 : memref<8208xf32, #tpu.memory_space<vmem>>[vector<16xi32>], vector<16xf32>, vector<16xi1>
        %all_reduce_population_count3A_424 = tpu.all_reduce %le3A_415 {dim = 0 : i64, kind = #tpu.reduction_kind<sum>} : vector<16xi1> -> vector<16xi32>
        %add3A_425 = arith.addi %add3A_407, %all_reduce_population_count3A_424 : vector<16xi32>
        %mul3A_426 = arith.constant 256 : i32
        %mul3A_427 = arith.muli %scan3A_230, %mul3A_426 : i32
        %add3A_428 = arith.constant 176 : i32
        %add3A_429 = arith.addi %mul3A_427, %add3A_428 : i32
        %get3A_430 = arith.index_cast %add3A_429 : i32 to index
        %get3A_431 = tpu.vector_load %arg21[%get3A_430] {strides = array<i32>} : memref<8192xf32, #tpu.memory_space<vmem>>, vector<16xf32>,
        %le3A_432 = vector.broadcast %scan3A_171 : f32 to vector<16xf32>
        %le3A_433 = arith.cmpf ole, %get3A_431, %le3A_432 : vector<16xf32>
        %convert_element_type3A_434 = arith.extui %le3A_433 : vector<16xi1> to vector<16xi32>
        %broadcast_in_dim3A_435 = arith.constant true
        %broadcast_in_dim3A_436 = vector.broadcast %broadcast_in_dim3A_435 : i1 to vector<16xi1>
        %masked_cumsum3A_437 = tpu.scan <sum>, %convert_element_type3A_434 masked %broadcast_in_dim3A_436 : vector<16xi32>, vector<16xi1> -> vector<16xi32>
        %add3A_438 = arith.addi %add3A_425, %masked_cumsum3A_437 : vector<16xi32>
        %sub3A_439 = arith.subi %add3A_438, %convert_element_type3A_434 : vector<16xi32>
        %add3A_440 = vector.broadcast %add3A_429 : i32 to vector<16xi32>
        %add3A_441 = arith.addi %add3A_440, %iota3A : vector<16xi32>
        tpu.vector_store_idx %arg23[%sub3A_439], %add3A_441 masked %le3A_433 : memref<8208xi32, #tpu.memory_space<vmem>>[vector<16xi32>], vector<16xi32>, vector<16xi1>
        tpu.vector_store_idx %arg22[%sub3A_439], %get3A_431 masked %le3A_433 : memref<8208xf32, #tpu.memory_space<vmem>>[vector<16xi32>], vector<16xf32>, vector<16xi1>
        %all_reduce_population_count3A_442 = tpu.all_reduce %le3A_433 {dim = 0 : i64, kind = #tpu.reduction_kind<sum>} : vector<16xi1> -> vector<16xi32>
        %add3A_443 = arith.addi %add3A_425, %all_reduce_population_count3A_442 : vector<16xi32>
        %mul3A_444 = arith.constant 256 : i32
        %mul3A_445 = arith.muli %scan3A_230, %mul3A_444 : i32
        %add3A_446 = arith.constant 192 : i32
        %add3A_447 = arith.addi %mul3A_445, %add3A_446 : i32
        %get3A_448 = arith.index_cast %add3A_447 : i32 to index
        %get3A_449 = tpu.vector_load %arg21[%get3A_448] {strides = array<i32>} : memref<8192xf32, #tpu.memory_space<vmem>>, vector<16xf32>,
        %le3A_450 = vector.broadcast %scan3A_171 : f32 to vector<16xf32>
        %le3A_451 = arith.cmpf ole, %get3A_449, %le3A_450 : vector<16xf32>
        %convert_element_type3A_452 = arith.extui %le3A_451 : vector<16xi1> to vector<16xi32>
        %broadcast_in_dim3A_453 = arith.constant true
        %broadcast_in_dim3A_454 = vector.broadcast %broadcast_in_dim3A_453 : i1 to vector<16xi1>
        %masked_cumsum3A_455 = tpu.scan <sum>, %convert_element_type3A_452 masked %broadcast_in_dim3A_454 : vector<16xi32>, vector<16xi1> -> vector<16xi32>
        %add3A_456 = arith.addi %add3A_443, %masked_cumsum3A_455 : vector<16xi32>
        %sub3A_457 = arith.subi %add3A_456, %convert_element_type3A_452 : vector<16xi32>
        %add3A_458 = vector.broadcast %add3A_447 : i32 to vector<16xi32>
        %add3A_459 = arith.addi %add3A_458, %iota3A : vector<16xi32>
        tpu.vector_store_idx %arg23[%sub3A_457], %add3A_459 masked %le3A_451 : memref<8208xi32, #tpu.memory_space<vmem>>[vector<16xi32>], vector<16xi32>, vector<16xi1>
        tpu.vector_store_idx %arg22[%sub3A_457], %get3A_449 masked %le3A_451 : memref<8208xf32, #tpu.memory_space<vmem>>[vector<16xi32>], vector<16xf32>, vector<16xi1>
        %all_reduce_population_count3A_460 = tpu.all_reduce %le3A_451 {dim = 0 : i64, kind = #tpu.reduction_kind<sum>} : vector<16xi1> -> vector<16xi32>
        %add3A_461 = arith.addi %add3A_443, %all_reduce_population_count3A_460 : vector<16xi32>
        %mul3A_462 = arith.constant 256 : i32
        %mul3A_463 = arith.muli %scan3A_230, %mul3A_462 : i32
        %add3A_464 = arith.constant 208 : i32
        %add3A_465 = arith.addi %mul3A_463, %add3A_464 : i32
        %get3A_466 = arith.index_cast %add3A_465 : i32 to index
        %get3A_467 = tpu.vector_load %arg21[%get3A_466] {strides = array<i32>} : memref<8192xf32, #tpu.memory_space<vmem>>, vector<16xf32>,
        %le3A_468 = vector.broadcast %scan3A_171 : f32 to vector<16xf32>
        %le3A_469 = arith.cmpf ole, %get3A_467, %le3A_468 : vector<16xf32>
        %convert_element_type3A_470 = arith.extui %le3A_469 : vector<16xi1> to vector<16xi32>
        %broadcast_in_dim3A_471 = arith.constant true
        %broadcast_in_dim3A_472 = vector.broadcast %broadcast_in_dim3A_471 : i1 to vector<16xi1>
        %masked_cumsum3A_473 = tpu.scan <sum>, %convert_element_type3A_470 masked %broadcast_in_dim3A_472 : vector<16xi32>, vector<16xi1> -> vector<16xi32>
        %add3A_474 = arith.addi %add3A_461, %masked_cumsum3A_473 : vector<16xi32>
        %sub3A_475 = arith.subi %add3A_474, %convert_element_type3A_470 : vector<16xi32>
        %add3A_476 = vector.broadcast %add3A_465 : i32 to vector<16xi32>
        %add3A_477 = arith.addi %add3A_476, %iota3A : vector<16xi32>
        tpu.vector_store_idx %arg23[%sub3A_475], %add3A_477 masked %le3A_469 : memref<8208xi32, #tpu.memory_space<vmem>>[vector<16xi32>], vector<16xi32>, vector<16xi1>
        tpu.vector_store_idx %arg22[%sub3A_475], %get3A_467 masked %le3A_469 : memref<8208xf32, #tpu.memory_space<vmem>>[vector<16xi32>], vector<16xf32>, vector<16xi1>
        %all_reduce_population_count3A_478 = tpu.all_reduce %le3A_469 {dim = 0 : i64, kind = #tpu.reduction_kind<sum>} : vector<16xi1> -> vector<16xi32>
        %add3A_479 = arith.addi %add3A_461, %all_reduce_population_count3A_478 : vector<16xi32>
        %mul3A_480 = arith.constant 256 : i32
        %mul3A_481 = arith.muli %scan3A_230, %mul3A_480 : i32
        %add3A_482 = arith.constant 224 : i32
        %add3A_483 = arith.addi %mul3A_481, %add3A_482 : i32
        %get3A_484 = arith.index_cast %add3A_483 : i32 to index
        %get3A_485 = tpu.vector_load %arg21[%get3A_484] {strides = array<i32>} : memref<8192xf32, #tpu.memory_space<vmem>>, vector<16xf32>,
        %le3A_486 = vector.broadcast %scan3A_171 : f32 to vector<16xf32>
        %le3A_487 = arith.cmpf ole, %get3A_485, %le3A_486 : vector<16xf32>
        %convert_element_type3A_488 = arith.extui %le3A_487 : vector<16xi1> to vector<16xi32>
        %broadcast_in_dim3A_489 = arith.constant true
        %broadcast_in_dim3A_490 = vector.broadcast %broadcast_in_dim3A_489 : i1 to vector<16xi1>
        %masked_cumsum3A_491 = tpu.scan <sum>, %convert_element_type3A_488 masked %broadcast_in_dim3A_490 : vector<16xi32>, vector<16xi1> -> vector<16xi32>
        %add3A_492 = arith.addi %add3A_479, %masked_cumsum3A_491 : vector<16xi32>
        %sub3A_493 = arith.subi %add3A_492, %convert_element_type3A_488 : vector<16xi32>
        %add3A_494 = vector.broadcast %add3A_483 : i32 to vector<16xi32>
        %add3A_495 = arith.addi %add3A_494, %iota3A : vector<16xi32>
        tpu.vector_store_idx %arg23[%sub3A_493], %add3A_495 masked %le3A_487 : memref<8208xi32, #tpu.memory_space<vmem>>[vector<16xi32>], vector<16xi32>, vector<16xi1>
        tpu.vector_store_idx %arg22[%sub3A_493], %get3A_485 masked %le3A_487 : memref<8208xf32, #tpu.memory_space<vmem>>[vector<16xi32>], vector<16xf32>, vector<16xi1>
        %all_reduce_population_count3A_496 = tpu.all_reduce %le3A_487 {dim = 0 : i64, kind = #tpu.reduction_kind<sum>} : vector<16xi1> -> vector<16xi32>
        %add3A_497 = arith.addi %add3A_479, %all_reduce_population_count3A_496 : vector<16xi32>
        %mul3A_498 = arith.constant 256 : i32
        %mul3A_499 = arith.muli %scan3A_230, %mul3A_498 : i32
        %add3A_500 = arith.constant 240 : i32
        %add3A_501 = arith.addi %mul3A_499, %add3A_500 : i32
        %get3A_502 = arith.index_cast %add3A_501 : i32 to index
        %get3A_503 = tpu.vector_load %arg21[%get3A_502] {strides = array<i32>} : memref<8192xf32, #tpu.memory_space<vmem>>, vector<16xf32>,
        %le3A_504 = vector.broadcast %scan3A_171 : f32 to vector<16xf32>
        %le3A_505 = arith.cmpf ole, %get3A_503, %le3A_504 : vector<16xf32>
        %convert_element_type3A_506 = arith.extui %le3A_505 : vector<16xi1> to vector<16xi32>
        %broadcast_in_dim3A_507 = arith.constant true
        %broadcast_in_dim3A_508 = vector.broadcast %broadcast_in_dim3A_507 : i1 to vector<16xi1>
        %masked_cumsum3A_509 = tpu.scan <sum>, %convert_element_type3A_506 masked %broadcast_in_dim3A_508 : vector<16xi32>, vector<16xi1> -> vector<16xi32>
        %add3A_510 = arith.addi %add3A_497, %masked_cumsum3A_509 : vector<16xi32>
        %sub3A_511 = arith.subi %add3A_510, %convert_element_type3A_506 : vector<16xi32>
        %add3A_512 = vector.broadcast %add3A_501 : i32 to vector<16xi32>
        %add3A_513 = arith.addi %add3A_512, %iota3A : vector<16xi32>
        tpu.vector_store_idx %arg23[%sub3A_511], %add3A_513 masked %le3A_505 : memref<8208xi32, #tpu.memory_space<vmem>>[vector<16xi32>], vector<16xi32>, vector<16xi1>
        tpu.vector_store_idx %arg22[%sub3A_511], %get3A_503 masked %le3A_505 : memref<8208xf32, #tpu.memory_space<vmem>>[vector<16xi32>], vector<16xf32>, vector<16xi1>
        %all_reduce_population_count3A_514 = tpu.all_reduce %le3A_505 {dim = 0 : i64, kind = #tpu.reduction_kind<sum>} : vector<16xi1> -> vector<16xi32>
        %add3A_515 = arith.addi %add3A_497, %all_reduce_population_count3A_514 : vector<16xi32>
        scf.yield %add3A_515 : vector<16xi32>
      }
      %scan3A_180 = arith.constant 32 : i32
      %reduce_max3A = arith.constant true
      %reduce_max3A_181 = vector.broadcast %reduce_max3A : i1 to vector<16xi1>
      %reduce_max3A_182 = arith.constant -2147483648 : i32
      %reduce_max3A_183 = vector.broadcast %reduce_max3A_182 : i32 to vector<16xi32>
      %reduce_max3A_184 = arith.xori %scan3A_179, %reduce_max3A_183 : vector<16xi32>
      %reduce_max3A_185 = tpu.scan <max>, %reduce_max3A_184 masked %reduce_max3A_181 : vector<16xi32>, vector<16xi1> -> vector<16xi32>
      %reduce_max3A_186 = arith.xori %reduce_max3A_185, %reduce_max3A_183 : vector<16xi32>
      %reduce_max3A_187 = vector.extract %reduce_max3A_186[15] : i32 from vector<16xi32>
      %add3A_188 = vector.broadcast %reduce_max3A_187 : i32 to vector<16xi32>
      %add3A_189 = arith.addi %add3A_188, %iota3A : vector<16xi32>
      tpu.vector_store_idx %arg22[%add3A_189], %broadcast_in_dim3A_19 : memref<8208xf32, #tpu.memory_space<vmem>>[vector<16xi32>], vector<16xf32>,
      %add3A_190 = arith.constant 15 : i32
      %add3A_191 = arith.addi %reduce_max3A_187, %add3A_190 : i32
      %shift_right_arithmetic3A_192 = arith.constant 4 : i32
      %shift_right_arithmetic3A_193 = arith.shrsi %add3A_191, %shift_right_arithmetic3A_192 : i32
      %broadcast_in_dim3A_194 = arith.constant 0 : i32
      %broadcast_in_dim3A_195 = vector.broadcast %broadcast_in_dim3A_194 : i32 to vector<16xi32>
      %while3A = arith.constant 0 : i32
      %while3A_196 = arith.subi %shift_right_arithmetic3A_193, %while3A : i32
      %while3A_197 = arith.addi %while3A, %while3A_196 : i32
      %while3A_198 = arith.constant 1 : i32
      %while3A_199 = arith.divsi %while3A_196, %while3A_198 : i32
      %while3A_200 = arith.muli %while3A_199, %while3A_198 : i32
      %while3A_201 = arith.addi %while3A, %while3A_200 : i32
      %while3A_202 = arith.constant 1 : i32
      %while3A_203:4 = scf.for %while3A_230 = %while3A to %while3A_201 step %while3A_202 iter_args(%while3A_231 = %broadcast_in_dim3A_19, %while3A_232 = %broadcast_in_dim3A_195, %while3A_233 = %broadcast_in_dim3A_19, %while3A_234 = %broadcast_in_dim3A_195) -> (vector<16xf32>, vector<16xi32>, vector<16xf32>, vector<16xi32>)  : i32 {
        %mul3A_235 = arith.constant 16 : i32
        %mul3A_236 = arith.muli %while3A_230, %mul3A_235 : i32
        %get3A_237 = arith.index_cast %mul3A_236 : i32 to index
        %get3A_238 = tpu.vector_load %arg22[%get3A_237] {strides = array<i32>} : memref<8208xf32, #tpu.memory_space<vmem>>, vector<16xf32>,
        %mul3A_239 = arith.constant 16 : i32
        %mul3A_240 = arith.muli %while3A_230, %mul3A_239 : i32
        %get3A_241 = arith.index_cast %mul3A_240 : i32 to index
        %get3A_242 = tpu.vector_load %arg23[%get3A_241] {strides = array<i32>} : memref<8208xi32, #tpu.memory_space<vmem>>, vector<16xi32>,
        %masked_sort3A = arith.constant dense<true> : vector<16xi1>
        %masked_sort3A_243, %masked_sort3A_244, %masked_sort3A_245 = tpu.sort %get3A_238, %get3A_242 masked %masked_sort3A : (vector<16xf32>, vector<16xi32>, vector<16xi1>) -> (vector<16xi1>, vector<16xf32>, vector<16xi32>)
        %rev3A = arith.constant 15 : i32
        %rev3A_246 = vector.broadcast %rev3A : i32 to vector<16xi32>
        %rev3A_247 = tpu.iota {dimensions = array<i32: 0>} : vector<16xi32>
        %rev3A_248 = arith.subi %rev3A_246, %rev3A_247 : vector<16xi32>
        %rev3A_249 = tpu.dynamic_gather %masked_sort3A_244[%rev3A_248] in [0] : vector<16xf32>, vector<16xi32> -> vector<16xf32>
        %rev3A_250 = arith.constant 15 : i32
        %rev3A_251 = vector.broadcast %rev3A_250 : i32 to vector<16xi32>
        %rev3A_252 = tpu.iota {dimensions = array<i32: 0>} : vector<16xi32>
        %rev3A_253 = arith.subi %rev3A_251, %rev3A_252 : vector<16xi32>
        %rev3A_254 = tpu.dynamic_gather %masked_sort3A_245[%rev3A_253] in [0] : vector<16xi32>, vector<16xi32> -> vector<16xi32>
        %le3A = arith.cmpf ole, %while3A_233, %rev3A_249 : vector<16xf32>
        %select_n3A_255 = arith.select %le3A, %while3A_233, %rev3A_249 : vector<16xi1>, vector<16xf32>
        %select_n3A_256 = arith.select %le3A, %while3A_234, %rev3A_254 : vector<16xi1>, vector<16xi32>
        %masked_sort3A_257 = arith.constant dense<true> : vector<16xi1>
        %masked_sort3A_258, %masked_sort3A_259, %masked_sort3A_260 = tpu.sort %select_n3A_255, %select_n3A_256 masked %masked_sort3A_257 : (vector<16xf32>, vector<16xi32>, vector<16xi1>) -> (vector<16xi1>, vector<16xf32>, vector<16xi32>)
        %rev3A_261 = arith.constant 15 : i32
        %rev3A_262 = vector.broadcast %rev3A_261 : i32 to vector<16xi32>
        %rev3A_263 = tpu.iota {dimensions = array<i32: 0>} : vector<16xi32>
        %rev3A_264 = arith.subi %rev3A_262, %rev3A_263 : vector<16xi32>
        %rev3A_265 = tpu.dynamic_gather %masked_sort3A_259[%rev3A_264] in [0] : vector<16xf32>, vector<16xi32> -> vector<16xf32>
        %rev3A_266 = arith.constant 15 : i32
        %rev3A_267 = vector.broadcast %rev3A_266 : i32 to vector<16xi32>
        %rev3A_268 = tpu.iota {dimensions = array<i32: 0>} : vector<16xi32>
        %rev3A_269 = arith.subi %rev3A_267, %rev3A_268 : vector<16xi32>
        %rev3A_270 = tpu.dynamic_gather %masked_sort3A_260[%rev3A_269] in [0] : vector<16xi32>, vector<16xi32> -> vector<16xi32>
        %le3A_271 = arith.cmpf ole, %while3A_231, %rev3A_265 : vector<16xf32>
        %select_n3A_272 = arith.select %le3A_271, %while3A_231, %rev3A_265 : vector<16xi1>, vector<16xf32>
        %select_n3A_273 = arith.select %le3A_271, %while3A_232, %rev3A_270 : vector<16xi1>, vector<16xi32>
        %select_n3A_274 = arith.select %le3A_271, %rev3A_265, %while3A_231 : vector<16xi1>, vector<16xf32>
        %select_n3A_275 = arith.select %le3A_271, %rev3A_270, %while3A_232 : vector<16xi1>, vector<16xi32>
        %masked_sort3A_276 = arith.constant dense<true> : vector<16xi1>
        %masked_sort3A_277, %masked_sort3A_278, %masked_sort3A_279 = tpu.sort %select_n3A_272, %select_n3A_273 masked %masked_sort3A_276 : (vector<16xf32>, vector<16xi32>, vector<16xi1>) -> (vector<16xi1>, vector<16xf32>, vector<16xi32>)
        %masked_sort3A_280 = arith.constant dense<true> : vector<16xi1>
        %masked_sort3A_281, %masked_sort3A_282, %masked_sort3A_283 = tpu.sort %select_n3A_274, %select_n3A_275 masked %masked_sort3A_280 : (vector<16xf32>, vector<16xi32>, vector<16xi1>) -> (vector<16xi1>, vector<16xf32>, vector<16xi32>)
        scf.yield %masked_sort3A_278, %masked_sort3A_279, %masked_sort3A_282, %masked_sort3A_283 : vector<16xf32>, vector<16xi32>, vector<16xf32>, vector<16xi32>
      }
      %while3A_204 = arith.constant 1 : i32
      %while3A_205:4 = scf.for %while3A_230 = %while3A_201 to %while3A_197 step %while3A_204 iter_args(%while3A_231 = %while3A_203#0, %while3A_232 = %while3A_203#1, %while3A_233 = %while3A_203#2, %while3A_234 = %while3A_203#3) -> (vector<16xf32>, vector<16xi32>, vector<16xf32>, vector<16xi32>)  : i32 {
        %mul3A_235 = arith.constant 16 : i32
        %mul3A_236 = arith.muli %while3A_230, %mul3A_235 : i32
        %get3A_237 = arith.index_cast %mul3A_236 : i32 to index
        %get3A_238 = tpu.vector_load %arg22[%get3A_237] {strides = array<i32>} : memref<8208xf32, #tpu.memory_space<vmem>>, vector<16xf32>,
        %mul3A_239 = arith.constant 16 : i32
        %mul3A_240 = arith.muli %while3A_230, %mul3A_239 : i32
        %get3A_241 = arith.index_cast %mul3A_240 : i32 to index
        %get3A_242 = tpu.vector_load %arg23[%get3A_241] {strides = array<i32>} : memref<8208xi32, #tpu.memory_space<vmem>>, vector<16xi32>,
        %masked_sort3A = arith.constant dense<true> : vector<16xi1>
        %masked_sort3A_243, %masked_sort3A_244, %masked_sort3A_245 = tpu.sort %get3A_238, %get3A_242 masked %masked_sort3A : (vector<16xf32>, vector<16xi32>, vector<16xi1>) -> (vector<16xi1>, vector<16xf32>, vector<16xi32>)
        %rev3A = arith.constant 15 : i32
        %rev3A_246 = vector.broadcast %rev3A : i32 to vector<16xi32>
        %rev3A_247 = tpu.iota {dimensions = array<i32: 0>} : vector<16xi32>
        %rev3A_248 = arith.subi %rev3A_246, %rev3A_247 : vector<16xi32>
        %rev3A_249 = tpu.dynamic_gather %masked_sort3A_244[%rev3A_248] in [0] : vector<16xf32>, vector<16xi32> -> vector<16xf32>
        %rev3A_250 = arith.constant 15 : i32
        %rev3A_251 = vector.broadcast %rev3A_250 : i32 to vector<16xi32>
        %rev3A_252 = tpu.iota {dimensions = array<i32: 0>} : vector<16xi32>
        %rev3A_253 = arith.subi %rev3A_251, %rev3A_252 : vector<16xi32>
        %rev3A_254 = tpu.dynamic_gather %masked_sort3A_245[%rev3A_253] in [0] : vector<16xi32>, vector<16xi32> -> vector<16xi32>
        %le3A = arith.cmpf ole, %while3A_233, %rev3A_249 : vector<16xf32>
        %select_n3A_255 = arith.select %le3A, %while3A_233, %rev3A_249 : vector<16xi1>, vector<16xf32>
        %select_n3A_256 = arith.select %le3A, %while3A_234, %rev3A_254 : vector<16xi1>, vector<16xi32>
        %masked_sort3A_257 = arith.constant dense<true> : vector<16xi1>
        %masked_sort3A_258, %masked_sort3A_259, %masked_sort3A_260 = tpu.sort %select_n3A_255, %select_n3A_256 masked %masked_sort3A_257 : (vector<16xf32>, vector<16xi32>, vector<16xi1>) -> (vector<16xi1>, vector<16xf32>, vector<16xi32>)
        %rev3A_261 = arith.constant 15 : i32
        %rev3A_262 = vector.broadcast %rev3A_261 : i32 to vector<16xi32>
        %rev3A_263 = tpu.iota {dimensions = array<i32: 0>} : vector<16xi32>
        %rev3A_264 = arith.subi %rev3A_262, %rev3A_263 : vector<16xi32>
        %rev3A_265 = tpu.dynamic_gather %masked_sort3A_259[%rev3A_264] in [0] : vector<16xf32>, vector<16xi32> -> vector<16xf32>
        %rev3A_266 = arith.constant 15 : i32
        %rev3A_267 = vector.broadcast %rev3A_266 : i32 to vector<16xi32>
        %rev3A_268 = tpu.iota {dimensions = array<i32: 0>} : vector<16xi32>
        %rev3A_269 = arith.subi %rev3A_267, %rev3A_268 : vector<16xi32>
        %rev3A_270 = tpu.dynamic_gather %masked_sort3A_260[%rev3A_269] in [0] : vector<16xi32>, vector<16xi32> -> vector<16xi32>
        %le3A_271 = arith.cmpf ole, %while3A_231, %rev3A_265 : vector<16xf32>
        %select_n3A_272 = arith.select %le3A_271, %while3A_231, %rev3A_265 : vector<16xi1>, vector<16xf32>
        %select_n3A_273 = arith.select %le3A_271, %while3A_232, %rev3A_270 : vector<16xi1>, vector<16xi32>
        %select_n3A_274 = arith.select %le3A_271, %rev3A_265, %while3A_231 : vector<16xi1>, vector<16xf32>
        %select_n3A_275 = arith.select %le3A_271, %rev3A_270, %while3A_232 : vector<16xi1>, vector<16xi32>
        %masked_sort3A_276 = arith.constant dense<true> : vector<16xi1>
        %masked_sort3A_277, %masked_sort3A_278, %masked_sort3A_279 = tpu.sort %select_n3A_272, %select_n3A_273 masked %masked_sort3A_276 : (vector<16xf32>, vector<16xi32>, vector<16xi1>) -> (vector<16xi1>, vector<16xf32>, vector<16xi32>)
        %masked_sort3A_280 = arith.constant dense<true> : vector<16xi1>
        %masked_sort3A_281, %masked_sort3A_282, %masked_sort3A_283 = tpu.sort %select_n3A_274, %select_n3A_275 masked %masked_sort3A_280 : (vector<16xf32>, vector<16xi32>, vector<16xi1>) -> (vector<16xi1>, vector<16xf32>, vector<16xi32>)
        scf.yield %masked_sort3A_278, %masked_sort3A_279, %masked_sort3A_282, %masked_sort3A_283 : vector<16xf32>, vector<16xi32>, vector<16xf32>, vector<16xi32>
      }
      %mul3A_206 = arith.constant 32 : i32
      %mul3A_207 = arith.muli %scan3A_94, %mul3A_206 : i32
      %add3A_208 = vector.broadcast %mul3A_207 : i32 to vector<16xi32>
      %add3A_209 = arith.addi %add3A_208, %iota3A : vector<16xi32>
      %shift_right_arithmetic3A_210 = arith.constant 7 : i32
      %shift_right_arithmetic3A_211 = vector.broadcast %shift_right_arithmetic3A_210 : i32 to vector<16xi32>
      %shift_right_arithmetic3A_212 = arith.shrsi %add3A_209, %shift_right_arithmetic3A_211 : vector<16xi32>
      %and3A_213 = arith.constant 127 : i32
      %and3A_214 = vector.broadcast %and3A_213 : i32 to vector<16xi32>
      %and3A_215 = arith.andi %add3A_209, %and3A_214 : vector<16xi32>
      %add3A_216 = vector.broadcast %mul3A_21 : i32 to vector<16xi32>
      %add3A_217 = arith.addi %while3A_205#1, %add3A_216 : vector<16xi32>
      tpu.vector_store_idx %arg24[%shift_right_arithmetic3A_212, %and3A_215], %add3A_217 : memref<32x128xi32, #tpu.memory_space<vmem>>[vector<16xi32>, vector<16xi32>], vector<16xi32>,
      %add3A_218 = arith.constant 16 : i32
      %add3A_219 = vector.broadcast %add3A_218 : i32 to vector<16xi32>
      %add3A_220 = arith.addi %add3A_209, %add3A_219 : vector<16xi32>
      %shift_right_arithmetic3A_221 = arith.constant 7 : i32
      %shift_right_arithmetic3A_222 = vector.broadcast %shift_right_arithmetic3A_221 : i32 to vector<16xi32>
      %shift_right_arithmetic3A_223 = arith.shrsi %add3A_220, %shift_right_arithmetic3A_222 : vector<16xi32>
      %and3A_224 = arith.constant 127 : i32
      %and3A_225 = vector.broadcast %and3A_224 : i32 to vector<16xi32>
      %and3A_226 = arith.andi %add3A_220, %and3A_225 : vector<16xi32>
      %add3A_227 = vector.broadcast %mul3A_21 : i32 to vector<16xi32>
      %add3A_228 = arith.addi %while3A_205#3, %add3A_227 : vector<16xi32>
      tpu.vector_store_idx %arg24[%shift_right_arithmetic3A_223, %and3A_226], %add3A_228 : memref<32x128xi32, #tpu.memory_space<vmem>>[vector<16xi32>, vector<16xi32>], vector<16xi32>,
      %scan3A_229 = arith.constant 0 : i32
      scf.yield %scan3A_229 : i32
    }
    %scan3A_34 = arith.constant 128 : i32
    %get3A = arith.constant 0 : index
    %get3A_35 = tpu.vector_load %arg20[%get3A] {strides = array<i32>} : memref<128xi32, #tpu.memory_space<vmem>>, vector<16xi32>,
    %add3A_36 = vector.broadcast %mul3A_21 : i32 to vector<16xi32>
    %add3A_37 = arith.addi %get3A_35, %add3A_36 : vector<16xi32>
    %swap3A = arith.constant 0 : index
    %swap3A_38 = tpu.vector_load %arg25[%swap3A] {strides = array<i32>} : memref<128xi32, #tpu.memory_space<vmem>>, vector<16xi32>,
    tpu.vector_store %arg25[%swap3A], %add3A_37 {strides = array<i32>} : memref<128xi32, #tpu.memory_space<vmem>>, vector<16xi32>,
    %get3A_39 = arith.constant 16 : index
    %get3A_40 = tpu.vector_load %arg20[%get3A_39] {strides = array<i32>} : memref<128xi32, #tpu.memory_space<vmem>>, vector<16xi32>,
    %add3A_41 = vector.broadcast %mul3A_21 : i32 to vector<16xi32>
    %add3A_42 = arith.addi %get3A_40, %add3A_41 : vector<16xi32>
    %swap3A_43 = arith.constant 16 : index
    %swap3A_44 = tpu.vector_load %arg25[%swap3A_43] {strides = array<i32>} : memref<128xi32, #tpu.memory_space<vmem>>, vector<16xi32>,
    tpu.vector_store %arg25[%swap3A_43], %add3A_42 {strides = array<i32>} : memref<128xi32, #tpu.memory_space<vmem>>, vector<16xi32>,
    %get3A_45 = arith.constant 32 : index
    %get3A_46 = tpu.vector_load %arg20[%get3A_45] {strides = array<i32>} : memref<128xi32, #tpu.memory_space<vmem>>, vector<16xi32>,
    %add3A_47 = vector.broadcast %mul3A_21 : i32 to vector<16xi32>
    %add3A_48 = arith.addi %get3A_46, %add3A_47 : vector<16xi32>
    %swap3A_49 = arith.constant 32 : index
    %swap3A_50 = tpu.vector_load %arg25[%swap3A_49] {strides = array<i32>} : memref<128xi32, #tpu.memory_space<vmem>>, vector<16xi32>,
    tpu.vector_store %arg25[%swap3A_49], %add3A_48 {strides = array<i32>} : memref<128xi32, #tpu.memory_space<vmem>>, vector<16xi32>,
    %get3A_51 = arith.constant 48 : index
    %get3A_52 = tpu.vector_load %arg20[%get3A_51] {strides = array<i32>} : memref<128xi32, #tpu.memory_space<vmem>>, vector<16xi32>,
    %add3A_53 = vector.broadcast %mul3A_21 : i32 to vector<16xi32>
    %add3A_54 = arith.addi %get3A_52, %add3A_53 : vector<16xi32>
    %swap3A_55 = arith.constant 48 : index
    %swap3A_56 = tpu.vector_load %arg25[%swap3A_55] {strides = array<i32>} : memref<128xi32, #tpu.memory_space<vmem>>, vector<16xi32>,
    tpu.vector_store %arg25[%swap3A_55], %add3A_54 {strides = array<i32>} : memref<128xi32, #tpu.memory_space<vmem>>, vector<16xi32>,
    %get3A_57 = arith.constant 64 : index
    %get3A_58 = tpu.vector_load %arg20[%get3A_57] {strides = array<i32>} : memref<128xi32, #tpu.memory_space<vmem>>, vector<16xi32>,
    %add3A_59 = vector.broadcast %mul3A_21 : i32 to vector<16xi32>
    %add3A_60 = arith.addi %get3A_58, %add3A_59 : vector<16xi32>
    %swap3A_61 = arith.constant 64 : index
    %swap3A_62 = tpu.vector_load %arg25[%swap3A_61] {strides = array<i32>} : memref<128xi32, #tpu.memory_space<vmem>>, vector<16xi32>,
    tpu.vector_store %arg25[%swap3A_61], %add3A_60 {strides = array<i32>} : memref<128xi32, #tpu.memory_space<vmem>>, vector<16xi32>,
    %get3A_63 = arith.constant 80 : index
    %get3A_64 = tpu.vector_load %arg20[%get3A_63] {strides = array<i32>} : memref<128xi32, #tpu.memory_space<vmem>>, vector<16xi32>,
    %add3A_65 = vector.broadcast %mul3A_21 : i32 to vector<16xi32>
    %add3A_66 = arith.addi %get3A_64, %add3A_65 : vector<16xi32>
    %swap3A_67 = arith.constant 80 : index
    %swap3A_68 = tpu.vector_load %arg25[%swap3A_67] {strides = array<i32>} : memref<128xi32, #tpu.memory_space<vmem>>, vector<16xi32>,
    tpu.vector_store %arg25[%swap3A_67], %add3A_66 {strides = array<i32>} : memref<128xi32, #tpu.memory_space<vmem>>, vector<16xi32>,
    %get3A_69 = arith.constant 96 : index
    %get3A_70 = tpu.vector_load %arg20[%get3A_69] {strides = array<i32>} : memref<128xi32, #tpu.memory_space<vmem>>, vector<16xi32>,
    %add3A_71 = vector.broadcast %mul3A_21 : i32 to vector<16xi32>
    %add3A_72 = arith.addi %get3A_70, %add3A_71 : vector<16xi32>
    %swap3A_73 = arith.constant 96 : index
    %swap3A_74 = tpu.vector_load %arg25[%swap3A_73] {strides = array<i32>} : memref<128xi32, #tpu.memory_space<vmem>>, vector<16xi32>,
    tpu.vector_store %arg25[%swap3A_73], %add3A_72 {strides = array<i32>} : memref<128xi32, #tpu.memory_space<vmem>>, vector<16xi32>,
    %get3A_75 = arith.constant 112 : index
    %get3A_76 = tpu.vector_load %arg20[%get3A_75] {strides = array<i32>} : memref<128xi32, #tpu.memory_space<vmem>>, vector<16xi32>,
    %add3A_77 = vector.broadcast %mul3A_21 : i32 to vector<16xi32>
    %add3A_78 = arith.addi %get3A_76, %add3A_77 : vector<16xi32>
    %swap3A_79 = arith.constant 112 : index
    %swap3A_80 = tpu.vector_load %arg25[%swap3A_79] {strides = array<i32>} : memref<128xi32, #tpu.memory_space<vmem>>, vector<16xi32>,
    tpu.vector_store %arg25[%swap3A_79], %add3A_78 {strides = array<i32>} : memref<128xi32, #tpu.memory_space<vmem>>, vector<16xi32>,
    %dma_start3A = arith.constant 0 : i32
    %dma_start3A_81 = arith.constant 0 : i32
    %dma_start3A_82 = tpu.memref_slice %arg9[%dma_start3A, %dma_start3A_81] : memref<32768x32xf32, #tpu.memory_space<hbm>> -> memref<32768x32xf32, #tpu.memory_space<hbm>>
    tpu.enqueue_indirect_dma source(%dma_start3A_82 : memref<32768x32xf32, #tpu.memory_space<hbm>>) target(%arg27 : memref<128x32xf32, #tpu.memory_space<vmem>>) offsets(%arg25 : memref<128xi32, #tpu.memory_space<vmem>>) semaphore(%arg28 : memref<!tpu.dma_semaphore, #tpu.memory_space<semaphore_mem>>)
    %dma_wait3A = arith.constant 0 : i32
    %dma_wait3A_83 = arith.constant 0 : i32
    %dma_wait3A_84 = tpu.memref_slice %arg9[%dma_wait3A, %dma_wait3A_83] : memref<32768x32xf32, #tpu.memory_space<hbm>> -> memref<32768x32xf32, #tpu.memory_space<hbm>>
    tpu.wait_indirect_dma semaphore(%arg28 : memref<!tpu.dma_semaphore, #tpu.memory_space<semaphore_mem>>) src(%dma_wait3A_84 : memref<32768x32xf32, #tpu.memory_space<hbm>>) dst(%arg27 : memref<128x32xf32, #tpu.memory_space<vmem>>)
    "tpu.region"() ({
      %run_scoped3A = tpu.sem_alloc : memref<!tpu.dma_semaphore, #tpu.memory_space<semaphore_mem>>
      %dma_start3A_94 = arith.constant 0 : i32
      %dma_start3A_95 = tpu.memref_slice %arg11[%mul3A_18, %dma_start3A_94] : memref<4096x32xf32, #tpu.memory_space<hbm>> -> memref<128x32xf32, #tpu.memory_space<hbm>>
      %dma_start3A_96 = arith.constant 0 : i32
      %dma_start3A_97 = tpu.memref_slice %arg11[%mul3A_18, %dma_start3A_96] : memref<4096x32xf32, #tpu.memory_space<hbm>> -> memref<128x32xf32, #tpu.memory_space<hbm>>
      tpu.enqueue_dma source(%arg27 : memref<128x32xf32, #tpu.memory_space<vmem>>) target(%dma_start3A_97 : memref<128x32xf32, #tpu.memory_space<hbm>>) target_semaphore(%run_scoped3A : memref<!tpu.dma_semaphore, #tpu.memory_space<semaphore_mem>>)
      %dma_wait3A_98 = arith.constant 0 : i32
      %dma_wait3A_99 = tpu.memref_slice %arg11[%mul3A_18, %dma_wait3A_98] : memref<4096x32xf32, #tpu.memory_space<hbm>> -> memref<128x32xf32, #tpu.memory_space<hbm>>
      %dma_wait3A_100 = arith.constant 0 : i32
      %dma_wait3A_101 = tpu.memref_slice %arg11[%mul3A_18, %dma_wait3A_100] : memref<4096x32xf32, #tpu.memory_space<hbm>> -> memref<128x32xf32, #tpu.memory_space<hbm>>
      tpu.wait_dma2 semaphore(%run_scoped3A : memref<!tpu.dma_semaphore, #tpu.memory_space<semaphore_mem>>) src(%arg27 : memref<128x32xf32, #tpu.memory_space<vmem>>) dst(%dma_wait3A_101 : memref<128x32xf32, #tpu.memory_space<hbm>>)
      tpu.yield
    }) : () -> ()
    %scan3A_85 = arith.constant 0 : i32
    %scan3A_86 = arith.constant 0 : i32
    %scan3A_87 = arith.constant 32 : i32
    %scan3A_88 = arith.addi %scan3A_86, %scan3A_87 : i32
    %scan3A_89 = arith.constant 1 : i32
    %scan3A_90 = scf.for %scan3A_94 = %scan3A_86 to %scan3A_88 step %scan3A_89 iter_args(%scan3A_95 = %scan3A_85) -> (i32)  : i32 {
      %dma_start3A_96 = arith.constant 0 : i32
      %dma_start3A_97 = tpu.memref_slice %arg24[%scan3A_94, %dma_start3A_96] : memref<32x128xi32, #tpu.memory_space<vmem>> -> memref<1x128xi32, #tpu.memory_space<vmem>>
      %dma_start3A_98 = tpu.memref_squeeze %dma_start3A_97 : memref<1x128xi32, #tpu.memory_space<vmem>> -> memref<128xi32, #tpu.memory_space<vmem>>
      %dma_start3A_99 = arith.constant 0 : i32
      %dma_start3A_100 = arith.constant 0 : i32
      %dma_start3A_101 = tpu.memref_slice %arg9[%dma_start3A_99, %dma_start3A_100] : memref<32768x32xf32, #tpu.memory_space<hbm>> -> memref<32768x32xf32, #tpu.memory_space<hbm>>
      tpu.enqueue_indirect_dma source(%dma_start3A_101 : memref<32768x32xf32, #tpu.memory_space<hbm>>) target(%arg26 : memref<128x32xf32, #tpu.memory_space<vmem>>) offsets(%dma_start3A_98 : memref<128xi32, #tpu.memory_space<vmem>>) semaphore(%arg28 : memref<!tpu.dma_semaphore, #tpu.memory_space<semaphore_mem>>)
      %dma_wait3A_102 = arith.constant 0 : i32
      %dma_wait3A_103 = tpu.memref_slice %arg24[%scan3A_94, %dma_wait3A_102] : memref<32x128xi32, #tpu.memory_space<vmem>> -> memref<1x128xi32, #tpu.memory_space<vmem>>
      %dma_wait3A_104 = tpu.memref_squeeze %dma_wait3A_103 : memref<1x128xi32, #tpu.memory_space<vmem>> -> memref<128xi32, #tpu.memory_space<vmem>>
      %dma_wait3A_105 = arith.constant 0 : i32
      %dma_wait3A_106 = arith.constant 0 : i32
      %dma_wait3A_107 = tpu.memref_slice %arg9[%dma_wait3A_105, %dma_wait3A_106] : memref<32768x32xf32, #tpu.memory_space<hbm>> -> memref<32768x32xf32, #tpu.memory_space<hbm>>
      tpu.wait_indirect_dma semaphore(%arg28 : memref<!tpu.dma_semaphore, #tpu.memory_space<semaphore_mem>>) src(%dma_wait3A_107 : memref<32768x32xf32, #tpu.memory_space<hbm>>) dst(%arg26 : memref<128x32xf32, #tpu.memory_space<vmem>>)
      %mul3A_108 = arith.constant 4096 : i32
      %mul3A_109 = arith.muli %add3A, %mul3A_108 : i32
      %mul3A_110 = arith.constant 128 : i32
      %mul3A_111 = arith.muli %scan3A_94, %mul3A_110 : i32
      %add3A_112 = arith.addi %mul3A_109, %mul3A_111 : i32
      "tpu.region"() ({
        %run_scoped3A = tpu.sem_alloc : memref<!tpu.dma_semaphore, #tpu.memory_space<semaphore_mem>>
        %dma_start3A_114 = arith.constant 0 : i32
        %dma_start3A_115 = tpu.memref_slice %arg10[%add3A_112, %dma_start3A_114] : memref<131072x32xf32, #tpu.memory_space<hbm>> -> memref<128x32xf32, #tpu.memory_space<hbm>>
        %dma_start3A_116 = arith.constant 0 : i32
        %dma_start3A_117 = tpu.memref_slice %arg10[%add3A_112, %dma_start3A_116] : memref<131072x32xf32, #tpu.memory_space<hbm>> -> memref<128x32xf32, #tpu.memory_space<hbm>>
        tpu.enqueue_dma source(%arg26 : memref<128x32xf32, #tpu.memory_space<vmem>>) target(%dma_start3A_117 : memref<128x32xf32, #tpu.memory_space<hbm>>) target_semaphore(%run_scoped3A : memref<!tpu.dma_semaphore, #tpu.memory_space<semaphore_mem>>)
        %dma_wait3A_118 = arith.constant 0 : i32
        %dma_wait3A_119 = tpu.memref_slice %arg10[%add3A_112, %dma_wait3A_118] : memref<131072x32xf32, #tpu.memory_space<hbm>> -> memref<128x32xf32, #tpu.memory_space<hbm>>
        %dma_wait3A_120 = arith.constant 0 : i32
        %dma_wait3A_121 = tpu.memref_slice %arg10[%add3A_112, %dma_wait3A_120] : memref<131072x32xf32, #tpu.memory_space<hbm>> -> memref<128x32xf32, #tpu.memory_space<hbm>>
        tpu.wait_dma2 semaphore(%run_scoped3A : memref<!tpu.dma_semaphore, #tpu.memory_space<semaphore_mem>>) src(%arg26 : memref<128x32xf32, #tpu.memory_space<vmem>>) dst(%dma_wait3A_121 : memref<128x32xf32, #tpu.memory_space<hbm>>)
        tpu.yield
      }) : () -> ()
      %scan3A_113 = arith.constant 0 : i32
      scf.yield %scan3A_113 : i32
    }
    %scan3A_91 = arith.constant 32 : i32
    %mul3A_92 = arith.constant 32 : i32
    %mul3A_93 = arith.muli %add3A, %mul3A_92 : i32
    "tpu.region"() ({
      %run_scoped3A = tpu.sem_alloc : memref<!tpu.dma_semaphore, #tpu.memory_space<semaphore_mem>>
      %dma_start3A_94 = arith.constant 0 : i32
      %dma_start3A_95 = tpu.memref_slice %arg12[%mul3A_93, %dma_start3A_94] : memref<1024x128xi32, #tpu.memory_space<hbm>> -> memref<32x128xi32, #tpu.memory_space<hbm>>
      %dma_start3A_96 = arith.constant 0 : i32
      %dma_start3A_97 = tpu.memref_slice %arg12[%mul3A_93, %dma_start3A_96] : memref<1024x128xi32, #tpu.memory_space<hbm>> -> memref<32x128xi32, #tpu.memory_space<hbm>>
      tpu.enqueue_dma source(%arg24 : memref<32x128xi32, #tpu.memory_space<vmem>>) target(%dma_start3A_97 : memref<32x128xi32, #tpu.memory_space<hbm>>) target_semaphore(%run_scoped3A : memref<!tpu.dma_semaphore, #tpu.memory_space<semaphore_mem>>)
      %dma_wait3A_98 = arith.constant 0 : i32
      %dma_wait3A_99 = tpu.memref_slice %arg12[%mul3A_93, %dma_wait3A_98] : memref<1024x128xi32, #tpu.memory_space<hbm>> -> memref<32x128xi32, #tpu.memory_space<hbm>>
      %dma_wait3A_100 = arith.constant 0 : i32
      %dma_wait3A_101 = tpu.memref_slice %arg12[%mul3A_93, %dma_wait3A_100] : memref<1024x128xi32, #tpu.memory_space<hbm>> -> memref<32x128xi32, #tpu.memory_space<hbm>>
      tpu.wait_dma2 semaphore(%run_scoped3A : memref<!tpu.dma_semaphore, #tpu.memory_space<semaphore_mem>>) src(%arg24 : memref<32x128xi32, #tpu.memory_space<vmem>>) dst(%dma_wait3A_101 : memref<32x128xi32, #tpu.memory_space<hbm>>)
      tpu.yield
    }) : () -> ()
    return
  }
}

module attributes {stable_mosaic.version = 14 : i64} {
  func.func @_fps_kernel(%arg0: memref<32x1024xf32, #tpu.memory_space<vmem>>, %arg1: memref<32x1024xf32, #tpu.memory_space<vmem>>, %arg2: memref<32x1024xf32, #tpu.memory_space<vmem>>, %arg3: memref<4x8x128xi32, #tpu.memory_space<vmem>>, %arg4: memref<4x8x128xf32, #tpu.memory_space<vmem>>, %arg5: memref<4x8x128xf32, #tpu.memory_space<vmem>>, %arg6: memref<4x8x128xf32, #tpu.memory_space<vmem>>) attributes {dimension_semantics = [], scalar_prefetch = 0 : i64, scratch_operands = 0 : i64, tpu.core_type = #tpu.core_type<tc>} {
    %get3A = arith.constant 0 : index
    %get3A_0 = arith.constant 0 : index
    %get3A_1 = vector.load %arg0[%get3A, %get3A_0] : memref<32x1024xf32, #tpu.memory_space<vmem>>, vector<32x1024xf32>
    %get3A_2 = arith.constant 0 : index
    %get3A_3 = arith.constant 0 : index
    %get3A_4 = vector.load %arg1[%get3A_2, %get3A_3] : memref<32x1024xf32, #tpu.memory_space<vmem>>, vector<32x1024xf32>
    %get3A_5 = arith.constant 0 : index
    %get3A_6 = arith.constant 0 : index
    %get3A_7 = vector.load %arg2[%get3A_5, %get3A_6] : memref<32x1024xf32, #tpu.memory_space<vmem>>, vector<32x1024xf32>
    %iota3A = tpu.iota {dimensions = array<i32: 0>} : vector<8x1024xi32>
    %mul3A = arith.constant 1024 : i32
    %mul3A_8 = vector.broadcast %mul3A : i32 to vector<8x1024xi32>
    %mul3A_9 = arith.muli %iota3A, %mul3A_8 : vector<8x1024xi32>
    %iota3A_10 = tpu.iota {dimensions = array<i32: 1>} : vector<8x1024xi32>
    %add3A = arith.addi %mul3A_9, %iota3A_10 : vector<8x1024xi32>
    %iota3A_11 = tpu.iota {dimensions = array<i32: 0>} : vector<8x128xi32>
    %mul3A_12 = arith.constant 128 : i32
    %mul3A_13 = vector.broadcast %mul3A_12 : i32 to vector<8x128xi32>
    %mul3A_14 = arith.muli %iota3A_11, %mul3A_13 : vector<8x128xi32>
    %iota3A_15 = tpu.iota {dimensions = array<i32: 1>} : vector<8x128xi32>
    %add3A_16 = arith.addi %mul3A_14, %iota3A_15 : vector<8x128xi32>
    %broadcast_in_dim3A = arith.constant 1.000000e+10 : f32
    %broadcast_in_dim3A_17 = vector.broadcast %broadcast_in_dim3A : f32 to vector<8x1024xf32>
    %broadcast_in_dim3A_18 = arith.constant 1.000000e+10 : f32
    %broadcast_in_dim3A_19 = vector.broadcast %broadcast_in_dim3A_18 : f32 to vector<8x1024xf32>
    %broadcast_in_dim3A_20 = arith.constant 1.000000e+10 : f32
    %broadcast_in_dim3A_21 = vector.broadcast %broadcast_in_dim3A_20 : f32 to vector<8x1024xf32>
    %broadcast_in_dim3A_22 = arith.constant 1.000000e+10 : f32
    %broadcast_in_dim3A_23 = vector.broadcast %broadcast_in_dim3A_22 : f32 to vector<8x1024xf32>
    %broadcast_in_dim3A_24 = arith.constant 0.000000e+00 : f32
    %broadcast_in_dim3A_25 = vector.broadcast %broadcast_in_dim3A_24 : f32 to vector<8x128xf32>
    %broadcast_in_dim3A_26 = arith.constant 0.000000e+00 : f32
    %broadcast_in_dim3A_27 = vector.broadcast %broadcast_in_dim3A_26 : f32 to vector<8x128xf32>
    %broadcast_in_dim3A_28 = arith.constant 0.000000e+00 : f32
    %broadcast_in_dim3A_29 = vector.broadcast %broadcast_in_dim3A_28 : f32 to vector<8x128xf32>
    %broadcast_in_dim3A_30 = arith.constant 0.000000e+00 : f32
    %broadcast_in_dim3A_31 = vector.broadcast %broadcast_in_dim3A_30 : f32 to vector<8x128xf32>
    %broadcast_in_dim3A_32 = arith.constant 0 : i32
    %broadcast_in_dim3A_33 = vector.broadcast %broadcast_in_dim3A_32 : i32 to vector<8x128xi32>
    %broadcast_in_dim3A_34 = arith.constant 0 : i32
    %broadcast_in_dim3A_35 = vector.broadcast %broadcast_in_dim3A_34 : i32 to vector<8x128xi32>
    %broadcast_in_dim3A_36 = arith.constant 0 : i32
    %broadcast_in_dim3A_37 = vector.broadcast %broadcast_in_dim3A_36 : i32 to vector<8x128xi32>
    %broadcast_in_dim3A_38 = arith.constant 0 : i32
    %broadcast_in_dim3A_39 = vector.broadcast %broadcast_in_dim3A_38 : i32 to vector<8x128xi32>
    %broadcast_in_dim3A_40 = arith.constant 0.000000e+00 : f32
    %broadcast_in_dim3A_41 = vector.broadcast %broadcast_in_dim3A_40 : f32 to vector<8x128xf32>
    %broadcast_in_dim3A_42 = arith.constant 0.000000e+00 : f32
    %broadcast_in_dim3A_43 = vector.broadcast %broadcast_in_dim3A_42 : f32 to vector<8x128xf32>
    %broadcast_in_dim3A_44 = arith.constant 0.000000e+00 : f32
    %broadcast_in_dim3A_45 = vector.broadcast %broadcast_in_dim3A_44 : f32 to vector<8x128xf32>
    %broadcast_in_dim3A_46 = arith.constant 0.000000e+00 : f32
    %broadcast_in_dim3A_47 = vector.broadcast %broadcast_in_dim3A_46 : f32 to vector<8x128xf32>
    %broadcast_in_dim3A_48 = arith.constant 0.000000e+00 : f32
    %broadcast_in_dim3A_49 = vector.broadcast %broadcast_in_dim3A_48 : f32 to vector<8x128xf32>
    %broadcast_in_dim3A_50 = arith.constant 0.000000e+00 : f32
    %broadcast_in_dim3A_51 = vector.broadcast %broadcast_in_dim3A_50 : f32 to vector<8x128xf32>
    %broadcast_in_dim3A_52 = arith.constant 0.000000e+00 : f32
    %broadcast_in_dim3A_53 = vector.broadcast %broadcast_in_dim3A_52 : f32 to vector<8x128xf32>
    %broadcast_in_dim3A_54 = arith.constant 0.000000e+00 : f32
    %broadcast_in_dim3A_55 = vector.broadcast %broadcast_in_dim3A_54 : f32 to vector<8x128xf32>
    %scan3A = arith.constant 0 : i32
    %scan3A_56 = arith.constant 0 : i32
    %scan3A_57 = arith.constant 0 : i32
    %scan3A_58 = arith.constant 0 : i32
    %scan3A_59 = arith.constant 0 : i32
    %scan3A_60 = arith.constant 1024 : i32
    %scan3A_61 = arith.addi %scan3A_59, %scan3A_60 : i32
    %scan3A_62 = arith.constant 1 : i32
    %scan3A_63:24 = scf.for %scan3A_160 = %scan3A_59 to %scan3A_61 step %scan3A_62 iter_args(%scan3A_161 = %broadcast_in_dim3A_17, %scan3A_162 = %broadcast_in_dim3A_19, %scan3A_163 = %broadcast_in_dim3A_21, %scan3A_164 = %broadcast_in_dim3A_23, %scan3A_165 = %scan3A, %scan3A_166 = %scan3A_56, %scan3A_167 = %scan3A_57, %scan3A_168 = %scan3A_58, %scan3A_169 = %broadcast_in_dim3A_33, %scan3A_170 = %broadcast_in_dim3A_35, %scan3A_171 = %broadcast_in_dim3A_37, %scan3A_172 = %broadcast_in_dim3A_39, %scan3A_173 = %broadcast_in_dim3A_25, %scan3A_174 = %broadcast_in_dim3A_27, %scan3A_175 = %broadcast_in_dim3A_29, %scan3A_176 = %broadcast_in_dim3A_31, %scan3A_177 = %broadcast_in_dim3A_41, %scan3A_178 = %broadcast_in_dim3A_43, %scan3A_179 = %broadcast_in_dim3A_45, %scan3A_180 = %broadcast_in_dim3A_47, %scan3A_181 = %broadcast_in_dim3A_49, %scan3A_182 = %broadcast_in_dim3A_51, %scan3A_183 = %broadcast_in_dim3A_53, %scan3A_184 = %broadcast_in_dim3A_55) -> (vector<8x1024xf32>, vector<8x1024xf32>, vector<8x1024xf32>, vector<8x1024xf32>, i32, i32, i32, i32, vector<8x128xi32>, vector<8x128xi32>, vector<8x128xi32>, vector<8x128xi32>, vector<8x128xf32>, vector<8x128xf32>, vector<8x128xf32>, vector<8x128xf32>, vector<8x128xf32>, vector<8x128xf32>, vector<8x128xf32>, vector<8x128xf32>, vector<8x128xf32>, vector<8x128xf32>, vector<8x128xf32>, vector<8x128xf32>)  : i32 {
      %slice3A = vector.extract_strided_slice %get3A_1 {offsets = [0, 0], sizes = [8, 1024], strides = [1, 1]} : vector<32x1024xf32> to vector<8x1024xf32>
      %slice3A_185 = vector.extract_strided_slice %get3A_4 {offsets = [0, 0], sizes = [8, 1024], strides = [1, 1]} : vector<32x1024xf32> to vector<8x1024xf32>
      %slice3A_186 = vector.extract_strided_slice %get3A_7 {offsets = [0, 0], sizes = [8, 1024], strides = [1, 1]} : vector<32x1024xf32> to vector<8x1024xf32>
      %eq3A = vector.broadcast %scan3A_165 : i32 to vector<8x1024xi32>
      %eq3A_187 = arith.cmpi eq, %add3A, %eq3A : vector<8x1024xi32>
      %jit3A = arith.constant 0.000000e+00 : f32
      %broadcast_in_dim3A_188 = vector.broadcast %jit3A : f32 to vector<8x1024xf32>
      %select_n3A = arith.select %eq3A_187, %slice3A, %broadcast_in_dim3A_188 : vector<8x1024xi1>, vector<8x1024xf32>
      %reduce_sum3A = vector.shape_cast %select_n3A : vector<8x1024xf32> to vector<1x8x1024xf32>
      %reduce_sum3A_189 = arith.constant dense<0.000000e+00> : vector<1xf32>
      %reduce_sum3A_190 = vector.multi_reduction <add>, %reduce_sum3A, %reduce_sum3A_189 [1, 2] : vector<1x8x1024xf32> to vector<1xf32>
      %reduce_sum3A_191 = vector.shape_cast %reduce_sum3A_190 : vector<1xf32> to vector<1x1x1xf32>
      %reduce_sum3A_192 = vector.extract %reduce_sum3A_191[0, 0, 0] : f32 from vector<1x1x1xf32>
      %jit3A_193 = arith.constant 0.000000e+00 : f32
      %broadcast_in_dim3A_194 = vector.broadcast %jit3A_193 : f32 to vector<8x1024xf32>
      %select_n3A_195 = arith.select %eq3A_187, %slice3A_185, %broadcast_in_dim3A_194 : vector<8x1024xi1>, vector<8x1024xf32>
      %reduce_sum3A_196 = vector.shape_cast %select_n3A_195 : vector<8x1024xf32> to vector<1x8x1024xf32>
      %reduce_sum3A_197 = arith.constant dense<0.000000e+00> : vector<1xf32>
      %reduce_sum3A_198 = vector.multi_reduction <add>, %reduce_sum3A_196, %reduce_sum3A_197 [1, 2] : vector<1x8x1024xf32> to vector<1xf32>
      %reduce_sum3A_199 = vector.shape_cast %reduce_sum3A_198 : vector<1xf32> to vector<1x1x1xf32>
      %reduce_sum3A_200 = vector.extract %reduce_sum3A_199[0, 0, 0] : f32 from vector<1x1x1xf32>
      %jit3A_201 = arith.constant 0.000000e+00 : f32
      %broadcast_in_dim3A_202 = vector.broadcast %jit3A_201 : f32 to vector<8x1024xf32>
      %select_n3A_203 = arith.select %eq3A_187, %slice3A_186, %broadcast_in_dim3A_202 : vector<8x1024xi1>, vector<8x1024xf32>
      %reduce_sum3A_204 = vector.shape_cast %select_n3A_203 : vector<8x1024xf32> to vector<1x8x1024xf32>
      %reduce_sum3A_205 = arith.constant dense<0.000000e+00> : vector<1xf32>
      %reduce_sum3A_206 = vector.multi_reduction <add>, %reduce_sum3A_204, %reduce_sum3A_205 [1, 2] : vector<1x8x1024xf32> to vector<1xf32>
      %reduce_sum3A_207 = vector.shape_cast %reduce_sum3A_206 : vector<1xf32> to vector<1x1x1xf32>
      %reduce_sum3A_208 = vector.extract %reduce_sum3A_207[0, 0, 0] : f32 from vector<1x1x1xf32>
      %eq3A_209 = vector.broadcast %scan3A_160 : i32 to vector<8x128xi32>
      %eq3A_210 = arith.cmpi eq, %add3A_16, %eq3A_209 : vector<8x128xi32>
      %broadcast_in_dim3A_211 = vector.broadcast %scan3A_165 : i32 to vector<8x128xi32>
      %select_n3A_212 = arith.select %eq3A_210, %broadcast_in_dim3A_211, %scan3A_169 : vector<8x128xi1>, vector<8x128xi32>
      %broadcast_in_dim3A_213 = vector.broadcast %reduce_sum3A_192 : f32 to vector<8x128xf32>
      %select_n3A_214 = arith.select %eq3A_210, %broadcast_in_dim3A_213, %scan3A_173 : vector<8x128xi1>, vector<8x128xf32>
      %broadcast_in_dim3A_215 = vector.broadcast %reduce_sum3A_200 : f32 to vector<8x128xf32>
      %select_n3A_216 = arith.select %eq3A_210, %broadcast_in_dim3A_215, %scan3A_177 : vector<8x128xi1>, vector<8x128xf32>
      %broadcast_in_dim3A_217 = vector.broadcast %reduce_sum3A_208 : f32 to vector<8x128xf32>
      %select_n3A_218 = arith.select %eq3A_210, %broadcast_in_dim3A_217, %scan3A_181 : vector<8x128xi1>, vector<8x128xf32>
      %sub3A = vector.broadcast %reduce_sum3A_192 : f32 to vector<8x1024xf32>
      %sub3A_219 = arith.subf %slice3A, %sub3A : vector<8x1024xf32>
      %sub3A_220 = vector.broadcast %reduce_sum3A_200 : f32 to vector<8x1024xf32>
      %sub3A_221 = arith.subf %slice3A_185, %sub3A_220 : vector<8x1024xf32>
      %sub3A_222 = vector.broadcast %reduce_sum3A_208 : f32 to vector<8x1024xf32>
      %sub3A_223 = arith.subf %slice3A_186, %sub3A_222 : vector<8x1024xf32>
      %mul3A_224 = arith.mulf %sub3A_219, %sub3A_219 : vector<8x1024xf32>
      %mul3A_225 = arith.mulf %sub3A_221, %sub3A_221 : vector<8x1024xf32>
      %add3A_226 = arith.addf %mul3A_224, %mul3A_225 : vector<8x1024xf32>
      %mul3A_227 = arith.mulf %sub3A_223, %sub3A_223 : vector<8x1024xf32>
      %add3A_228 = arith.addf %add3A_226, %mul3A_227 : vector<8x1024xf32>
      %min3A = arith.minimumf %scan3A_161, %add3A_228 : vector<8x1024xf32>
      %reduce_max3A = vector.shape_cast %min3A : vector<8x1024xf32> to vector<1x8x1024xf32>
      %reduce_max3A_229 = arith.constant dense<0xFF800000> : vector<1xf32>
      %reduce_max3A_230 = vector.multi_reduction <maximumf>, %reduce_max3A, %reduce_max3A_229 [1, 2] : vector<1x8x1024xf32> to vector<1xf32>
      %reduce_max3A_231 = vector.shape_cast %reduce_max3A_230 : vector<1xf32> to vector<1x1x1xf32>
      %reduce_max3A_232 = vector.extract %reduce_max3A_231[0, 0, 0] : f32 from vector<1x1x1xf32>
      %eq3A_233 = vector.broadcast %reduce_max3A_232 : f32 to vector<8x1024xf32>
      %eq3A_234 = arith.cmpf oeq, %min3A, %eq3A_233 : vector<8x1024xf32>
      %jit3A_235 = arith.constant 8192 : i32
      %broadcast_in_dim3A_236 = vector.broadcast %jit3A_235 : i32 to vector<8x1024xi32>
      %select_n3A_237 = arith.select %eq3A_234, %add3A, %broadcast_in_dim3A_236 : vector<8x1024xi1>, vector<8x1024xi32>
      %reduce_min3A = vector.shape_cast %select_n3A_237 : vector<8x1024xi32> to vector<1x8x1024xi32>
      %reduce_min3A_238 = arith.constant dense<2147483647> : vector<1xi32>
      %reduce_min3A_239 = vector.multi_reduction <minsi>, %reduce_min3A, %reduce_min3A_238 [1, 2] : vector<1x8x1024xi32> to vector<1xi32>
      %reduce_min3A_240 = vector.shape_cast %reduce_min3A_239 : vector<1xi32> to vector<1x1x1xi32>
      %reduce_min3A_241 = vector.extract %reduce_min3A_240[0, 0, 0] : i32 from vector<1x1x1xi32>
      %slice3A_242 = vector.extract_strided_slice %get3A_1 {offsets = [8, 0], sizes = [8, 1024], strides = [1, 1]} : vector<32x1024xf32> to vector<8x1024xf32>
      %slice3A_243 = vector.extract_strided_slice %get3A_4 {offsets = [8, 0], sizes = [8, 1024], strides = [1, 1]} : vector<32x1024xf32> to vector<8x1024xf32>
      %slice3A_244 = vector.extract_strided_slice %get3A_7 {offsets = [8, 0], sizes = [8, 1024], strides = [1, 1]} : vector<32x1024xf32> to vector<8x1024xf32>
      %eq3A_245 = vector.broadcast %scan3A_166 : i32 to vector<8x1024xi32>
      %eq3A_246 = arith.cmpi eq, %add3A, %eq3A_245 : vector<8x1024xi32>
      %jit3A_247 = arith.constant 0.000000e+00 : f32
      %broadcast_in_dim3A_248 = vector.broadcast %jit3A_247 : f32 to vector<8x1024xf32>
      %select_n3A_249 = arith.select %eq3A_246, %slice3A_242, %broadcast_in_dim3A_248 : vector<8x1024xi1>, vector<8x1024xf32>
      %reduce_sum3A_250 = vector.shape_cast %select_n3A_249 : vector<8x1024xf32> to vector<1x8x1024xf32>
      %reduce_sum3A_251 = arith.constant dense<0.000000e+00> : vector<1xf32>
      %reduce_sum3A_252 = vector.multi_reduction <add>, %reduce_sum3A_250, %reduce_sum3A_251 [1, 2] : vector<1x8x1024xf32> to vector<1xf32>
      %reduce_sum3A_253 = vector.shape_cast %reduce_sum3A_252 : vector<1xf32> to vector<1x1x1xf32>
      %reduce_sum3A_254 = vector.extract %reduce_sum3A_253[0, 0, 0] : f32 from vector<1x1x1xf32>
      %jit3A_255 = arith.constant 0.000000e+00 : f32
      %broadcast_in_dim3A_256 = vector.broadcast %jit3A_255 : f32 to vector<8x1024xf32>
      %select_n3A_257 = arith.select %eq3A_246, %slice3A_243, %broadcast_in_dim3A_256 : vector<8x1024xi1>, vector<8x1024xf32>
      %reduce_sum3A_258 = vector.shape_cast %select_n3A_257 : vector<8x1024xf32> to vector<1x8x1024xf32>
      %reduce_sum3A_259 = arith.constant dense<0.000000e+00> : vector<1xf32>
      %reduce_sum3A_260 = vector.multi_reduction <add>, %reduce_sum3A_258, %reduce_sum3A_259 [1, 2] : vector<1x8x1024xf32> to vector<1xf32>
      %reduce_sum3A_261 = vector.shape_cast %reduce_sum3A_260 : vector<1xf32> to vector<1x1x1xf32>
      %reduce_sum3A_262 = vector.extract %reduce_sum3A_261[0, 0, 0] : f32 from vector<1x1x1xf32>
      %jit3A_263 = arith.constant 0.000000e+00 : f32
      %broadcast_in_dim3A_264 = vector.broadcast %jit3A_263 : f32 to vector<8x1024xf32>
      %select_n3A_265 = arith.select %eq3A_246, %slice3A_244, %broadcast_in_dim3A_264 : vector<8x1024xi1>, vector<8x1024xf32>
      %reduce_sum3A_266 = vector.shape_cast %select_n3A_265 : vector<8x1024xf32> to vector<1x8x1024xf32>
      %reduce_sum3A_267 = arith.constant dense<0.000000e+00> : vector<1xf32>
      %reduce_sum3A_268 = vector.multi_reduction <add>, %reduce_sum3A_266, %reduce_sum3A_267 [1, 2] : vector<1x8x1024xf32> to vector<1xf32>
      %reduce_sum3A_269 = vector.shape_cast %reduce_sum3A_268 : vector<1xf32> to vector<1x1x1xf32>
      %reduce_sum3A_270 = vector.extract %reduce_sum3A_269[0, 0, 0] : f32 from vector<1x1x1xf32>
      %eq3A_271 = vector.broadcast %scan3A_160 : i32 to vector<8x128xi32>
      %eq3A_272 = arith.cmpi eq, %add3A_16, %eq3A_271 : vector<8x128xi32>
      %broadcast_in_dim3A_273 = vector.broadcast %scan3A_166 : i32 to vector<8x128xi32>
      %select_n3A_274 = arith.select %eq3A_272, %broadcast_in_dim3A_273, %scan3A_170 : vector<8x128xi1>, vector<8x128xi32>
      %broadcast_in_dim3A_275 = vector.broadcast %reduce_sum3A_254 : f32 to vector<8x128xf32>
      %select_n3A_276 = arith.select %eq3A_272, %broadcast_in_dim3A_275, %scan3A_174 : vector<8x128xi1>, vector<8x128xf32>
      %broadcast_in_dim3A_277 = vector.broadcast %reduce_sum3A_262 : f32 to vector<8x128xf32>
      %select_n3A_278 = arith.select %eq3A_272, %broadcast_in_dim3A_277, %scan3A_178 : vector<8x128xi1>, vector<8x128xf32>
      %broadcast_in_dim3A_279 = vector.broadcast %reduce_sum3A_270 : f32 to vector<8x128xf32>
      %select_n3A_280 = arith.select %eq3A_272, %broadcast_in_dim3A_279, %scan3A_182 : vector<8x128xi1>, vector<8x128xf32>
      %sub3A_281 = vector.broadcast %reduce_sum3A_254 : f32 to vector<8x1024xf32>
      %sub3A_282 = arith.subf %slice3A_242, %sub3A_281 : vector<8x1024xf32>
      %sub3A_283 = vector.broadcast %reduce_sum3A_262 : f32 to vector<8x1024xf32>
      %sub3A_284 = arith.subf %slice3A_243, %sub3A_283 : vector<8x1024xf32>
      %sub3A_285 = vector.broadcast %reduce_sum3A_270 : f32 to vector<8x1024xf32>
      %sub3A_286 = arith.subf %slice3A_244, %sub3A_285 : vector<8x1024xf32>
      %mul3A_287 = arith.mulf %sub3A_282, %sub3A_282 : vector<8x1024xf32>
      %mul3A_288 = arith.mulf %sub3A_284, %sub3A_284 : vector<8x1024xf32>
      %add3A_289 = arith.addf %mul3A_287, %mul3A_288 : vector<8x1024xf32>
      %mul3A_290 = arith.mulf %sub3A_286, %sub3A_286 : vector<8x1024xf32>
      %add3A_291 = arith.addf %add3A_289, %mul3A_290 : vector<8x1024xf32>
      %min3A_292 = arith.minimumf %scan3A_162, %add3A_291 : vector<8x1024xf32>
      %reduce_max3A_293 = vector.shape_cast %min3A_292 : vector<8x1024xf32> to vector<1x8x1024xf32>
      %reduce_max3A_294 = arith.constant dense<0xFF800000> : vector<1xf32>
      %reduce_max3A_295 = vector.multi_reduction <maximumf>, %reduce_max3A_293, %reduce_max3A_294 [1, 2] : vector<1x8x1024xf32> to vector<1xf32>
      %reduce_max3A_296 = vector.shape_cast %reduce_max3A_295 : vector<1xf32> to vector<1x1x1xf32>
      %reduce_max3A_297 = vector.extract %reduce_max3A_296[0, 0, 0] : f32 from vector<1x1x1xf32>
      %eq3A_298 = vector.broadcast %reduce_max3A_297 : f32 to vector<8x1024xf32>
      %eq3A_299 = arith.cmpf oeq, %min3A_292, %eq3A_298 : vector<8x1024xf32>
      %jit3A_300 = arith.constant 8192 : i32
      %broadcast_in_dim3A_301 = vector.broadcast %jit3A_300 : i32 to vector<8x1024xi32>
      %select_n3A_302 = arith.select %eq3A_299, %add3A, %broadcast_in_dim3A_301 : vector<8x1024xi1>, vector<8x1024xi32>
      %reduce_min3A_303 = vector.shape_cast %select_n3A_302 : vector<8x1024xi32> to vector<1x8x1024xi32>
      %reduce_min3A_304 = arith.constant dense<2147483647> : vector<1xi32>
      %reduce_min3A_305 = vector.multi_reduction <minsi>, %reduce_min3A_303, %reduce_min3A_304 [1, 2] : vector<1x8x1024xi32> to vector<1xi32>
      %reduce_min3A_306 = vector.shape_cast %reduce_min3A_305 : vector<1xi32> to vector<1x1x1xi32>
      %reduce_min3A_307 = vector.extract %reduce_min3A_306[0, 0, 0] : i32 from vector<1x1x1xi32>
      %slice3A_308 = vector.extract_strided_slice %get3A_1 {offsets = [16, 0], sizes = [8, 1024], strides = [1, 1]} : vector<32x1024xf32> to vector<8x1024xf32>
      %slice3A_309 = vector.extract_strided_slice %get3A_4 {offsets = [16, 0], sizes = [8, 1024], strides = [1, 1]} : vector<32x1024xf32> to vector<8x1024xf32>
      %slice3A_310 = vector.extract_strided_slice %get3A_7 {offsets = [16, 0], sizes = [8, 1024], strides = [1, 1]} : vector<32x1024xf32> to vector<8x1024xf32>
      %eq3A_311 = vector.broadcast %scan3A_167 : i32 to vector<8x1024xi32>
      %eq3A_312 = arith.cmpi eq, %add3A, %eq3A_311 : vector<8x1024xi32>
      %jit3A_313 = arith.constant 0.000000e+00 : f32
      %broadcast_in_dim3A_314 = vector.broadcast %jit3A_313 : f32 to vector<8x1024xf32>
      %select_n3A_315 = arith.select %eq3A_312, %slice3A_308, %broadcast_in_dim3A_314 : vector<8x1024xi1>, vector<8x1024xf32>
      %reduce_sum3A_316 = vector.shape_cast %select_n3A_315 : vector<8x1024xf32> to vector<1x8x1024xf32>
      %reduce_sum3A_317 = arith.constant dense<0.000000e+00> : vector<1xf32>
      %reduce_sum3A_318 = vector.multi_reduction <add>, %reduce_sum3A_316, %reduce_sum3A_317 [1, 2] : vector<1x8x1024xf32> to vector<1xf32>
      %reduce_sum3A_319 = vector.shape_cast %reduce_sum3A_318 : vector<1xf32> to vector<1x1x1xf32>
      %reduce_sum3A_320 = vector.extract %reduce_sum3A_319[0, 0, 0] : f32 from vector<1x1x1xf32>
      %jit3A_321 = arith.constant 0.000000e+00 : f32
      %broadcast_in_dim3A_322 = vector.broadcast %jit3A_321 : f32 to vector<8x1024xf32>
      %select_n3A_323 = arith.select %eq3A_312, %slice3A_309, %broadcast_in_dim3A_322 : vector<8x1024xi1>, vector<8x1024xf32>
      %reduce_sum3A_324 = vector.shape_cast %select_n3A_323 : vector<8x1024xf32> to vector<1x8x1024xf32>
      %reduce_sum3A_325 = arith.constant dense<0.000000e+00> : vector<1xf32>
      %reduce_sum3A_326 = vector.multi_reduction <add>, %reduce_sum3A_324, %reduce_sum3A_325 [1, 2] : vector<1x8x1024xf32> to vector<1xf32>
      %reduce_sum3A_327 = vector.shape_cast %reduce_sum3A_326 : vector<1xf32> to vector<1x1x1xf32>
      %reduce_sum3A_328 = vector.extract %reduce_sum3A_327[0, 0, 0] : f32 from vector<1x1x1xf32>
      %jit3A_329 = arith.constant 0.000000e+00 : f32
      %broadcast_in_dim3A_330 = vector.broadcast %jit3A_329 : f32 to vector<8x1024xf32>
      %select_n3A_331 = arith.select %eq3A_312, %slice3A_310, %broadcast_in_dim3A_330 : vector<8x1024xi1>, vector<8x1024xf32>
      %reduce_sum3A_332 = vector.shape_cast %select_n3A_331 : vector<8x1024xf32> to vector<1x8x1024xf32>
      %reduce_sum3A_333 = arith.constant dense<0.000000e+00> : vector<1xf32>
      %reduce_sum3A_334 = vector.multi_reduction <add>, %reduce_sum3A_332, %reduce_sum3A_333 [1, 2] : vector<1x8x1024xf32> to vector<1xf32>
      %reduce_sum3A_335 = vector.shape_cast %reduce_sum3A_334 : vector<1xf32> to vector<1x1x1xf32>
      %reduce_sum3A_336 = vector.extract %reduce_sum3A_335[0, 0, 0] : f32 from vector<1x1x1xf32>
      %eq3A_337 = vector.broadcast %scan3A_160 : i32 to vector<8x128xi32>
      %eq3A_338 = arith.cmpi eq, %add3A_16, %eq3A_337 : vector<8x128xi32>
      %broadcast_in_dim3A_339 = vector.broadcast %scan3A_167 : i32 to vector<8x128xi32>
      %select_n3A_340 = arith.select %eq3A_338, %broadcast_in_dim3A_339, %scan3A_171 : vector<8x128xi1>, vector<8x128xi32>
      %broadcast_in_dim3A_341 = vector.broadcast %reduce_sum3A_320 : f32 to vector<8x128xf32>
      %select_n3A_342 = arith.select %eq3A_338, %broadcast_in_dim3A_341, %scan3A_175 : vector<8x128xi1>, vector<8x128xf32>
      %broadcast_in_dim3A_343 = vector.broadcast %reduce_sum3A_328 : f32 to vector<8x128xf32>
      %select_n3A_344 = arith.select %eq3A_338, %broadcast_in_dim3A_343, %scan3A_179 : vector<8x128xi1>, vector<8x128xf32>
      %broadcast_in_dim3A_345 = vector.broadcast %reduce_sum3A_336 : f32 to vector<8x128xf32>
      %select_n3A_346 = arith.select %eq3A_338, %broadcast_in_dim3A_345, %scan3A_183 : vector<8x128xi1>, vector<8x128xf32>
      %sub3A_347 = vector.broadcast %reduce_sum3A_320 : f32 to vector<8x1024xf32>
      %sub3A_348 = arith.subf %slice3A_308, %sub3A_347 : vector<8x1024xf32>
      %sub3A_349 = vector.broadcast %reduce_sum3A_328 : f32 to vector<8x1024xf32>
      %sub3A_350 = arith.subf %slice3A_309, %sub3A_349 : vector<8x1024xf32>
      %sub3A_351 = vector.broadcast %reduce_sum3A_336 : f32 to vector<8x1024xf32>
      %sub3A_352 = arith.subf %slice3A_310, %sub3A_351 : vector<8x1024xf32>
      %mul3A_353 = arith.mulf %sub3A_348, %sub3A_348 : vector<8x1024xf32>
      %mul3A_354 = arith.mulf %sub3A_350, %sub3A_350 : vector<8x1024xf32>
      %add3A_355 = arith.addf %mul3A_353, %mul3A_354 : vector<8x1024xf32>
      %mul3A_356 = arith.mulf %sub3A_352, %sub3A_352 : vector<8x1024xf32>
      %add3A_357 = arith.addf %add3A_355, %mul3A_356 : vector<8x1024xf32>
      %min3A_358 = arith.minimumf %scan3A_163, %add3A_357 : vector<8x1024xf32>
      %reduce_max3A_359 = vector.shape_cast %min3A_358 : vector<8x1024xf32> to vector<1x8x1024xf32>
      %reduce_max3A_360 = arith.constant dense<0xFF800000> : vector<1xf32>
      %reduce_max3A_361 = vector.multi_reduction <maximumf>, %reduce_max3A_359, %reduce_max3A_360 [1, 2] : vector<1x8x1024xf32> to vector<1xf32>
      %reduce_max3A_362 = vector.shape_cast %reduce_max3A_361 : vector<1xf32> to vector<1x1x1xf32>
      %reduce_max3A_363 = vector.extract %reduce_max3A_362[0, 0, 0] : f32 from vector<1x1x1xf32>
      %eq3A_364 = vector.broadcast %reduce_max3A_363 : f32 to vector<8x1024xf32>
      %eq3A_365 = arith.cmpf oeq, %min3A_358, %eq3A_364 : vector<8x1024xf32>
      %jit3A_366 = arith.constant 8192 : i32
      %broadcast_in_dim3A_367 = vector.broadcast %jit3A_366 : i32 to vector<8x1024xi32>
      %select_n3A_368 = arith.select %eq3A_365, %add3A, %broadcast_in_dim3A_367 : vector<8x1024xi1>, vector<8x1024xi32>
      %reduce_min3A_369 = vector.shape_cast %select_n3A_368 : vector<8x1024xi32> to vector<1x8x1024xi32>
      %reduce_min3A_370 = arith.constant dense<2147483647> : vector<1xi32>
      %reduce_min3A_371 = vector.multi_reduction <minsi>, %reduce_min3A_369, %reduce_min3A_370 [1, 2] : vector<1x8x1024xi32> to vector<1xi32>
      %reduce_min3A_372 = vector.shape_cast %reduce_min3A_371 : vector<1xi32> to vector<1x1x1xi32>
      %reduce_min3A_373 = vector.extract %reduce_min3A_372[0, 0, 0] : i32 from vector<1x1x1xi32>
      %slice3A_374 = vector.extract_strided_slice %get3A_1 {offsets = [24, 0], sizes = [8, 1024], strides = [1, 1]} : vector<32x1024xf32> to vector<8x1024xf32>
      %slice3A_375 = vector.extract_strided_slice %get3A_4 {offsets = [24, 0], sizes = [8, 1024], strides = [1, 1]} : vector<32x1024xf32> to vector<8x1024xf32>
      %slice3A_376 = vector.extract_strided_slice %get3A_7 {offsets = [24, 0], sizes = [8, 1024], strides = [1, 1]} : vector<32x1024xf32> to vector<8x1024xf32>
      %eq3A_377 = vector.broadcast %scan3A_168 : i32 to vector<8x1024xi32>
      %eq3A_378 = arith.cmpi eq, %add3A, %eq3A_377 : vector<8x1024xi32>
      %jit3A_379 = arith.constant 0.000000e+00 : f32
      %broadcast_in_dim3A_380 = vector.broadcast %jit3A_379 : f32 to vector<8x1024xf32>
      %select_n3A_381 = arith.select %eq3A_378, %slice3A_374, %broadcast_in_dim3A_380 : vector<8x1024xi1>, vector<8x1024xf32>
      %reduce_sum3A_382 = vector.shape_cast %select_n3A_381 : vector<8x1024xf32> to vector<1x8x1024xf32>
      %reduce_sum3A_383 = arith.constant dense<0.000000e+00> : vector<1xf32>
      %reduce_sum3A_384 = vector.multi_reduction <add>, %reduce_sum3A_382, %reduce_sum3A_383 [1, 2] : vector<1x8x1024xf32> to vector<1xf32>
      %reduce_sum3A_385 = vector.shape_cast %reduce_sum3A_384 : vector<1xf32> to vector<1x1x1xf32>
      %reduce_sum3A_386 = vector.extract %reduce_sum3A_385[0, 0, 0] : f32 from vector<1x1x1xf32>
      %jit3A_387 = arith.constant 0.000000e+00 : f32
      %broadcast_in_dim3A_388 = vector.broadcast %jit3A_387 : f32 to vector<8x1024xf32>
      %select_n3A_389 = arith.select %eq3A_378, %slice3A_375, %broadcast_in_dim3A_388 : vector<8x1024xi1>, vector<8x1024xf32>
      %reduce_sum3A_390 = vector.shape_cast %select_n3A_389 : vector<8x1024xf32> to vector<1x8x1024xf32>
      %reduce_sum3A_391 = arith.constant dense<0.000000e+00> : vector<1xf32>
      %reduce_sum3A_392 = vector.multi_reduction <add>, %reduce_sum3A_390, %reduce_sum3A_391 [1, 2] : vector<1x8x1024xf32> to vector<1xf32>
      %reduce_sum3A_393 = vector.shape_cast %reduce_sum3A_392 : vector<1xf32> to vector<1x1x1xf32>
      %reduce_sum3A_394 = vector.extract %reduce_sum3A_393[0, 0, 0] : f32 from vector<1x1x1xf32>
      %jit3A_395 = arith.constant 0.000000e+00 : f32
      %broadcast_in_dim3A_396 = vector.broadcast %jit3A_395 : f32 to vector<8x1024xf32>
      %select_n3A_397 = arith.select %eq3A_378, %slice3A_376, %broadcast_in_dim3A_396 : vector<8x1024xi1>, vector<8x1024xf32>
      %reduce_sum3A_398 = vector.shape_cast %select_n3A_397 : vector<8x1024xf32> to vector<1x8x1024xf32>
      %reduce_sum3A_399 = arith.constant dense<0.000000e+00> : vector<1xf32>
      %reduce_sum3A_400 = vector.multi_reduction <add>, %reduce_sum3A_398, %reduce_sum3A_399 [1, 2] : vector<1x8x1024xf32> to vector<1xf32>
      %reduce_sum3A_401 = vector.shape_cast %reduce_sum3A_400 : vector<1xf32> to vector<1x1x1xf32>
      %reduce_sum3A_402 = vector.extract %reduce_sum3A_401[0, 0, 0] : f32 from vector<1x1x1xf32>
      %eq3A_403 = vector.broadcast %scan3A_160 : i32 to vector<8x128xi32>
      %eq3A_404 = arith.cmpi eq, %add3A_16, %eq3A_403 : vector<8x128xi32>
      %broadcast_in_dim3A_405 = vector.broadcast %scan3A_168 : i32 to vector<8x128xi32>
      %select_n3A_406 = arith.select %eq3A_404, %broadcast_in_dim3A_405, %scan3A_172 : vector<8x128xi1>, vector<8x128xi32>
      %broadcast_in_dim3A_407 = vector.broadcast %reduce_sum3A_386 : f32 to vector<8x128xf32>
      %select_n3A_408 = arith.select %eq3A_404, %broadcast_in_dim3A_407, %scan3A_176 : vector<8x128xi1>, vector<8x128xf32>
      %broadcast_in_dim3A_409 = vector.broadcast %reduce_sum3A_394 : f32 to vector<8x128xf32>
      %select_n3A_410 = arith.select %eq3A_404, %broadcast_in_dim3A_409, %scan3A_180 : vector<8x128xi1>, vector<8x128xf32>
      %broadcast_in_dim3A_411 = vector.broadcast %reduce_sum3A_402 : f32 to vector<8x128xf32>
      %select_n3A_412 = arith.select %eq3A_404, %broadcast_in_dim3A_411, %scan3A_184 : vector<8x128xi1>, vector<8x128xf32>
      %sub3A_413 = vector.broadcast %reduce_sum3A_386 : f32 to vector<8x1024xf32>
      %sub3A_414 = arith.subf %slice3A_374, %sub3A_413 : vector<8x1024xf32>
      %sub3A_415 = vector.broadcast %reduce_sum3A_394 : f32 to vector<8x1024xf32>
      %sub3A_416 = arith.subf %slice3A_375, %sub3A_415 : vector<8x1024xf32>
      %sub3A_417 = vector.broadcast %reduce_sum3A_402 : f32 to vector<8x1024xf32>
      %sub3A_418 = arith.subf %slice3A_376, %sub3A_417 : vector<8x1024xf32>
      %mul3A_419 = arith.mulf %sub3A_414, %sub3A_414 : vector<8x1024xf32>
      %mul3A_420 = arith.mulf %sub3A_416, %sub3A_416 : vector<8x1024xf32>
      %add3A_421 = arith.addf %mul3A_419, %mul3A_420 : vector<8x1024xf32>
      %mul3A_422 = arith.mulf %sub3A_418, %sub3A_418 : vector<8x1024xf32>
      %add3A_423 = arith.addf %add3A_421, %mul3A_422 : vector<8x1024xf32>
      %min3A_424 = arith.minimumf %scan3A_164, %add3A_423 : vector<8x1024xf32>
      %reduce_max3A_425 = vector.shape_cast %min3A_424 : vector<8x1024xf32> to vector<1x8x1024xf32>
      %reduce_max3A_426 = arith.constant dense<0xFF800000> : vector<1xf32>
      %reduce_max3A_427 = vector.multi_reduction <maximumf>, %reduce_max3A_425, %reduce_max3A_426 [1, 2] : vector<1x8x1024xf32> to vector<1xf32>
      %reduce_max3A_428 = vector.shape_cast %reduce_max3A_427 : vector<1xf32> to vector<1x1x1xf32>
      %reduce_max3A_429 = vector.extract %reduce_max3A_428[0, 0, 0] : f32 from vector<1x1x1xf32>
      %eq3A_430 = vector.broadcast %reduce_max3A_429 : f32 to vector<8x1024xf32>
      %eq3A_431 = arith.cmpf oeq, %min3A_424, %eq3A_430 : vector<8x1024xf32>
      %jit3A_432 = arith.constant 8192 : i32
      %broadcast_in_dim3A_433 = vector.broadcast %jit3A_432 : i32 to vector<8x1024xi32>
      %select_n3A_434 = arith.select %eq3A_431, %add3A, %broadcast_in_dim3A_433 : vector<8x1024xi1>, vector<8x1024xi32>
      %reduce_min3A_435 = vector.shape_cast %select_n3A_434 : vector<8x1024xi32> to vector<1x8x1024xi32>
      %reduce_min3A_436 = arith.constant dense<2147483647> : vector<1xi32>
      %reduce_min3A_437 = vector.multi_reduction <minsi>, %reduce_min3A_435, %reduce_min3A_436 [1, 2] : vector<1x8x1024xi32> to vector<1xi32>
      %reduce_min3A_438 = vector.shape_cast %reduce_min3A_437 : vector<1xi32> to vector<1x1x1xi32>
      %reduce_min3A_439 = vector.extract %reduce_min3A_438[0, 0, 0] : i32 from vector<1x1x1xi32>
      scf.yield %min3A, %min3A_292, %min3A_358, %min3A_424, %reduce_min3A_241, %reduce_min3A_307, %reduce_min3A_373, %reduce_min3A_439, %select_n3A_212, %select_n3A_274, %select_n3A_340, %select_n3A_406, %select_n3A_214, %select_n3A_276, %select_n3A_342, %select_n3A_408, %select_n3A_216, %select_n3A_278, %select_n3A_344, %select_n3A_410, %select_n3A_218, %select_n3A_280, %select_n3A_346, %select_n3A_412 : vector<8x1024xf32>, vector<8x1024xf32>, vector<8x1024xf32>, vector<8x1024xf32>, i32, i32, i32, i32, vector<8x128xi32>, vector<8x128xi32>, vector<8x128xi32>, vector<8x128xi32>, vector<8x128xf32>, vector<8x128xf32>, vector<8x128xf32>, vector<8x128xf32>, vector<8x128xf32>, vector<8x128xf32>, vector<8x128xf32>, vector<8x128xf32>, vector<8x128xf32>, vector<8x128xf32>, vector<8x128xf32>, vector<8x128xf32>
    }
    %scan3A_64 = arith.constant 1024 : i32
    %swap3A = arith.constant 0 : index
    %swap3A_65 = arith.constant 0 : index
    %swap3A_66 = arith.constant 0 : index
    %swap3A_67 = vector.load %arg3[%swap3A, %swap3A_65, %swap3A_66] : memref<4x8x128xi32, #tpu.memory_space<vmem>>, vector<1x8x128xi32>
    %swap3A_68 = vector.shape_cast %swap3A_67 : vector<1x8x128xi32> to vector<8x128xi32>
    %swap3A_69 = vector.shape_cast %scan3A_63#8 : vector<8x128xi32> to vector<1x8x128xi32>
    tpu.vector_store %arg3[%swap3A, %swap3A_65, %swap3A_66], %swap3A_69 {strides = array<i32>} : memref<4x8x128xi32, #tpu.memory_space<vmem>>, vector<1x8x128xi32>,
    %swap3A_70 = arith.constant 0 : index
    %swap3A_71 = arith.constant 0 : index
    %swap3A_72 = arith.constant 0 : index
    %swap3A_73 = vector.load %arg4[%swap3A_70, %swap3A_71, %swap3A_72] : memref<4x8x128xf32, #tpu.memory_space<vmem>>, vector<1x8x128xf32>
    %swap3A_74 = vector.shape_cast %swap3A_73 : vector<1x8x128xf32> to vector<8x128xf32>
    %swap3A_75 = vector.shape_cast %scan3A_63#12 : vector<8x128xf32> to vector<1x8x128xf32>
    tpu.vector_store %arg4[%swap3A_70, %swap3A_71, %swap3A_72], %swap3A_75 {strides = array<i32>} : memref<4x8x128xf32, #tpu.memory_space<vmem>>, vector<1x8x128xf32>,
    %swap3A_76 = arith.constant 0 : index
    %swap3A_77 = arith.constant 0 : index
    %swap3A_78 = arith.constant 0 : index
    %swap3A_79 = vector.load %arg5[%swap3A_76, %swap3A_77, %swap3A_78] : memref<4x8x128xf32, #tpu.memory_space<vmem>>, vector<1x8x128xf32>
    %swap3A_80 = vector.shape_cast %swap3A_79 : vector<1x8x128xf32> to vector<8x128xf32>
    %swap3A_81 = vector.shape_cast %scan3A_63#16 : vector<8x128xf32> to vector<1x8x128xf32>
    tpu.vector_store %arg5[%swap3A_76, %swap3A_77, %swap3A_78], %swap3A_81 {strides = array<i32>} : memref<4x8x128xf32, #tpu.memory_space<vmem>>, vector<1x8x128xf32>,
    %swap3A_82 = arith.constant 0 : index
    %swap3A_83 = arith.constant 0 : index
    %swap3A_84 = arith.constant 0 : index
    %swap3A_85 = vector.load %arg6[%swap3A_82, %swap3A_83, %swap3A_84] : memref<4x8x128xf32, #tpu.memory_space<vmem>>, vector<1x8x128xf32>
    %swap3A_86 = vector.shape_cast %swap3A_85 : vector<1x8x128xf32> to vector<8x128xf32>
    %swap3A_87 = vector.shape_cast %scan3A_63#20 : vector<8x128xf32> to vector<1x8x128xf32>
    tpu.vector_store %arg6[%swap3A_82, %swap3A_83, %swap3A_84], %swap3A_87 {strides = array<i32>} : memref<4x8x128xf32, #tpu.memory_space<vmem>>, vector<1x8x128xf32>,
    %swap3A_88 = arith.constant 1 : index
    %swap3A_89 = arith.constant 0 : index
    %swap3A_90 = arith.constant 0 : index
    %swap3A_91 = vector.load %arg3[%swap3A_88, %swap3A_89, %swap3A_90] : memref<4x8x128xi32, #tpu.memory_space<vmem>>, vector<1x8x128xi32>
    %swap3A_92 = vector.shape_cast %swap3A_91 : vector<1x8x128xi32> to vector<8x128xi32>
    %swap3A_93 = vector.shape_cast %scan3A_63#9 : vector<8x128xi32> to vector<1x8x128xi32>
    tpu.vector_store %arg3[%swap3A_88, %swap3A_89, %swap3A_90], %swap3A_93 {strides = array<i32>} : memref<4x8x128xi32, #tpu.memory_space<vmem>>, vector<1x8x128xi32>,
    %swap3A_94 = arith.constant 1 : index
    %swap3A_95 = arith.constant 0 : index
    %swap3A_96 = arith.constant 0 : index
    %swap3A_97 = vector.load %arg4[%swap3A_94, %swap3A_95, %swap3A_96] : memref<4x8x128xf32, #tpu.memory_space<vmem>>, vector<1x8x128xf32>
    %swap3A_98 = vector.shape_cast %swap3A_97 : vector<1x8x128xf32> to vector<8x128xf32>
    %swap3A_99 = vector.shape_cast %scan3A_63#13 : vector<8x128xf32> to vector<1x8x128xf32>
    tpu.vector_store %arg4[%swap3A_94, %swap3A_95, %swap3A_96], %swap3A_99 {strides = array<i32>} : memref<4x8x128xf32, #tpu.memory_space<vmem>>, vector<1x8x128xf32>,
    %swap3A_100 = arith.constant 1 : index
    %swap3A_101 = arith.constant 0 : index
    %swap3A_102 = arith.constant 0 : index
    %swap3A_103 = vector.load %arg5[%swap3A_100, %swap3A_101, %swap3A_102] : memref<4x8x128xf32, #tpu.memory_space<vmem>>, vector<1x8x128xf32>
    %swap3A_104 = vector.shape_cast %swap3A_103 : vector<1x8x128xf32> to vector<8x128xf32>
    %swap3A_105 = vector.shape_cast %scan3A_63#17 : vector<8x128xf32> to vector<1x8x128xf32>
    tpu.vector_store %arg5[%swap3A_100, %swap3A_101, %swap3A_102], %swap3A_105 {strides = array<i32>} : memref<4x8x128xf32, #tpu.memory_space<vmem>>, vector<1x8x128xf32>,
    %swap3A_106 = arith.constant 1 : index
    %swap3A_107 = arith.constant 0 : index
    %swap3A_108 = arith.constant 0 : index
    %swap3A_109 = vector.load %arg6[%swap3A_106, %swap3A_107, %swap3A_108] : memref<4x8x128xf32, #tpu.memory_space<vmem>>, vector<1x8x128xf32>
    %swap3A_110 = vector.shape_cast %swap3A_109 : vector<1x8x128xf32> to vector<8x128xf32>
    %swap3A_111 = vector.shape_cast %scan3A_63#21 : vector<8x128xf32> to vector<1x8x128xf32>
    tpu.vector_store %arg6[%swap3A_106, %swap3A_107, %swap3A_108], %swap3A_111 {strides = array<i32>} : memref<4x8x128xf32, #tpu.memory_space<vmem>>, vector<1x8x128xf32>,
    %swap3A_112 = arith.constant 2 : index
    %swap3A_113 = arith.constant 0 : index
    %swap3A_114 = arith.constant 0 : index
    %swap3A_115 = vector.load %arg3[%swap3A_112, %swap3A_113, %swap3A_114] : memref<4x8x128xi32, #tpu.memory_space<vmem>>, vector<1x8x128xi32>
    %swap3A_116 = vector.shape_cast %swap3A_115 : vector<1x8x128xi32> to vector<8x128xi32>
    %swap3A_117 = vector.shape_cast %scan3A_63#10 : vector<8x128xi32> to vector<1x8x128xi32>
    tpu.vector_store %arg3[%swap3A_112, %swap3A_113, %swap3A_114], %swap3A_117 {strides = array<i32>} : memref<4x8x128xi32, #tpu.memory_space<vmem>>, vector<1x8x128xi32>,
    %swap3A_118 = arith.constant 2 : index
    %swap3A_119 = arith.constant 0 : index
    %swap3A_120 = arith.constant 0 : index
    %swap3A_121 = vector.load %arg4[%swap3A_118, %swap3A_119, %swap3A_120] : memref<4x8x128xf32, #tpu.memory_space<vmem>>, vector<1x8x128xf32>
    %swap3A_122 = vector.shape_cast %swap3A_121 : vector<1x8x128xf32> to vector<8x128xf32>
    %swap3A_123 = vector.shape_cast %scan3A_63#14 : vector<8x128xf32> to vector<1x8x128xf32>
    tpu.vector_store %arg4[%swap3A_118, %swap3A_119, %swap3A_120], %swap3A_123 {strides = array<i32>} : memref<4x8x128xf32, #tpu.memory_space<vmem>>, vector<1x8x128xf32>,
    %swap3A_124 = arith.constant 2 : index
    %swap3A_125 = arith.constant 0 : index
    %swap3A_126 = arith.constant 0 : index
    %swap3A_127 = vector.load %arg5[%swap3A_124, %swap3A_125, %swap3A_126] : memref<4x8x128xf32, #tpu.memory_space<vmem>>, vector<1x8x128xf32>
    %swap3A_128 = vector.shape_cast %swap3A_127 : vector<1x8x128xf32> to vector<8x128xf32>
    %swap3A_129 = vector.shape_cast %scan3A_63#18 : vector<8x128xf32> to vector<1x8x128xf32>
    tpu.vector_store %arg5[%swap3A_124, %swap3A_125, %swap3A_126], %swap3A_129 {strides = array<i32>} : memref<4x8x128xf32, #tpu.memory_space<vmem>>, vector<1x8x128xf32>,
    %swap3A_130 = arith.constant 2 : index
    %swap3A_131 = arith.constant 0 : index
    %swap3A_132 = arith.constant 0 : index
    %swap3A_133 = vector.load %arg6[%swap3A_130, %swap3A_131, %swap3A_132] : memref<4x8x128xf32, #tpu.memory_space<vmem>>, vector<1x8x128xf32>
    %swap3A_134 = vector.shape_cast %swap3A_133 : vector<1x8x128xf32> to vector<8x128xf32>
    %swap3A_135 = vector.shape_cast %scan3A_63#22 : vector<8x128xf32> to vector<1x8x128xf32>
    tpu.vector_store %arg6[%swap3A_130, %swap3A_131, %swap3A_132], %swap3A_135 {strides = array<i32>} : memref<4x8x128xf32, #tpu.memory_space<vmem>>, vector<1x8x128xf32>,
    %swap3A_136 = arith.constant 3 : index
    %swap3A_137 = arith.constant 0 : index
    %swap3A_138 = arith.constant 0 : index
    %swap3A_139 = vector.load %arg3[%swap3A_136, %swap3A_137, %swap3A_138] : memref<4x8x128xi32, #tpu.memory_space<vmem>>, vector<1x8x128xi32>
    %swap3A_140 = vector.shape_cast %swap3A_139 : vector<1x8x128xi32> to vector<8x128xi32>
    %swap3A_141 = vector.shape_cast %scan3A_63#11 : vector<8x128xi32> to vector<1x8x128xi32>
    tpu.vector_store %arg3[%swap3A_136, %swap3A_137, %swap3A_138], %swap3A_141 {strides = array<i32>} : memref<4x8x128xi32, #tpu.memory_space<vmem>>, vector<1x8x128xi32>,
    %swap3A_142 = arith.constant 3 : index
    %swap3A_143 = arith.constant 0 : index
    %swap3A_144 = arith.constant 0 : index
    %swap3A_145 = vector.load %arg4[%swap3A_142, %swap3A_143, %swap3A_144] : memref<4x8x128xf32, #tpu.memory_space<vmem>>, vector<1x8x128xf32>
    %swap3A_146 = vector.shape_cast %swap3A_145 : vector<1x8x128xf32> to vector<8x128xf32>
    %swap3A_147 = vector.shape_cast %scan3A_63#15 : vector<8x128xf32> to vector<1x8x128xf32>
    tpu.vector_store %arg4[%swap3A_142, %swap3A_143, %swap3A_144], %swap3A_147 {strides = array<i32>} : memref<4x8x128xf32, #tpu.memory_space<vmem>>, vector<1x8x128xf32>,
    %swap3A_148 = arith.constant 3 : index
    %swap3A_149 = arith.constant 0 : index
    %swap3A_150 = arith.constant 0 : index
    %swap3A_151 = vector.load %arg5[%swap3A_148, %swap3A_149, %swap3A_150] : memref<4x8x128xf32, #tpu.memory_space<vmem>>, vector<1x8x128xf32>
    %swap3A_152 = vector.shape_cast %swap3A_151 : vector<1x8x128xf32> to vector<8x128xf32>
    %swap3A_153 = vector.shape_cast %scan3A_63#19 : vector<8x128xf32> to vector<1x8x128xf32>
    tpu.vector_store %arg5[%swap3A_148, %swap3A_149, %swap3A_150], %swap3A_153 {strides = array<i32>} : memref<4x8x128xf32, #tpu.memory_space<vmem>>, vector<1x8x128xf32>,
    %swap3A_154 = arith.constant 3 : index
    %swap3A_155 = arith.constant 0 : index
    %swap3A_156 = arith.constant 0 : index
    %swap3A_157 = vector.load %arg6[%swap3A_154, %swap3A_155, %swap3A_156] : memref<4x8x128xf32, #tpu.memory_space<vmem>>, vector<1x8x128xf32>
    %swap3A_158 = vector.shape_cast %swap3A_157 : vector<1x8x128xf32> to vector<8x128xf32>
    %swap3A_159 = vector.shape_cast %scan3A_63#23 : vector<8x128xf32> to vector<1x8x128xf32>
    tpu.vector_store %arg6[%swap3A_154, %swap3A_155, %swap3A_156], %swap3A_159 {strides = array<i32>} : memref<4x8x128xf32, #tpu.memory_space<vmem>>, vector<1x8x128xf32>,
    return
  }
}

module attributes {stable_mosaic.version = 14 : i64} {
  func.func @_norm_kernel(%arg0: i32, %arg1: memref<1x1024x1024xf32, #tpu.memory_space<vmem>>, %arg2: memref<1x1024x32xf32, #tpu.memory_space<vmem>>, %arg3: memref<1x1024xf32, #tpu.memory_space<vmem>>, %arg4: memref<1x1024xf32, #tpu.memory_space<vmem>>, %arg5: memref<1x1024x2048xf32, #tpu.memory_space<vmem>>) attributes {dimension_semantics = [#tpu.dimension_semantics<arbitrary>], iteration_bounds = array<i64: 4>, scalar_prefetch = 0 : i64, scratch_operands = 0 : i64, tpu.core_type = #tpu.core_type<tc>, window_params = [{transform_indices = @transform_0, window_bounds = array<i64: 1, 1024, 1024>}, {transform_indices = @transform_1, window_bounds = array<i64: 1, 1024, 32>}, {pipeline_mode = #tpu.pipeline_mode<synchronous>, transform_indices = @transform_2, window_bounds = array<i64: 1, 1024>}, {pipeline_mode = #tpu.pipeline_mode<synchronous>, transform_indices = @transform_3, window_bounds = array<i64: 1, 1024>}, {transform_indices = @transform_4, window_bounds = array<i64: 1, 1024, 2048>}]} {
    %get3A = arith.constant 0 : index
    %get3A_0 = arith.constant 0 : index
    %get3A_1 = arith.constant 0 : index
    %get3A_2 = vector.load %arg1[%get3A, %get3A_0, %get3A_1] : memref<1x1024x1024xf32, #tpu.memory_space<vmem>>, vector<1x1024x1024xf32>
    %get3A_3 = vector.shape_cast %get3A_2 : vector<1x1024x1024xf32> to vector<1024x1024xf32>
    %get3A_4 = arith.constant 0 : index
    %get3A_5 = arith.constant 0 : index
    %get3A_6 = arith.constant 0 : index
    %get3A_7 = vector.load %arg2[%get3A_4, %get3A_5, %get3A_6] : memref<1x1024x32xf32, #tpu.memory_space<vmem>>, vector<1x1024x32xf32>
    %get3A_8 = vector.shape_cast %get3A_7 : vector<1x1024x32xf32> to vector<1024x32xf32>
    %iota3A = tpu.iota {dimensions = array<i32: 0>} : vector<1024x32xi32>
    %iota3A_9 = tpu.iota {dimensions = array<i32: 1>} : vector<1024x32xi32>
    %jit3A = arith.constant 32 : i32
    %eq3A = arith.constant 0 : i32
    %eq3A_10 = arith.cmpi eq, %jit3A, %eq3A : i32
    %jit3A_11 = arith.constant 1 : i32
    %select_n3A = arith.select %eq3A_10, %jit3A_11, %jit3A : i32
    %rem3A = vector.broadcast %select_n3A : i32 to vector<1024x32xi32>
    %rem3A_12 = arith.remsi %iota3A, %rem3A : vector<1024x32xi32>
    %ne3A = arith.constant 0 : i32
    %ne3A_13 = vector.broadcast %ne3A : i32 to vector<1024x32xi32>
    %ne3A_14 = arith.cmpi ne, %rem3A_12, %ne3A_13 : vector<1024x32xi32>
    %lt3A = arith.constant 0 : i32
    %lt3A_15 = vector.broadcast %lt3A : i32 to vector<1024x32xi32>
    %lt3A_16 = arith.cmpi slt, %rem3A_12, %lt3A_15 : vector<1024x32xi32>
    %lt3A_17 = arith.constant 0 : i32
    %lt3A_18 = arith.cmpi slt, %select_n3A, %lt3A_17 : i32
    %ne3A_19 = vector.broadcast %lt3A_18 : i1 to vector<1024x32xi1>
    %ne3A_20 = vector.broadcast %ne3A_19 : vector<1024x32xi1> to vector<1024x32xi1>
    %ne3A_21 = arith.xori %lt3A_16, %ne3A_20 : vector<1024x32xi1>
    %and3A = arith.andi %ne3A_21, %ne3A_14 : vector<1024x32xi1>
    %add3A = vector.broadcast %select_n3A : i32 to vector<1024x32xi32>
    %add3A_22 = arith.addi %rem3A_12, %add3A : vector<1024x32xi32>
    %select_n3A_23 = arith.select %and3A, %add3A_22, %rem3A_12 : vector<1024x32xi1>, vector<1024x32xi32>
    %eq3A_24 = arith.cmpi eq, %select_n3A_23, %iota3A_9 : vector<1024x32xi32>
    %jit3A_25 = arith.constant 3.125000e-02 : f32
    %jit3A_26 = arith.constant 0.000000e+00 : f32
    %broadcast_in_dim3A = vector.broadcast %jit3A_25 : f32 to vector<1024x32xf32>
    %broadcast_in_dim3A_27 = vector.broadcast %jit3A_26 : f32 to vector<1024x32xf32>
    %select_n3A_28 = arith.select %eq3A_24, %broadcast_in_dim3A, %broadcast_in_dim3A_27 : vector<1024x32xi1>, vector<1024x32xf32>
    %dot_general3A = arith.constant dense<0.000000e+00> : vector<1024x32xf32>
    %dot_general3A_29 = tpu.matmul %get3A_3, %select_n3A_28, %dot_general3A {dimension_numbers = #tpu.dot_dimension_numbers<[1], [0], [0], [1], [0, 0, 1, 1], [], []>, transpose_lhs_hint = false} : vector<1024x1024xf32>, vector<1024x32xf32>, vector<1024x32xf32> -> vector<1024x32xf32>
    %iota3A_30 = tpu.iota {dimensions = array<i32: 0>} : vector<32x1024xi32>
    %iota3A_31 = tpu.iota {dimensions = array<i32: 1>} : vector<32x1024xi32>
    %jit3A_32 = arith.constant 32 : i32
    %eq3A_33 = arith.constant 0 : i32
    %eq3A_34 = arith.cmpi eq, %jit3A_32, %eq3A_33 : i32
    %jit3A_35 = arith.constant 1 : i32
    %select_n3A_36 = arith.select %eq3A_34, %jit3A_35, %jit3A_32 : i32
    %rem3A_37 = vector.broadcast %select_n3A_36 : i32 to vector<32x1024xi32>
    %rem3A_38 = arith.remsi %iota3A_31, %rem3A_37 : vector<32x1024xi32>
    %ne3A_39 = arith.constant 0 : i32
    %ne3A_40 = vector.broadcast %ne3A_39 : i32 to vector<32x1024xi32>
    %ne3A_41 = arith.cmpi ne, %rem3A_38, %ne3A_40 : vector<32x1024xi32>
    %lt3A_42 = arith.constant 0 : i32
    %lt3A_43 = vector.broadcast %lt3A_42 : i32 to vector<32x1024xi32>
    %lt3A_44 = arith.cmpi slt, %rem3A_38, %lt3A_43 : vector<32x1024xi32>
    %lt3A_45 = arith.constant 0 : i32
    %lt3A_46 = arith.cmpi slt, %select_n3A_36, %lt3A_45 : i32
    %ne3A_47 = vector.broadcast %lt3A_46 : i1 to vector<32x1024xi1>
    %ne3A_48 = vector.broadcast %ne3A_47 : vector<32x1024xi1> to vector<32x1024xi1>
    %ne3A_49 = arith.xori %lt3A_44, %ne3A_48 : vector<32x1024xi1>
    %and3A_50 = arith.andi %ne3A_49, %ne3A_41 : vector<32x1024xi1>
    %add3A_51 = vector.broadcast %select_n3A_36 : i32 to vector<32x1024xi32>
    %add3A_52 = arith.addi %rem3A_38, %add3A_51 : vector<32x1024xi32>
    %select_n3A_53 = arith.select %and3A_50, %add3A_52, %rem3A_38 : vector<32x1024xi1>, vector<32x1024xi32>
    %eq3A_54 = arith.cmpi eq, %select_n3A_53, %iota3A_30 : vector<32x1024xi32>
    %jit3A_55 = arith.constant 1.000000e+00 : f32
    %jit3A_56 = arith.constant 0.000000e+00 : f32
    %broadcast_in_dim3A_57 = vector.broadcast %jit3A_55 : f32 to vector<32x1024xf32>
    %broadcast_in_dim3A_58 = vector.broadcast %jit3A_56 : f32 to vector<32x1024xf32>
    %select_n3A_59 = arith.select %eq3A_54, %broadcast_in_dim3A_57, %broadcast_in_dim3A_58 : vector<32x1024xi1>, vector<32x1024xf32>
    %dot_general3A_60 = arith.constant dense<0.000000e+00> : vector<1024x1024xf32>
    %dot_general3A_61 = tpu.matmul %dot_general3A_29, %select_n3A_59, %dot_general3A_60 {dimension_numbers = #tpu.dot_dimension_numbers<[1], [0], [0], [1], [0, 0, 1, 1], [], []>, transpose_lhs_hint = false} : vector<1024x32xf32>, vector<32x1024xf32>, vector<1024x1024xf32> -> vector<1024x1024xf32>
    %sub3A = arith.subf %get3A_3, %dot_general3A_61 : vector<1024x1024xf32>
    %mul3A = arith.mulf %sub3A, %sub3A : vector<1024x1024xf32>
    %reduce_sum3A = vector.shape_cast %mul3A : vector<1024x1024xf32> to vector<1x1024x1024xf32>
    %reduce_sum3A_62 = arith.constant dense<0.000000e+00> : vector<1xf32>
    %reduce_sum3A_63 = vector.multi_reduction <add>, %reduce_sum3A, %reduce_sum3A_62 [1, 2] : vector<1x1024x1024xf32> to vector<1xf32>
    %reduce_sum3A_64 = vector.shape_cast %reduce_sum3A_63 : vector<1xf32> to vector<1x1x1xf32>
    %reduce_sum3A_65 = vector.extract %reduce_sum3A_64[0, 0, 0] : f32 from vector<1x1x1xf32>
    %div3A = arith.constant 0x497FFFF0 : f32
    %div3A_66 = arith.divf %reduce_sum3A_65, %div3A : f32
    %sqrt3A = math.sqrt %div3A_66 : f32
    %add3A_67 = arith.constant 9.99999974E-6 : f32
    %add3A_68 = arith.addf %sqrt3A, %add3A_67 : f32
    %div3A_69 = arith.constant 1.000000e+00 : f32
    %div3A_70 = arith.divf %div3A_69, %add3A_68 : f32
    %mul3A_71 = vector.broadcast %div3A_70 : f32 to vector<1024x1024xf32>
    %mul3A_72 = arith.mulf %sub3A, %mul3A_71 : vector<1024x1024xf32>
    %get3A_73 = arith.constant 0 : index
    %get3A_74 = arith.constant 0 : index
    %get3A_75 = vector.load %arg3[%get3A_73, %get3A_74] : memref<1x1024xf32, #tpu.memory_space<vmem>>, vector<1x1024xf32>
    %mul3A_76 = vector.broadcast %get3A_75 : vector<1x1024xf32> to vector<1024x1024xf32>
    %mul3A_77 = arith.mulf %mul3A_72, %mul3A_76 : vector<1024x1024xf32>
    %get3A_78 = arith.constant 0 : index
    %get3A_79 = arith.constant 0 : index
    %get3A_80 = vector.load %arg4[%get3A_78, %get3A_79] : memref<1x1024xf32, #tpu.memory_space<vmem>>, vector<1x1024xf32>
    %add3A_81 = vector.broadcast %get3A_80 : vector<1x1024xf32> to vector<1024x1024xf32>
    %add3A_82 = arith.addf %mul3A_77, %add3A_81 : vector<1024x1024xf32>
    %iota3A_83 = tpu.iota {dimensions = array<i32: 0>} : vector<1024x2048xi32>
    %iota3A_84 = tpu.iota {dimensions = array<i32: 1>} : vector<1024x2048xi32>
    %jit3A_85 = arith.constant 32 : i32
    %div3A_86 = vector.broadcast %jit3A_85 : i32 to vector<1024x2048xi32>
    %div3A_87 = arith.divsi %iota3A_83, %div3A_86 : vector<1024x2048xi32>
    %sign3A = arith.constant 0 : i32
    %sign3A_88 = vector.broadcast %sign3A : i32 to vector<1024x2048xi32>
    %sign3A_89 = arith.cmpi sgt, %iota3A_83, %sign3A_88 : vector<1024x2048xi32>
    %sign3A_90 = arith.extui %sign3A_89 : vector<1024x2048xi1> to vector<1024x2048xi32>
    %sign3A_91 = arith.constant 0 : i32
    %sign3A_92 = vector.broadcast %sign3A_91 : i32 to vector<1024x2048xi32>
    %sign3A_93 = arith.cmpi slt, %iota3A_83, %sign3A_92 : vector<1024x2048xi32>
    %sign3A_94 = arith.extui %sign3A_93 : vector<1024x2048xi1> to vector<1024x2048xi32>
    %sign3A_95 = arith.subi %sign3A_90, %sign3A_94 : vector<1024x2048xi32>
    %sign3A_96 = arith.constant 0 : i32
    %sign3A_97 = arith.cmpi sgt, %jit3A_85, %sign3A_96 : i32
    %sign3A_98 = arith.extui %sign3A_97 : i1 to i32
    %sign3A_99 = arith.constant 0 : i32
    %sign3A_100 = arith.cmpi slt, %jit3A_85, %sign3A_99 : i32
    %sign3A_101 = arith.extui %sign3A_100 : i1 to i32
    %sign3A_102 = arith.subi %sign3A_98, %sign3A_101 : i32
    %ne3A_103 = vector.broadcast %sign3A_102 : i32 to vector<1024x2048xi32>
    %ne3A_104 = arith.cmpi ne, %sign3A_95, %ne3A_103 : vector<1024x2048xi32>
    %rem3A_105 = vector.broadcast %jit3A_85 : i32 to vector<1024x2048xi32>
    %rem3A_106 = arith.remsi %iota3A_83, %rem3A_105 : vector<1024x2048xi32>
    %ne3A_107 = arith.constant 0 : i32
    %ne3A_108 = vector.broadcast %ne3A_107 : i32 to vector<1024x2048xi32>
    %ne3A_109 = arith.cmpi ne, %rem3A_106, %ne3A_108 : vector<1024x2048xi32>
    %and3A_110 = arith.andi %ne3A_104, %ne3A_109 : vector<1024x2048xi1>
    %sub3A_111 = arith.constant 1 : i32
    %sub3A_112 = vector.broadcast %sub3A_111 : i32 to vector<1024x2048xi32>
    %sub3A_113 = arith.subi %div3A_87, %sub3A_112 : vector<1024x2048xi32>
    %select_n3A_114 = arith.select %and3A_110, %sub3A_113, %div3A_87 : vector<1024x2048xi1>, vector<1024x2048xi32>
    %mul3A_115 = arith.constant 64 : i32
    %mul3A_116 = vector.broadcast %mul3A_115 : i32 to vector<1024x2048xi32>
    %mul3A_117 = arith.muli %select_n3A_114, %mul3A_116 : vector<1024x2048xi32>
    %jit3A_118 = arith.constant 32 : i32
    %eq3A_119 = arith.constant 0 : i32
    %eq3A_120 = arith.cmpi eq, %jit3A_118, %eq3A_119 : i32
    %jit3A_121 = arith.constant 1 : i32
    %select_n3A_122 = arith.select %eq3A_120, %jit3A_121, %jit3A_118 : i32
    %rem3A_123 = vector.broadcast %select_n3A_122 : i32 to vector<1024x2048xi32>
    %rem3A_124 = arith.remsi %iota3A_83, %rem3A_123 : vector<1024x2048xi32>
    %ne3A_125 = arith.constant 0 : i32
    %ne3A_126 = vector.broadcast %ne3A_125 : i32 to vector<1024x2048xi32>
    %ne3A_127 = arith.cmpi ne, %rem3A_124, %ne3A_126 : vector<1024x2048xi32>
    %lt3A_128 = arith.constant 0 : i32
    %lt3A_129 = vector.broadcast %lt3A_128 : i32 to vector<1024x2048xi32>
    %lt3A_130 = arith.cmpi slt, %rem3A_124, %lt3A_129 : vector<1024x2048xi32>
    %lt3A_131 = arith.constant 0 : i32
    %lt3A_132 = arith.cmpi slt, %select_n3A_122, %lt3A_131 : i32
    %ne3A_133 = vector.broadcast %lt3A_132 : i1 to vector<1024x2048xi1>
    %ne3A_134 = vector.broadcast %ne3A_133 : vector<1024x2048xi1> to vector<1024x2048xi1>
    %ne3A_135 = arith.xori %lt3A_130, %ne3A_134 : vector<1024x2048xi1>
    %and3A_136 = arith.andi %ne3A_135, %ne3A_127 : vector<1024x2048xi1>
    %add3A_137 = vector.broadcast %select_n3A_122 : i32 to vector<1024x2048xi32>
    %add3A_138 = arith.addi %rem3A_124, %add3A_137 : vector<1024x2048xi32>
    %select_n3A_139 = arith.select %and3A_136, %add3A_138, %rem3A_124 : vector<1024x2048xi1>, vector<1024x2048xi32>
    %add3A_140 = arith.addi %mul3A_117, %select_n3A_139 : vector<1024x2048xi32>
    %eq3A_141 = arith.cmpi eq, %iota3A_84, %add3A_140 : vector<1024x2048xi32>
    %jit3A_142 = arith.constant 1.000000e+00 : f32
    %jit3A_143 = arith.constant 0.000000e+00 : f32
    %broadcast_in_dim3A_144 = vector.broadcast %jit3A_142 : f32 to vector<1024x2048xf32>
    %broadcast_in_dim3A_145 = vector.broadcast %jit3A_143 : f32 to vector<1024x2048xf32>
    %select_n3A_146 = arith.select %eq3A_141, %broadcast_in_dim3A_144, %broadcast_in_dim3A_145 : vector<1024x2048xi1>, vector<1024x2048xf32>
    %iota3A_147 = tpu.iota {dimensions = array<i32: 0>} : vector<32x2048xi32>
    %iota3A_148 = tpu.iota {dimensions = array<i32: 1>} : vector<32x2048xi32>
    %jit3A_149 = arith.constant 64 : i32
    %eq3A_150 = arith.constant 0 : i32
    %eq3A_151 = arith.cmpi eq, %jit3A_149, %eq3A_150 : i32
    %jit3A_152 = arith.constant 1 : i32
    %select_n3A_153 = arith.select %eq3A_151, %jit3A_152, %jit3A_149 : i32
    %rem3A_154 = vector.broadcast %select_n3A_153 : i32 to vector<32x2048xi32>
    %rem3A_155 = arith.remsi %iota3A_148, %rem3A_154 : vector<32x2048xi32>
    %ne3A_156 = arith.constant 0 : i32
    %ne3A_157 = vector.broadcast %ne3A_156 : i32 to vector<32x2048xi32>
    %ne3A_158 = arith.cmpi ne, %rem3A_155, %ne3A_157 : vector<32x2048xi32>
    %lt3A_159 = arith.constant 0 : i32
    %lt3A_160 = vector.broadcast %lt3A_159 : i32 to vector<32x2048xi32>
    %lt3A_161 = arith.cmpi slt, %rem3A_155, %lt3A_160 : vector<32x2048xi32>
    %lt3A_162 = arith.constant 0 : i32
    %lt3A_163 = arith.cmpi slt, %select_n3A_153, %lt3A_162 : i32
    %ne3A_164 = vector.broadcast %lt3A_163 : i1 to vector<32x2048xi1>
    %ne3A_165 = vector.broadcast %ne3A_164 : vector<32x2048xi1> to vector<32x2048xi1>
    %ne3A_166 = arith.xori %lt3A_161, %ne3A_165 : vector<32x2048xi1>
    %and3A_167 = arith.andi %ne3A_166, %ne3A_158 : vector<32x2048xi1>
    %add3A_168 = vector.broadcast %select_n3A_153 : i32 to vector<32x2048xi32>
    %add3A_169 = arith.addi %rem3A_155, %add3A_168 : vector<32x2048xi32>
    %select_n3A_170 = arith.select %and3A_167, %add3A_169, %rem3A_155 : vector<32x2048xi1>, vector<32x2048xi32>
    %ge3A = arith.constant 32 : i32
    %ge3A_171 = vector.broadcast %ge3A : i32 to vector<32x2048xi32>
    %ge3A_172 = arith.cmpi sge, %select_n3A_170, %ge3A_171 : vector<32x2048xi32>
    %jit3A_173 = arith.constant 64 : i32
    %eq3A_174 = arith.constant 0 : i32
    %eq3A_175 = arith.cmpi eq, %jit3A_173, %eq3A_174 : i32
    %jit3A_176 = arith.constant 1 : i32
    %select_n3A_177 = arith.select %eq3A_175, %jit3A_176, %jit3A_173 : i32
    %rem3A_178 = vector.broadcast %select_n3A_177 : i32 to vector<32x2048xi32>
    %rem3A_179 = arith.remsi %iota3A_148, %rem3A_178 : vector<32x2048xi32>
    %ne3A_180 = arith.constant 0 : i32
    %ne3A_181 = vector.broadcast %ne3A_180 : i32 to vector<32x2048xi32>
    %ne3A_182 = arith.cmpi ne, %rem3A_179, %ne3A_181 : vector<32x2048xi32>
    %lt3A_183 = arith.constant 0 : i32
    %lt3A_184 = vector.broadcast %lt3A_183 : i32 to vector<32x2048xi32>
    %lt3A_185 = arith.cmpi slt, %rem3A_179, %lt3A_184 : vector<32x2048xi32>
    %lt3A_186 = arith.constant 0 : i32
    %lt3A_187 = arith.cmpi slt, %select_n3A_177, %lt3A_186 : i32
    %ne3A_188 = vector.broadcast %lt3A_187 : i1 to vector<32x2048xi1>
    %ne3A_189 = vector.broadcast %ne3A_188 : vector<32x2048xi1> to vector<32x2048xi1>
    %ne3A_190 = arith.xori %lt3A_185, %ne3A_189 : vector<32x2048xi1>
    %and3A_191 = arith.andi %ne3A_190, %ne3A_182 : vector<32x2048xi1>
    %add3A_192 = vector.broadcast %select_n3A_177 : i32 to vector<32x2048xi32>
    %add3A_193 = arith.addi %rem3A_179, %add3A_192 : vector<32x2048xi32>
    %select_n3A_194 = arith.select %and3A_191, %add3A_193, %rem3A_179 : vector<32x2048xi1>, vector<32x2048xi32>
    %sub3A_195 = arith.constant 32 : i32
    %sub3A_196 = vector.broadcast %sub3A_195 : i32 to vector<32x2048xi32>
    %sub3A_197 = arith.subi %select_n3A_194, %sub3A_196 : vector<32x2048xi32>
    %eq3A_198 = arith.cmpi eq, %sub3A_197, %iota3A_147 : vector<32x2048xi32>
    %and3A_199 = arith.andi %ge3A_172, %eq3A_198 : vector<32x2048xi1>
    %jit3A_200 = arith.constant 1.000000e+00 : f32
    %jit3A_201 = arith.constant 0.000000e+00 : f32
    %broadcast_in_dim3A_202 = vector.broadcast %jit3A_200 : f32 to vector<32x2048xf32>
    %broadcast_in_dim3A_203 = vector.broadcast %jit3A_201 : f32 to vector<32x2048xf32>
    %select_n3A_204 = arith.select %and3A_199, %broadcast_in_dim3A_202, %broadcast_in_dim3A_203 : vector<32x2048xi1>, vector<32x2048xf32>
    %dot_general3A_205 = arith.constant dense<0.000000e+00> : vector<1024x2048xf32>
    %dot_general3A_206 = tpu.matmul %add3A_82, %select_n3A_146, %dot_general3A_205 {dimension_numbers = #tpu.dot_dimension_numbers<[1], [0], [0], [1], [0, 0, 1, 1], [], []>, transpose_lhs_hint = false} : vector<1024x1024xf32>, vector<1024x2048xf32>, vector<1024x2048xf32> -> vector<1024x2048xf32>
    %dot_general3A_207 = arith.constant dense<0.000000e+00> : vector<1024x2048xf32>
    %dot_general3A_208 = tpu.matmul %get3A_8, %select_n3A_204, %dot_general3A_207 {dimension_numbers = #tpu.dot_dimension_numbers<[1], [0], [0], [1], [0, 0, 1, 1], [], []>, transpose_lhs_hint = false} : vector<1024x32xf32>, vector<32x2048xf32>, vector<1024x2048xf32> -> vector<1024x2048xf32>
    %add3A_209 = arith.addf %dot_general3A_206, %dot_general3A_208 : vector<1024x2048xf32>
    %swap3A = arith.constant 0 : index
    %swap3A_210 = arith.constant 0 : index
    %swap3A_211 = arith.constant 0 : index
    %swap3A_212 = vector.load %arg5[%swap3A, %swap3A_210, %swap3A_211] : memref<1x1024x2048xf32, #tpu.memory_space<vmem>>, vector<1x1024x2048xf32>
    %swap3A_213 = vector.shape_cast %swap3A_212 : vector<1x1024x2048xf32> to vector<1024x2048xf32>
    %swap3A_214 = vector.shape_cast %add3A_209 : vector<1024x2048xf32> to vector<1x1024x2048xf32>
    tpu.vector_store %arg5[%swap3A, %swap3A_210, %swap3A_211], %swap3A_214 {strides = array<i32>} : memref<1x1024x2048xf32, #tpu.memory_space<vmem>>, vector<1x1024x2048xf32>,
    return
  }
  func.func @transform_0(%arg0: i32) -> (i32, i32, i32) {
    %c0_i32 = arith.constant 0 : i32
    %c0_i32_0 = arith.constant 0 : i32
    %c0_i32_1 = arith.constant 0 : i32
    return %arg0, %c0_i32, %c0_i32_0 : i32, i32, i32
  }
  func.func @transform_1(%arg0: i32) -> (i32, i32, i32) {
    %c0_i32 = arith.constant 0 : i32
    %c0_i32_0 = arith.constant 0 : i32
    %c0_i32_1 = arith.constant 0 : i32
    return %arg0, %c0_i32, %c0_i32_0 : i32, i32, i32
  }
  func.func @transform_2(%arg0: i32) -> (i32, i32) {
    %c0_i32 = arith.constant 0 : i32
    %c0_i32_0 = arith.constant 0 : i32
    %c0_i32_1 = arith.constant 0 : i32
    return %c0_i32, %c0_i32_0 : i32, i32
  }
  func.func @transform_3(%arg0: i32) -> (i32, i32) {
    %c0_i32 = arith.constant 0 : i32
    %c0_i32_0 = arith.constant 0 : i32
    %c0_i32_1 = arith.constant 0 : i32
    return %c0_i32, %c0_i32_0 : i32, i32
  }
  func.func @transform_4(%arg0: i32) -> (i32, i32, i32) {
    %c0_i32 = arith.constant 0 : i32
    %c0_i32_0 = arith.constant 0 : i32
    %c0_i32_1 = arith.constant 0 : i32
    return %arg0, %c0_i32, %c0_i32_0 : i32, i32, i32
  }
}

</mosaic_0001>

<sc_bundles>
// kernel: kernel.5.cloned.1.call-start
scs
__scs_entry_jumppad:
0x0: {  	(pc) =	sbr.rel $0x88, $3  }
0x1: {  	(tag) =	ssettag $0x0;
	lr =	simm.s32 $0x1  }
0x2: {  	[smem:$0x3F9D] =	sst lr;
	_ =	strace $0xD0000000  }
0x3: {  	_ = 	snop  }
0x4: {  	_ = 	snop  }
0x5: {  	_ = 	snop  }
0x6: {  	_ = 	snop  }
0x7: {  	_ = 	snop  }
__scs_overlays_trampoline_lowered:
0x8: {  	[smem:$0x3FAC] =	sst s0  }
0x9: {  	[smem:$0x3FAD] =	sst s1  }
0xa: {  	[smem:$0x3FAE] =	sst s2  }
0xb: {  	[smem:$0x3FAF] =	sst s3  }
0xc: {  	[smem:$0x3FB0] =	sst s4  }
0xd: {  	[smem:$0x3FB1] =	sst s5  }
0xe: {  	[smem:$0x3FB2] =	sst s6  }
0xf: {  	[smem:$0x3FB3] =	sst s7  }
0x10: {  	[smem:$0x3FB4] =	sst s8  }
0x11: {  	[smem:$0x3FB5] =	sst s9;
	s0 =	simm.s32 @!p0 $0x0  }
0x12: {  	s1 =	sld [smem:$0x3F9B];
	s0 =	simm.s32 @p0 $0x1  }
0x13: {  	[smem:$0x3FB6] =	sst s0;
	s0 =	simm.s32 @!p1 $0x0  }
0x14: {  	s2 =	sld [smem:$0x3F9A];
	s0 =	simm.s32 @p1 $0x1  }
0x15: {  	[smem:$0x3FB7] =	sst s0;
	s0 =	simm.s32 @!p2 $0x0  }
0x16: {  	s3 =	sld [smem:$0x3FDB];
	s0 =	simm.s32 @p2 $0x1  }
0x17: {  	s4 =	simm.s32 $0x1BF5;
	[smem:$0x3FB9] =	sst s0  }
0x18: {  	s0 =	sld [smem:$0x3F9C];
	_ =	swait.ge [sflag:s4], $0x0  }
0x19: {  	s7 =	sld [smem:$0x3F9D]  }
0x1a: {  	s8 =	sadd.s32 $0xFFFFE003, lr  }
0x1b: {  	s9 =	sadd.s32 $0xFFFFFEF7, lr;
	s5 =	simm.s32 $0xFFFFFFFF;
	p2 =	slt.u32 s8, $0xFFFFF086  }
0x1c: {  	p1 =	slt.u32 s9, $0xF7A;
	s5 =	simm.s32 @!p2 $0x0  }
0x1d: {  	s5 =	simm.s32 @p1 $0x1;
	p0 =	seq.s32 s7, s2  }
0x1e: {  	s7 =	smul.u32 @!p0 $0xF7A, s2;
	p2 =	seq.s32 @!p0 s5, $0x0  }
0x1f: {  	s9 =	smul.u32 $0xF7A, s1;
	s8 =	simm.s32 @!p0 $0x1BF5;
	p2 =	por !p2, p0  }
0x20: {  	[sflag:s8] =	ssyncset.s32 @!p0 $0xFFFFF086;
	s6 =	sadd.s32 @!p0 s3, s7;
	s7 =	simm.s32 @!p0 $0x108  }
0x21: {  	s3 =	sadd.s32 s3, s9;
	s6 =	sadd.s32 @!p0 $0x88, s6;
	s7 =	simm.s32 @p2 $0x1082  }
0x22: {  	[simem:s7], [sflag:s8] =	dma.local @!p0 [hbm:s6], $0xF7A  }
0x23: {  	s9 =	sor.u32 $0xD0000000, s2;
	s6 =	simm.s32 $0x108;
	_ =	swait.ge @!p0 [sflag:s8], $0x0  }
0x24: {  	s3 =	sadd.s32 $0x88, s3;
	s6 =	simm.s32 @!p1 $0x1082;
	[sflag:s4] =	ssyncset.s32 $0xFFFFF086  }
0x25: {  	[simem:s6], [sflag:s4] =	dma.local [hbm:s3], $0xF7A  }
0x26: {  	[smem:$0x3F9D] =	sst s1;
	(tag) =	ssettag s2;
	_ =	strace s9  }
0x27: {  	s1 =	sld [smem:$0x3FAD]  }
0x28: {  	s2 =	sld [smem:$0x3FAE]  }
0x29: {  	s4 =	sld [smem:$0x3FB0]  }
0x2a: {  	p0 =	seq.s32 s5, $0x0;
	s5 =	sld [smem:$0x3FB1]  }
0x2b: {  	s6 =	sld [smem:$0x3FB2]  }
0x2c: {  	s7 =	sld [smem:$0x3FB3]  }
0x2d: {  	s3 =	simm.s32 $0x108;
	s8 =	sld [smem:$0x3FB4]  }
0x2e: {  	s3 =	simm.s32 @!p0 $0x1082;
	s9 =	sld [smem:$0x3FB5]  }
0x2f: {  	lr =	sadd.s32 s0, s3;
	s0 =	sld [smem:$0x3FAC]  }
0x30: {  	s3 =	sld [smem:$0x3FAF]  }
0x31: {  	[smem:$0x3FB8] =	sst s10  }
0x32: {  	s10 =	sld [smem:$0x3FB6];
	_ =	sdelay $0x3  }
0x33: {  	p0 =	seq.s32 s10, $0x1;
	s10 =	sld [smem:$0x3FB8];
	_ =	sdelay $0x3  }
0x34: {  	[smem:$0x3FB8] =	sst s10  }
0x35: {  	s10 =	sld [smem:$0x3FB7];
	_ =	sdelay $0x3  }
0x36: {  	p1 =	seq.s32 s10, $0x1;
	s10 =	sld [smem:$0x3FB8];
	_ =	sdelay $0x3  }
0x37: {  	[smem:$0x3FB8] =	sst s10  }
0x38: {  	s10 =	sld [smem:$0x3FB9]  }
0x39: {  	_ = 	snop;
	(pc) =	sbr.ind lr, $3  }
0x3a: {  	_ = 	snop  }
0x3b: {  	_ = 	snop  }
0x3c: {  	p2 =	seq.s32 s10, $0x1;
	s10 =	sld [smem:$0x3FB8]  }
0x3d: {  	_ =	shalt  }
0x3e: {  	_ =	shalt  }
0x3f: {  	_ =	shalt  }
0x40: {  	_ =	shalt  }
0x41: {  	_ =	shalt  }
0x42: {  	_ =	shalt  }
0x43: {  	_ =	shalt  }
0x44: {  	_ =	shalt  }
0x45: {  	_ =	shalt  }
0x46: {  	_ =	shalt  }
0x47: {  	_ =	shalt  }
0x48: {  	_ =	shalt  }
0x49: {  	_ =	shalt  }
0x4a: {  	_ =	shalt  }
0x4b: {  	_ =	shalt  }
0x4c: {  	_ =	shalt  }
0x4d: {  	_ =	shalt  }
0x4e: {  	_ =	shalt  }
0x4f: {  	_ =	shalt  }
0x50: {  	_ =	shalt  }
0x51: {  	_ =	shalt  }
0x52: {  	_ =	shalt  }
0x53: {  	_ =	shalt  }
0x54: {  	_ =	shalt  }
0x55: {  	_ =	shalt  }
0x56: {  	_ =	shalt  }
0x57: {  	_ =	shalt  }
0x58: {  	_ =	shalt  }
0x59: {  	_ =	shalt  }
0x5a: {  	_ =	shalt  }
0x5b: {  	_ =	shalt  }
0x5c: {  	_ =	shalt  }
0x5d: {  	_ =	shalt  }
0x5e: {  	_ =	shalt  }
0x5f: {  	_ =	shalt  }
0x60: {  	_ =	shalt  }
0x61: {  	_ =	shalt  }
0x62: {  	_ =	shalt  }
0x63: {  	_ =	shalt  }
0x64: {  	_ =	shalt  }
0x65: {  	_ =	shalt  }
0x66: {  	_ =	shalt  }
0x67: {  	_ =	shalt  }
0x68: {  	_ =	shalt  }
0x69: {  	_ =	shalt  }
0x6a: {  	_ =	shalt  }
0x6b: {  	_ =	shalt  }
0x6c: {  	_ =	shalt  }
0x6d: {  	_ =	shalt  }
0x6e: {  	_ =	shalt  }
0x6f: {  	_ =	shalt  }
0x70: {  	_ =	shalt  }
0x71: {  	_ =	shalt  }
0x72: {  	_ =	shalt  }
0x73: {  	_ =	shalt  }
0x74: {  	_ =	shalt  }
0x75: {  	_ =	shalt  }
0x76: {  	_ =	shalt  }
0x77: {  	_ =	shalt  }
0x78: {  	_ =	shalt  }
0x79: {  	_ =	shalt  }
0x7a: {  	_ =	shalt  }
0x7b: {  	_ =	shalt  }
0x7c: {  	_ =	shalt  }
0x7d: {  	_ =	shalt  }
0x7e: {  	_ =	shalt  }
0x7f: {  	_ =	shalt  }
0x80: {  	_ =	shalt  }
0x81: {  	_ =	shalt  }
0x82: {  	_ =	shalt  }
0x83: {  	_ =	shalt  }
0x84: {  	_ =	shalt  }
0x85: {  	_ =	shalt  }
0x86: {  	_ =	shalt  }
0x87: {  	_ =	shalt  }
.Lfunc_end0:
.L_simem_size_0:
called_computation_lowered:
.L_overlay_start_0:
0x88: {  	s2 =	sld [smem:$0x3FD9]  }
0x89: {  	s3 =	sld [smem:$0x3FFE];
	_ =	sdelay $0x1  }
0x8a: {  	s1 =	srdreg.scid  }
0x8b: {  	s0 =	sand.u32 $0x1, s1  }
0x8c: {  	s14 =	sshll.u32 s0, $0xA;
	s2 =	sadd.s32 s3, s2  }
0x8d: {  	s2 =	sadd.s32 s2, s14  }
0x8e: {  	[smem:$0x3FC4] =	sst s2  }
0x8f: {  	_ = 	snop  }
0x90: {  	s2 =	sld [smem:$0x3FD0];
	_ =	sdelay $0x2  }
0x91: {  	s15 =	simm.s32 $0xA;
	s4 =	simm.s32 $0x10  }
0x92: {  	[smem:s4], [sflag:s15] =	dma.local [hbm:s2], $0x1  }
0x93: {  	_ =	swait.eq [sflag:s15], $0x1  }
0x94: {  	[sflag:s15] =	ssyncset.done $0x0  }
0x95: {  	[sflag:s15] =	ssyncadd.s32 $0xFFFFFFFF  }
0x96: {  	s16 =	sld [smem:$0x11];
	(tm) =	ssettm $0x1  }
0x97: {  	s17 =	sld [smem:$0x3FFB];
	_ =	sdelay $0x3  }
0x98: {  	_ =	strace s17  }
0x99: {  	s3 =	sld [smem:$0x3FFC];
	_ =	sdelay $0x3  }
0x9a: {  	_ =	strace s3  }
0x9b: {  	s3 =	sld [smem:$0x3FFD];
	_ =	sdelay $0x3  }
0x9c: {  	_ =	strace s3  }
0x9d: {  	_ =	strace $0x8FFFFFFF  }
0x9e: {  	s18 =	sld [smem:$0x3FDB];
	_ =	sdelay $0x1  }
0x9f: {  	s19 =	simm.s32 $_scs_section_size  }
0xa0: {  	s5 =	simm.s32 $_size__tile_overlayer_lowered;
	s6 =	simm.s32 $_tile_overlayer_lowered  }
0xa1: {  	s22 =	simm.s32 $0x1BFF;
	s21 =	sshll.u32 s6, $0x1;
	s3 =	sadd.s32 s19, s18  }
0xa2: {  	s7 =	simm.s32 $0x0;
	s20 =	sshll.u32 s5, $0x1;
	s5 =	sadd.s32 s21, s3  }
0xa3: {  	[timem:s7], [sflag:s22] =	dma.local [hbm:s5], s20  }
0xa4: {  	_ =	swait.ge [sflag:s22], s20  }
0xa5: {  	s4 =	ssub.s32 $0x0, s20;
	[sflag:s22] =	ssyncset.done $0x0  }
0xa6: {  	[sflag:s22] =	ssyncadd.s32 s4;
	_ =	sdelay $0x1  }
0xa7: {  	s23 =	simm.s32 $0x1B8B  }
0xa8: {  	_ =	swait.ge [sflag:s23], $0x1  }
0xa9: {  	[sflag:s23] =	ssyncset.done $0x0  }
0xaa: {  	s25 =	simm.s32 $0x1B8E;
	s24 =	sld [smem:$0x3FFE];
	[sflag:s23] =	ssyncadd.s32 $0xFFFFFFFF  }
0xab: {  	s26 =	simm.s32 $execute0_lowered;
	[smem:$0x3FD2] =	sst s25  }
0xac: {  	s5 =	sshll.u32 s26, $0x1;
	_ =	strace $0x80000046;
	[dreg:$0x1] =	wrdreg $0xFFFFFFFF  }
0xad: {  	s28 =	simm.s32 $_size_execute0_lowered;
	s3 =	sadd.s32 s3, s5;
	[dreg:$0x0] =	wrdreg $0x0  }
0xae: {  	s5 =	sshll.u32 s28, $0x1;
	[dreg:$0x2] =	wrdreg s3  }
0xaf: {  	[dreg:$0x3] =	wrdreg s5  }
0xb0: {  	[dreg:$0x4] =	wrdreg $0xC0  }
0xb1: {  	_ =	task [dreg:s7], $0x5FFFF  }
0xb2: {  	[dreg:$0x1] =	wrdreg $0xFFFFFFFF  }
0xb3: {  	[dreg:$0x0] =	wrdreg $0x60  }
0xb4: {  	[dreg:$0x2] =	wrdreg s24  }
0xb5: {  	[dreg:$0x3] =	wrdreg s16  }
0xb6: {  	[dreg:$0x4] =	wrdreg $0x9  }
0xb7: {  	_ =	task.clear_ibuf [dreg:s7], $0x5FFFF;
	_ =	strace $0x90000046  }
0xb8: {  	s29 =	simm.s32 $0x9;
	_ =	strace $0x80000048  }
0xb9: {  	_ =	swait.ge [sflag:s29], $0x1  }
0xba: {  	[sflag:s29] =	ssyncadd.s32 $0xFFFFFFFF  }
0xbb: {  	_ =	strace $0x90000048  }
0xbc: {  	_ =	sfence  }
0xbd: {  	s30 =	sld [smem:$0x0];
	_ =	sdelay $0x2  }
0xbe: {  	s31 =	sshll.u32 s1, $0xD;
	s1 =	sshrl.u32 s1, $0x2  }
0xbf: {  	s3 =	sand.u32 $0x4000, s31;
	s1 =	sadd.s32 s1, s30  }
0xc0: {  	s0 =	sor.u32 s3, s0;
	s1 =	sshll.u32 s1, $0x11  }
0xc1: {  	s0 =	sor.u32 s1, s0  }
0xc2: {  	s0 =	sadd.s32 $0x8F2B, s0  }
0xc3: {  	[sflag:s0] =	ssyncadd.remote.s32 $0x1  }
0xc4: {  	_ =	sfence.sel $0xFFFF  }
0xc5: {  	[dreg:$0x0] =	wrdreg $0xFFFFFFFF;
	(pc) =	sbr.abs _section_cstart, $3  }
0xc6: {  	[dreg:$0x1] =	wrdreg $0xFFFFFFFF  }
0xc7: {  	_ =	task.clear_ibuf [dreg:s7], $0x2FFFF;
	_ =	strace $0x9FFFFFFF  }
0xc8: {  	(tm) =	ssettm $0x7FFFFFFF  }
0xc9: {  	_ =	shalt  }
tec
execute0_lowered:
.L_overlay_start_1:
0x0: {  	(tag) =	ssettag $0x1  }
0x1: {  	s0 =	rddreg [dreg:$0x0]  }
0x2: {  	s1 =	rddreg [dreg:$0x1];
	s2 =	simm.s32 $0x0;
	s12 =	stileid.u32  }
0x3: {  	s4 =	srdreg.scid;
	s19 =	simm.s32 $0x8080;
	s20 =	simm.s32 $0x8100  }
0x4: {  	s28 =	simm.s32 $0x102A0;
	s29 =	simm.s32 $0x1;
	s30 =	simm.s32 $0xF2A0  }
0x5: {  	s31 =	simm.s32 $0x0;
	[smem:$0x7FF] =	sst s2;
	s3 =	sshll.u32 s12, $0xB  }
0x6: {  	s13 =	sand.u32 $0x1, s4;
	s21 =	sshll.u32 s12, $0x1;
	s15 =	sshll.u32 s12, $0xF  }
0x7: {  	s16 =	sand.u32 $0x6000, s3;
	_ =	strace $0x80000047;
	s3 =	sor.u32 s13, s21  }
0x8: {  	s5 =	ssub.s32 $0x2, s13;
	s25 =	sadd.s32 s15, s1;
	s26 =	sshll.u32 s13, $0xE  }
0x9: {  	s15 =	simm.s32 $0x2;
	s21 =	simm.s32 $0x8180;
	s22 =	sshrl.u32 s16, $0x3  }
0xa: {  	s23 =	sshll.u32 s3, $0x4;
	s24 =	sshll.u32 s3, $0x9;
	s7 =	sshrl.u32 s5, $0x1  }
0xb: {  	s3 =	sadd.s32 $0x4A00, s0;
	s6 =	sadd.s32 s22, s0;
	s10 =	sadd.s32 s23, s0  }
0xc: {  	s0 =	sadd.s32 s24, s0;
	s14 =	ssub.s32 s5, s7;
	s22 =	simm.s32 $0xC210  }
0xd: {  	s23 =	simm.s32 $0xA200;
	s24 =	simm.s32 $0xE220;
	s4 =	sadd.s32 $0x2A00, s6  }
0xe: {  	s5 =	sadd.s32 $0x3A00, s6;
	s6 =	sadd.s32 $0x1A00, s6;
	s7 =	sadd.s32 $0x25000, s10  }
0xf: {  	s8 =	sadd.s32 $0x24A00, s10;
	s9 =	sadd.s32 $0x24C00, s10;
	s10 =	sadd.s32 $0x24E00, s10  }
0x10: {  	s11 =	sadd.s32 $0x29200, s0;
	s12 =	sadd.s32 $0x25200, s0;
	s13 =	smax.u32 s14, $0x1  }
0x11: {  	v1 =	vimm.s32 $0x0;
	v2 =	vlaneseq.u32;
	v0 =	vmov s16;
	s14 =	sadd.s32 s26, s25;
	s25 =	simm.s32 $0x80;
	s26 =	simm.s32 $0xF220  }
.LBB2_1:
0x12: {  	[tilespmem:s2], [sflag:$0x2] =	stream.linear.gather [hbm4b:s4+s2], $0x2000, $0x38;
	[tilespmem:$0x112A0] =	vst v63  }
0x13: {  	_ =	swait.ge [sflag:s15], $0x2000  }
0x14: {  	[sflag:s15] =	ssyncset.done $0x0  }
0x15: {  	s0 =	simm.s32 $0x2000;
	[sflag:s15] =	ssyncadd.s32 $0xFFFFE000  }
0x16: {  	[tilespmem:s0], [sflag:$0x2] =	stream.linear.gather [hbm4b:s5+s2], $0x2000, $0x38;
	[tilespmem:$0x112A0] =	vst v63  }
0x17: {  	_ =	swait.ge [sflag:s15], $0x2000  }
0x18: {  	[sflag:s15] =	ssyncset.done $0x0  }
0x19: {  	s17 =	simm.s32 $0x4000;
	[sflag:s15] =	ssyncadd.s32 $0xFFFFE000  }
0x1a: {  	[tilespmem:s17], [sflag:$0x2] =	stream.linear.gather [hbm4b:s6+s2], $0x2000, $0x38;
	[tilespmem:$0x112A0] =	vst v63  }
0x1b: {  	_ =	swait.ge [sflag:s15], $0x2000  }
0x1c: {  	[sflag:s15] =	ssyncset.done $0x0  }
0x1d: {  	s18 =	simm.s32 $0x8000;
	[sflag:s15] =	ssyncadd.s32 $0xFFFFE000  }
0x1e: {  	[tilespmem:s18], [sflag:$0x2] =	stream.linear.gather [hbm4b:s7+s2], $0x80, $0x38;
	[tilespmem:$0x112A0] =	vst v63  }
0x1f: {  	_ =	swait.ge [sflag:s15], $0x80  }
0x20: {  	[sflag:s15] =	ssyncset.done $0x0  }
0x21: {  	[sflag:s15] =	ssyncadd.s32 $0xFFFFFF80  }
0x22: {  	[tilespmem:s19], [sflag:$0x2] =	stream.linear.gather [hbm4b:s8+s2], $0x80, $0x38;
	[tilespmem:$0x112A0] =	vst v63  }
0x23: {  	_ =	swait.ge [sflag:s15], $0x80  }
0x24: {  	[sflag:s15] =	ssyncset.done $0x0  }
0x25: {  	[sflag:s15] =	ssyncadd.s32 $0xFFFFFF80  }
0x26: {  	[tilespmem:s20], [sflag:$0x2] =	stream.linear.gather [hbm4b:s9+s2], $0x80, $0x38;
	[tilespmem:$0x112A0] =	vst v63  }
0x27: {  	_ =	swait.ge [sflag:s15], $0x80  }
0x28: {  	[sflag:s15] =	ssyncset.done $0x0  }
0x29: {  	[sflag:s15] =	ssyncadd.s32 $0xFFFFFF80  }
0x2a: {  	[tilespmem:s21], [sflag:$0x2] =	stream.linear.gather [hbm4b:s10+s2], $0x80, $0x38;
	[tilespmem:$0x112A0] =	vst v63  }
0x2b: {  	_ =	swait.ge [sflag:s15], $0x80  }
0x2c: {  	[sflag:s15] =	ssyncset.done $0x0  }
0x2d: {  	s1 =	simm.s32 $0x0;
	[sflag:s15] =	ssyncadd.s32 $0xFFFFFF80  }
0x2e: {  	v7 =	vld [tilespmem:s1+$0x0]  }
0x2f: {  	v11 =	vld [tilespmem:s1+$0x2000]  }
0x30: {  	v3 =	vld [tilespmem:s1+$0x4000]  }
0x31: {  	v4 =	vld [tilespmem:s1+$0x4010]  }
0x32: {  	v13 =	vld [tilespmem:s1+$0x20]  }
0x33: {  	v14 =	vld [tilespmem:s1+$0x2020]  }
0x34: {  	v5 =	vld [tilespmem:s1+$0x4020]  }
0x35: {  	v6 =	vld [tilespmem:s1+$0x4030]  }
0x36: {  	v18 =	vld [tilespmem:s1+$0x40]  }
0x37: {  	v22 =	vld [tilespmem:s1+$0x2050]  }
0x38: {  	v24 =	vld [tilespmem:s1+$0x60]  }
0x39: {  	v8 =	vmul.f32 v7, v7;
	v16 =	vshrl.u32 v7, $0x10  }
0x3a: {  	v12 =	vmul.f32 v11, v11;
	v19 =	vshrl.u32 v11, $0x10;
	v20 =	vshrl.u32 v3, $0x10  }
0x3b: {  	v25 =	vshrl.u32 v4, $0x10;
	v27 =	vshrl.u32 v13, $0x10;
	v29 =	vshrl.u32 v14, $0x10  }
0x3c: {  	v35 =	vshrl.u32 v5, $0x10;
	v38 =	vshrl.u32 v6, $0x10;
	v60 =	vshrl.u32 v18, $0x10  }
0x3d: {  	v10 =	vld [tilespmem:s1+$0x2010];
	v45 =	vshrl.u32 v22, $0x10;
	v49 =	vshrl.u32 v24, $0x10;
	v16 =	vand.u32 $0x1, v16  }
0x3e: {  	v26 =	vand.u32 $0x1, v25;
	v29 =	vand.u32 $0x1, v29;
	v35 =	vand.u32 $0x1, v35  }
0x3f: {  	v9 =	vld [tilespmem:s1+$0x10];
	v38 =	vand.u32 $0x1, v38;
	v7 =	vadd.s32 v16, v7;
	v16 =	vand.u32 $0x1, v19  }
0x40: {  	v26 =	vadd.s32 v26, v4;
	v29 =	vadd.s32 v29, v14;
	v38 =	vadd.s32 v38, v6  }
0x41: {  	v17 =	vld [tilespmem:s1+$0x2030];
	v21 =	vadd.s32 $0x7FFF, v7;
	v11 =	vadd.s32 v16, v11;
	v16 =	vand.u32 $0x1, v20  }
0x42: {  	v25 =	vld [tilespmem:s1+$0x2060];
	v20 =	vshrl.u32 v10, $0x10;
	v23 =	vand.u32 $0xFFFF0000, v21;
	v11 =	vadd.s32 $0x7FFF, v11  }
0x43: {  	v19 =	vld [tilespmem:s1+$0x2040];
	v16 =	vadd.s32 v16, v3;
	v20 =	vand.u32 $0x1, v20;
	v28 =	vand.u32 $0xFFFF0000, v11  }
0x44: {  	v11 =	vadd.s32 $0x7FFF, v16;
	v16 =	vshrl.u32 v9, $0x10;
	v20 =	vadd.s32 v20, v10  }
0x45: {  	[tilespmem:s1+$0x0] =	vst v23;
	v23 =	vadd.s32 $0x7FFF, v29;
	v31 =	vand.u32 $0xFFFF0000, v11;
	v16 =	vand.u32 $0x1, v16  }
0x46: {  	v7 =	vld [tilespmem:s1+$0x4040];
	v20 =	vadd.s32 $0x7FFF, v20;
	v59 =	vand.u32 $0xFFFF0000, v23;
	[tilespmem:s1+$0x2000] =	vst v28;
	v28 =	vshrl.u32 v17, $0x10  }
0x47: {  	v50 =	vshrl.u32 v25, $0x10;
	v16 =	vadd.s32 v16, v9;
	v33 =	vand.u32 $0xFFFF0000, v20  }
0x48: {  	v20 =	vadd.s32 $0x7FFF, v26;
	v28 =	vand.u32 $0x1, v28;
	v61 =	vshrl.u32 v19, $0x10  }
0x49: {  	v51 =	vand.u32 $0x1, v50;
	v16 =	vadd.s32 $0x7FFF, v16;
	v34 =	vand.u32 $0xFFFF0000, v20  }
0x4a: {  	v15 =	vld [tilespmem:s1+$0x30];
	v20 =	vand.u32 $0x1, v27;
	v28 =	vadd.s32 v28, v17;
	v62 =	vand.u32 $0x1, v61  }
0x4b: {  	v11 =	vld [tilespmem:s1+$0x4050];
	[tilespmem:s1+$0x2010] =	vst v33;
	v63 =	vshrl.u32 v7, $0x10;
	v32 =	vand.u32 $0xFFFF0000, v16;
	v30 =	vadd.s32 v20, v13  }
0x4c: {  	v21 =	vld [tilespmem:s1+$0x50];
	v28 =	vadd.s32 $0x7FFF, v28;
	[tilespmem:s1+$0x4010] =	vst v34;
	v33 =	vadd.s32 v62, v19;
	v34 =	vand.u32 $0x1, v63  }
0x4d: {  	v26 =	vld [tilespmem:s1+$0x70];
	v30 =	vadd.s32 $0x7FFF, v30;
	v39 =	vand.u32 $0xFFFF0000, v28;
	v28 =	vadd.s32 $0x7FFF, v38  }
0x4e: {  	v34 =	vadd.s32 v34, v7;
	v36 =	vand.u32 $0xFFFF0000, v30;
	v30 =	vadd.s32 v35, v5  }
0x4f: {  	v27 =	vld [tilespmem:s1+$0x2070];
	v38 =	vand.u32 $0xFFFF0000, v28;
	v28 =	vand.u32 $0x1, v60;
	v35 =	vand.u32 $0x1, v45  }
0x50: {  	v16 =	vld [tilespmem:s1+$0x4060];
	v46 =	vshrl.u32 v11, $0x10;
	v23 =	vadd.s32 $0x7FFF, v30;
	v30 =	vshrl.u32 v15, $0x10  }
0x51: {  	v20 =	vld [tilespmem:s1+$0x4070];
	v28 =	vadd.s32 v28, v18;
	[tilespmem:s1+$0x20] =	vst v36;
	v36 =	vshrl.u32 v21, $0x10;
	v35 =	vadd.s32 v35, v22  }
0x52: {  	[tilespmem:s1+$0x4030] =	vst v38;
	v38 =	vadd.s32 v51, v25;
	v55 =	vshrl.u32 v26, $0x10;
	v37 =	vand.u32 $0xFFFF0000, v23  }
0x53: {  	v23 =	vand.u32 $0x1, v30;
	v28 =	vadd.s32 $0x7FFF, v28;
	v38 =	vadd.s32 $0x7FFF, v38  }
0x54: {  	v57 =	vand.u32 $0x1, v55;
	v58 =	vshrl.u32 v27, $0x10;
	v23 =	vadd.s32 v23, v15  }
0x55: {  	v40 =	vand.u32 $0xFFFF0000, v28;
	v28 =	vadd.s32 $0x7FFF, v33;
	v52 =	vshrl.u32 v16, $0x10  }
0x56: {  	[tilespmem:s1+$0x2020] =	vst v59;
	v44 =	vand.u32 $0xFFFF0000, v38;
	v38 =	vadd.s32 v57, v26;
	v59 =	vshrl.u32 v20, $0x10  }
0x57: {  	[tilespmem:s1+$0x4000] =	vst v31;
	v31 =	vadd.s32 $0x7FFF, v23;
	v41 =	vand.u32 $0xFFFF0000, v28;
	v28 =	vadd.s32 $0x7FFF, v34  }
0x58: {  	[tilespmem:s1+$0x2030] =	vst v39;
	v34 =	vand.u32 $0x1, v36;
	v36 =	vand.u32 $0x1, v46;
	v39 =	vand.u32 $0x1, v52  }
0x59: {  	[tilespmem:s1+$0x10] =	vst v32;
	v32 =	vld [tilespmem:s1+$0x90];
	v60 =	vadd.s32 $0x7FFF, v38;
	v31 =	vand.u32 $0xFFFF0000, v31;
	v42 =	vand.u32 $0xFFFF0000, v28  }
0x5a: {  	v30 =	vld [tilespmem:s1+$0x2080];
	v34 =	vadd.s32 v34, v21;
	v47 =	vadd.s32 v36, v11;
	v39 =	vadd.s32 v39, v16  }
0x5b: {  	v45 =	vand.u32 $0xFFFF0000, v60;
	v34 =	vadd.s32 $0x7FFF, v34;
	[tilespmem:s1+$0x30] =	vst v31;
	v31 =	vadd.s32 $0x7FFF, v35  }
0x5c: {  	v29 =	vld [tilespmem:s1+$0x80];
	v54 =	vadd.s32 $0x7FFF, v39;
	[tilespmem:s1+$0x4040] =	vst v42;
	v39 =	vand.u32 $0x1, v58;
	v42 =	vand.u32 $0x1, v59  }
0x5d: {  	v33 =	vld [tilespmem:s1+$0x2090];
	v34 =	vand.u32 $0xFFFF0000, v34;
	v48 =	vand.u32 $0xFFFF0000, v31;
	v31 =	vadd.s32 $0x7FFF, v47  }
0x5e: {  	v23 =	vld [tilespmem:s1+$0x4080];
	v56 =	vand.u32 $0xFFFF0000, v54;
	v39 =	vadd.s32 v39, v27;
	v62 =	vadd.s32 v42, v20  }
0x5f: {  	v50 =	vshrl.u32 v30, $0x10;
	v54 =	vshrl.u32 v32, $0x10;
	v43 =	vand.u32 $0xFFFF0000, v31  }
0x60: {  	v28 =	vld [tilespmem:s1+$0x4090];
	v31 =	vand.u32 $0x1, v49;
	v61 =	vadd.s32 $0x7FFF, v39;
	v47 =	vadd.s32 $0x7FFF, v62  }
0x61: {  	v36 =	vld [tilespmem:s1+$0x20A0];
	[tilespmem:s1+$0x2050] =	vst v48;
	v48 =	vshrl.u32 v29, $0x10;
	v42 =	vand.u32 $0x1, v50;
	v55 =	vand.u32 $0x1, v54  }
0x62: {  	[tilespmem:s1+$0x4060] =	vst v56;
	v56 =	vshrl.u32 v33, $0x10;
	v31 =	vadd.s32 v31, v24;
	v63 =	vand.u32 $0xFFFF0000, v61  }
0x63: {  	v35 =	vld [tilespmem:s1+$0xA0];
	v46 =	vand.u32 $0xFFFF0000, v47;
	v49 =	vand.u32 $0x1, v48;
	v47 =	vshrl.u32 v23, $0x10  }
0x64: {  	v42 =	vadd.s32 v42, v30;
	v31 =	vadd.s32 $0x7FFF, v31;
	v51 =	vadd.s32 v49, v29  }
0x65: {  	v47 =	vand.u32 $0x1, v47;
	v42 =	vadd.s32 $0x7FFF, v42;
	v48 =	vshrl.u32 v28, $0x10  }
0x66: {  	[tilespmem:s1+$0x4050] =	vst v43;
	v61 =	vshrl.u32 v36, $0x10;
	v53 =	vand.u32 $0xFFFF0000, v31;
	v43 =	vadd.s32 $0x7FFF, v51  }
0x67: {  	v38 =	vld [tilespmem:s1+$0xB0];
	[tilespmem:s1+$0x2060] =	vst v44;
	v52 =	vadd.s32 v47, v23;
	v44 =	vand.u32 $0xFFFF0000, v42;
	v42 =	vadd.s32 v55, v32  }
0x68: {  	[tilespmem:s1+$0x40] =	vst v40;
	v39 =	vld [tilespmem:s1+$0x20B0];
	v48 =	vand.u32 $0x1, v48;
	v59 =	vshrl.u32 v35, $0x10;
	v62 =	vand.u32 $0x1, v61  }
0x69: {  	[tilespmem:s1+$0x60] =	vst v53;
	v40 =	vand.u32 $0xFFFF0000, v43;
	v53 =	vadd.s32 $0x7FFF, v52;
	v43 =	vand.u32 $0x1, v56  }
0x6a: {  	[tilespmem:s1+$0x50] =	vst v34;
	v34 =	vld [tilespmem:s1+$0x40B0];
	v57 =	vadd.s32 $0x7FFF, v42;
	v48 =	vadd.s32 v48, v28;
	v60 =	vand.u32 $0x1, v59  }
0x6b: {  	[tilespmem:s1+$0x4020] =	vst v37;
	v31 =	vld [tilespmem:s1+$0x40A0];
	v52 =	vadd.s32 v62, v36;
	v47 =	vand.u32 $0xFFFF0000, v53;
	v43 =	vadd.s32 v43, v33  }
0x6c: {  	[tilespmem:s1+$0x70] =	vst v45;
	v45 =	vand.u32 $0xFFFF0000, v57;
	v58 =	vadd.s32 $0x7FFF, v48;
	v54 =	vadd.s32 $0x7FFF, v52  }
0x6d: {  	[tilespmem:s1+$0x2040] =	vst v41;
	v57 =	vshrl.u32 v38, $0x10;
	v59 =	vshrl.u32 v39, $0x10;
	v43 =	vadd.s32 $0x7FFF, v43  }
0x6e: {  	[tilespmem:s1+$0x4070] =	vst v46;
	v50 =	vand.u32 $0xFFFF0000, v58;
	v58 =	vand.u32 $0x1, v57;
	v46 =	vand.u32 $0x1, v59  }
0x6f: {  	v42 =	vld [tilespmem:s1+$0x20C0];
	[tilespmem:s1+$0x80] =	vst v40;
	v49 =	vand.u32 $0xFFFF0000, v43;
	v43 =	vadd.s32 v60, v35;
	v40 =	vadd.s32 v58, v38  }
0x70: {  	v41 =	vld [tilespmem:s1+$0xC0];
	[tilespmem:s1+$0x2070] =	vst v63;
	v60 =	vshrl.u32 v34, $0x10;
	v46 =	vadd.s32 v46, v39;
	v63 =	vshrl.u32 v31, $0x10  }
0x71: {  	v37 =	vld [tilespmem:s1+$0x40C0];
	[tilespmem:s1+$0x4080] =	vst v47;
	v51 =	vadd.s32 $0x7FFF, v43;
	v61 =	vadd.s32 $0x7FFF, v40;
	v47 =	vand.u32 $0x1, v60  }
0x72: {  	v62 =	vadd.s32 $0x7FFF, v46;
	v53 =	vand.u32 $0x1, v63;
	v48 =	vand.u32 $0xFFFF0000, v51  }
0x73: {  	[tilespmem:s1+$0x2080] =	vst v44;
	v44 =	vld [tilespmem:s1+$0x20D0];
	v51 =	vand.u32 $0xFFFF0000, v54;
	v54 =	vand.u32 $0xFFFF0000, v61;
	v63 =	vadd.s32 v47, v34  }
0x74: {  	v43 =	vld [tilespmem:s1+$0xD0];
	[tilespmem:s1+$0x2090] =	vst v49;
	v60 =	vshrl.u32 v42, $0x10;
	v55 =	vadd.s32 v53, v31;
	v49 =	vadd.s32 $0x7FFF, v63  }
0x75: {  	v40 =	vld [tilespmem:s1+$0x40D0];
	v53 =	vshrl.u32 v41, $0x10;
	v61 =	vand.u32 $0x1, v60;
	v56 =	vadd.s32 $0x7FFF, v55  }
0x76: {  	v46 =	vld [tilespmem:s1+$0xE0];
	v55 =	vand.u32 $0xFFFF0000, v62;
	v59 =	vand.u32 $0x1, v53;
	v62 =	vshrl.u32 v37, $0x10  }
0x77: {  	[tilespmem:s1+$0x90] =	vst v45;
	v47 =	vadd.s32 v61, v42;
	v52 =	vand.u32 $0xFFFF0000, v56;
	v56 =	vand.u32 $0xFFFF0000, v49  }
0x78: {  	[tilespmem:s1+$0xA0] =	vst v48;
	v45 =	vadd.s32 v59, v41;
	v48 =	vand.u32 $0x1, v62;
	v63 =	vadd.s32 $0x7FFF, v47  }
0x79: {  	v59 =	vshrl.u32 v44, $0x10;
	v45 =	vadd.s32 $0x7FFF, v45;
	v48 =	vadd.s32 v48, v37  }
0x7a: {  	[tilespmem:s1+$0x20A0] =	vst v51;
	v49 =	vand.u32 $0xFFFF0000, v63;
	v58 =	vshrl.u32 v43, $0x10;
	v51 =	vand.u32 $0x1, v59  }
0x7b: {  	v47 =	vld [tilespmem:s1+$0x20E0];
	[tilespmem:s1+$0x20B0] =	vst v55;
	v60 =	vshrl.u32 v40, $0x10;
	v55 =	vshrl.u32 v46, $0x10;
	v53 =	vand.u32 $0xFFFF0000, v45  }
0x7c: {  	[tilespmem:s1+$0x4090] =	vst v50;
	v57 =	vadd.s32 $0x7FFF, v48;
	v48 =	vand.u32 $0x1, v58;
	v45 =	vld [tilespmem:s1+$0x40E0];
	v61 =	vadd.s32 v51, v44  }
0x7d: {  	[tilespmem:s1+$0x40A0] =	vst v52;
	v52 =	vand.u32 $0x1, v60;
	v50 =	vand.u32 $0xFFFF0000, v57;
	v48 =	vadd.s32 v48, v43  }
0x7e: {  	[tilespmem:s1+$0xB0] =	vst v54;
	v62 =	vadd.s32 $0x7FFF, v61;
	v63 =	vadd.s32 v52, v40;
	v48 =	vadd.s32 $0x7FFF, v48  }
0x7f: {  	s0 =	simm.s32 $0x400;
	[tilespmem:s1+$0x40B0] =	vst v56;
	v52 =	vand.u32 $0xFFFF0000, v62;
	v54 =	vadd.s32 $0x7FFF, v63;
	v51 =	vand.u32 $0xFFFF0000, v48;
	v48 =	vld [tilespmem:s1+$0xF0]  }
.LBB2_2:
0x80: {  	p0 =	sne.s32 s0, $0x7C00;
	[tilespmem:s1+$0xC0] =	vst v53;
	v53 =	vand.u32 $0xFFFF0000, v54;
	v54 =	vand.u32 $0x1, v55;
	v55 =	vshrl.u32 v47, $0x10;
	v56 =	vld [tilespmem:s1+$0x20F0]  }
0x81: {  	[tilespmem:s1+$0x20C0] =	vst v49;
	v54 =	vadd.s32 v54, v46;
	v55 =	vand.u32 $0x1, v55;
	v57 =	vshrl.u32 v45, $0x10;
	v49 =	vld [tilespmem:s1+$0x40F0]  }
0x82: {  	[tilespmem:s1+$0x40C0] =	vst v50;
	v50 =	vadd.s32 $0x7FFF, v54;
	v54 =	vadd.s32 v55, v47;
	v55 =	vand.u32 $0x1, v57  }
0x83: {  	[tilespmem:s1+$0xD0] =	vst v51;
	v50 =	vand.u32 $0xFFFF0000, v50;
	v51 =	vadd.s32 $0x7FFF, v54;
	v54 =	vadd.s32 v55, v45  }
0x84: {  	[tilespmem:s1+$0x20D0] =	vst v52;
	v51 =	vand.u32 $0xFFFF0000, v51;
	v52 =	vadd.s32 $0x7FFF, v54;
	v54 =	vshrl.u32 v48, $0x10  }
0x85: {  	[tilespmem:s1+$0x40D0] =	vst v53;
	v52 =	vand.u32 $0xFFFF0000, v52;
	v53 =	vand.u32 $0x1, v54;
	v54 =	vshrl.u32 v56, $0x10  }
0x86: {  	[tilespmem:s1+$0xE0] =	vst v50;
	v50 =	vadd.s32 v53, v48;
	v53 =	vand.u32 $0x1, v54;
	v54 =	vshrl.u32 v49, $0x10  }
0x87: {  	[tilespmem:s1+$0x20E0] =	vst v51;
	v50 =	vadd.s32 $0x7FFF, v50;
	v51 =	vadd.s32 v53, v56;
	v53 =	vand.u32 $0x1, v54  }
0x88: {  	[tilespmem:s1+$0x40E0] =	vst v52;
	v50 =	vand.u32 $0xFFFF0000, v50;
	v51 =	vadd.s32 $0x7FFF, v51;
	v52 =	vadd.s32 v53, v49  }
0x89: {  	v9 =	vmul.f32 v9, v9;
	[tilespmem:s1+$0xF0] =	vst v50;
	v50 =	vand.u32 $0xFFFF0000, v51;
	v51 =	vadd.s32 $0x7FFF, v52  }
0x8a: {  	v10 =	vmul.f32 v10, v10;
	v13 =	vmul.f32 v13, v13;
	[tilespmem:s1+$0x20F0] =	vst v50;
	v50 =	vand.u32 $0xFFFF0000, v51  }
0x8b: {  	v8 =	vadd.f32 v12, v8;
	v12 =	vmul.f32 v14, v14;
	v14 =	vmul.f32 v15, v15;
	[tilespmem:s1+$0x40F0] =	vst v50  }
0x8c: {  	v15 =	vmul.f32 v18, v18;
	v9 =	vadd.f32 v10, v9;
	v10 =	vmul.f32 v17, v17  }
0x8d: {  	v12 =	vadd.f32 v12, v13;
	v13 =	vmul.f32 v19, v19;
	v17 =	vmul.f32 v21, v21  }
0x8e: {  	v18 =	vmul.f32 v24, v24;
	v10 =	vadd.f32 v10, v14;
	v14 =	vmul.f32 v22, v22  }
0x8f: {  	v19 =	vmul.f32 v26, v26;
	v13 =	vadd.f32 v13, v15;
	v15 =	vmul.f32 v25, v25  }
0x90: {  	v21 =	vmul.f32 v29, v29;
	v14 =	vadd.f32 v14, v17;
	v17 =	vmul.f32 v27, v27  }
0x91: {  	v22 =	vmul.f32 v32, v32;
	v15 =	vadd.f32 v15, v18;
	v18 =	vmul.f32 v30, v30  }
0x92: {  	v24 =	vmul.f32 v35, v35;
	v17 =	vadd.f32 v17, v19;
	v19 =	vmul.f32 v33, v33  }
0x93: {  	v25 =	vmul.f32 v38, v38;
	v18 =	vadd.f32 v18, v21;
	v21 =	vmul.f32 v36, v36  }
0x94: {  	v26 =	vmul.f32 v41, v41;
	v19 =	vadd.f32 v19, v22;
	v22 =	vmul.f32 v39, v39  }
0x95: {  	v27 =	vmul.f32 v43, v43;
	v21 =	vadd.f32 v21, v24;
	v24 =	vmul.f32 v42, v42  }
0x96: {  	v29 =	vmul.f32 v46, v46;
	v22 =	vadd.f32 v22, v25;
	v25 =	vmul.f32 v44, v44  }
0x97: {  	v30 =	vmul.f32 v48, v48;
	v24 =	vadd.f32 v24, v26;
	v26 =	vmul.f32 v47, v47  }
0x98: {  	v3 =	vmul.f32 v3, v3;
	v25 =	vadd.f32 v25, v27;
	v27 =	vmul.f32 v56, v56  }
0x99: {  	v4 =	vmul.f32 v4, v4;
	v5 =	vmul.f32 v5, v5;
	v26 =	vadd.f32 v26, v29  }
0x9a: {  	v6 =	vmul.f32 v6, v6;
	v7 =	vmul.f32 v7, v7;
	v27 =	vadd.f32 v27, v30  }
0x9b: {  	v3 =	vadd.f32 v3, v8;
	v8 =	vmul.f32 v11, v11;
	v11 =	vmul.f32 v16, v16  }
0x9c: {  	v16 =	vmul.f32 v23, v23;
	v4 =	vadd.f32 v4, v9;
	v9 =	vmul.f32 v20, v20  }
0x9d: {  	[tilespmem:s1+$0x6000] =	vst v3;
	v3 =	vadd.f32 v5, v12;
	v5 =	vmul.f32 v28, v28;
	v12 =	vmul.f32 v31, v31  }
0x9e: {  	[tilespmem:s1+$0x6010] =	vst v4;
	v4 =	vadd.f32 v6, v10;
	v6 =	vmul.f32 v34, v34;
	v10 =	vmul.f32 v37, v37  }
0x9f: {  	s16 =	sshra.s32 s0, $0x2;
	[tilespmem:s1+$0x6020] =	vst v3;
	v3 =	vadd.f32 v7, v13;
	v7 =	vmul.f32 v40, v40;
	v13 =	vmul.f32 v45, v45  }
0xa0: {  	v20 =	vld [tilespmem:s16+$0x0];
	[tilespmem:s1+$0x6030] =	vst v4;
	v4 =	vadd.f32 v8, v14;
	v8 =	vadd.f32 v11, v15;
	v11 =	vmul.f32 v49, v49  }
0xa1: {  	v9 =	vadd.f32 v9, v17;
	v15 =	vadd.f32 v16, v18;
	v14 =	vld [tilespmem:s16+$0x2000];
	[tilespmem:s1+$0x6040] =	vst v3  }
0xa2: {  	v3 =	vld [tilespmem:s16+$0x4000];
	[tilespmem:s1+$0x6050] =	vst v4;
	v4 =	vadd.f32 v5, v19;
	v5 =	vadd.f32 v12, v21  }
0xa3: {  	v6 =	vadd.f32 v6, v22;
	v16 =	vadd.f32 v10, v24;
	[tilespmem:s1+$0x6060] =	vst v8  }
0xa4: {  	v7 =	vadd.f32 v7, v25;
	v17 =	vadd.f32 v13, v26;
	[tilespmem:s1+$0x6070] =	vst v9  }
0xa5: {  	v11 =	vadd.f32 v11, v27;
	v8 =	vmul.f32 v20, v20;
	v10 =	vshrl.u32 v20, $0x10;
	v9 =	vld [tilespmem:s16+$0x10];
	[tilespmem:s1+$0x6080] =	vst v15  }
0xa6: {  	v12 =	vmul.f32 v14, v14;
	v13 =	vand.u32 $0x1, v10;
	v15 =	vshrl.u32 v14, $0x10;
	v10 =	vld [tilespmem:s16+$0x2010];
	[tilespmem:s1+$0x6090] =	vst v4  }
0xa7: {  	v13 =	vadd.s32 v13, v20;
	v15 =	vand.u32 $0x1, v15;
	v18 =	vshrl.u32 v3, $0x10;
	v4 =	vld [tilespmem:s16+$0x4010];
	[tilespmem:s1+$0x60A0] =	vst v5  }
0xa8: {  	v5 =	vadd.s32 $0x7FFF, v13;
	v13 =	vadd.s32 v15, v14;
	v14 =	vand.u32 $0x1, v18;
	[tilespmem:s1+$0x60B0] =	vst v6  }
0xa9: {  	v29 =	vand.u32 $0xFFFF0000, v5;
	v5 =	vadd.s32 $0x7FFF, v13;
	v6 =	vadd.s32 v14, v3;
	[tilespmem:s1+$0x60C0] =	vst v16  }
0xaa: {  	v23 =	vand.u32 $0xFFFF0000, v5;
	v5 =	vadd.s32 $0x7FFF, v6;
	v6 =	vshrl.u32 v9, $0x10;
	v13 =	vld [tilespmem:s16+$0x20];
	[tilespmem:s1+$0x60D0] =	vst v7  }
0xab: {  	v28 =	vand.u32 $0xFFFF0000, v5;
	v5 =	vand.u32 $0x1, v6;
	v6 =	vshrl.u32 v10, $0x10;
	v14 =	vld [tilespmem:s16+$0x2020];
	[tilespmem:s1+$0x60E0] =	vst v17  }
0xac: {  	v7 =	vadd.s32 v5, v9;
	v6 =	vand.u32 $0x1, v6;
	v15 =	vshrl.u32 v4, $0x10;
	v5 =	vld [tilespmem:s16+$0x4020];
	[tilespmem:s1+$0x60F0] =	vst v11;
	s1 =	smov.u32 s16  }
0xad: {  	v7 =	vadd.s32 $0x7FFF, v7;
	v6 =	vadd.s32 v6, v10;
	v11 =	vand.u32 $0x1, v15  }
0xae: {  	v33 =	vand.u32 $0xFFFF0000, v7;
	v6 =	vadd.s32 $0x7FFF, v6;
	v7 =	vadd.s32 v11, v4  }
0xaf: {  	v31 =	vand.u32 $0xFFFF0000, v6;
	v6 =	vadd.s32 $0x7FFF, v7;
	v7 =	vshrl.u32 v13, $0x10;
	v15 =	vld [tilespmem:s1+$0x30]  }
0xb0: {  	v32 =	vand.u32 $0xFFFF0000, v6;
	v6 =	vand.u32 $0x1, v7;
	v7 =	vshrl.u32 v14, $0x10;
	v17 =	vld [tilespmem:s1+$0x2030]  }
0xb1: {  	v11 =	vadd.s32 v6, v13;
	v7 =	vand.u32 $0x1, v7;
	v16 =	vshrl.u32 v5, $0x10;
	v6 =	vld [tilespmem:s1+$0x4030]  }
0xb2: {  	v11 =	vadd.s32 $0x7FFF, v11;
	v7 =	vadd.s32 v7, v14;
	v16 =	vand.u32 $0x1, v16  }
0xb3: {  	v36 =	vand.u32 $0xFFFF0000, v11;
	v7 =	vadd.s32 $0x7FFF, v7;
	v11 =	vadd.s32 v16, v5  }
0xb4: {  	v35 =	vand.u32 $0xFFFF0000, v7;
	v7 =	vadd.s32 $0x7FFF, v11;
	v11 =	vshrl.u32 v15, $0x10;
	v18 =	vld [tilespmem:s1+$0x40]  }
0xb5: {  	v34 =	vand.u32 $0xFFFF0000, v7;
	v7 =	vand.u32 $0x1, v11;
	v11 =	vshrl.u32 v17, $0x10;
	v19 =	vld [tilespmem:s1+$0x2040]  }
0xb6: {  	v16 =	vadd.s32 v7, v15;
	v11 =	vand.u32 $0x1, v11;
	v20 =	vshrl.u32 v6, $0x10;
	v7 =	vld [tilespmem:s1+$0x4040]  }
0xb7: {  	v16 =	vadd.s32 $0x7FFF, v16;
	v11 =	vadd.s32 v11, v17;
	v20 =	vand.u32 $0x1, v20  }
0xb8: {  	v37 =	vand.u32 $0xFFFF0000, v16;
	v11 =	vadd.s32 $0x7FFF, v11;
	v16 =	vadd.s32 v20, v6  }
0xb9: {  	v38 =	vand.u32 $0xFFFF0000, v11;
	v11 =	vadd.s32 $0x7FFF, v16;
	v16 =	vshrl.u32 v18, $0x10;
	v21 =	vld [tilespmem:s1+$0x50]  }
0xba: {  	v39 =	vand.u32 $0xFFFF0000, v11;
	v11 =	vand.u32 $0x1, v16;
	v16 =	vshrl.u32 v19, $0x10;
	v22 =	vld [tilespmem:s1+$0x2050]  }
0xbb: {  	v20 =	vadd.s32 v11, v18;
	v16 =	vand.u32 $0x1, v16;
	v24 =	vshrl.u32 v7, $0x10;
	v11 =	vld [tilespmem:s1+$0x4050]  }
0xbc: {  	v20 =	vadd.s32 $0x7FFF, v20;
	v16 =	vadd.s32 v16, v19;
	v24 =	vand.u32 $0x1, v24  }
0xbd: {  	v40 =	vand.u32 $0xFFFF0000, v20;
	v16 =	vadd.s32 $0x7FFF, v16;
	v20 =	vadd.s32 v24, v7  }
0xbe: {  	v41 =	vand.u32 $0xFFFF0000, v16;
	v16 =	vadd.s32 $0x7FFF, v20;
	v20 =	vshrl.u32 v21, $0x10;
	v24 =	vld [tilespmem:s1+$0x60]  }
0xbf: {  	v42 =	vand.u32 $0xFFFF0000, v16;
	v16 =	vand.u32 $0x1, v20;
	v20 =	vshrl.u32 v22, $0x10;
	v25 =	vld [tilespmem:s1+$0x2060]  }
0xc0: {  	v26 =	vadd.s32 v16, v21;
	v20 =	vand.u32 $0x1, v20;
	v27 =	vshrl.u32 v11, $0x10;
	v16 =	vld [tilespmem:s1+$0x4060]  }
0xc1: {  	v26 =	vadd.s32 $0x7FFF, v26;
	v20 =	vadd.s32 v20, v22;
	v27 =	vand.u32 $0x1, v27  }
0xc2: {  	v43 =	vand.u32 $0xFFFF0000, v26;
	v20 =	vadd.s32 $0x7FFF, v20;
	v26 =	vadd.s32 v27, v11  }
0xc3: {  	v44 =	vand.u32 $0xFFFF0000, v20;
	v20 =	vadd.s32 $0x7FFF, v26;
	v27 =	vshrl.u32 v24, $0x10;
	v26 =	vld [tilespmem:s1+$0x70]  }
0xc4: {  	v45 =	vand.u32 $0xFFFF0000, v20;
	v20 =	vand.u32 $0x1, v27;
	v30 =	vshrl.u32 v25, $0x10;
	v27 =	vld [tilespmem:s1+$0x2070]  }
0xc5: {  	v46 =	vadd.s32 v20, v24;
	v30 =	vand.u32 $0x1, v30;
	v47 =	vshrl.u32 v16, $0x10;
	v20 =	vld [tilespmem:s1+$0x4070]  }
0xc6: {  	v46 =	vadd.s32 $0x7FFF, v46;
	v30 =	vadd.s32 v30, v25;
	v47 =	vand.u32 $0x1, v47  }
0xc7: {  	v46 =	vand.u32 $0xFFFF0000, v46;
	v30 =	vadd.s32 $0x7FFF, v30;
	v47 =	vadd.s32 v47, v16  }
0xc8: {  	[tilespmem:s1+$0x0] =	vst v29;
	v48 =	vand.u32 $0xFFFF0000, v30;
	v30 =	vadd.s32 $0x7FFF, v47;
	v47 =	vshrl.u32 v26, $0x10;
	v29 =	vld [tilespmem:s1+$0x80]  }
0xc9: {  	[tilespmem:s1+$0x2000] =	vst v23;
	v49 =	vand.u32 $0xFFFF0000, v30;
	v23 =	vand.u32 $0x1, v47;
	v47 =	vshrl.u32 v27, $0x10;
	v30 =	vld [tilespmem:s1+$0x2080]  }
0xca: {  	[tilespmem:s1+$0x4000] =	vst v28;
	v28 =	vadd.s32 v23, v26;
	v47 =	vand.u32 $0x1, v47;
	v50 =	vshrl.u32 v20, $0x10;
	v23 =	vld [tilespmem:s1+$0x4080]  }
0xcb: {  	[tilespmem:s1+$0x10] =	vst v33;
	v28 =	vadd.s32 $0x7FFF, v28;
	v33 =	vadd.s32 v47, v27;
	v47 =	vand.u32 $0x1, v50  }
0xcc: {  	[tilespmem:s1+$0x2010] =	vst v31;
	v50 =	vand.u32 $0xFFFF0000, v28;
	v28 =	vadd.s32 $0x7FFF, v33;
	v31 =	vadd.s32 v47, v20  }
0xcd: {  	[tilespmem:s1+$0x4010] =	vst v32;
	v47 =	vand.u32 $0xFFFF0000, v28;
	v28 =	vadd.s32 $0x7FFF, v31;
	v31 =	vshrl.u32 v29, $0x10;
	v32 =	vld [tilespmem:s1+$0x90]  }
0xce: {  	[tilespmem:s1+$0x20] =	vst v36;
	v51 =	vand.u32 $0xFFFF0000, v28;
	v28 =	vand.u32 $0x1, v31;
	v31 =	vshrl.u32 v30, $0x10;
	v33 =	vld [tilespmem:s1+$0x2090]  }
0xcf: {  	[tilespmem:s1+$0x2020] =	vst v35;
	v35 =	vadd.s32 v28, v29;
	v31 =	vand.u32 $0x1, v31;
	v36 =	vshrl.u32 v23, $0x10;
	v28 =	vld [tilespmem:s1+$0x4090]  }
0xd0: {  	[tilespmem:s1+$0x4020] =	vst v34;
	v34 =	vadd.s32 $0x7FFF, v35;
	v31 =	vadd.s32 v31, v30;
	v35 =	vand.u32 $0x1, v36  }
0xd1: {  	[tilespmem:s1+$0x30] =	vst v37;
	v52 =	vand.u32 $0xFFFF0000, v34;
	v31 =	vadd.s32 $0x7FFF, v31;
	v34 =	vadd.s32 v35, v23  }
0xd2: {  	[tilespmem:s1+$0x2030] =	vst v38;
	v53 =	vand.u32 $0xFFFF0000, v31;
	v31 =	vadd.s32 $0x7FFF, v34;
	v34 =	vshrl.u32 v32, $0x10;
	v35 =	vld [tilespmem:s1+$0xA0]  }
0xd3: {  	[tilespmem:s1+$0x4030] =	vst v39;
	v54 =	vand.u32 $0xFFFF0000, v31;
	v31 =	vand.u32 $0x1, v34;
	v34 =	vshrl.u32 v33, $0x10;
	v36 =	vld [tilespmem:s1+$0x20A0]  }
0xd4: {  	[tilespmem:s1+$0x40] =	vst v40;
	v37 =	vadd.s32 v31, v32;
	v34 =	vand.u32 $0x1, v34;
	v38 =	vshrl.u32 v28, $0x10;
	v31 =	vld [tilespmem:s1+$0x40A0]  }
0xd5: {  	[tilespmem:s1+$0x2040] =	vst v41;
	v37 =	vadd.s32 $0x7FFF, v37;
	v34 =	vadd.s32 v34, v33;
	v38 =	vand.u32 $0x1, v38  }
0xd6: {  	[tilespmem:s1+$0x4040] =	vst v42;
	v40 =	vand.u32 $0xFFFF0000, v37;
	v34 =	vadd.s32 $0x7FFF, v34;
	v37 =	vadd.s32 v38, v28  }
0xd7: {  	[tilespmem:s1+$0x50] =	vst v43;
	v55 =	vand.u32 $0xFFFF0000, v34;
	v34 =	vadd.s32 $0x7FFF, v37;
	v37 =	vshrl.u32 v35, $0x10;
	v38 =	vld [tilespmem:s1+$0xB0]  }
0xd8: {  	[tilespmem:s1+$0x2050] =	vst v44;
	v56 =	vand.u32 $0xFFFF0000, v34;
	v34 =	vand.u32 $0x1, v37;
	v37 =	vshrl.u32 v36, $0x10;
	v39 =	vld [tilespmem:s1+$0x20B0]  }
0xd9: {  	[tilespmem:s1+$0x4050] =	vst v45;
	v41 =	vadd.s32 v34, v35;
	v37 =	vand.u32 $0x1, v37;
	v42 =	vshrl.u32 v31, $0x10;
	v34 =	vld [tilespmem:s1+$0x40B0]  }
0xda: {  	[tilespmem:s1+$0x60] =	vst v46;
	v41 =	vadd.s32 $0x7FFF, v41;
	v37 =	vadd.s32 v37, v36;
	v42 =	vand.u32 $0x1, v42  }
0xdb: {  	[tilespmem:s1+$0x2060] =	vst v48;
	v45 =	vand.u32 $0xFFFF0000, v41;
	v37 =	vadd.s32 $0x7FFF, v37;
	v41 =	vadd.s32 v42, v31  }
0xdc: {  	[tilespmem:s1+$0x4060] =	vst v49;
	v48 =	vand.u32 $0xFFFF0000, v37;
	v37 =	vadd.s32 $0x7FFF, v41;
	v42 =	vshrl.u32 v38, $0x10;
	v41 =	vld [tilespmem:s1+$0xC0]  }
0xdd: {  	[tilespmem:s1+$0x70] =	vst v50;
	v57 =	vand.u32 $0xFFFF0000, v37;
	v37 =	vand.u32 $0x1, v42;
	v43 =	vshrl.u32 v39, $0x10;
	v42 =	vld [tilespmem:s1+$0x20C0]  }
0xde: {  	[tilespmem:s1+$0x2070] =	vst v47;
	v44 =	vadd.s32 v37, v38;
	v43 =	vand.u32 $0x1, v43;
	v46 =	vshrl.u32 v34, $0x10;
	v37 =	vld [tilespmem:s1+$0x40C0]  }
0xdf: {  	[tilespmem:s1+$0x4070] =	vst v51;
	v44 =	vadd.s32 $0x7FFF, v44;
	v43 =	vadd.s32 v43, v39;
	v46 =	vand.u32 $0x1, v46  }
0xe0: {  	[tilespmem:s1+$0x80] =	vst v52;
	v51 =	vand.u32 $0xFFFF0000, v44;
	v43 =	vadd.s32 $0x7FFF, v43;
	v44 =	vadd.s32 v46, v34  }
0xe1: {  	[tilespmem:s1+$0x2080] =	vst v53;
	v52 =	vand.u32 $0xFFFF0000, v43;
	v44 =	vadd.s32 $0x7FFF, v44;
	v46 =	vshrl.u32 v41, $0x10;
	v43 =	vld [tilespmem:s1+$0xD0]  }
0xe2: {  	[tilespmem:s1+$0x4080] =	vst v54;
	v54 =	vand.u32 $0xFFFF0000, v44;
	v46 =	vand.u32 $0x1, v46;
	v47 =	vshrl.u32 v42, $0x10;
	v44 =	vld [tilespmem:s1+$0x20D0]  }
0xe3: {  	[tilespmem:s1+$0x90] =	vst v40;
	v46 =	vadd.s32 v46, v41;
	v47 =	vand.u32 $0x1, v47;
	v49 =	vshrl.u32 v37, $0x10;
	v40 =	vld [tilespmem:s1+$0x40D0]  }
0xe4: {  	[tilespmem:s1+$0x2090] =	vst v55;
	v46 =	vadd.s32 $0x7FFF, v46;
	v47 =	vadd.s32 v47, v42;
	v49 =	vand.u32 $0x1, v49  }
0xe5: {  	[tilespmem:s1+$0x4090] =	vst v56;
	v53 =	vand.u32 $0xFFFF0000, v46;
	v46 =	vadd.s32 $0x7FFF, v47;
	v47 =	vadd.s32 v49, v37  }
0xe6: {  	[tilespmem:s1+$0xA0] =	vst v45;
	v49 =	vand.u32 $0xFFFF0000, v46;
	v45 =	vadd.s32 $0x7FFF, v47;
	v47 =	vshrl.u32 v43, $0x10;
	v46 =	vld [tilespmem:s1+$0xE0]  }
.Ltmp0:
0xe7: {  	[tilespmem:s1+$0x20A0] =	vst v48;
	v50 =	vand.u32 $0xFFFF0000, v45;
	v45 =	vand.u32 $0x1, v47;
	v48 =	vshrl.u32 v44, $0x10;
	v47 =	vld [tilespmem:s1+$0x20E0];
	(pc) =	sbr.rel @p0 .LBB2_2-.Ltmp0, $4  }
0xe8: {  	[tilespmem:s1+$0x40A0] =	vst v57;
	v55 =	vadd.s32 v45, v43;
	v48 =	vand.u32 $0x1, v48;
	v56 =	vshrl.u32 v40, $0x10;
	v45 =	vld [tilespmem:s1+$0x40E0]  }
0xe9: {  	[tilespmem:s1+$0xB0] =	vst v51;
	v51 =	vadd.s32 $0x7FFF, v55;
	v48 =	vadd.s32 v48, v44;
	v55 =	vand.u32 $0x1, v56  }
0xea: {  	[tilespmem:s1+$0x20B0] =	vst v52;
	v51 =	vand.u32 $0xFFFF0000, v51;
	v48 =	vadd.s32 $0x7FFF, v48;
	v55 =	vadd.s32 v55, v40  }
0xeb: {  	s0 =	sadd.s32 $0x400, s0;
	[tilespmem:s1+$0x40B0] =	vst v54;
	v52 =	vand.u32 $0xFFFF0000, v48;
	v54 =	vadd.s32 $0x7FFF, v55;
	v55 =	vshrl.u32 v46, $0x10;
	v48 =	vld [tilespmem:s1+$0xF0]  }
0xec: {  	v9 =	vmul.f32 v9, v9;
	v10 =	vmul.f32 v10, v10  }
0xed: {  	v13 =	vmul.f32 v13, v13;
	v14 =	vmul.f32 v14, v14  }
0xee: {  	[tilespmem:s1+$0xC0] =	vst v53;
	v15 =	vmul.f32 v15, v15;
	v17 =	vmul.f32 v17, v17  }
0xef: {  	v18 =	vmul.f32 v18, v18;
	v19 =	vmul.f32 v19, v19;
	[tilespmem:s1+$0x40C0] =	vst v50  }
0xf0: {  	[tilespmem:s1+$0xD0] =	vst v51;
	v50 =	vmul.f32 v26, v26;
	v51 =	vmul.f32 v27, v27  }
0xf1: {  	v53 =	vand.u32 $0xFFFF0000, v54;
	[tilespmem:s1+$0x20D0] =	vst v52;
	v52 =	vmul.f32 v29, v29;
	v59 =	vmul.f32 v32, v32  }
0xf2: {  	v61 =	vand.u32 $0x1, v55;
	v3 =	vmul.f32 v3, v3;
	v29 =	vmul.f32 v39, v39  }
0xf3: {  	v62 =	vshrl.u32 v47, $0x10;
	v4 =	vmul.f32 v4, v4;
	v5 =	vmul.f32 v5, v5  }
0xf4: {  	v8 =	vadd.f32 v12, v8;
	v6 =	vmul.f32 v6, v6;
	v7 =	vmul.f32 v7, v7  }
0xf5: {  	v57 =	vshrl.u32 v45, $0x10;
	v63 =	vadd.s32 v61, v46;
	[tilespmem:s1+$0x40D0] =	vst v53;
	v53 =	vmul.f32 v30, v30  }
0xf6: {  	v60 =	vand.u32 $0x1, v62;
	v30 =	vmul.f32 v41, v41;
	v41 =	vmul.f32 v16, v16  }
0xf7: {  	[tilespmem:s1+$0x20C0] =	vst v49;
	v46 =	vmul.f32 v46, v46;
	v61 =	vand.u32 $0x1, v57;
	v49 =	vadd.s32 $0x7FFF, v63  }
0xf8: {  	v54 =	vadd.s32 v60, v47;
	v9 =	vadd.f32 v10, v9;
	v13 =	vadd.f32 v14, v13  }
0xf9: {  	v60 =	vmul.f32 v21, v21;
	v15 =	vadd.f32 v17, v15;
	v18 =	vadd.f32 v19, v18  }
0xfa: {  	v19 =	vadd.f32 v51, v50;
	v3 =	vadd.f32 v3, v8;
	v50 =	vmul.f32 v28, v28  }
0xfb: {  	v56 =	vld [tilespmem:s1+$0x20F0];
	v55 =	vadd.s32 v61, v45;
	v49 =	vand.u32 $0xFFFF0000, v49;
	v54 =	vadd.s32 $0x7FFF, v54  }
0xfc: {  	v61 =	vmul.f32 v22, v22;
	v21 =	vadd.f32 v53, v52;
	v55 =	vadd.s32 $0x7FFF, v55  }
0xfd: {  	v54 =	vand.u32 $0xFFFF0000, v54;
	v58 =	vshrl.u32 v48, $0x10;
	v4 =	vadd.f32 v4, v9  }
0xfe: {  	v57 =	vld [tilespmem:s1+$0x40F0];
	[tilespmem:s1+$0x6000] =	vst v3;
	v3 =	vadd.f32 v5, v13;
	v55 =	vand.u32 $0xFFFF0000, v55;
	v58 =	vand.u32 $0x1, v58  }
0xff: {  	v14 =	vadd.f32 v61, v60;
	v60 =	vmul.f32 v33, v33;
	v61 =	vmul.f32 v35, v35  }
0x100: {  	[tilespmem:s1+$0xE0] =	vst v49;
	v62 =	vshrl.u32 v56, $0x10;
	v33 =	vmul.f32 v42, v42;
	v35 =	vmul.f32 v43, v43  }
0x101: {  	[tilespmem:s1+$0x20E0] =	vst v54;
	v42 =	vmul.f32 v44, v44;
	v43 =	vmul.f32 v20, v20;
	v58 =	vadd.s32 v58, v48  }
0x102: {  	v12 =	vand.u32 $0x1, v62;
	v62 =	vmul.f32 v24, v24;
	[tilespmem:s1+$0x6020] =	vst v3;
	v3 =	vadd.f32 v7, v18  }
0x103: {  	[tilespmem:s1+$0x40E0] =	vst v55;
	v63 =	vshrl.u32 v57, $0x10;
	v58 =	vadd.s32 $0x7FFF, v58;
	v22 =	vadd.f32 v60, v59  }
0x104: {  	[tilespmem:s1+$0x6010] =	vst v4;
	v12 =	vadd.s32 v12, v56;
	v51 =	vadd.f32 v43, v19;
	v5 =	vadd.f32 v42, v35  }
0x105: {  	v60 =	vmul.f32 v40, v40;
	v10 =	vand.u32 $0x1, v63;
	v58 =	vand.u32 $0xFFFF0000, v58;
	[tilespmem:s1+$0x6040] =	vst v3  }
0x106: {  	v12 =	vadd.s32 $0x7FFF, v12;
	v63 =	vmul.f32 v25, v25;
	v3 =	vadd.f32 v33, v30;
	[tilespmem:s1+$0xF0] =	vst v58  }
0x107: {  	v10 =	vadd.s32 v10, v57;
	v12 =	vand.u32 $0xFFFF0000, v12;
	v9 =	vadd.f32 v50, v22;
	[tilespmem:s1+$0x6070] =	vst v51  }
0x108: {  	v58 =	vmul.f32 v37, v37;
	v5 =	vadd.f32 v60, v5;
	v10 =	vadd.s32 $0x7FFF, v10;
	[tilespmem:s1+$0x20F0] =	vst v12  }
0x109: {  	v17 =	vadd.f32 v63, v62;
	v62 =	vmul.f32 v36, v36;
	v63 =	vmul.f32 v38, v38;
	[tilespmem:s1+$0x6090] =	vst v9  }
0x10a: {  	v36 =	vmul.f32 v11, v11;
	v38 =	vadd.f32 v6, v15;
	v10 =	vand.u32 $0xFFFF0000, v10;
	[tilespmem:s1+$0x60D0] =	vst v5  }
0x10b: {  	v52 =	vmul.f32 v47, v47;
	v53 =	vmul.f32 v31, v31;
	v3 =	vadd.f32 v58, v3;
	[tilespmem:s1+$0x40F0] =	vst v10  }
0x10c: {  	v49 =	vmul.f32 v23, v23;
	v54 =	vmul.f32 v48, v48;
	[tilespmem:s1+$0x6030] =	vst v38;
	v44 =	vadd.f32 v36, v14  }
0x10d: {  	v55 =	vmul.f32 v34, v34;
	v32 =	vadd.f32 v62, v61;
	v11 =	vadd.f32 v41, v17;
	[tilespmem:s1+$0x60C0] =	vst v3  }
0x10e: {  	v59 =	vmul.f32 v56, v56;
	v39 =	vadd.f32 v29, v63;
	v14 =	vadd.f32 v49, v21;
	[tilespmem:s1+$0x6050] =	vst v44  }
0x10f: {  	v4 =	vadd.f32 v52, v46;
	v61 =	vmul.f32 v45, v45;
	[tilespmem:s1+$0x6060] =	vst v11;
	v8 =	vadd.f32 v53, v32  }
.Ltmp1:
0x110: {  	v62 =	vadd.f32 v59, v54;
	v63 =	vmul.f32 v57, v57;
	[tilespmem:s1+$0x6080] =	vst v14;
	v6 =	vadd.f32 v55, v39;
	(pc) =	sbr.rel .LBB2_4-.Ltmp1, $4  }
0x111: {  	v4 =	vadd.f32 v61, v4;
	[tilespmem:s1+$0x60A0] =	vst v8  }
0x112: {  	v3 =	vadd.f32 v63, v62;
	[tilespmem:s1+$0x60B0] =	vst v6  }
0x113: {  	[tilespmem:s1+$0x60E0] =	vst v4  }
0x114: {  	s0 =	simm.s32 $0x0;
	[tilespmem:s1+$0x60F0] =	vst v3  }
.LBB2_9:
0x115: {  	v4 =	vimm.s32 $0x0  }
.LBB2_16:
0x116: {  	s1 =	sshll.u32 s0, $0x5;
	v5 =	vshrl.u32 v2, $0x3  }
0x117: {  	v6 =	vmov s1;
	v5 =	vmul.u32 $0x8, v5  }
0x118: {  	v6 =	vand.u32 $0xFE8, v6  }
0x119: {  	v62 =	vand.u32 $0x7, v2;
	v5 =	vor.u32 v5, v6  }
0x11a: {  	v63 =	vor.u32 $0x10, v2;
	s0 =	sadd.s32 $0x1, s0;
	v5 =	vor.u32 v62, v5  }
0x11b: {  	p0 =	sne.s32 s0, $0x80;
	v6 =	vor.u32 s1, v63  }
.Ltmp2:
0x11c: {  	_ = 	snop;
	(pc) =	sbr.rel @!p0 .LBB2_17-.Ltmp2, $4  }
0x11d: {  	_ = 	snop  }
0x11e: {  	v3 =	vadd.s32 v0, v3  }
0x11f: {  	[tilespmem:v5+s24+$0x0] =	vst.idx.msk $0xffff, v3;
	v3 =	vadd.s32 v0, v4  }
0x120: {  	[tilespmem:v6+s24+$0x0] =	vst.idx.msk $0xffff, v3  }
.LBB2_4:
0x121: {  	s1 =	sand.u32 $0x70, s0  }
0x122: {  	v3 =	vld [tilespmem:s1+$0x8000]  }
0x123: {  	v4 =	vld [tilespmem:s1+$0x8080]  }
0x124: {  	s16 =	simm.s32 $0x0;
	v5 =	vld [tilespmem:s1+$0x8100]  }
0x125: {  	v10 =	vld [tilespmem:s16+$0x2060]  }
0x126: {  	v11 =	vld [tilespmem:s16+$0x6050]  }
0x127: {  	v12 =	vld [tilespmem:s16+$0x60]  }
0x128: {  	v13 =	vld [tilespmem:s16+$0x6020]  }
0x129: {  	v14 =	vld [tilespmem:s16+$0x2090]  }
0x12a: {  	v15 =	vld [tilespmem:s16+$0x6010]  }
0x12b: {  	v16 =	vld [tilespmem:s16+$0x6000]  }
0x12c: {  	v17 =	vld [tilespmem:s16+$0x4050]  }
0x12d: {  	v18 =	vld [tilespmem:s16+$0x6040]  }
0x12e: {  	v19 =	vld [tilespmem:s16+$0x2050]  }
0x12f: {  	v20 =	vld [tilespmem:s16+$0x50]  }
0x130: {  	s18 =	sand.u32 $0xF, s0;
	v21 =	vld [tilespmem:s16+$0x4040]  }
0x131: {  	v6 =	vmov s18;
	v22 =	vld [tilespmem:s16+$0x4030]  }
0x132: {  	v23 =	vld [tilespmem:s16+$0x4020];
	v7 =	vperm.xlane v3, v6;
	v4 =	vperm.xlane v4, v6  }
0x133: {  	v24 =	vld [tilespmem:s16+$0x2030];
	v5 =	vperm.xlane v5, v6  }
0x134: {  	v25 =	vld [tilespmem:s16+$0x2040];
	v3 =	vmul.f32 v7, v7;
	v6 =	vmul.f32 v4, v4  }
0x135: {  	v26 =	vld [tilespmem:s16+$0x30];
	v8 =	vshrl.u32 v4, $0x10  }
0x136: {  	v32 =	vld [tilespmem:s16+$0x2010];
	v9 =	vshrl.u32 v5, $0x10;
	v3 =	vadd.f32 v6, v3;
	v6 =	vmul.f32 v5, v5  }
0x137: {  	v33 =	vld [tilespmem:s16+$0x2000];
	v8 =	vand.u32 $0x1, v8;
	v9 =	vand.u32 $0x1, v9  }
0x138: {  	v4 =	vadd.s32 v8, v4;
	v8 =	vld [tilespmem:s16+$0x2070];
	v3 =	vadd.f32 v6, v3;
	v6 =	vshrl.u32 v7, $0x10  }
0x139: {  	v27 =	vld [tilespmem:s16+$0x4010];
	v5 =	vadd.s32 v9, v5;
	v4 =	vadd.s32 $0x7FFF, v4;
	v6 =	vand.u32 $0x1, v6  }
0x13a: {  	v28 =	vld [tilespmem:s16+$0x40];
	v6 =	vadd.s32 v6, v7;
	v7 =	vadd.s32 $0x7FFF, v5;
	v5 =	vand.u32 $0xFFFF0000, v4  }
0x13b: {  	v29 =	vld [tilespmem:s16+$0x4000];
	v19 =	vmul.f32 v5, v19;
	v24 =	vmul.f32 v5, v24  }
0x13c: {  	v30 =	vld [tilespmem:s16+$0x2020];
	v11 =	vadd.f32 v11, v3;
	v10 =	vmul.f32 v5, v10;
	v32 =	vmul.f32 v5, v32  }
0x13d: {  	v35 =	vld [tilespmem:s16+$0x0];
	v18 =	vadd.f32 v18, v3;
	v8 =	vmul.f32 v5, v8;
	v33 =	vmul.f32 v5, v33  }
0x13e: {  	v9 =	vld [tilespmem:s16+$0x70];
	v4 =	vand.u32 $0xFFFF0000, v7;
	v25 =	vmul.f32 v5, v25;
	v14 =	vmul.f32 v5, v14  }
0x13f: {  	v34 =	vld [tilespmem:s16+$0x10];
	v6 =	vadd.s32 $0x7FFF, v6;
	v17 =	vmul.f32 v4, v17;
	v22 =	vmul.f32 v4, v22  }
0x140: {  	v31 =	vld [tilespmem:s16+$0x20];
	v6 =	vand.u32 $0xFFFF0000, v6;
	v29 =	vmul.f32 v4, v29;
	v27 =	vmul.f32 v4, v27  }
0x141: {  	v36 =	vld [tilespmem:s16+$0x4070];
	v13 =	vadd.f32 v13, v3;
	v21 =	vmul.f32 v4, v21;
	v20 =	vmul.f32 v6, v20  }
0x142: {  	v37 =	vld [tilespmem:s16+$0x4080];
	v16 =	vadd.f32 v16, v3;
	v26 =	vmul.f32 v6, v26;
	v12 =	vmul.f32 v6, v12  }
0x143: {  	v15 =	vadd.f32 v15, v3;
	v7 =	vld [tilespmem:s16+$0x4060];
	v9 =	vmul.f32 v6, v9;
	v35 =	vmul.f32 v6, v35  }
0x144: {  	v55 =	vld [tilespmem:s16+$0x4090];
	v34 =	vmul.f32 v6, v34;
	v19 =	vadd.f32 v19, v20;
	v24 =	vadd.f32 v24, v26  }
0x145: {  	v56 =	vld [tilespmem:s16+$0x6090];
	v28 =	vmul.f32 v6, v28;
	v10 =	vadd.f32 v10, v12;
	v8 =	vadd.f32 v8, v9  }
0x146: {  	v57 =	vld [tilespmem:s16+$0xB0];
	v9 =	vmul.f32 v4, v36;
	v33 =	vadd.f32 v33, v35;
	v32 =	vadd.f32 v32, v34  }
0x147: {  	v31 =	vmul.f32 v6, v31;
	v20 =	vld [tilespmem:s16+$0x80];
	v25 =	vadd.f32 v25, v28;
	v17 =	vadd.f32 v17, v19  }
0x148: {  	v26 =	vld [tilespmem:s16+$0x2080];
	v7 =	vmul.f32 v4, v7;
	v22 =	vadd.f32 v22, v24;
	v8 =	vadd.f32 v9, v8  }
0x149: {  	v12 =	vld [tilespmem:s16+$0x90];
	v19 =	vmul.f32 v5, v30;
	v29 =	vadd.f32 v29, v33;
	v27 =	vadd.f32 v27, v32  }
0x14a: {  	v23 =	vmul.f32 v4, v23;
	v28 =	vld [tilespmem:s16+$0x40A0];
	v21 =	vadd.f32 v21, v25;
	v10 =	vadd.f32 v7, v10  }
0x14b: {  	v58 =	vmul.f32 v4, v37;
	v30 =	vld [tilespmem:s16+$0x6060];
	v17 =	vadd.f32 v17, v17;
	v19 =	vadd.f32 v19, v31  }
0x14c: {  	v59 =	vmul.f32 v4, v55;
	v24 =	vld [tilespmem:s16+$0x6070];
	v8 =	vadd.f32 v8, v8;
	v29 =	vadd.f32 v29, v29  }
0x14d: {  	v9 =	vld [tilespmem:s16+$0xA0];
	v33 =	vmul.f32 v6, v57;
	v27 =	vadd.f32 v27, v27;
	v22 =	vadd.f32 v22, v22  }
0x14e: {  	v31 =	vld [tilespmem:s16+$0x20A0];
	v21 =	vadd.f32 v21, v21;
	v12 =	vmul.f32 v6, v12;
	v10 =	vadd.f32 v10, v10  }
0x14f: {  	v20 =	vmul.f32 v6, v20;
	v11 =	vsub.f32 v11, v17;
	v17 =	vld [tilespmem:s16+$0x6030];
	v19 =	vadd.f32 v23, v19  }
0x150: {  	v26 =	vmul.f32 v5, v26;
	v16 =	vsub.f32 v16, v29;
	v29 =	vld [tilespmem:s16+$0x60A0];
	v15 =	vsub.f32 v15, v27  }
0x151: {  	v18 =	vsub.f32 v18, v21;
	v23 =	vadd.f32 v24, v3;
	v7 =	vmax.f32 v11, $0.0e+00;
	v11 =	vld [tilespmem:s16+$0x20B0]  }
0x152: {  	v24 =	vld [tilespmem:s16+$0x40B0];
	v12 =	vadd.f32 v14, v12;
	v30 =	vadd.f32 v30, v3;
	v9 =	vmul.f32 v6, v9  }
0x153: {  	v20 =	vadd.f32 v26, v20;
	v26 =	vld [tilespmem:s16+$0x60C0];
	v16 =	vmax.f32 v16, $0.0e+00;
	v19 =	vadd.f32 v19, v19  }
0x154: {  	v15 =	vmax.f32 v15, $0.0e+00;
	v8 =	vsub.f32 v23, v8;
	v23 =	vld [tilespmem:s16+$0x20C0];
	v17 =	vadd.f32 v17, v3  }
0x155: {  	v60 =	vld [tilespmem:s16+$0x40C0];
	v30 =	vsub.f32 v30, v10;
	v10 =	vadd.f32 v56, v3;
	[tilespmem:s16+$0x8210] =	vst v15;
	v15 =	vmin.f32 v16, v15  }
0x156: {  	v14 =	vld [tilespmem:s16+$0xC0];
	v17 =	vsub.f32 v17, v22;
	v22 =	vmul.f32 v5, v31;
	v11 =	vmul.f32 v5, v11  }
0x157: {  	v61 =	vld [tilespmem:s16+$0xF0];
	[tilespmem:s16+$0x8200] =	vst v16;
	v13 =	vsub.f32 v13, v19;
	v19 =	vmul.f32 v4, v28;
	v16 =	vadd.f32 v29, v3  }
0x158: {  	v25 =	vld [tilespmem:s16+$0x6080];
	v24 =	vmul.f32 v4, v24;
	v9 =	vadd.f32 v22, v9;
	v11 =	vadd.f32 v11, v33  }
0x159: {  	v13 =	vmax.f32 v13, $0.0e+00;
	v62 =	vadd.f32 v26, v3;
	v31 =	vld [tilespmem:s16+$0xD0];
	v21 =	vmul.f32 v5, v23  }
0x15a: {  	v22 =	vmax.f32 v17, $0.0e+00;
	v17 =	vld [tilespmem:s16+$0x20D0];
	v9 =	vadd.f32 v19, v9;
	v11 =	vadd.f32 v24, v11  }
0x15b: {  	v27 =	vld [tilespmem:s16+$0x60B0];
	v23 =	vadd.f32 v59, v12;
	v12 =	vmax.f32 v30, $0.0e+00;
	v24 =	vmul.f32 v6, v14  }
0x15c: {  	v19 =	vld [tilespmem:s16+$0x40D0];
	v14 =	vadd.f32 v9, v9;
	v9 =	vmin.f32 v15, v13;
	v30 =	vadd.f32 v11, v11  }
0x15d: {  	v28 =	vld [tilespmem:s16+$0xE0];
	v15 =	vadd.f32 v23, v23;
	v21 =	vadd.f32 v21, v24;
	v23 =	vmul.f32 v4, v60  }
0x15e: {  	[tilespmem:s16+$0x8220] =	vst v13;
	v11 =	vld [tilespmem:s16+$0x20E0];
	v13 =	vadd.f32 v25, v3;
	v24 =	vadd.f32 v58, v20  }
0x15f: {  	v25 =	vmul.f32 v6, v31;
	v20 =	vld [tilespmem:s16+$0x60D0];
	v17 =	vmul.f32 v5, v17;
	v23 =	vadd.f32 v23, v21  }
0x160: {  	[tilespmem:s16+$0x8250] =	vst v7;
	v8 =	vmax.f32 v8, $0.0e+00;
	v31 =	vadd.f32 v27, v3;
	v21 =	vld [tilespmem:s16+$0x20F0];
	v29 =	vadd.f32 v24, v24  }
0x161: {  	[tilespmem:s16+$0x8270] =	vst v8;
	v26 =	vmul.f32 v4, v19;
	v27 =	vadd.f32 v17, v25;
	v19 =	vld [tilespmem:s16+$0x40F0];
	v63 =	vadd.f32 v23, v23  }
0x162: {  	[tilespmem:s16+$0x8260] =	vst v12;
	v17 =	vmul.f32 v6, v28;
	v25 =	vmin.f32 v9, v22;
	v9 =	vmax.f32 v18, $0.0e+00;
	v18 =	vld [tilespmem:s16+$0x60F0]  }
0x163: {  	s17 =	simm.s32 $0x400;
	s1 =	simm.f32 $-Inf;
	[tilespmem:s16+$0x8230] =	vst v22;
	v28 =	vsub.f32 v31, v30;
	v22 =	vmul.f32 v6, v61;
	v23 =	vld [tilespmem:s16+$0x40E0];
	v24 =	vsub.f32 v62, v63  }
.LBB2_5:
0x164: {  	s18 =	sshra.s32 s17, $0x2;
	p0 =	seq.s32 s17, $0x7C00;
	s17 =	sadd.s32 $0x400, s17;
	v29 =	vsub.f32 v13, v29;
	v26 =	vadd.f32 v26, v27;
	v27 =	vmul.f32 v5, v11;
	v30 =	vld [tilespmem:s16+$0x60E0]  }
0x165: {  	v28 =	vmax.f32 v28, $0.0e+00;
	v20 =	vadd.f32 v20, v3;
	v11 =	vld [tilespmem:s18+$0x4060];
	v24 =	vmax.f32 v24, $0.0e+00  }
0x166: {  	v14 =	vsub.f32 v16, v14;
	v21 =	vmul.f32 v5, v21;
	v13 =	vld [tilespmem:s18+$0x2070];
	[tilespmem:s16+$0x82C0] =	vst v24;
	v16 =	vadd.f32 v26, v26  }
0x167: {  	v25 =	vmin.f32 v25, v9;
	v10 =	vsub.f32 v10, v15;
	v15 =	vmul.f32 v4, v19;
	v26 =	vld [tilespmem:s18+$0x70];
	[tilespmem:s16+$0x82B0] =	vst v28  }
0x168: {  	v19 =	vld [tilespmem:s18+$0x2060];
	v16 =	vsub.f32 v20, v16;
	v20 =	vmul.f32 v4, v23;
	v18 =	vadd.f32 v18, v3  }
0x169: {  	v10 =	vmax.f32 v10, $0.0e+00;
	v17 =	vadd.f32 v27, v17;
	v21 =	vadd.f32 v21, v22;
	v23 =	vld [tilespmem:s18+$0x6050]  }
0x16a: {  	v7 =	vmin.f32 v25, v7;
	v14 =	vmax.f32 v14, $0.0e+00;
	v22 =	vld [tilespmem:s18+$0x60];
	[tilespmem:s16+$0x8290] =	vst v10;
	v16 =	vmax.f32 v16, $0.0e+00  }
0x16b: {  	v12 =	vmin.f32 v7, v12;
	v15 =	vadd.f32 v15, v21;
	v17 =	vadd.f32 v20, v17;
	v25 =	vld [tilespmem:s18+$0x6020];
	[tilespmem:s16+$0x82D0] =	vst v16  }
0x16c: {  	v8 =	vmin.f32 v12, v8;
	v12 =	vmax.f32 v29, $0.0e+00;
	v20 =	vadd.f32 v30, v3;
	v7 =	vld [tilespmem:s18+$0x2090];
	[tilespmem:s16+$0x82A0] =	vst v14  }
0x16d: {  	v8 =	vmin.f32 v8, v12;
	v15 =	vadd.f32 v15, v15;
	v21 =	vld [tilespmem:s18+$0x6010];
	[tilespmem:s16+$0x8280] =	vst v12;
	v12 =	vadd.f32 v17, v17  }
0x16e: {  	v8 =	vmin.f32 v8, v10;
	v17 =	vld [tilespmem:s18+$0x6000]  }
0x16f: {  	v8 =	vmin.f32 v8, v14;
	v14 =	vsub.f32 v18, v15;
	v10 =	vld [tilespmem:s18+$0x4050];
	v12 =	vsub.f32 v20, v12  }
0x170: {  	v8 =	vmin.f32 v8, v28;
	v15 =	vld [tilespmem:s18+$0x6040]  }
0x171: {  	v8 =	vmin.f32 v8, v24;
	v18 =	vld [tilespmem:s18+$0x2050];
	v12 =	vmax.f32 v12, $0.0e+00  }
0x172: {  	v8 =	vmin.f32 v8, v16;
	v20 =	vld [tilespmem:s18+$0x50];
	[tilespmem:s16+$0x82E0] =	vst v12  }
0x173: {  	v8 =	vmin.f32 v8, v12;
	v12 =	vmax.f32 v14, $0.0e+00;
	v16 =	vld [tilespmem:s18+$0x4040]  }
0x174: {  	v8 =	vmin.f32 v8, v12;
	v14 =	vld [tilespmem:s18+$0x4030];
	[tilespmem:s16+$0x82F0] =	vst v12  }
0x175: {  	v12 =	vld [tilespmem:s18+$0x4020];
	(xrf0) =	vmin.scan.msk.f32 $0xffff, v8  }
0x176: {  	v8 =	vld [tilespmem:s18+$0x2030]  }
0x177: {  	v24 =	vld [tilespmem:s18+$0x2040]  }
0x178: {  	v27 =	vld [tilespmem:s18+$0x30];
	v16 =	vmul.f32 v4, v16  }
0x179: {  	v28 =	vld [tilespmem:s18+$0x4010]  }
0x17a: {  	v20 =	vmul.f32 v6, v20;
	v29 =	vld [tilespmem:s18+$0x40]  }
0x17b: {  	v18 =	vmul.f32 v5, v18;
	v12 =	vmul.f32 v4, v12;
	v30 =	vld [tilespmem:s18+$0x4000];
	v31, _, _ =	vpop (xrf0)  }
0x17c: {  	v14 =	vmul.f32 v4, v14;
	v32 =	vld [tilespmem:s18+$0x2020];
	(v2sf) =	vpush v31, $0xF  }
0x17d: {  	v18 =	vadd.f32 v18, v20;
	v8 =	vmul.f32 v5, v8;
	v31 =	vld [tilespmem:s18+$0x20];
	v27 =	vmul.f32 v6, v27  }
0x17e: {  	v10 =	vmul.f32 v4, v10;
	v15 =	vadd.f32 v15, v3;
	v20 =	vld [tilespmem:s18+$0x2010]  }
0x17f: {  	v25 =	vadd.f32 v25, v3;
	v33 =	vld [tilespmem:s18+$0x2000];
	v8 =	vadd.f32 v8, v27;
	v27 =	vmul.f32 v6, v29  }
0x180: {  	v10 =	vadd.f32 v10, v18;
	v28 =	vmul.f32 v4, v28;
	v29 =	vld [tilespmem:s18+$0x10]  }
0x181: {  	v17 =	vadd.f32 v17, v3;
	v30 =	vmul.f32 v4, v30;
	v18 =	vld [tilespmem:s18+$0x0];
	v8 =	vadd.f32 v14, v8  }
0x182: {  	v22 =	vmul.f32 v6, v22;
	v10 =	vadd.f32 v10, v10;
	v14 =	vmul.f32 v5, v32;
	v32 =	vld [tilespmem:s18+$0x4070]  }
0x183: {  	v19 =	vmul.f32 v5, v19;
	v23 =	vadd.f32 v23, v3;
	v31 =	vmul.f32 v6, v31;
	v34 =	vld [tilespmem:s18+$0x80]  }
0x184: {  	v26 =	vmul.f32 v6, v26;
	v21 =	vadd.f32 v21, v3;
	v20 =	vmul.f32 v5, v20;
	v35 =	vld [tilespmem:s18+$0x2080]  }
0x185: {  	v13 =	vmul.f32 v5, v13;
	v19 =	vadd.f32 v19, v22;
	v33 =	vmul.f32 v5, v33;
	v22 =	vld [tilespmem:s18+$0x6060]  }
0x186: {  	v8 =	vadd.f32 v8, v8;
	v29 =	vmul.f32 v6, v29;
	v18 =	vmul.f32 v6, v18;
	v36 =	vld [tilespmem:s18+$0x6070]  }
0x187: {  	v13 =	vadd.f32 v13, v26;
	v10 =	vsub.f32 v23, v10;
	v23 =	vmul.f32 v4, v32;
	v26 =	vld [tilespmem:s18+$0x4080];
	[tilespmem:s16+$0x8240] =	vst v9;
	s16 =	smov.u32 s18  }
0x188: {  	v11 =	vmul.f32 v4, v11;
	v9 =	vadd.f32 v33, v18;
	v18 =	vmul.f32 v6, v34;
	v32 =	vld [tilespmem:s16+$0x90]  }
0x189: {  	v20 =	vadd.f32 v20, v29;
	v29 =	vld [tilespmem:s16+$0x6030];
	v13 =	vadd.f32 v23, v13;
	v23 =	vmul.f32 v5, v35  }
0x18a: {  	v11 =	vadd.f32 v11, v19;
	v14 =	vadd.f32 v14, v31;
	v31 =	vmul.f32 v5, v7;
	v19 =	vld [tilespmem:s16+$0x4090]  }
0x18b: {  	v7 =	vadd.f32 v30, v9;
	v9 =	vmul.f32 v5, v24;
	v13 =	vadd.f32 v13, v13;
	v24 =	vld [tilespmem:s16+$0x6090];
	s18 =	spop (v2sf)  }
0x18c: {  	v11 =	vadd.f32 v11, v11;
	v20 =	vadd.f32 v28, v20;
	v26 =	vmul.f32 v4, v26;
	v28 =	vld [tilespmem:s16+$0xA0];
	s1 =	smax.f32 s1, s18  }
0x18d: {  	v30 =	vadd.f32 v7, v7;
	v9 =	vadd.f32 v9, v27;
	v27 =	vmul.f32 v6, v32;
	v32 =	vld [tilespmem:s16+$0x20A0]  }
0x18e: {  	v12 =	vadd.f32 v12, v14;
	v14 =	vadd.f32 v29, v3;
	v29 =	vld [tilespmem:s16+$0xB0]  }
0x18f: {  	v7 =	vmax.f32 v10, $0.0e+00;
	v10 =	vadd.f32 v22, v3;
	v22 =	vadd.f32 v31, v27;
	v27 =	vld [tilespmem:s16+$0x20B0]  }
0x190: {  	v9 =	vadd.f32 v16, v9;
	v16 =	vadd.f32 v36, v3;
	v19 =	vmul.f32 v4, v19;
	[tilespmem:s16+$0x8250] =	vst v7;
	v31 =	vld [tilespmem:s16+$0x40A0]  }
0x191: {  	v12 =	vadd.f32 v12, v12;
	v11 =	vsub.f32 v10, v11;
	v33 =	vld [tilespmem:s16+$0x40B0]  }
0x192: {  	v17 =	vsub.f32 v17, v30;
	v13 =	vsub.f32 v16, v13;
	v16 =	vmul.f32 v6, v28;
	v28 =	vld [tilespmem:s16+$0xC0]  }
0x193: {  	v14 =	vsub.f32 v14, v8;
	v10 =	vadd.f32 v24, v3;
	v24 =	vmul.f32 v6, v29;
	v29 =	vld [tilespmem:s16+$0x20C0]  }
0x194: {  	v20 =	vadd.f32 v20, v20;
	v18 =	vadd.f32 v23, v18;
	v30 =	vmul.f32 v5, v32;
	v23 =	vld [tilespmem:s16+$0x6080]  }
0x195: {  	v17 =	vmax.f32 v17, $0.0e+00;
	v9 =	vadd.f32 v9, v9;
	v8 =	vmax.f32 v13, $0.0e+00;
	v32 =	vld [tilespmem:s16+$0x60A0]  }
0x196: {  	v13 =	vsub.f32 v21, v20;
	v16 =	vadd.f32 v30, v16;
	v20 =	vmul.f32 v5, v27;
	[tilespmem:s16+$0x8270] =	vst v8;
	v21 =	vld [tilespmem:s16+$0x60B0]  }
0x197: {  	v12 =	vsub.f32 v25, v12;
	v9 =	vsub.f32 v15, v9;
	v15 =	vmul.f32 v4, v31;
	[tilespmem:s16+$0x8200] =	vst v17;
	v25 =	vld [tilespmem:s16+$0x40C0]  }
0x198: {  	v13 =	vmax.f32 v13, $0.0e+00;
	v20 =	vadd.f32 v20, v24;
	v24 =	vmul.f32 v4, v33;
	v27 =	vld [tilespmem:s16+$0xD0]  }
0x199: {  	v30 =	vmax.f32 v14, $0.0e+00;
	v14 =	vadd.f32 v15, v16;
	v16 =	vmul.f32 v5, v29;
	[tilespmem:s16+$0x8210] =	vst v13;
	v29 =	vld [tilespmem:s16+$0x20D0]  }
0x19a: {  	v15 =	vadd.f32 v19, v22;
	v19 =	vadd.f32 v24, v20;
	v20 =	vmul.f32 v6, v28;
	[tilespmem:s16+$0x8230] =	vst v30;
	v22 =	vld [tilespmem:s16+$0x60C0]  }
0x19b: {  	v12 =	vmax.f32 v12, $0.0e+00;
	v13 =	vmin.f32 v17, v13;
	v14 =	vadd.f32 v14, v14;
	v17 =	vld [tilespmem:s16+$0x40D0]  }
0x19c: {  	v24 =	vmin.f32 v13, v12;
	v28 =	vadd.f32 v19, v19;
	[tilespmem:s16+$0x8220] =	vst v12;
	v12 =	vmax.f32 v11, $0.0e+00;
	v19 =	vld [tilespmem:s16+$0xE0]  }
0x19d: {  	v15 =	vadd.f32 v15, v15;
	v20 =	vadd.f32 v16, v20;
	v25 =	vmul.f32 v4, v25;
	[tilespmem:s16+$0x8260] =	vst v12;
	v11 =	vld [tilespmem:s16+$0x20E0]  }
0x19e: {  	v13 =	vadd.f32 v23, v3;
	v16 =	vadd.f32 v32, v3;
	v23 =	vmul.f32 v5, v29;
	v31 =	vld [tilespmem:s16+$0xF0]  }
.Ltmp3:
0x19f: {  	v18 =	vadd.f32 v26, v18;
	v27 =	vmul.f32 v6, v27;
	v25 =	vadd.f32 v25, v20;
	v20 =	vld [tilespmem:s16+$0x60D0];
	(pc) =	sbr.rel @!p0 .LBB2_5-.Ltmp3, $4  }
0x1a0: {  	v32 =	vadd.f32 v21, v3;
	v22 =	vadd.f32 v22, v3;
	v26 =	vmul.f32 v4, v17;
	v21 =	vld [tilespmem:s16+$0x20F0]  }
0x1a1: {  	v33 =	vadd.f32 v25, v25;
	v27 =	vadd.f32 v23, v27;
	v17 =	vmul.f32 v6, v19;
	v19 =	vld [tilespmem:s16+$0x40F0]  }
0x1a2: {  	v28 =	vsub.f32 v32, v28;
	v29 =	vadd.f32 v18, v18;
	v25 =	vmin.f32 v24, v30;
	v23 =	vld [tilespmem:s16+$0x40E0]  }
0x1a3: {  	v9 =	vmax.f32 v9, $0.0e+00;
	v24 =	vsub.f32 v22, v33;
	v22 =	vmul.f32 v6, v31;
	v18 =	vld [tilespmem:s16+$0x60F0]  }
0x1a4: {  	v6 =	vadd.f32 v26, v27;
	v13 =	vsub.f32 v13, v29;
	v11 =	vmul.f32 v5, v11  }
0x1a5: {  	v56 =	vmax.f32 v28, $0.0e+00;
	v20 =	vadd.f32 v20, v3;
	v14 =	vsub.f32 v16, v14  }
0x1a6: {  	v57 =	vmin.f32 v25, v9;
	v10 =	vsub.f32 v10, v15;
	v5 =	vmul.f32 v5, v21  }
0x1a7: {  	v58 =	vld [tilespmem:s16+$0x60E0];
	v7 =	vmin.f32 v57, v7;
	v6 =	vadd.f32 v6, v6;
	v59 =	vmul.f32 v4, v19  }
0x1a8: {  	v11 =	vadd.f32 v11, v17;
	v10 =	vmax.f32 v10, $0.0e+00;
	v4 =	vmul.f32 v4, v23  }
0x1a9: {  	v7 =	vmin.f32 v7, v12;
	v60 =	vmax.f32 v13, $0.0e+00;
	v5 =	vadd.f32 v5, v22  }
0x1aa: {  	v61 =	vmax.f32 v14, $0.0e+00;
	v7 =	vmin.f32 v7, v8;
	v4 =	vadd.f32 v4, v11  }
0x1ab: {  	v6 =	vsub.f32 v20, v6;
	v7 =	vmin.f32 v7, v60;
	v5 =	vadd.f32 v59, v5  }
0x1ac: {  	v62 =	vadd.f32 v58, v3;
	v7 =	vmin.f32 v7, v10;
	v4 =	vadd.f32 v4, v4  }
0x1ad: {  	v3 =	vadd.f32 v18, v3;
	v7 =	vmin.f32 v7, v61;
	v5 =	vadd.f32 v5, v5  }
0x1ae: {  	v63 =	vmax.f32 v24, $0.0e+00;
	v7 =	vmin.f32 v7, v56;
	v4 =	vsub.f32 v62, v4  }
0x1af: {  	v6 =	vmax.f32 v6, $0.0e+00;
	v3 =	vsub.f32 v3, v5;
	v5 =	vmin.f32 v7, v63  }
0x1b0: {  	v5 =	vmin.f32 v5, v6;
	v4 =	vmax.f32 v4, $0.0e+00  }
0x1b1: {  	v3 =	vmax.f32 v3, $0.0e+00;
	v5 =	vmin.f32 v5, v4  }
0x1b2: {  	v5 =	vmin.f32 v5, v3  }
0x1b3: {  	(xrf0) =	vmin.scan.msk.f32 $0xffff, v5;
	_ =	sdelay $0x5  }
0x1b4: {  	v5, _, _ =	vpop (xrf0)  }
0x1b5: {  	(v2sf) =	vpush v5, $0xF;
	_ =	sdelay $0x8  }
0x1b6: {  	[tilespmem:s16+$0x8240] =	vst v9  }
0x1b7: {  	[tilespmem:s16+$0x82B0] =	vst v56  }
0x1b8: {  	[tilespmem:s16+$0x82C0] =	vst v63  }
0x1b9: {  	[tilespmem:s16+$0x8290] =	vst v10  }
0x1ba: {  	[tilespmem:s16+$0x82A0] =	vst v61  }
0x1bb: {  	[tilespmem:s16+$0x8280] =	vst v60  }
0x1bc: {  	[tilespmem:s16+$0x82D0] =	vst v6;
	s17 =	spop (v2sf)  }
0x1bd: {  	[tilespmem:s16+$0x82E0] =	vst v4;
	s1 =	smax.f32 s1, s17  }
0x1be: {  	[tilespmem:s16+$0x82F0] =	vst v3;
	v4 =	vimm.s32 $0x0;
	s16 =	simm.s32 $0x8280;
	v3 =	vmov s1;
	s1 =	simm.s32 $0xF0  }
.LBB2_7:
0x1bf: {  	v5 =	vld [tilespmem:s16+$0xFFFFFF80];
	_ =	sdelay $0x4  }
0x1c0: {  	vm0 =	vle.f32 v5, v3  }
0x1c1: {  	v6 =	vsel vm0, $0x1, v1  }
0x1c2: {  	(xrf0) =	vadd.scan.msk.s32 $0xffff, v6;
	_ =	sdelay $0x4  }
0x1c3: {  	v6 =	vsel vm0, $0xFFFFFFFF, v1  }
0x1c4: {  	v6 =	vadd.s32 v6, v4;
	v7, _, _ =	vpop (xrf0)  }
0x1c5: {  	v6 =	vadd.s32 v7, v6;
	_ =	sdelay $0x2  }
0x1c6: {  	s17 =	sadd.s32 $0xFFFFFF10, s1  }
0x1c7: {  	v7 =	vor.u32 s17, v2  }
0x1c8: {  	[tilespmem:v6+s22+$0x0] =	vst.idx.msk vm0, v7  }
0x1c9: {  	[tilespmem:v6+s23+$0x0] =	vst.idx.msk vm0, v5  }
0x1ca: {  	v5 =	vld [tilespmem:s16+$0xFFFFFF90];
	_ =	sdelay $0x4  }
0x1cb: {  	vm1 =	vle.f32 v5, v3  }
0x1cc: {  	v6 =	vsel vm1, $0x1, v1  }
0x1cd: {  	(xrf0) =	vadd.scan.msk.s32 $0xffff, v6;
	_ =	sdelay $0x2  }
0x1ce: {  	v6 =	vmpcnt.ones.xlane vm0;
	_ =	sdelay $0x1  }
0x1cf: {  	v4 =	vadd.s32 v4, v6;
	v6 =	vsel vm1, $0xFFFFFFFF, v1  }
0x1d0: {  	v6 =	vadd.s32 v6, v4;
	v7, _, _ =	vpop (xrf0)  }
0x1d1: {  	v6 =	vadd.s32 v7, v6;
	_ =	sdelay $0x2  }
0x1d2: {  	s18 =	sadd.s32 $0xFFFFFF20, s1  }
0x1d3: {  	v7 =	vor.u32 s18, v2  }
0x1d4: {  	[tilespmem:v6+s22+$0x0] =	vst.idx.msk vm1, v7  }
0x1d5: {  	[tilespmem:v6+s23+$0x0] =	vst.idx.msk vm1, v5  }
0x1d6: {  	v5 =	vld [tilespmem:s16+$0xFFFFFFA0];
	_ =	sdelay $0x4  }
0x1d7: {  	vm14 =	vle.f32 v5, v3  }
0x1d8: {  	v6 =	vsel vm14, $0x1, v1  }
0x1d9: {  	(xrf0) =	vadd.scan.msk.s32 $0xffff, v6;
	_ =	sdelay $0x2  }
0x1da: {  	v6 =	vmpcnt.ones.xlane vm1;
	_ =	sdelay $0x1  }
0x1db: {  	v4 =	vadd.s32 v4, v6;
	v6 =	vsel vm14, $0xFFFFFFFF, v1  }
0x1dc: {  	v6 =	vadd.s32 v6, v4;
	v7, _, _ =	vpop (xrf0)  }
0x1dd: {  	v6 =	vadd.s32 v7, v6;
	_ =	sdelay $0x2  }
0x1de: {  	s18 =	sadd.s32 $0xFFFFFF30, s1  }
0x1df: {  	v7 =	vor.u32 s18, v2  }
0x1e0: {  	[tilespmem:v6+s22+$0x0] =	vst.idx.msk vm14, v7  }
0x1e1: {  	[tilespmem:v6+s23+$0x0] =	vst.idx.msk vm14, v5  }
0x1e2: {  	v5 =	vld [tilespmem:s16+$0xFFFFFFB0];
	_ =	sdelay $0x4  }
0x1e3: {  	vm15 =	vle.f32 v5, v3  }
0x1e4: {  	v6 =	vsel vm15, $0x1, v1  }
0x1e5: {  	(xrf0) =	vadd.scan.msk.s32 $0xffff, v6;
	_ =	sdelay $0x2  }
0x1e6: {  	v6 =	vmpcnt.ones.xlane vm14;
	_ =	sdelay $0x1  }
0x1e7: {  	v4 =	vadd.s32 v4, v6;
	v6 =	vsel vm15, $0xFFFFFFFF, v1  }
0x1e8: {  	v6 =	vadd.s32 v6, v4;
	v7, _, _ =	vpop (xrf0)  }
0x1e9: {  	v6 =	vadd.s32 v7, v6;
	_ =	sdelay $0x2  }
0x1ea: {  	s18 =	sadd.s32 $0xFFFFFF40, s1  }
0x1eb: {  	v7 =	vor.u32 s18, v2  }
0x1ec: {  	[tilespmem:v6+s22+$0x0] =	vst.idx.msk vm15, v7  }
0x1ed: {  	[tilespmem:v6+s23+$0x0] =	vst.idx.msk vm15, v5  }
0x1ee: {  	v5 =	vld [tilespmem:s16+$0xFFFFFFC0];
	_ =	sdelay $0x4  }
0x1ef: {  	vm4 =	vle.f32 v5, v3  }
0x1f0: {  	v6 =	vsel vm4, $0x1, v1  }
0x1f1: {  	(xrf0) =	vadd.scan.msk.s32 $0xffff, v6;
	_ =	sdelay $0x2  }
0x1f2: {  	v6 =	vmpcnt.ones.xlane vm15;
	_ =	sdelay $0x1  }
0x1f3: {  	v4 =	vadd.s32 v4, v6;
	v6 =	vsel vm4, $0xFFFFFFFF, v1  }
0x1f4: {  	v6 =	vadd.s32 v6, v4;
	v7, _, _ =	vpop (xrf0)  }
0x1f5: {  	v6 =	vadd.s32 v7, v6;
	_ =	sdelay $0x2  }
0x1f6: {  	s18 =	sadd.s32 $0xFFFFFF50, s1  }
0x1f7: {  	v7 =	vor.u32 s18, v2  }
0x1f8: {  	[tilespmem:v6+s22+$0x0] =	vst.idx.msk vm4, v7  }
0x1f9: {  	[tilespmem:v6+s23+$0x0] =	vst.idx.msk vm4, v5  }
0x1fa: {  	v5 =	vld [tilespmem:s16+$0xFFFFFFD0];
	_ =	sdelay $0x4  }
0x1fb: {  	vm5 =	vle.f32 v5, v3  }
0x1fc: {  	v6 =	vsel vm5, $0x1, v1  }
0x1fd: {  	(xrf0) =	vadd.scan.msk.s32 $0xffff, v6;
	_ =	sdelay $0x2  }
0x1fe: {  	v6 =	vmpcnt.ones.xlane vm4;
	_ =	sdelay $0x1  }
0x1ff: {  	v4 =	vadd.s32 v4, v6;
	v6 =	vsel vm5, $0xFFFFFFFF, v1  }
0x200: {  	v6 =	vadd.s32 v6, v4;
	v7, _, _ =	vpop (xrf0)  }
0x201: {  	v6 =	vadd.s32 v7, v6;
	_ =	sdelay $0x2  }
0x202: {  	s18 =	sadd.s32 $0xFFFFFF60, s1  }
0x203: {  	v7 =	vor.u32 s18, v2  }
0x204: {  	[tilespmem:v6+s22+$0x0] =	vst.idx.msk vm5, v7  }
0x205: {  	[tilespmem:v6+s23+$0x0] =	vst.idx.msk vm5, v5  }
0x206: {  	v5 =	vld [tilespmem:s16+$0xFFFFFFE0];
	_ =	sdelay $0x4  }
0x207: {  	vm6 =	vle.f32 v5, v3  }
0x208: {  	v6 =	vsel vm6, $0x1, v1  }
0x209: {  	(xrf0) =	vadd.scan.msk.s32 $0xffff, v6;
	_ =	sdelay $0x2  }
0x20a: {  	v6 =	vmpcnt.ones.xlane vm5;
	_ =	sdelay $0x1  }
0x20b: {  	v4 =	vadd.s32 v4, v6;
	v6 =	vsel vm6, $0xFFFFFFFF, v1  }
0x20c: {  	v6 =	vadd.s32 v6, v4;
	v7, _, _ =	vpop (xrf0)  }
0x20d: {  	v6 =	vadd.s32 v7, v6;
	_ =	sdelay $0x2  }
0x20e: {  	s18 =	sadd.s32 $0xFFFFFF70, s1  }
0x20f: {  	v7 =	vor.u32 s18, v2  }
0x210: {  	[tilespmem:v6+s22+$0x0] =	vst.idx.msk vm6, v7  }
0x211: {  	[tilespmem:v6+s23+$0x0] =	vst.idx.msk vm6, v5  }
0x212: {  	v5 =	vld [tilespmem:s16+$0xFFFFFFF0];
	_ =	sdelay $0x4  }
0x213: {  	vm7 =	vle.f32 v5, v3  }
0x214: {  	v6 =	vsel vm7, $0x1, v1  }
0x215: {  	(xrf0) =	vadd.scan.msk.s32 $0xffff, v6;
	_ =	sdelay $0x2  }
0x216: {  	v6 =	vmpcnt.ones.xlane vm6;
	_ =	sdelay $0x1  }
0x217: {  	v4 =	vadd.s32 v4, v6;
	v6 =	vsel vm7, $0xFFFFFFFF, v1  }
0x218: {  	v6 =	vadd.s32 v6, v4;
	v7, _, _ =	vpop (xrf0)  }
0x219: {  	v6 =	vadd.s32 v7, v6;
	_ =	sdelay $0x2  }
0x21a: {  	s18 =	sadd.s32 $0xFFFFFF80, s1  }
0x21b: {  	v7 =	vor.u32 s18, v2  }
0x21c: {  	[tilespmem:v6+s22+$0x0] =	vst.idx.msk vm7, v7  }
0x21d: {  	[tilespmem:v6+s23+$0x0] =	vst.idx.msk vm7, v5  }
0x21e: {  	v5 =	vld [tilespmem:s16+$0x0];
	_ =	sdelay $0x4  }
0x21f: {  	vm8 =	vle.f32 v5, v3  }
0x220: {  	v6 =	vsel vm8, $0x1, v1  }
0x221: {  	(xrf0) =	vadd.scan.msk.s32 $0xffff, v6;
	_ =	sdelay $0x2  }
0x222: {  	v6 =	vmpcnt.ones.xlane vm7;
	_ =	sdelay $0x1  }
0x223: {  	v4 =	vadd.s32 v4, v6;
	v6 =	vsel vm8, $0xFFFFFFFF, v1  }
0x224: {  	v6 =	vadd.s32 v6, v4;
	v7, _, _ =	vpop (xrf0)  }
0x225: {  	v6 =	vadd.s32 v7, v6;
	_ =	sdelay $0x2  }
0x226: {  	s18 =	sadd.s32 $0xFFFFFF90, s1  }
0x227: {  	v7 =	vor.u32 s18, v2  }
0x228: {  	[tilespmem:v6+s22+$0x0] =	vst.idx.msk vm8, v7  }
0x229: {  	[tilespmem:v6+s23+$0x0] =	vst.idx.msk vm8, v5  }
0x22a: {  	v5 =	vld [tilespmem:s16+$0x10];
	_ =	sdelay $0x4  }
0x22b: {  	vm9 =	vle.f32 v5, v3  }
0x22c: {  	v6 =	vsel vm9, $0x1, v1  }
0x22d: {  	(xrf0) =	vadd.scan.msk.s32 $0xffff, v6;
	_ =	sdelay $0x2  }
0x22e: {  	v6 =	vmpcnt.ones.xlane vm8;
	_ =	sdelay $0x1  }
0x22f: {  	v4 =	vadd.s32 v4, v6;
	v6 =	vsel vm9, $0xFFFFFFFF, v1  }
0x230: {  	v6 =	vadd.s32 v6, v4;
	v7, _, _ =	vpop (xrf0)  }
0x231: {  	v6 =	vadd.s32 v7, v6;
	_ =	sdelay $0x2  }
0x232: {  	s18 =	sadd.s32 $0xFFFFFFA0, s1  }
0x233: {  	v7 =	vor.u32 s18, v2  }
0x234: {  	[tilespmem:v6+s22+$0x0] =	vst.idx.msk vm9, v7  }
0x235: {  	[tilespmem:v6+s23+$0x0] =	vst.idx.msk vm9, v5  }
0x236: {  	v5 =	vld [tilespmem:s16+$0x20];
	_ =	sdelay $0x4  }
0x237: {  	vm10 =	vle.f32 v5, v3  }
0x238: {  	v6 =	vsel vm10, $0x1, v1  }
0x239: {  	(xrf0) =	vadd.scan.msk.s32 $0xffff, v6;
	_ =	sdelay $0x2  }
0x23a: {  	v6 =	vmpcnt.ones.xlane vm9;
	_ =	sdelay $0x1  }
0x23b: {  	v4 =	vadd.s32 v4, v6;
	v6 =	vsel vm10, $0xFFFFFFFF, v1  }
0x23c: {  	v6 =	vadd.s32 v6, v4;
	v7, _, _ =	vpop (xrf0)  }
0x23d: {  	v6 =	vadd.s32 v7, v6;
	_ =	sdelay $0x2  }
0x23e: {  	s18 =	sadd.s32 $0xFFFFFFB0, s1  }
0x23f: {  	v7 =	vor.u32 s18, v2  }
0x240: {  	[tilespmem:v6+s22+$0x0] =	vst.idx.msk vm10, v7  }
0x241: {  	[tilespmem:v6+s23+$0x0] =	vst.idx.msk vm10, v5  }
0x242: {  	v5 =	vld [tilespmem:s16+$0x30];
	_ =	sdelay $0x4  }
0x243: {  	vm11 =	vle.f32 v5, v3  }
0x244: {  	v6 =	vsel vm11, $0x1, v1  }
0x245: {  	(xrf0) =	vadd.scan.msk.s32 $0xffff, v6;
	_ =	sdelay $0x2  }
0x246: {  	v6 =	vmpcnt.ones.xlane vm10;
	_ =	sdelay $0x1  }
0x247: {  	v4 =	vadd.s32 v4, v6;
	v6 =	vsel vm11, $0xFFFFFFFF, v1  }
0x248: {  	v6 =	vadd.s32 v6, v4;
	v7, _, _ =	vpop (xrf0)  }
0x249: {  	v6 =	vadd.s32 v7, v6;
	_ =	sdelay $0x2  }
0x24a: {  	s18 =	sadd.s32 $0xFFFFFFC0, s1  }
0x24b: {  	v7 =	vor.u32 s18, v2  }
0x24c: {  	[tilespmem:v6+s22+$0x0] =	vst.idx.msk vm11, v7  }
0x24d: {  	[tilespmem:v6+s23+$0x0] =	vst.idx.msk vm11, v5  }
0x24e: {  	v5 =	vld [tilespmem:s16+$0x40];
	_ =	sdelay $0x4  }
0x24f: {  	vm12 =	vle.f32 v5, v3  }
0x250: {  	v6 =	vsel vm12, $0x1, v1  }
0x251: {  	(xrf0) =	vadd.scan.msk.s32 $0xffff, v6;
	_ =	sdelay $0x2  }
0x252: {  	v6 =	vmpcnt.ones.xlane vm11;
	_ =	sdelay $0x1  }
0x253: {  	v4 =	vadd.s32 v4, v6;
	v6 =	vsel vm12, $0xFFFFFFFF, v1  }
0x254: {  	v6 =	vadd.s32 v6, v4;
	v7, _, _ =	vpop (xrf0)  }
0x255: {  	v6 =	vadd.s32 v7, v6;
	_ =	sdelay $0x2  }
0x256: {  	s18 =	sadd.s32 $0xFFFFFFD0, s1  }
0x257: {  	v7 =	vor.u32 s18, v2  }
0x258: {  	[tilespmem:v6+s22+$0x0] =	vst.idx.msk vm12, v7  }
0x259: {  	[tilespmem:v6+s23+$0x0] =	vst.idx.msk vm12, v5  }
0x25a: {  	v5 =	vld [tilespmem:s16+$0x50];
	_ =	sdelay $0x4  }
0x25b: {  	vm13 =	vle.f32 v5, v3  }
0x25c: {  	v6 =	vsel vm13, $0x1, v1  }
0x25d: {  	(xrf0) =	vadd.scan.msk.s32 $0xffff, v6;
	_ =	sdelay $0x2  }
0x25e: {  	v6 =	vmpcnt.ones.xlane vm12;
	_ =	sdelay $0x1  }
0x25f: {  	v4 =	vadd.s32 v4, v6;
	v6 =	vsel vm13, $0xFFFFFFFF, v1  }
0x260: {  	v6 =	vadd.s32 v6, v4;
	v7, _, _ =	vpop (xrf0)  }
0x261: {  	v6 =	vadd.s32 v7, v6;
	_ =	sdelay $0x2  }
0x262: {  	s18 =	sadd.s32 $0xFFFFFFE0, s1  }
0x263: {  	v7 =	vor.u32 s18, v2  }
0x264: {  	[tilespmem:v6+s22+$0x0] =	vst.idx.msk vm13, v7  }
0x265: {  	[tilespmem:v6+s23+$0x0] =	vst.idx.msk vm13, v5  }
0x266: {  	v5 =	vld [tilespmem:s16+$0x60];
	_ =	sdelay $0x4  }
0x267: {  	vm14 =	vle.f32 v5, v3  }
0x268: {  	v6 =	vsel vm14, $0x1, v1  }
0x269: {  	(xrf0) =	vadd.scan.msk.s32 $0xffff, v6;
	_ =	sdelay $0x2  }
0x26a: {  	v6 =	vmpcnt.ones.xlane vm13;
	_ =	sdelay $0x1  }
0x26b: {  	v4 =	vadd.s32 v4, v6;
	v6 =	vsel vm14, $0xFFFFFFFF, v1  }
0x26c: {  	v6 =	vadd.s32 v6, v4;
	v7, _, _ =	vpop (xrf0)  }
0x26d: {  	v6 =	vadd.s32 v7, v6;
	_ =	sdelay $0x2  }
0x26e: {  	s18 =	sadd.s32 $0xFFFFFFF0, s1  }
0x26f: {  	v7 =	vor.u32 s18, v2  }
0x270: {  	[tilespmem:v6+s22+$0x0] =	vst.idx.msk vm14, v7  }
0x271: {  	[tilespmem:v6+s23+$0x0] =	vst.idx.msk vm14, v5  }
0x272: {  	v5 =	vld [tilespmem:s16+$0x70];
	_ =	sdelay $0x4  }
0x273: {  	vm15 =	vle.f32 v5, v3  }
0x274: {  	v6 =	vsel vm15, $0x1, v1  }
0x275: {  	(xrf0) =	vadd.scan.msk.s32 $0xffff, v6;
	_ =	sdelay $0x2  }
0x276: {  	v6 =	vmpcnt.ones.xlane vm14;
	_ =	sdelay $0x1  }
0x277: {  	v4 =	vadd.s32 v4, v6;
	v6 =	vsel vm15, $0xFFFFFFFF, v1  }
0x278: {  	v6 =	vadd.s32 v6, v4;
	v7, _, _ =	vpop (xrf0)  }
0x279: {  	v6 =	vadd.s32 v7, v6  }
0x27a: {  	p0 =	sne.s32 s1, $0x1FF0  }
.Ltmp4:
0x27b: {  	_ = 	snop;
	(pc) =	sbr.rel @p0 .LBB2_7-.Ltmp4, $4  }
0x27c: {  	_ = 	snop  }
0x27d: {  	v8 =	vmpcnt.ones.xlane vm15;
	v7 =	vor.u32 s1, v2  }
0x27e: {  	[tilespmem:v6+s22+$0x0] =	vst.idx.msk vm15, v7  }
0x27f: {  	s16 =	sadd.s32 $0x100, s16;
	v4 =	vadd.s32 v4, v8;
	s1 =	sadd.s32 $0x100, s1;
	[tilespmem:v6+s23+$0x0] =	vst.idx.msk vm15, v5  }
0x280: {  	v3 =	vxor.u32 $0x80000000, v4  }
0x281: {  	(xrf0) =	vmax.scan.msk.u32 $0xffff, v3;
	_ =	sdelay $0x5  }
0x282: {  	v3, _, _ =	vpop (xrf0)  }
0x283: {  	(v2sf) =	vpush v3, $0xF;
	_ =	sdelay $0xe  }
0x284: {  	s1 =	spop (v2sf)  }
0x285: {  	s16 =	sxor.u32 $0x80000000, s1;
	s1 =	sadd.s32 $0x8000000F, s1  }
0x286: {  	s17 =	sshra.s32 s1, $0x4  }
0x287: {  	v3 =	vadd.s32 s16, v2;
	p0 =	slt.s32 s17, $0x1  }
.Ltmp5:
0x288: {  	_ = 	snop;
	(pc) =	sbr.rel @p0 .LBB2_9-.Ltmp5, $3  }
0x289: {  	_ =	sdelay $0x1  }
0x28a: {  	v4 =	vimm.f32 $+Inf;
	s1 =	simm.s32 $0xA200  }
0x28b: {  	s16 =	simm.s32 $0xC210;
	[tilespmem:v3+s1+$0x0] =	vst.idx.msk $0xffff, v4;
	v3 =	vimm.s32 $0x0  }
0x28c: {  	v5 =	vld [tilespmem:s1+$0x0]  }
0x28d: {  	v6 =	vld [tilespmem:s16+$0x0];
	p1 =	sne.s32 s17, $0x1  }
.Ltmp6:
0x28e: {  	_ = 	snop;
	(pc) =	sbr.rel @!p1 .LBB2_11-.Ltmp6, $2  }
0x28f: {  	_ =	sdelay $0x2  }
0x290: {  	s17 =	sadd.s32 $0xFFFFFFFF, s17;
	p0 =	por $0x0, $0x0;
	(xrf1) =	vsort.ascd.msk.f32 $0xffff, v5, v6;
	v5 =	vmul.u32 $0xFFFFFFFF, v2  }
0x291: {  	_ =	sdelay $0xc  }
0x292: {  	v6 =	vadd.s32 $0xF, v5;
	v7, v8, _ =	vpop (xrf1)  }
0x293: {  	v7 =	vperm.xlane v7, v6  }
0x294: {  	v8 =	vperm.xlane v8, v6  }
0x295: {  	vm0 =	vle.f32 v4, v7  }
0x296: {  	v7 =	vsel vm0, v4, v7;
	v8 =	vsel vm0, v3, v8  }
0x297: {  	(xrf1) =	vsort.ascd.msk.f32 $0xffff, v7, v8;
	_ =	sdelay $0x9  }
0x298: {  	s16 =	sadd.s32 $0x10, s16  }
0x299: {  	s1 =	sadd.s32 $0x10, s1;
	v10 =	vld [tilespmem:s16+$0x0]  }
0x29a: {  	v7 =	vld [tilespmem:s1+$0x0]  }
0x29b: {  	p1 =	sne.s32 s17, $0x1  }
.Ltmp7:
0x29c: {  	v8, v9, _ =	vpop (xrf1);
	(pc) =	sbr.rel @!p1 .LBB2_13-.Ltmp7, $4  }
0x29d: {  	v11 =	vperm.xlane v8, v6  }
0x29e: {  	v8 =	vperm.xlane v9, v6  }
0x29f: {  	(xrf1) =	vsort.ascd.msk.f32 $0xffff, v7, v10;
	v7 =	vimm.s32 $0x0;
	vm0 =	vle.f32 v4, v11  }
0x2a0: {  	s17 =	sadd.s32 $0xFFFFFFFF, s17;
	p0 =	por $0x1, $0x1;
	v9 =	vsel vm0, v4, v11;
	v10 =	vsel vm0, v11, v4;
	v11 =	vsel vm0, v8, v3  }
.LBB2_14:
0x2a1: {  	p1 =	sne.s32 s17, $0x1;
	s17 =	sadd.s32 $0xFFFFFFFF, s17;
	v7 =	vsel vm0, v7, v8;
	(xrf1) =	vsort.ascd.msk.f32 $0xffff, v10, v11  }
0x2a2: {  	(xrf1) =	vsort.ascd.msk.f32 $0xffff, v9, v7;
	_ =	sdelay $0xa  }
0x2a3: {  	v7, v8, _ =	vpop (xrf1)  }
0x2a4: {  	v9 =	vperm.xlane v7, v6;
	v8 =	vperm.xlane v8, v6  }
0x2a5: {  	v10, v11, _ =	vpop (xrf1)  }
0x2a6: {  	vm0 =	vle.f32 v10, v9;
	v12, v7, _ =	vpop (xrf1)  }
0x2a7: {  	v9 =	vsel vm0, v10, v9;
	v8 =	vsel vm0, v11, v8  }
0x2a8: {  	(xrf1) =	vsort.ascd.msk.f32 $0xffff, v9, v8;
	_ =	sdelay $0x9  }
0x2a9: {  	s1 =	sadd.s32 $0x10, s1  }
0x2aa: {  	s16 =	sadd.s32 $0x10, s16;
	v9 =	vld [tilespmem:s1+$0x0]  }
0x2ab: {  	v10 =	vld [tilespmem:s16+$0x0];
	_ =	sdelay $0x1  }
.Ltmp8:
0x2ac: {  	v8, v11, _ =	vpop (xrf1);
	(pc) =	sbr.rel @p1 .LBB2_14-.Ltmp8, $4  }
0x2ad: {  	v13 =	vperm.xlane v8, v6  }
0x2ae: {  	v8 =	vperm.xlane v11, v6  }
0x2af: {  	(xrf1) =	vsort.ascd.msk.f32 $0xffff, v9, v10;
	vm0 =	vle.f32 v12, v13  }
0x2b0: {  	v9 =	vsel vm0, v12, v13;
	v10 =	vsel vm0, v13, v12;
	v11 =	vsel vm0, v8, v7  }
.LBB2_15:
0x2b1: {  	(xrf1) =	vsort.ascd.msk.f32 @p0 $0xffff, v10, v11;
	_ =	sdelay $0xc  }
0x2b2: {  	v5 =	vadd.s32 $0xF, v5;
	v6, v60, _ =	vpop (xrf1)  }
0x2b3: {  	v6 =	vperm.xlane v6, v5;
	v11, v12, _ =	vpop @p0 (xrf1)  }
0x2b4: {  	v10 =	vperm.xlane v60, v5;
	v11 =	vpsel p0, v11, v4  }
0x2b5: {  	v7 =	vsel @p0 vm0, v7, v8;
	v61 =	vpsel p0, v12, v3;
	vm14 =	vle.f32 v11, v6  }
0x2b6: {  	(xrf1) =	vsort.ascd.msk.f32 @p0 $0xffff, v9, v7;
	v6 =	vsel vm14, v11, v6;
	v7 =	vsel vm14, v61, v10  }
0x2b7: {  	(xrf1) =	vsort.ascd.msk.f32 $0xffff, v6, v7;
	_ =	sdelay $0xc  }
0x2b8: {  	v6, v7, _ =	vpop @p0 (xrf1)  }
0x2b9: {  	v63, v62, _ =	vpop (xrf1)  }
0x2ba: {  	v8 =	vperm.xlane v63, v5  }
0x2bb: {  	v4 =	vpsel p0, v6, v4;
	v5 =	vperm.xlane v62, v5  }
0x2bc: {  	v3 =	vpsel p0, v7, v3;
	vm15 =	vle.f32 v4, v8  }
0x2bd: {  	v6 =	vsel vm15, v8, v4;
	v7 =	vsel vm15, v5, v3  }
0x2be: {  	(xrf1) =	vsort.ascd.msk.f32 $0xffff, v6, v7  }
0x2bf: {  	v4 =	vsel vm15, v4, v8;
	v3 =	vsel vm15, v3, v5  }
0x2c0: {  	(xrf1) =	vsort.ascd.msk.f32 $0xffff, v4, v3;
	_ =	sdelay $0x9  }
.Ltmp9:
0x2c1: {  	_ = 	snop;
	(pc) =	sbr.rel .LBB2_16-.Ltmp9, $3  }
0x2c2: {  	_ = 	snop  }
0x2c3: {  	v3, v4, _ =	vpop (xrf1);
	_ =	sdelay $0x1  }
0x2c4: {  	v5, v3, _ =	vpop (xrf1)  }
.LBB2_11:
.Ltmp10:
0x2c5: {  	(pc) =	sbr.rel .LBB2_15-.Ltmp10, $2  }
0x2c6: {  	_ =	sdelay $0x2  }
0x2c7: {  	v7 =	vimm.s32 $0x0  }
.LBB2_13:
.Ltmp11:
0x2c8: {  	(pc) =	sbr.rel .LBB2_15-.Ltmp11, $2  }
0x2c9: {  	_ =	sdelay $0x2  }
0x2ca: {  	v7 =	vimm.s32 $0x0  }
.LBB2_17:
0x2cb: {  	v3 =	vld [tilespmem:$0x8180]  }
0x2cc: {  	v4 =	vld [tilespmem:$0x8190]  }
0x2cd: {  	v5 =	vld [tilespmem:$0x81A0]  }
0x2ce: {  	v6 =	vld [tilespmem:$0x81B0]  }
0x2cf: {  	v7 =	vld [tilespmem:$0x81C0]  }
0x2d0: {  	v8 =	vld [tilespmem:$0x81D0];
	v3 =	vadd.s32 v0, v3  }
0x2d1: {  	v62 =	vld [tilespmem:$0x81E0];
	[tilespmem:$0xF220] =	vst v3;
	v3 =	vadd.s32 v0, v4  }
0x2d2: {  	v63 =	vld [tilespmem:$0x81F0];
	[tilespmem:$0xF230] =	vst v3;
	v3 =	vadd.s32 v0, v5  }
0x2d3: {  	[tilespmem:$0xF240] =	vst v3;
	v3 =	vadd.s32 v0, v6  }
0x2d4: {  	[tilespmem:$0xF250] =	vst v3;
	v3 =	vadd.s32 v0, v7  }
0x2d5: {  	[tilespmem:$0xF260] =	vst v3;
	v3 =	vadd.s32 v0, v8  }
0x2d6: {  	[tilespmem:$0xF270] =	vst v3;
	v3 =	vadd.s32 v0, v62  }
0x2d7: {  	[tilespmem:$0xF280] =	vst v3;
	v3 =	vadd.s32 v0, v63  }
0x2d8: {  	[tilespmem:$0xF290] =	vst v3  }
0x2d9: {  	[tilespmem:s28], [sflag:$0x1] =	stream.indirect.gather [hbm4b:s3+s25], $0x20, s26, s25, $0xb8;
	[tilespmem:$0x112A0] =	vst v63  }
0x2da: {  	_ =	swait.ge [sflag:s29], $0x1000  }
0x2db: {  	[sflag:s29] =	ssyncset.done $0x0  }
0x2dc: {  	s0 =	simm.s32 $0x0;
	[sflag:s29] =	ssyncadd.s32 $0xFFFFF000  }
0x2dd: {  	[hbm4b:s11+s0] =	stream.linear.scatter [tilespmem:s28], [sflag:$0x2], $0x1000, $0x38;
	[tilespmem:$0x112A0] =	vst v63  }
0x2de: {  	_ =	swait.ge [sflag:s15], $0x1000  }
0x2df: {  	[sflag:s15] =	ssyncset.done $0x0  }
0x2e0: {  	s17 =	simm.s32 $0xE220;
	[sflag:s15] =	ssyncadd.s32 $0xFFFFF000  }
0x2e1: {  	[tilespmem:s30], [sflag:$0x1] =	stream.indirect.gather [hbm4b:s3+s25], $0x20, s17, s25, $0xb8;
	[tilespmem:$0x112A0] =	vst v63  }
0x2e2: {  	_ =	swait.ge [sflag:s29], $0x1000  }
0x2e3: {  	[sflag:s29] =	ssyncset.done $0x0  }
0x2e4: {  	s18 =	sadd.s32 $0x0, s14;
	[sflag:s29] =	ssyncadd.s32 $0xFFFFF000  }
0x2e5: {  	[hbm4b:s18+s2] =	stream.linear.scatter [tilespmem:s30], [sflag:$0x2], $0x1000, $0x38;
	[tilespmem:$0x112A0] =	vst v63  }
0x2e6: {  	s1 =	simm.s32 $0x400;
	_ =	swait.ge [sflag:s15], $0x1000  }
0x2e7: {  	s16 =	simm.s32 $0x80;
	s0 =	simm.s32 $0x200;
	[sflag:s15] =	ssyncset.done $0x0  }
.LBB2_18:
0x2e8: {  	s16 =	sadd.s32 $0xE220, s16  }
0x2e9: {  	[sflag:s15] =	ssyncadd.s32 $0xFFFFF000;
	s17 =	smov.u32 s1;
	s18 =	sadd.s32 $0x200, s1  }
0x2ea: {  	[tilespmem:s30], [sflag:$0x1] =	stream.indirect.gather [hbm4b:s3+s25], $0x20, s16, s25, $0xb8;
	[tilespmem:$0x112A0] =	vst v63  }
0x2eb: {  	p0 =	sne.s32 s1, $0x3E00;
	_ =	swait.ge [sflag:s29], $0x1000  }
.Ltmp12:
0x2ec: {  	[sflag:s29] =	ssyncset.done $0x0;
	(pc) =	sbr.rel @p0 .LBB2_18-.Ltmp12, $4  }
0x2ed: {  	s1 =	sadd.s32 s0, s14;
	s0 =	smov.u32 s17;
	[sflag:s29] =	ssyncadd.s32 $0xFFFFF000  }
0x2ee: {  	[hbm4b:s1+s2] =	stream.linear.scatter [tilespmem:s30], [sflag:$0x2], $0x1000, $0x38;
	[tilespmem:$0x112A0] =	vst v63  }
0x2ef: {  	_ =	swait.ge [sflag:s15], $0x1000  }
0x2f0: {  	s16 =	sshra.s32 s0, $0x2;
	s1 =	smov.u32 s18;
	[sflag:s15] =	ssyncset.done $0x0  }
0x2f1: {  	s1 =	sadd.s32 $0xE220, s16;
	[sflag:s15] =	ssyncadd.s32 $0xFFFFF000  }
0x2f2: {  	[tilespmem:s30], [sflag:$0x1] =	stream.indirect.gather [hbm4b:s3+s25], $0x20, s1, s25, $0xb8;
	[tilespmem:$0x112A0] =	vst v63  }
0x2f3: {  	_ =	swait.ge [sflag:s29], $0x1000  }
0x2f4: {  	[sflag:s29] =	ssyncset.done $0x0  }
0x2f5: {  	s0 =	sadd.s32 s0, s14;
	[sflag:s29] =	ssyncadd.s32 $0xFFFFF000  }
0x2f6: {  	[hbm4b:s0+s2] =	stream.linear.scatter [tilespmem:s30], [sflag:$0x2], $0x1000, $0x38;
	[tilespmem:$0x112A0] =	vst v63  }
0x2f7: {  	s31 =	sadd.s32 $0x1, s31;
	_ =	swait.ge [sflag:s15], $0x1000  }
0x2f8: {  	p0 =	sne.s32 s31, s13;
	[sflag:s15] =	ssyncset.done $0x0  }
.Ltmp13:
0x2f9: {  	[sflag:s15] =	ssyncadd.s32 $0xFFFFF000;
	(pc) =	sbr.rel @p0 .LBB2_1-.Ltmp13, $4  }
0x2fa: {  	[hbm4b:s12+s2] =	stream.linear.scatter [tilespmem:s24], [sflag:$0x2], $0x1000, $0x38;
	[tilespmem:$0x112A0] =	vst v63  }
0x2fb: {  	_ =	swait.ge [sflag:s15], $0x1000  }
0x2fc: {  	[sflag:s15] =	ssyncset.done $0x0  }
0x2fd: {  	[sflag:s15] =	ssyncadd.s32 $0xFFFFF000  }
0x2fe: {  	_ =	sfence.sel $0x180000  }
0x2ff: {  	[bflag:$0x0] =	sbarrier.arrive $0xFFFF  }
0x300: {  	_ =	strace $0x90000047  }
0x301: {  	s0 =	stileid.u32;
	[bflag:$0x2] =	sbarrier.arrive $0xFFFF  }
0x302: {  	p0 =	sne.s32 s0, $0x0;
	s0 =	rddreg [dreg:$0x2]  }
0x303: {  	s0 =	sadd.s32 @!p0 $0x100000, s0  }
0x304: {  	[sflag:s0] =	ssyncadd.tile.s32 @!p0 $0x1;
	_ =	shalt  }
.Lfunc_end2:
_tile_overlayer_lowered:
.L_overlay_start_2:
0x305: {  	(tag) =	ssettag $0x2  }
0x306: {  	s0 =	rddreg [dreg:$0x0];
	s2 =	stileid.u32  }
0x307: {  	s1 =	rddreg [dreg:$0x1];
	p0 =	sne.s32 s2, $0x0  }
0x308: {  	s3 =	rddreg [dreg:$0x2];
	[bflag:$0x3] =	sbarrier.arrive $0xFFFF;
	s2 =	simm.s32 @!p0 $0x1C02  }
0x309: {  	[timem:s3], [sflag:s2] =	dma.local @!p0 [hbm:s0], s1  }
0x30a: {  	s0 =	simm.s32 @!p0 $0x2  }
0x30b: {  	_ =	swait.ge @!p0 [sflag:s0], s1  }
0x30c: {  	s1 =	ssub.s32 @!p0 $0x0, s1;
	[sflag:s0] =	ssyncset.done @!p0 $0x0  }
0x30d: {  	[sflag:s0] =	ssyncadd.s32 @!p0 s1  }
0x30e: {  	[bflag:$0x3] =	sbarrier.arrive $0xFFFF  }
0x30f: {  	_ =	shalt  }

</sc_bundles>
